<compile_context>
chip_gen: v7x
topology: tpu7x:2x2x1
jax: 0.10.2.dev20260603
libtpu: 0.0.44.dev20260713+nightly
codegen_flags: <defaults>
</compile_context>

<pallas_src>
import functools

import jax
import jax.numpy as jnp
from jax import lax
from jax.experimental import pallas as pl
from jax.experimental.pallas import tpu as pltpu
from jax.experimental.pallas import tpu_sc as plsc

_B, _L, _H, _V = 16, 512, 1024, 250002
_NC, _NS = 2, 16
_NW = _NC * _NS
_EDGE = (_V // 128) * 128
_SW = 15616
_SW_LAST = _EDGE - 15 * _SW
_CW = 4096
_NCK = 4
_CW_LAST = _SW - 3 * _CW
_CW_LAST15 = _SW_LAST - 3 * _CW


def _tc_body(w_ref, b_ref, hs_ref, ids_ref, out_ref):
    hs = hs_ref[0]
    w = w_ref[...]
    bias = b_ref[0]
    w128 = jnp.broadcast_to(w, (128, _H))
    prod = lax.dot_general(hs, w128, (((1,), (1,)), ((), ())),
                           preferred_element_type=jnp.float32)
    tw_col = jnp.maximum(prod[:, 0:1] + bias, 0.0)
    ids_row = ids_ref[0]
    ids_col = jnp.transpose(ids_row)
    for c in range(_L // 64):
        idr = ids_row[:, c * 64:(c + 1) * 64]
        eq = ids_col == idr
        contrib = jnp.where(eq, tw_col, 0.0)
        m = jnp.max(contrib, axis=0, keepdims=True)
        m = jnp.where(idr < 4, 0.0, m)
        out_ref[0, :, c * 64:(c + 1) * 64] = m


def _sc_body(ids_hbm, vals_hbm, out_hbm, buf0, buf1, ids_v, vals_v,
             ckey_v, cval_v, sem):
    c = lax.axis_index("c")
    s = lax.axis_index("s")
    wid = s * _NC + c
    g = wid // 16
    strip = wid % 16
    c0 = strip * _SW
    w = jnp.where(strip == 15, _SW_LAST, _SW)

    pltpu.sync_copy(ids_hbm.at[pl.ds(pl.multiple_of(g * 8 * _L, 8), 8 * _L)],
                    ids_v)
    pltpu.sync_copy(vals_hbm.at[pl.ds(pl.multiple_of(g * 8 * _L, 8), 8 * _L)],
                    vals_v)

    def _compact(i, cnt):
        idv = ids_v[pl.ds(pl.multiple_of(i * 16, 16), 16)]
        colrel = idv - c0
        ok = (colrel >= 0) & (colrel < w)
        ckey = (i >> 5) * 16384 + colrel
        v = vals_v[pl.ds(pl.multiple_of(i * 16, 16), 16)]
        plsc.store_compressed(ckey_v.at[pl.ds(cnt, 16)], ckey, mask=ok)
        plsc.store_compressed(cval_v.at[pl.ds(cnt, 16)], v, mask=ok)
        return cnt + plsc.all_reduce_population_count(ok)[0]
    cnt = lax.fori_loop(0, 8 * _L // 16, _compact, jnp.int32(0))
    ckey_v[pl.ds(cnt, 16)] = jnp.full((16,), 16383, jnp.int32)
    nv = (cnt + 15) // 16

    zvec = jnp.zeros((16,), jnp.float32)

    def _zero(buf):
        for r in range(8):
            def zbody(j, carry, r=r):
                off = pl.multiple_of(j * 128, 16)
                for u in range(8):
                    buf[r, pl.ds(off + u * 16, 16)] = zvec
                return carry
            lax.fori_loop(0, _CW // 128, zbody, 0)

    def _scatter(buf, base, cw, zero_out=False):
        def sbody(i, carry):
            off = pl.multiple_of(i * 16, 16)
            ckey = ckey_v[pl.ds(off, 16)]
            row = ckey >> 14
            rel = (ckey & 16383) - base
            m = (rel >= 0) & (rel < cw)
            v = zvec if zero_out else cval_v[pl.ds(off, 16)]
            plsc.store_scatter(
                buf, [jnp.where(m, row, 0), jnp.where(m, rel, 0)], v,
                mask=m)
            return carry
        lax.fori_loop(0, nv, sbody, 0)

    _zero(buf0)
    _zero(buf1)
    bufs = [buf0, buf1]
    rowsel = pl.ds(pl.multiple_of(g * 8, 8), 8)
    copies = []
    for ck in range(_NCK - 1):
        buf = bufs[ck % 2]
        if ck >= 2:
            copies[ck - 2].wait()
            _scatter(buf, (ck - 2) * _CW, _CW, zero_out=True)
        _scatter(buf, ck * _CW, _CW)
        copies.append(pltpu.async_copy(
            buf,
            out_hbm.at[rowsel, pl.ds(pl.multiple_of(c0 + ck * _CW, 128),
                                     _CW)],
            sem))

    ck = _NCK - 1
    buf = bufs[ck % 2]
    copies[ck - 2].wait()
    _scatter(buf, (ck - 2) * _CW, _CW, zero_out=True)
    cw_last = jnp.where(strip == 15, _CW_LAST15, _CW_LAST)
    _scatter(buf, ck * _CW, cw_last)
    lastcol = pl.ds(pl.multiple_of(c0 + ck * _CW, 128), _CW_LAST)

    @pl.when(strip != 15)
    def _last_narrow():
        pltpu.async_copy(
            buf.at[:, pl.ds(0, _CW_LAST)],
            out_hbm.at[rowsel, lastcol],
            sem).wait()

    @pl.when(strip == 15)
    def _last_wide():
        pltpu.async_copy(
            buf.at[:, pl.ds(0, _CW_LAST15)],
            out_hbm.at[rowsel,
                       pl.ds(pl.multiple_of(c0 + ck * _CW, 128), _CW_LAST15)],
            sem).wait()

    copies[-1].wait()


def _edge_body(ids_ref, cb_ref, outin_ref, out_ref):
    del outin_ref
    ids = ids_ref[...]
    cb = cb_ref[...].reshape(_B, _L)
    for j in range(128):
        eq = ids == (_EDGE + j)
        m = jnp.max(jnp.where(eq, cb, 0.0), axis=1,
                    keepdims=True)
        out_ref[:, j:j + 1] = m


@functools.lru_cache(maxsize=1)
def _sc_scatter_fn():
    return functools.partial(
        pl.kernel,
        out_type=jax.ShapeDtypeStruct((_B, _V), jnp.float32),
        mesh=plsc.VectorSubcoreMesh(
            core_axis_name="c", subcore_axis_name="s",
            num_cores=_NC, num_subcores=_NS),
        compiler_params=pltpu.CompilerParams(needs_layout_passes=False),
        scratch_types=[
            pltpu.VMEM((8, _CW), jnp.float32),
            pltpu.VMEM((8, _CW), jnp.float32),
            pltpu.VMEM((8 * _L,), jnp.int32),
            pltpu.VMEM((8 * _L,), jnp.float32),
            pltpu.VMEM((8 * _L + 16,), jnp.int32),
            pltpu.VMEM((8 * _L + 16,), jnp.float32),
            pltpu.SemaphoreType.DMA,
        ],
    )(_sc_body)


def kernel(hidden_state, input_ids, sparse_W, sparse_b):
    ids2 = input_ids.reshape(_B, 1, _L)
    combined = pl.pallas_call(
        _tc_body,
        grid=(_B,),
        in_specs=[
            pl.BlockSpec((1, _H), lambda b: (0, 0)),
            pl.BlockSpec(memory_space=pltpu.SMEM),
            pl.BlockSpec((1, _L, _H), lambda b: (b, 0, 0)),
            pl.BlockSpec((1, 1, _L), lambda b: (b, 0, 0)),
        ],
        out_specs=pl.BlockSpec((1, 1, _L), lambda b: (b, 0, 0)),
        out_shape=jax.ShapeDtypeStruct((_B, 1, _L), jnp.float32),
    )(sparse_W, sparse_b, hidden_state, ids2)
    out_sc = _sc_scatter_fn()(input_ids.reshape(-1), combined.reshape(-1))
    return pl.pallas_call(
        _edge_body,
        grid=(1,),
        in_specs=[
            pl.BlockSpec((_B, _L), lambda i: (0, 0)),
            pl.BlockSpec((_B, 1, _L), lambda i: (0, 0, 0)),
            pl.BlockSpec((_B, 128), lambda i: (0, _EDGE // 128)),
        ],
        out_specs=pl.BlockSpec((_B, 128), lambda i: (0, _EDGE // 128)),
        out_shape=jax.ShapeDtypeStruct((_B, _V), jnp.float32),
        input_output_aliases={2: 0},
    )(input_ids, combined, out_sc)

# --- scband reference (transcript-rebuilt; emitter-appended) ---
"""Pipeline reference for scband-bgem3-model-43284680409450 (READ-ONLY COPY).

The authoritative reference and input builder live on the scoring server;
editing this copy changes nothing except your own understanding.
"""

import jax, jax.numpy as jnp
import numpy as np

B, L, H, V = 16, 512, 1024, 250002
# XLM-R tokenizer special ids: cls=0, pad=1, eos=2, unk=3 (order as in module: cls, eos, pad, unk)
UNUSED_TOKENS = np.array([0, 2, 1, 3])


def setup_inputs(seed: int = 0) -> dict:
    key = jax.random.key(seed)
    k1, k2, k3, _ = jax.random.split(key, 4)
    hidden_state = jax.random.normal(k1, (B, L, H), dtype=jnp.float32)
    input_ids = jax.random.randint(k2, (B, L), 0, V, dtype=jnp.int32)
    sparse_W = jax.random.normal(k3, (1, H), dtype=jnp.float32) * 0.02
    sparse_b = jnp.zeros((1,), dtype=jnp.float32)
    return {"hidden_state": hidden_state, "input_ids": input_ids, "sparse_W": sparse_W, "sparse_b": sparse_b}


def reference(hidden_state, input_ids, sparse_W, sparse_b):
    # token_weights = relu(sparse_linear(hidden_state)) : [B, L, 1]
    token_weights = jax.nn.relu(jnp.einsum('blh,oh->blo', hidden_state, sparse_W) + sparse_b)
    tw = token_weights[..., 0]  # [B, L]
    # torch: scatter token_weights into zeros[B, L, V] along vocab dim at input_ids,
    # then max over dim=1. Since the buffer is zero-initialized and relu >= 0, this is
    # exactly a scatter-max of tw into zeros[B, V] keyed by (batch, token_id).
    batch_idx = jnp.broadcast_to(jnp.arange(B)[:, None], (B, L))
    sparse_embedding = jnp.zeros((B, V), dtype=tw.dtype).at[batch_idx, input_ids].max(tw)
    # zero out unused special tokens (sparse_embedding[:, unused_tokens] *= 0.0)
    sparse_embedding = sparse_embedding.at[:, UNUSED_TOKENS].set(0.0)
    return sparse_embedding

if __name__ == "__main__":
    import jax
    _d = setup_inputs()
    print(jax.jit(kernel)(*tuple(_d.values())))

</pallas_src>

<mosaic_0001>
#map = affine_map<(d0, d1) -> (0)>
#map1 = affine_map<(d0, d1) -> (0, 0)>
module attributes {stable_mosaic.version = 14 : i64} {
  func.func @_sc_body(%arg0: i32, %arg1: i32, %arg2: memref<8192xi32, #tpu.memory_space<hbm>>, %arg3: memref<8192xf32, #tpu.memory_space<hbm>>, %arg4: memref<16x250002xf32, #tpu.memory_space<hbm>>, %arg5: memref<8x4096xf32, #tpu.memory_space<vmem>>, %arg6: memref<8x4096xf32, #tpu.memory_space<vmem>>, %arg7: memref<4096xi32, #tpu.memory_space<vmem>>, %arg8: memref<4096xf32, #tpu.memory_space<vmem>>, %arg9: memref<4112xi32, #tpu.memory_space<vmem>>, %arg10: memref<4112xf32, #tpu.memory_space<vmem>>, %arg11: memref<!tpu.dma_semaphore, #tpu.memory_space<semaphore_mem>>) attributes {dimension_semantics = [#tpu.dimension_semantics<core_parallel>, #tpu.dimension_semantics<subcore_parallel>], iteration_bounds = array<i64: 2, 16>, scalar_prefetch = 0 : i64, scratch_operands = 7 : i64, tpu.core_type = #tpu.core_type<sc_vector_subcore>, window_params = [{transform_indices = #map}, {transform_indices = #map}, {transform_indices = #map1}]} {
    %mul3A = arith.constant 2 : i32
    %mul3A_0 = arith.muli %arg1, %mul3A : i32
    %add3A = arith.addi %mul3A_0, %arg0 : i32
    %jit3A = arith.constant 16 : i32
    %div3A = arith.divsi %add3A, %jit3A : i32
    %sign3A = arith.constant 0 : i32
    %sign3A_1 = arith.cmpi sgt, %add3A, %sign3A : i32
    %sign3A_2 = arith.extui %sign3A_1 : i1 to i32
    %sign3A_3 = arith.constant 0 : i32
    %sign3A_4 = arith.cmpi slt, %add3A, %sign3A_3 : i32
    %sign3A_5 = arith.extui %sign3A_4 : i1 to i32
    %sign3A_6 = arith.subi %sign3A_2, %sign3A_5 : i32
    %sign3A_7 = arith.constant 0 : i32
    %sign3A_8 = arith.cmpi sgt, %jit3A, %sign3A_7 : i32
    %sign3A_9 = arith.extui %sign3A_8 : i1 to i32
    %sign3A_10 = arith.constant 0 : i32
    %sign3A_11 = arith.cmpi slt, %jit3A, %sign3A_10 : i32
    %sign3A_12 = arith.extui %sign3A_11 : i1 to i32
    %sign3A_13 = arith.subi %sign3A_9, %sign3A_12 : i32
    %ne3A = arith.cmpi ne, %sign3A_6, %sign3A_13 : i32
    %rem3A = arith.remsi %add3A, %jit3A : i32
    %ne3A_14 = arith.constant 0 : i32
    %ne3A_15 = arith.cmpi ne, %rem3A, %ne3A_14 : i32
    %and3A = arith.andi %ne3A, %ne3A_15 : i1
    %sub3A = arith.constant 1 : i32
    %sub3A_16 = arith.subi %div3A, %sub3A : i32
    %select_n3A = arith.select %and3A, %sub3A_16, %div3A : i32
    %jit3A_17 = arith.constant 16 : i32
    %eq3A = arith.constant 0 : i32
    %eq3A_18 = arith.cmpi eq, %jit3A_17, %eq3A : i32
    %jit3A_19 = arith.constant 1 : i32
    %select_n3A_20 = arith.select %eq3A_18, %jit3A_19, %jit3A_17 : i32
    %rem3A_21 = arith.remsi %add3A, %select_n3A_20 : i32
    %ne3A_22 = arith.constant 0 : i32
    %ne3A_23 = arith.cmpi ne, %rem3A_21, %ne3A_22 : i32
    %lt3A = arith.constant 0 : i32
    %lt3A_24 = arith.cmpi slt, %rem3A_21, %lt3A : i32
    %lt3A_25 = arith.constant 0 : i32
    %lt3A_26 = arith.cmpi slt, %select_n3A_20, %lt3A_25 : i32
    %ne3A_27 = arith.xori %lt3A_24, %lt3A_26 : i1
    %and3A_28 = arith.andi %ne3A_27, %ne3A_23 : i1
    %add3A_29 = arith.addi %rem3A_21, %select_n3A_20 : i32
    %select_n3A_30 = arith.select %and3A_28, %add3A_29, %rem3A_21 : i32
    %mul3A_31 = arith.constant 15616 : i32
    %mul3A_32 = arith.muli %select_n3A_30, %mul3A_31 : i32
    %eq3A_33 = arith.constant 15 : i32
    %eq3A_34 = arith.cmpi eq, %select_n3A_30, %eq3A_33 : i32
    %jit3A_35 = arith.constant 15744 : i32
    %jit3A_36 = arith.constant 15616 : i32
    %select_n3A_37 = arith.select %eq3A_34, %jit3A_35, %jit3A_36 : i32
    %mul3A_38 = arith.constant 8 : i32
    %mul3A_39 = arith.muli %select_n3A, %mul3A_38 : i32
    %mul3A_40 = arith.constant 512 : i32
    %mul3A_41 = arith.muli %mul3A_39, %mul3A_40 : i32
    %multiple_of3A = tpu.assume_multiple %mul3A_41, 8 : i32
    "tpu.region"() ({
      %run_scoped3A = tpu.sem_alloc : memref<!tpu.dma_semaphore, #tpu.memory_space<semaphore_mem>>
      %dma_start3A_276 = tpu.memref_slice %arg2[%multiple_of3A] : memref<8192xi32, #tpu.memory_space<hbm>> -> memref<4096xi32, #tpu.memory_space<hbm>>
      %dma_start3A_277 = tpu.memref_slice %arg2[%multiple_of3A] : memref<8192xi32, #tpu.memory_space<hbm>> -> memref<4096xi32, #tpu.memory_space<hbm>>
      tpu.enqueue_dma source(%dma_start3A_277 : memref<4096xi32, #tpu.memory_space<hbm>>) target(%arg7 : memref<4096xi32, #tpu.memory_space<vmem>>) target_semaphore(%run_scoped3A : memref<!tpu.dma_semaphore, #tpu.memory_space<semaphore_mem>>)
      %dma_wait3A_278 = tpu.memref_slice %arg2[%multiple_of3A] : memref<8192xi32, #tpu.memory_space<hbm>> -> memref<4096xi32, #tpu.memory_space<hbm>>
      %dma_wait3A_279 = tpu.memref_slice %arg2[%multiple_of3A] : memref<8192xi32, #tpu.memory_space<hbm>> -> memref<4096xi32, #tpu.memory_space<hbm>>
      tpu.wait_dma2 semaphore(%run_scoped3A : memref<!tpu.dma_semaphore, #tpu.memory_space<semaphore_mem>>) src(%dma_wait3A_279 : memref<4096xi32, #tpu.memory_space<hbm>>) dst(%arg7 : memref<4096xi32, #tpu.memory_space<vmem>>)
      tpu.yield
    }) : () -> ()
    %mul3A_42 = arith.constant 8 : i32
    %mul3A_43 = arith.muli %select_n3A, %mul3A_42 : i32
    %mul3A_44 = arith.constant 512 : i32
    %mul3A_45 = arith.muli %mul3A_43, %mul3A_44 : i32
    %multiple_of3A_46 = tpu.assume_multiple %mul3A_45, 8 : i32
    "tpu.region"() ({
      %run_scoped3A = tpu.sem_alloc : memref<!tpu.dma_semaphore, #tpu.memory_space<semaphore_mem>>
      %dma_start3A_276 = tpu.memref_slice %arg3[%multiple_of3A_46] : memref<8192xf32, #tpu.memory_space<hbm>> -> memref<4096xf32, #tpu.memory_space<hbm>>
      %dma_start3A_277 = tpu.memref_slice %arg3[%multiple_of3A_46] : memref<8192xf32, #tpu.memory_space<hbm>> -> memref<4096xf32, #tpu.memory_space<hbm>>
      tpu.enqueue_dma source(%dma_start3A_277 : memref<4096xf32, #tpu.memory_space<hbm>>) target(%arg8 : memref<4096xf32, #tpu.memory_space<vmem>>) target_semaphore(%run_scoped3A : memref<!tpu.dma_semaphore, #tpu.memory_space<semaphore_mem>>)
      %dma_wait3A_278 = tpu.memref_slice %arg3[%multiple_of3A_46] : memref<8192xf32, #tpu.memory_space<hbm>> -> memref<4096xf32, #tpu.memory_space<hbm>>
      %dma_wait3A_279 = tpu.memref_slice %arg3[%multiple_of3A_46] : memref<8192xf32, #tpu.memory_space<hbm>> -> memref<4096xf32, #tpu.memory_space<hbm>>
      tpu.wait_dma2 semaphore(%run_scoped3A : memref<!tpu.dma_semaphore, #tpu.memory_space<semaphore_mem>>) src(%dma_wait3A_279 : memref<4096xf32, #tpu.memory_space<hbm>>) dst(%arg8 : memref<4096xf32, #tpu.memory_space<vmem>>)
      tpu.yield
    }) : () -> ()
    %scan3A = arith.constant 0 : i32
    %scan3A_47 = arith.constant 0 : i32
    %scan3A_48 = arith.constant 256 : i32
    %scan3A_49 = arith.addi %scan3A_47, %scan3A_48 : i32
    %scan3A_50 = arith.constant 1 : i32
    %scan3A_51 = scf.for %scan3A_276 = %scan3A_47 to %scan3A_49 step %scan3A_50 iter_args(%scan3A_277 = %scan3A) -> (i32)  : i32 {
      %mul3A_278 = arith.constant 16 : i32
      %mul3A_279 = arith.muli %scan3A_276, %mul3A_278 : i32
      %multiple_of3A_280 = tpu.assume_multiple %mul3A_279, 16 : i32
      %get3A = arith.index_cast %multiple_of3A_280 : i32 to index
      %get3A_281 = tpu.vector_load %arg7[%get3A] {strides = array<i32>} : memref<4096xi32, #tpu.memory_space<vmem>>, vector<16xi32>,
      %sub3A_282 = vector.broadcast %mul3A_32 : i32 to vector<16xi32>
      %sub3A_283 = arith.subi %get3A_281, %sub3A_282 : vector<16xi32>
      %ge3A = arith.constant 0 : i32
      %ge3A_284 = vector.broadcast %ge3A : i32 to vector<16xi32>
      %ge3A_285 = arith.cmpi sge, %sub3A_283, %ge3A_284 : vector<16xi32>
      %lt3A_286 = vector.broadcast %select_n3A_37 : i32 to vector<16xi32>
      %lt3A_287 = arith.cmpi slt, %sub3A_283, %lt3A_286 : vector<16xi32>
      %and3A_288 = arith.andi %ge3A_285, %lt3A_287 : vector<16xi1>
      %shift_right_arithmetic3A = arith.constant 5 : i32
      %shift_right_arithmetic3A_289 = arith.shrsi %scan3A_276, %shift_right_arithmetic3A : i32
      %mul3A_290 = arith.constant 16384 : i32
      %mul3A_291 = arith.muli %shift_right_arithmetic3A_289, %mul3A_290 : i32
      %add3A_292 = vector.broadcast %mul3A_291 : i32 to vector<16xi32>
      %add3A_293 = arith.addi %add3A_292, %sub3A_283 : vector<16xi32>
      %mul3A_294 = arith.constant 16 : i32
      %mul3A_295 = arith.muli %scan3A_276, %mul3A_294 : i32
      %multiple_of3A_296 = tpu.assume_multiple %mul3A_295, 16 : i32
      %get3A_297 = arith.index_cast %multiple_of3A_296 : i32 to index
      %get3A_298 = tpu.vector_load %arg8[%get3A_297] {strides = array<i32>} : memref<4096xf32, #tpu.memory_space<vmem>>, vector<16xf32>,
      %swap3A_299 = arith.index_cast %scan3A_277 : i32 to index
      %swap3A_300 = tpu.vector_load %arg9[%swap3A_299] masked %and3A_288 {strides = array<i32>} : memref<4112xi32, #tpu.memory_space<vmem>>, vector<16xi32>, vector<16xi1>
      tpu.vector_store %arg9[%swap3A_299], %add3A_293 masked %and3A_288 {strides = array<i32>} : memref<4112xi32, #tpu.memory_space<vmem>>, vector<16xi32>, vector<16xi1>
      %swap3A_301 = arith.index_cast %scan3A_277 : i32 to index
      %swap3A_302 = tpu.vector_load %arg10[%swap3A_301] masked %and3A_288 {strides = array<i32>} : memref<4112xf32, #tpu.memory_space<vmem>>, vector<16xf32>, vector<16xi1>
      tpu.vector_store %arg10[%swap3A_301], %get3A_298 masked %and3A_288 {strides = array<i32>} : memref<4112xf32, #tpu.memory_space<vmem>>, vector<16xf32>, vector<16xi1>
      %all_reduce_population_count3A = tpu.all_reduce %and3A_288 {dim = 0 : i64, kind = #tpu.reduction_kind<sum>} : vector<16xi1> -> vector<16xi32>
      %slice3A = vector.extract_strided_slice %all_reduce_population_count3A {offsets = [0], sizes = [1], strides = [1]} : vector<16xi32> to vector<1xi32>
      %squeeze3A = vector.extract %slice3A[0] : i32 from vector<1xi32>
      %add3A_303 = arith.addi %scan3A_277, %squeeze3A : i32
      scf.yield %add3A_303 : i32
    }
    %scan3A_52 = arith.constant 256 : i32
    %broadcast_in_dim3A = arith.constant 16383 : i32
    %broadcast_in_dim3A_53 = vector.broadcast %broadcast_in_dim3A : i32 to vector<16xi32>
    %swap3A = arith.index_cast %scan3A_51 : i32 to index
    %swap3A_54 = tpu.vector_load %arg9[%swap3A] {strides = array<i32>} : memref<4112xi32, #tpu.memory_space<vmem>>, vector<16xi32>,
    tpu.vector_store %arg9[%swap3A], %broadcast_in_dim3A_53 {strides = array<i32>} : memref<4112xi32, #tpu.memory_space<vmem>>, vector<16xi32>,
    %add3A_55 = arith.constant 15 : i32
    %add3A_56 = arith.addi %scan3A_51, %add3A_55 : i32
    %jit3A_57 = arith.constant 16 : i32
    %div3A_58 = arith.divsi %add3A_56, %jit3A_57 : i32
    %sign3A_59 = arith.constant 0 : i32
    %sign3A_60 = arith.cmpi sgt, %add3A_56, %sign3A_59 : i32
    %sign3A_61 = arith.extui %sign3A_60 : i1 to i32
    %sign3A_62 = arith.constant 0 : i32
    %sign3A_63 = arith.cmpi slt, %add3A_56, %sign3A_62 : i32
    %sign3A_64 = arith.extui %sign3A_63 : i1 to i32
    %sign3A_65 = arith.subi %sign3A_61, %sign3A_64 : i32
    %sign3A_66 = arith.constant 0 : i32
    %sign3A_67 = arith.cmpi sgt, %jit3A_57, %sign3A_66 : i32
    %sign3A_68 = arith.extui %sign3A_67 : i1 to i32
    %sign3A_69 = arith.constant 0 : i32
    %sign3A_70 = arith.cmpi slt, %jit3A_57, %sign3A_69 : i32
    %sign3A_71 = arith.extui %sign3A_70 : i1 to i32
    %sign3A_72 = arith.subi %sign3A_68, %sign3A_71 : i32
    %ne3A_73 = arith.cmpi ne, %sign3A_65, %sign3A_72 : i32
    %rem3A_74 = arith.remsi %add3A_56, %jit3A_57 : i32
    %ne3A_75 = arith.constant 0 : i32
    %ne3A_76 = arith.cmpi ne, %rem3A_74, %ne3A_75 : i32
    %and3A_77 = arith.andi %ne3A_73, %ne3A_76 : i1
    %sub3A_78 = arith.constant 1 : i32
    %sub3A_79 = arith.subi %div3A_58, %sub3A_78 : i32
    %select_n3A_80 = arith.select %and3A_77, %sub3A_79, %div3A_58 : i32
    %broadcast_in_dim3A_81 = arith.constant 0.000000e+00 : f32
    %broadcast_in_dim3A_82 = vector.broadcast %broadcast_in_dim3A_81 : f32 to vector<16xf32>
    %scan3A_83 = arith.constant 0 : i32
    %scan3A_84 = arith.constant 0 : i32
    %scan3A_85 = arith.constant 32 : i32
    %scan3A_86 = arith.addi %scan3A_84, %scan3A_85 : i32
    %scan3A_87 = arith.constant 1 : i32
    scf.for %scan3A_276 = %scan3A_84 to %scan3A_86 step %scan3A_87  : i32 {
      %mul3A_277 = arith.constant 128 : i32
      %mul3A_278 = arith.muli %scan3A_276, %mul3A_277 : i32
      %multiple_of3A_279 = tpu.assume_multiple %mul3A_278, 16 : i32
      %add3A_280 = arith.constant 0 : i32
      %add3A_281 = arith.addi %multiple_of3A_279, %add3A_280 : i32
      %swap3A_282 = arith.constant 0 : i32
      %swap3A_283 = arith.index_cast %swap3A_282 : i32 to index
      %swap3A_284 = arith.index_cast %add3A_281 : i32 to index
      %swap3A_285 = tpu.vector_load %arg5[%swap3A_283, %swap3A_284] {strides = array<i32>} : memref<8x4096xf32, #tpu.memory_space<vmem>>, vector<16xf32>,
      tpu.vector_store %arg5[%swap3A_283, %swap3A_284], %broadcast_in_dim3A_82 {strides = array<i32>} : memref<8x4096xf32, #tpu.memory_space<vmem>>, vector<16xf32>,
      %add3A_286 = arith.constant 16 : i32
      %add3A_287 = arith.addi %multiple_of3A_279, %add3A_286 : i32
      %swap3A_288 = arith.constant 0 : i32
      %swap3A_289 = arith.index_cast %swap3A_288 : i32 to index
      %swap3A_290 = arith.index_cast %add3A_287 : i32 to index
      %swap3A_291 = tpu.vector_load %arg5[%swap3A_289, %swap3A_290] {strides = array<i32>} : memref<8x4096xf32, #tpu.memory_space<vmem>>, vector<16xf32>,
      tpu.vector_store %arg5[%swap3A_289, %swap3A_290], %broadcast_in_dim3A_82 {strides = array<i32>} : memref<8x4096xf32, #tpu.memory_space<vmem>>, vector<16xf32>,
      %add3A_292 = arith.constant 32 : i32
      %add3A_293 = arith.addi %multiple_of3A_279, %add3A_292 : i32
      %swap3A_294 = arith.constant 0 : i32
      %swap3A_295 = arith.index_cast %swap3A_294 : i32 to index
      %swap3A_296 = arith.index_cast %add3A_293 : i32 to index
      %swap3A_297 = tpu.vector_load %arg5[%swap3A_295, %swap3A_296] {strides = array<i32>} : memref<8x4096xf32, #tpu.memory_space<vmem>>, vector<16xf32>,
      tpu.vector_store %arg5[%swap3A_295, %swap3A_296], %broadcast_in_dim3A_82 {strides = array<i32>} : memref<8x4096xf32, #tpu.memory_space<vmem>>, vector<16xf32>,
      %add3A_298 = arith.constant 48 : i32
      %add3A_299 = arith.addi %multiple_of3A_279, %add3A_298 : i32
      %swap3A_300 = arith.constant 0 : i32
      %swap3A_301 = arith.index_cast %swap3A_300 : i32 to index
      %swap3A_302 = arith.index_cast %add3A_299 : i32 to index
      %swap3A_303 = tpu.vector_load %arg5[%swap3A_301, %swap3A_302] {strides = array<i32>} : memref<8x4096xf32, #tpu.memory_space<vmem>>, vector<16xf32>,
      tpu.vector_store %arg5[%swap3A_301, %swap3A_302], %broadcast_in_dim3A_82 {strides = array<i32>} : memref<8x4096xf32, #tpu.memory_space<vmem>>, vector<16xf32>,
      %add3A_304 = arith.constant 64 : i32
      %add3A_305 = arith.addi %multiple_of3A_279, %add3A_304 : i32
      %swap3A_306 = arith.constant 0 : i32
      %swap3A_307 = arith.index_cast %swap3A_306 : i32 to index
      %swap3A_308 = arith.index_cast %add3A_305 : i32 to index
      %swap3A_309 = tpu.vector_load %arg5[%swap3A_307, %swap3A_308] {strides = array<i32>} : memref<8x4096xf32, #tpu.memory_space<vmem>>, vector<16xf32>,
      tpu.vector_store %arg5[%swap3A_307, %swap3A_308], %broadcast_in_dim3A_82 {strides = array<i32>} : memref<8x4096xf32, #tpu.memory_space<vmem>>, vector<16xf32>,
      %add3A_310 = arith.constant 80 : i32
      %add3A_311 = arith.addi %multiple_of3A_279, %add3A_310 : i32
      %swap3A_312 = arith.constant 0 : i32
      %swap3A_313 = arith.index_cast %swap3A_312 : i32 to index
      %swap3A_314 = arith.index_cast %add3A_311 : i32 to index
      %swap3A_315 = tpu.vector_load %arg5[%swap3A_313, %swap3A_314] {strides = array<i32>} : memref<8x4096xf32, #tpu.memory_space<vmem>>, vector<16xf32>,
      tpu.vector_store %arg5[%swap3A_313, %swap3A_314], %broadcast_in_dim3A_82 {strides = array<i32>} : memref<8x4096xf32, #tpu.memory_space<vmem>>, vector<16xf32>,
      %add3A_316 = arith.constant 96 : i32
      %add3A_317 = arith.addi %multiple_of3A_279, %add3A_316 : i32
      %swap3A_318 = arith.constant 0 : i32
      %swap3A_319 = arith.index_cast %swap3A_318 : i32 to index
      %swap3A_320 = arith.index_cast %add3A_317 : i32 to index
      %swap3A_321 = tpu.vector_load %arg5[%swap3A_319, %swap3A_320] {strides = array<i32>} : memref<8x4096xf32, #tpu.memory_space<vmem>>, vector<16xf32>,
      tpu.vector_store %arg5[%swap3A_319, %swap3A_320], %broadcast_in_dim3A_82 {strides = array<i32>} : memref<8x4096xf32, #tpu.memory_space<vmem>>, vector<16xf32>,
      %add3A_322 = arith.constant 112 : i32
      %add3A_323 = arith.addi %multiple_of3A_279, %add3A_322 : i32
      %swap3A_324 = arith.constant 0 : i32
      %swap3A_325 = arith.index_cast %swap3A_324 : i32 to index
      %swap3A_326 = arith.index_cast %add3A_323 : i32 to index
      %swap3A_327 = tpu.vector_load %arg5[%swap3A_325, %swap3A_326] {strides = array<i32>} : memref<8x4096xf32, #tpu.memory_space<vmem>>, vector<16xf32>,
      tpu.vector_store %arg5[%swap3A_325, %swap3A_326], %broadcast_in_dim3A_82 {strides = array<i32>} : memref<8x4096xf32, #tpu.memory_space<vmem>>, vector<16xf32>,
    }
    %scan3A_88 = arith.constant 32 : i32
    %scan3A_89 = arith.constant 0 : i32
    %scan3A_90 = arith.constant 0 : i32
    %scan3A_91 = arith.constant 32 : i32
    %scan3A_92 = arith.addi %scan3A_90, %scan3A_91 : i32
    %scan3A_93 = arith.constant 1 : i32
    scf.for %scan3A_276 = %scan3A_90 to %scan3A_92 step %scan3A_93  : i32 {
      %mul3A_277 = arith.constant 128 : i32
      %mul3A_278 = arith.muli %scan3A_276, %mul3A_277 : i32
      %multiple_of3A_279 = tpu.assume_multiple %mul3A_278, 16 : i32
      %add3A_280 = arith.constant 0 : i32
      %add3A_281 = arith.addi %multiple_of3A_279, %add3A_280 : i32
      %swap3A_282 = arith.constant 1 : i32
      %swap3A_283 = arith.index_cast %swap3A_282 : i32 to index
      %swap3A_284 = arith.index_cast %add3A_281 : i32 to index
      %swap3A_285 = tpu.vector_load %arg5[%swap3A_283, %swap3A_284] {strides = array<i32>} : memref<8x4096xf32, #tpu.memory_space<vmem>>, vector<16xf32>,
      tpu.vector_store %arg5[%swap3A_283, %swap3A_284], %broadcast_in_dim3A_82 {strides = array<i32>} : memref<8x4096xf32, #tpu.memory_space<vmem>>, vector<16xf32>,
      %add3A_286 = arith.constant 16 : i32
      %add3A_287 = arith.addi %multiple_of3A_279, %add3A_286 : i32
      %swap3A_288 = arith.constant 1 : i32
      %swap3A_289 = arith.index_cast %swap3A_288 : i32 to index
      %swap3A_290 = arith.index_cast %add3A_287 : i32 to index
      %swap3A_291 = tpu.vector_load %arg5[%swap3A_289, %swap3A_290] {strides = array<i32>} : memref<8x4096xf32, #tpu.memory_space<vmem>>, vector<16xf32>,
      tpu.vector_store %arg5[%swap3A_289, %swap3A_290], %broadcast_in_dim3A_82 {strides = array<i32>} : memref<8x4096xf32, #tpu.memory_space<vmem>>, vector<16xf32>,
      %add3A_292 = arith.constant 32 : i32
      %add3A_293 = arith.addi %multiple_of3A_279, %add3A_292 : i32
      %swap3A_294 = arith.constant 1 : i32
      %swap3A_295 = arith.index_cast %swap3A_294 : i32 to index
      %swap3A_296 = arith.index_cast %add3A_293 : i32 to index
      %swap3A_297 = tpu.vector_load %arg5[%swap3A_295, %swap3A_296] {strides = array<i32>} : memref<8x4096xf32, #tpu.memory_space<vmem>>, vector<16xf32>,
      tpu.vector_store %arg5[%swap3A_295, %swap3A_296], %broadcast_in_dim3A_82 {strides = array<i32>} : memref<8x4096xf32, #tpu.memory_space<vmem>>, vector<16xf32>,
      %add3A_298 = arith.constant 48 : i32
      %add3A_299 = arith.addi %multiple_of3A_279, %add3A_298 : i32
      %swap3A_300 = arith.constant 1 : i32
      %swap3A_301 = arith.index_cast %swap3A_300 : i32 to index
      %swap3A_302 = arith.index_cast %add3A_299 : i32 to index
      %swap3A_303 = tpu.vector_load %arg5[%swap3A_301, %swap3A_302] {strides = array<i32>} : memref<8x4096xf32, #tpu.memory_space<vmem>>, vector<16xf32>,
      tpu.vector_store %arg5[%swap3A_301, %swap3A_302], %broadcast_in_dim3A_82 {strides = array<i32>} : memref<8x4096xf32, #tpu.memory_space<vmem>>, vector<16xf32>,
      %add3A_304 = arith.constant 64 : i32
      %add3A_305 = arith.addi %multiple_of3A_279, %add3A_304 : i32
      %swap3A_306 = arith.constant 1 : i32
      %swap3A_307 = arith.index_cast %swap3A_306 : i32 to index
      %swap3A_308 = arith.index_cast %add3A_305 : i32 to index
      %swap3A_309 = tpu.vector_load %arg5[%swap3A_307, %swap3A_308] {strides = array<i32>} : memref<8x4096xf32, #tpu.memory_space<vmem>>, vector<16xf32>,
      tpu.vector_store %arg5[%swap3A_307, %swap3A_308], %broadcast_in_dim3A_82 {strides = array<i32>} : memref<8x4096xf32, #tpu.memory_space<vmem>>, vector<16xf32>,
      %add3A_310 = arith.constant 80 : i32
      %add3A_311 = arith.addi %multiple_of3A_279, %add3A_310 : i32
      %swap3A_312 = arith.constant 1 : i32
      %swap3A_313 = arith.index_cast %swap3A_312 : i32 to index
      %swap3A_314 = arith.index_cast %add3A_311 : i32 to index
      %swap3A_315 = tpu.vector_load %arg5[%swap3A_313, %swap3A_314] {strides = array<i32>} : memref<8x4096xf32, #tpu.memory_space<vmem>>, vector<16xf32>,
      tpu.vector_store %arg5[%swap3A_313, %swap3A_314], %broadcast_in_dim3A_82 {strides = array<i32>} : memref<8x4096xf32, #tpu.memory_space<vmem>>, vector<16xf32>,
      %add3A_316 = arith.constant 96 : i32
      %add3A_317 = arith.addi %multiple_of3A_279, %add3A_316 : i32
      %swap3A_318 = arith.constant 1 : i32
      %swap3A_319 = arith.index_cast %swap3A_318 : i32 to index
      %swap3A_320 = arith.index_cast %add3A_317 : i32 to index
      %swap3A_321 = tpu.vector_load %arg5[%swap3A_319, %swap3A_320] {strides = array<i32>} : memref<8x4096xf32, #tpu.memory_space<vmem>>, vector<16xf32>,
      tpu.vector_store %arg5[%swap3A_319, %swap3A_320], %broadcast_in_dim3A_82 {strides = array<i32>} : memref<8x4096xf32, #tpu.memory_space<vmem>>, vector<16xf32>,
      %add3A_322 = arith.constant 112 : i32
      %add3A_323 = arith.addi %multiple_of3A_279, %add3A_322 : i32
      %swap3A_324 = arith.constant 1 : i32
      %swap3A_325 = arith.index_cast %swap3A_324 : i32 to index
      %swap3A_326 = arith.index_cast %add3A_323 : i32 to index
      %swap3A_327 = tpu.vector_load %arg5[%swap3A_325, %swap3A_326] {strides = array<i32>} : memref<8x4096xf32, #tpu.memory_space<vmem>>, vector<16xf32>,
      tpu.vector_store %arg5[%swap3A_325, %swap3A_326], %broadcast_in_dim3A_82 {strides = array<i32>} : memref<8x4096xf32, #tpu.memory_space<vmem>>, vector<16xf32>,
    }
    %scan3A_94 = arith.constant 32 : i32
    %scan3A_95 = arith.constant 0 : i32
    %scan3A_96 = arith.constant 0 : i32
    %scan3A_97 = arith.constant 32 : i32
    %scan3A_98 = arith.addi %scan3A_96, %scan3A_97 : i32
    %scan3A_99 = arith.constant 1 : i32
    scf.for %scan3A_276 = %scan3A_96 to %scan3A_98 step %scan3A_99  : i32 {
      %mul3A_277 = arith.constant 128 : i32
      %mul3A_278 = arith.muli %scan3A_276, %mul3A_277 : i32
      %multiple_of3A_279 = tpu.assume_multiple %mul3A_278, 16 : i32
      %add3A_280 = arith.constant 0 : i32
      %add3A_281 = arith.addi %multiple_of3A_279, %add3A_280 : i32
      %swap3A_282 = arith.constant 2 : i32
      %swap3A_283 = arith.index_cast %swap3A_282 : i32 to index
      %swap3A_284 = arith.index_cast %add3A_281 : i32 to index
      %swap3A_285 = tpu.vector_load %arg5[%swap3A_283, %swap3A_284] {strides = array<i32>} : memref<8x4096xf32, #tpu.memory_space<vmem>>, vector<16xf32>,
      tpu.vector_store %arg5[%swap3A_283, %swap3A_284], %broadcast_in_dim3A_82 {strides = array<i32>} : memref<8x4096xf32, #tpu.memory_space<vmem>>, vector<16xf32>,
      %add3A_286 = arith.constant 16 : i32
      %add3A_287 = arith.addi %multiple_of3A_279, %add3A_286 : i32
      %swap3A_288 = arith.constant 2 : i32
      %swap3A_289 = arith.index_cast %swap3A_288 : i32 to index
      %swap3A_290 = arith.index_cast %add3A_287 : i32 to index
      %swap3A_291 = tpu.vector_load %arg5[%swap3A_289, %swap3A_290] {strides = array<i32>} : memref<8x4096xf32, #tpu.memory_space<vmem>>, vector<16xf32>,
      tpu.vector_store %arg5[%swap3A_289, %swap3A_290], %broadcast_in_dim3A_82 {strides = array<i32>} : memref<8x4096xf32, #tpu.memory_space<vmem>>, vector<16xf32>,
      %add3A_292 = arith.constant 32 : i32
      %add3A_293 = arith.addi %multiple_of3A_279, %add3A_292 : i32
      %swap3A_294 = arith.constant 2 : i32
      %swap3A_295 = arith.index_cast %swap3A_294 : i32 to index
      %swap3A_296 = arith.index_cast %add3A_293 : i32 to index
      %swap3A_297 = tpu.vector_load %arg5[%swap3A_295, %swap3A_296] {strides = array<i32>} : memref<8x4096xf32, #tpu.memory_space<vmem>>, vector<16xf32>,
      tpu.vector_store %arg5[%swap3A_295, %swap3A_296], %broadcast_in_dim3A_82 {strides = array<i32>} : memref<8x4096xf32, #tpu.memory_space<vmem>>, vector<16xf32>,
      %add3A_298 = arith.constant 48 : i32
      %add3A_299 = arith.addi %multiple_of3A_279, %add3A_298 : i32
      %swap3A_300 = arith.constant 2 : i32
      %swap3A_301 = arith.index_cast %swap3A_300 : i32 to index
      %swap3A_302 = arith.index_cast %add3A_299 : i32 to index
      %swap3A_303 = tpu.vector_load %arg5[%swap3A_301, %swap3A_302] {strides = array<i32>} : memref<8x4096xf32, #tpu.memory_space<vmem>>, vector<16xf32>,
      tpu.vector_store %arg5[%swap3A_301, %swap3A_302], %broadcast_in_dim3A_82 {strides = array<i32>} : memref<8x4096xf32, #tpu.memory_space<vmem>>, vector<16xf32>,
      %add3A_304 = arith.constant 64 : i32
      %add3A_305 = arith.addi %multiple_of3A_279, %add3A_304 : i32
      %swap3A_306 = arith.constant 2 : i32
      %swap3A_307 = arith.index_cast %swap3A_306 : i32 to index
      %swap3A_308 = arith.index_cast %add3A_305 : i32 to index
      %swap3A_309 = tpu.vector_load %arg5[%swap3A_307, %swap3A_308] {strides = array<i32>} : memref<8x4096xf32, #tpu.memory_space<vmem>>, vector<16xf32>,
      tpu.vector_store %arg5[%swap3A_307, %swap3A_308], %broadcast_in_dim3A_82 {strides = array<i32>} : memref<8x4096xf32, #tpu.memory_space<vmem>>, vector<16xf32>,
      %add3A_310 = arith.constant 80 : i32
      %add3A_311 = arith.addi %multiple_of3A_279, %add3A_310 : i32
      %swap3A_312 = arith.constant 2 : i32
      %swap3A_313 = arith.index_cast %swap3A_312 : i32 to index
      %swap3A_314 = arith.index_cast %add3A_311 : i32 to index
      %swap3A_315 = tpu.vector_load %arg5[%swap3A_313, %swap3A_314] {strides = array<i32>} : memref<8x4096xf32, #tpu.memory_space<vmem>>, vector<16xf32>,
      tpu.vector_store %arg5[%swap3A_313, %swap3A_314], %broadcast_in_dim3A_82 {strides = array<i32>} : memref<8x4096xf32, #tpu.memory_space<vmem>>, vector<16xf32>,
      %add3A_316 = arith.constant 96 : i32
      %add3A_317 = arith.addi %multiple_of3A_279, %add3A_316 : i32
      %swap3A_318 = arith.constant 2 : i32
      %swap3A_319 = arith.index_cast %swap3A_318 : i32 to index
      %swap3A_320 = arith.index_cast %add3A_317 : i32 to index
      %swap3A_321 = tpu.vector_load %arg5[%swap3A_319, %swap3A_320] {strides = array<i32>} : memref<8x4096xf32, #tpu.memory_space<vmem>>, vector<16xf32>,
      tpu.vector_store %arg5[%swap3A_319, %swap3A_320], %broadcast_in_dim3A_82 {strides = array<i32>} : memref<8x4096xf32, #tpu.memory_space<vmem>>, vector<16xf32>,
      %add3A_322 = arith.constant 112 : i32
      %add3A_323 = arith.addi %multiple_of3A_279, %add3A_322 : i32
      %swap3A_324 = arith.constant 2 : i32
      %swap3A_325 = arith.index_cast %swap3A_324 : i32 to index
      %swap3A_326 = arith.index_cast %add3A_323 : i32 to index
      %swap3A_327 = tpu.vector_load %arg5[%swap3A_325, %swap3A_326] {strides = array<i32>} : memref<8x4096xf32, #tpu.memory_space<vmem>>, vector<16xf32>,
      tpu.vector_store %arg5[%swap3A_325, %swap3A_326], %broadcast_in_dim3A_82 {strides = array<i32>} : memref<8x4096xf32, #tpu.memory_space<vmem>>, vector<16xf32>,
    }
    %scan3A_100 = arith.constant 32 : i32
    %scan3A_101 = arith.constant 0 : i32
    %scan3A_102 = arith.constant 0 : i32
    %scan3A_103 = arith.constant 32 : i32
    %scan3A_104 = arith.addi %scan3A_102, %scan3A_103 : i32
    %scan3A_105 = arith.constant 1 : i32
    scf.for %scan3A_276 = %scan3A_102 to %scan3A_104 step %scan3A_105  : i32 {
      %mul3A_277 = arith.constant 128 : i32
      %mul3A_278 = arith.muli %scan3A_276, %mul3A_277 : i32
      %multiple_of3A_279 = tpu.assume_multiple %mul3A_278, 16 : i32
      %add3A_280 = arith.constant 0 : i32
      %add3A_281 = arith.addi %multiple_of3A_279, %add3A_280 : i32
      %swap3A_282 = arith.constant 3 : i32
      %swap3A_283 = arith.index_cast %swap3A_282 : i32 to index
      %swap3A_284 = arith.index_cast %add3A_281 : i32 to index
      %swap3A_285 = tpu.vector_load %arg5[%swap3A_283, %swap3A_284] {strides = array<i32>} : memref<8x4096xf32, #tpu.memory_space<vmem>>, vector<16xf32>,
      tpu.vector_store %arg5[%swap3A_283, %swap3A_284], %broadcast_in_dim3A_82 {strides = array<i32>} : memref<8x4096xf32, #tpu.memory_space<vmem>>, vector<16xf32>,
      %add3A_286 = arith.constant 16 : i32
      %add3A_287 = arith.addi %multiple_of3A_279, %add3A_286 : i32
      %swap3A_288 = arith.constant 3 : i32
      %swap3A_289 = arith.index_cast %swap3A_288 : i32 to index
      %swap3A_290 = arith.index_cast %add3A_287 : i32 to index
      %swap3A_291 = tpu.vector_load %arg5[%swap3A_289, %swap3A_290] {strides = array<i32>} : memref<8x4096xf32, #tpu.memory_space<vmem>>, vector<16xf32>,
      tpu.vector_store %arg5[%swap3A_289, %swap3A_290], %broadcast_in_dim3A_82 {strides = array<i32>} : memref<8x4096xf32, #tpu.memory_space<vmem>>, vector<16xf32>,
      %add3A_292 = arith.constant 32 : i32
      %add3A_293 = arith.addi %multiple_of3A_279, %add3A_292 : i32
      %swap3A_294 = arith.constant 3 : i32
      %swap3A_295 = arith.index_cast %swap3A_294 : i32 to index
      %swap3A_296 = arith.index_cast %add3A_293 : i32 to index
      %swap3A_297 = tpu.vector_load %arg5[%swap3A_295, %swap3A_296] {strides = array<i32>} : memref<8x4096xf32, #tpu.memory_space<vmem>>, vector<16xf32>,
      tpu.vector_store %arg5[%swap3A_295, %swap3A_296], %broadcast_in_dim3A_82 {strides = array<i32>} : memref<8x4096xf32, #tpu.memory_space<vmem>>, vector<16xf32>,
      %add3A_298 = arith.constant 48 : i32
      %add3A_299 = arith.addi %multiple_of3A_279, %add3A_298 : i32
      %swap3A_300 = arith.constant 3 : i32
      %swap3A_301 = arith.index_cast %swap3A_300 : i32 to index
      %swap3A_302 = arith.index_cast %add3A_299 : i32 to index
      %swap3A_303 = tpu.vector_load %arg5[%swap3A_301, %swap3A_302] {strides = array<i32>} : memref<8x4096xf32, #tpu.memory_space<vmem>>, vector<16xf32>,
      tpu.vector_store %arg5[%swap3A_301, %swap3A_302], %broadcast_in_dim3A_82 {strides = array<i32>} : memref<8x4096xf32, #tpu.memory_space<vmem>>, vector<16xf32>,
      %add3A_304 = arith.constant 64 : i32
      %add3A_305 = arith.addi %multiple_of3A_279, %add3A_304 : i32
      %swap3A_306 = arith.constant 3 : i32
      %swap3A_307 = arith.index_cast %swap3A_306 : i32 to index
      %swap3A_308 = arith.index_cast %add3A_305 : i32 to index
      %swap3A_309 = tpu.vector_load %arg5[%swap3A_307, %swap3A_308] {strides = array<i32>} : memref<8x4096xf32, #tpu.memory_space<vmem>>, vector<16xf32>,
      tpu.vector_store %arg5[%swap3A_307, %swap3A_308], %broadcast_in_dim3A_82 {strides = array<i32>} : memref<8x4096xf32, #tpu.memory_space<vmem>>, vector<16xf32>,
      %add3A_310 = arith.constant 80 : i32
      %add3A_311 = arith.addi %multiple_of3A_279, %add3A_310 : i32
      %swap3A_312 = arith.constant 3 : i32
      %swap3A_313 = arith.index_cast %swap3A_312 : i32 to index
      %swap3A_314 = arith.index_cast %add3A_311 : i32 to index
      %swap3A_315 = tpu.vector_load %arg5[%swap3A_313, %swap3A_314] {strides = array<i32>} : memref<8x4096xf32, #tpu.memory_space<vmem>>, vector<16xf32>,
      tpu.vector_store %arg5[%swap3A_313, %swap3A_314], %broadcast_in_dim3A_82 {strides = array<i32>} : memref<8x4096xf32, #tpu.memory_space<vmem>>, vector<16xf32>,
      %add3A_316 = arith.constant 96 : i32
      %add3A_317 = arith.addi %multiple_of3A_279, %add3A_316 : i32
      %swap3A_318 = arith.constant 3 : i32
      %swap3A_319 = arith.index_cast %swap3A_318 : i32 to index
      %swap3A_320 = arith.index_cast %add3A_317 : i32 to index
      %swap3A_321 = tpu.vector_load %arg5[%swap3A_319, %swap3A_320] {strides = array<i32>} : memref<8x4096xf32, #tpu.memory_space<vmem>>, vector<16xf32>,
      tpu.vector_store %arg5[%swap3A_319, %swap3A_320], %broadcast_in_dim3A_82 {strides = array<i32>} : memref<8x4096xf32, #tpu.memory_space<vmem>>, vector<16xf32>,
      %add3A_322 = arith.constant 112 : i32
      %add3A_323 = arith.addi %multiple_of3A_279, %add3A_322 : i32
      %swap3A_324 = arith.constant 3 : i32
      %swap3A_325 = arith.index_cast %swap3A_324 : i32 to index
      %swap3A_326 = arith.index_cast %add3A_323 : i32 to index
      %swap3A_327 = tpu.vector_load %arg5[%swap3A_325, %swap3A_326] {strides = array<i32>} : memref<8x4096xf32, #tpu.memory_space<vmem>>, vector<16xf32>,
      tpu.vector_store %arg5[%swap3A_325, %swap3A_326], %broadcast_in_dim3A_82 {strides = array<i32>} : memref<8x4096xf32, #tpu.memory_space<vmem>>, vector<16xf32>,
    }
    %scan3A_106 = arith.constant 32 : i32
    %scan3A_107 = arith.constant 0 : i32
    %scan3A_108 = arith.constant 0 : i32
    %scan3A_109 = arith.constant 32 : i32
    %scan3A_110 = arith.addi %scan3A_108, %scan3A_109 : i32
    %scan3A_111 = arith.constant 1 : i32
    scf.for %scan3A_276 = %scan3A_108 to %scan3A_110 step %scan3A_111  : i32 {
      %mul3A_277 = arith.constant 128 : i32
      %mul3A_278 = arith.muli %scan3A_276, %mul3A_277 : i32
      %multiple_of3A_279 = tpu.assume_multiple %mul3A_278, 16 : i32
      %add3A_280 = arith.constant 0 : i32
      %add3A_281 = arith.addi %multiple_of3A_279, %add3A_280 : i32
      %swap3A_282 = arith.constant 4 : i32
      %swap3A_283 = arith.index_cast %swap3A_282 : i32 to index
      %swap3A_284 = arith.index_cast %add3A_281 : i32 to index
      %swap3A_285 = tpu.vector_load %arg5[%swap3A_283, %swap3A_284] {strides = array<i32>} : memref<8x4096xf32, #tpu.memory_space<vmem>>, vector<16xf32>,
      tpu.vector_store %arg5[%swap3A_283, %swap3A_284], %broadcast_in_dim3A_82 {strides = array<i32>} : memref<8x4096xf32, #tpu.memory_space<vmem>>, vector<16xf32>,
      %add3A_286 = arith.constant 16 : i32
      %add3A_287 = arith.addi %multiple_of3A_279, %add3A_286 : i32
      %swap3A_288 = arith.constant 4 : i32
      %swap3A_289 = arith.index_cast %swap3A_288 : i32 to index
      %swap3A_290 = arith.index_cast %add3A_287 : i32 to index
      %swap3A_291 = tpu.vector_load %arg5[%swap3A_289, %swap3A_290] {strides = array<i32>} : memref<8x4096xf32, #tpu.memory_space<vmem>>, vector<16xf32>,
      tpu.vector_store %arg5[%swap3A_289, %swap3A_290], %broadcast_in_dim3A_82 {strides = array<i32>} : memref<8x4096xf32, #tpu.memory_space<vmem>>, vector<16xf32>,
      %add3A_292 = arith.constant 32 : i32
      %add3A_293 = arith.addi %multiple_of3A_279, %add3A_292 : i32
      %swap3A_294 = arith.constant 4 : i32
      %swap3A_295 = arith.index_cast %swap3A_294 : i32 to index
      %swap3A_296 = arith.index_cast %add3A_293 : i32 to index
      %swap3A_297 = tpu.vector_load %arg5[%swap3A_295, %swap3A_296] {strides = array<i32>} : memref<8x4096xf32, #tpu.memory_space<vmem>>, vector<16xf32>,
      tpu.vector_store %arg5[%swap3A_295, %swap3A_296], %broadcast_in_dim3A_82 {strides = array<i32>} : memref<8x4096xf32, #tpu.memory_space<vmem>>, vector<16xf32>,
      %add3A_298 = arith.constant 48 : i32
      %add3A_299 = arith.addi %multiple_of3A_279, %add3A_298 : i32
      %swap3A_300 = arith.constant 4 : i32
      %swap3A_301 = arith.index_cast %swap3A_300 : i32 to index
      %swap3A_302 = arith.index_cast %add3A_299 : i32 to index
      %swap3A_303 = tpu.vector_load %arg5[%swap3A_301, %swap3A_302] {strides = array<i32>} : memref<8x4096xf32, #tpu.memory_space<vmem>>, vector<16xf32>,
      tpu.vector_store %arg5[%swap3A_301, %swap3A_302], %broadcast_in_dim3A_82 {strides = array<i32>} : memref<8x4096xf32, #tpu.memory_space<vmem>>, vector<16xf32>,
      %add3A_304 = arith.constant 64 : i32
      %add3A_305 = arith.addi %multiple_of3A_279, %add3A_304 : i32
      %swap3A_306 = arith.constant 4 : i32
      %swap3A_307 = arith.index_cast %swap3A_306 : i32 to index
      %swap3A_308 = arith.index_cast %add3A_305 : i32 to index
      %swap3A_309 = tpu.vector_load %arg5[%swap3A_307, %swap3A_308] {strides = array<i32>} : memref<8x4096xf32, #tpu.memory_space<vmem>>, vector<16xf32>,
      tpu.vector_store %arg5[%swap3A_307, %swap3A_308], %broadcast_in_dim3A_82 {strides = array<i32>} : memref<8x4096xf32, #tpu.memory_space<vmem>>, vector<16xf32>,
      %add3A_310 = arith.constant 80 : i32
      %add3A_311 = arith.addi %multiple_of3A_279, %add3A_310 : i32
      %swap3A_312 = arith.constant 4 : i32
      %swap3A_313 = arith.index_cast %swap3A_312 : i32 to index
      %swap3A_314 = arith.index_cast %add3A_311 : i32 to index
      %swap3A_315 = tpu.vector_load %arg5[%swap3A_313, %swap3A_314] {strides = array<i32>} : memref<8x4096xf32, #tpu.memory_space<vmem>>, vector<16xf32>,
      tpu.vector_store %arg5[%swap3A_313, %swap3A_314], %broadcast_in_dim3A_82 {strides = array<i32>} : memref<8x4096xf32, #tpu.memory_space<vmem>>, vector<16xf32>,
      %add3A_316 = arith.constant 96 : i32
      %add3A_317 = arith.addi %multiple_of3A_279, %add3A_316 : i32
      %swap3A_318 = arith.constant 4 : i32
      %swap3A_319 = arith.index_cast %swap3A_318 : i32 to index
      %swap3A_320 = arith.index_cast %add3A_317 : i32 to index
      %swap3A_321 = tpu.vector_load %arg5[%swap3A_319, %swap3A_320] {strides = array<i32>} : memref<8x4096xf32, #tpu.memory_space<vmem>>, vector<16xf32>,
      tpu.vector_store %arg5[%swap3A_319, %swap3A_320], %broadcast_in_dim3A_82 {strides = array<i32>} : memref<8x4096xf32, #tpu.memory_space<vmem>>, vector<16xf32>,
      %add3A_322 = arith.constant 112 : i32
      %add3A_323 = arith.addi %multiple_of3A_279, %add3A_322 : i32
      %swap3A_324 = arith.constant 4 : i32
      %swap3A_325 = arith.index_cast %swap3A_324 : i32 to index
      %swap3A_326 = arith.index_cast %add3A_323 : i32 to index
      %swap3A_327 = tpu.vector_load %arg5[%swap3A_325, %swap3A_326] {strides = array<i32>} : memref<8x4096xf32, #tpu.memory_space<vmem>>, vector<16xf32>,
      tpu.vector_store %arg5[%swap3A_325, %swap3A_326], %broadcast_in_dim3A_82 {strides = array<i32>} : memref<8x4096xf32, #tpu.memory_space<vmem>>, vector<16xf32>,
    }
    %scan3A_112 = arith.constant 32 : i32
    %scan3A_113 = arith.constant 0 : i32
    %scan3A_114 = arith.constant 0 : i32
    %scan3A_115 = arith.constant 32 : i32
    %scan3A_116 = arith.addi %scan3A_114, %scan3A_115 : i32
    %scan3A_117 = arith.constant 1 : i32
    scf.for %scan3A_276 = %scan3A_114 to %scan3A_116 step %scan3A_117  : i32 {
      %mul3A_277 = arith.constant 128 : i32
      %mul3A_278 = arith.muli %scan3A_276, %mul3A_277 : i32
      %multiple_of3A_279 = tpu.assume_multiple %mul3A_278, 16 : i32
      %add3A_280 = arith.constant 0 : i32
      %add3A_281 = arith.addi %multiple_of3A_279, %add3A_280 : i32
      %swap3A_282 = arith.constant 5 : i32
      %swap3A_283 = arith.index_cast %swap3A_282 : i32 to index
      %swap3A_284 = arith.index_cast %add3A_281 : i32 to index
      %swap3A_285 = tpu.vector_load %arg5[%swap3A_283, %swap3A_284] {strides = array<i32>} : memref<8x4096xf32, #tpu.memory_space<vmem>>, vector<16xf32>,
      tpu.vector_store %arg5[%swap3A_283, %swap3A_284], %broadcast_in_dim3A_82 {strides = array<i32>} : memref<8x4096xf32, #tpu.memory_space<vmem>>, vector<16xf32>,
      %add3A_286 = arith.constant 16 : i32
      %add3A_287 = arith.addi %multiple_of3A_279, %add3A_286 : i32
      %swap3A_288 = arith.constant 5 : i32
      %swap3A_289 = arith.index_cast %swap3A_288 : i32 to index
      %swap3A_290 = arith.index_cast %add3A_287 : i32 to index
      %swap3A_291 = tpu.vector_load %arg5[%swap3A_289, %swap3A_290] {strides = array<i32>} : memref<8x4096xf32, #tpu.memory_space<vmem>>, vector<16xf32>,
      tpu.vector_store %arg5[%swap3A_289, %swap3A_290], %broadcast_in_dim3A_82 {strides = array<i32>} : memref<8x4096xf32, #tpu.memory_space<vmem>>, vector<16xf32>,
      %add3A_292 = arith.constant 32 : i32
      %add3A_293 = arith.addi %multiple_of3A_279, %add3A_292 : i32
      %swap3A_294 = arith.constant 5 : i32
      %swap3A_295 = arith.index_cast %swap3A_294 : i32 to index
      %swap3A_296 = arith.index_cast %add3A_293 : i32 to index
      %swap3A_297 = tpu.vector_load %arg5[%swap3A_295, %swap3A_296] {strides = array<i32>} : memref<8x4096xf32, #tpu.memory_space<vmem>>, vector<16xf32>,
      tpu.vector_store %arg5[%swap3A_295, %swap3A_296], %broadcast_in_dim3A_82 {strides = array<i32>} : memref<8x4096xf32, #tpu.memory_space<vmem>>, vector<16xf32>,
      %add3A_298 = arith.constant 48 : i32
      %add3A_299 = arith.addi %multiple_of3A_279, %add3A_298 : i32
      %swap3A_300 = arith.constant 5 : i32
      %swap3A_301 = arith.index_cast %swap3A_300 : i32 to index
      %swap3A_302 = arith.index_cast %add3A_299 : i32 to index
      %swap3A_303 = tpu.vector_load %arg5[%swap3A_301, %swap3A_302] {strides = array<i32>} : memref<8x4096xf32, #tpu.memory_space<vmem>>, vector<16xf32>,
      tpu.vector_store %arg5[%swap3A_301, %swap3A_302], %broadcast_in_dim3A_82 {strides = array<i32>} : memref<8x4096xf32, #tpu.memory_space<vmem>>, vector<16xf32>,
      %add3A_304 = arith.constant 64 : i32
      %add3A_305 = arith.addi %multiple_of3A_279, %add3A_304 : i32
      %swap3A_306 = arith.constant 5 : i32
      %swap3A_307 = arith.index_cast %swap3A_306 : i32 to index
      %swap3A_308 = arith.index_cast %add3A_305 : i32 to index
      %swap3A_309 = tpu.vector_load %arg5[%swap3A_307, %swap3A_308] {strides = array<i32>} : memref<8x4096xf32, #tpu.memory_space<vmem>>, vector<16xf32>,
      tpu.vector_store %arg5[%swap3A_307, %swap3A_308], %broadcast_in_dim3A_82 {strides = array<i32>} : memref<8x4096xf32, #tpu.memory_space<vmem>>, vector<16xf32>,
      %add3A_310 = arith.constant 80 : i32
      %add3A_311 = arith.addi %multiple_of3A_279, %add3A_310 : i32
      %swap3A_312 = arith.constant 5 : i32
      %swap3A_313 = arith.index_cast %swap3A_312 : i32 to index
      %swap3A_314 = arith.index_cast %add3A_311 : i32 to index
      %swap3A_315 = tpu.vector_load %arg5[%swap3A_313, %swap3A_314] {strides = array<i32>} : memref<8x4096xf32, #tpu.memory_space<vmem>>, vector<16xf32>,
      tpu.vector_store %arg5[%swap3A_313, %swap3A_314], %broadcast_in_dim3A_82 {strides = array<i32>} : memref<8x4096xf32, #tpu.memory_space<vmem>>, vector<16xf32>,
      %add3A_316 = arith.constant 96 : i32
      %add3A_317 = arith.addi %multiple_of3A_279, %add3A_316 : i32
      %swap3A_318 = arith.constant 5 : i32
      %swap3A_319 = arith.index_cast %swap3A_318 : i32 to index
      %swap3A_320 = arith.index_cast %add3A_317 : i32 to index
      %swap3A_321 = tpu.vector_load %arg5[%swap3A_319, %swap3A_320] {strides = array<i32>} : memref<8x4096xf32, #tpu.memory_space<vmem>>, vector<16xf32>,
      tpu.vector_store %arg5[%swap3A_319, %swap3A_320], %broadcast_in_dim3A_82 {strides = array<i32>} : memref<8x4096xf32, #tpu.memory_space<vmem>>, vector<16xf32>,
      %add3A_322 = arith.constant 112 : i32
      %add3A_323 = arith.addi %multiple_of3A_279, %add3A_322 : i32
      %swap3A_324 = arith.constant 5 : i32
      %swap3A_325 = arith.index_cast %swap3A_324 : i32 to index
      %swap3A_326 = arith.index_cast %add3A_323 : i32 to index
      %swap3A_327 = tpu.vector_load %arg5[%swap3A_325, %swap3A_326] {strides = array<i32>} : memref<8x4096xf32, #tpu.memory_space<vmem>>, vector<16xf32>,
      tpu.vector_store %arg5[%swap3A_325, %swap3A_326], %broadcast_in_dim3A_82 {strides = array<i32>} : memref<8x4096xf32, #tpu.memory_space<vmem>>, vector<16xf32>,
    }
    %scan3A_118 = arith.constant 32 : i32
    %scan3A_119 = arith.constant 0 : i32
    %scan3A_120 = arith.constant 0 : i32
    %scan3A_121 = arith.constant 32 : i32
    %scan3A_122 = arith.addi %scan3A_120, %scan3A_121 : i32
    %scan3A_123 = arith.constant 1 : i32
    scf.for %scan3A_276 = %scan3A_120 to %scan3A_122 step %scan3A_123  : i32 {
      %mul3A_277 = arith.constant 128 : i32
      %mul3A_278 = arith.muli %scan3A_276, %mul3A_277 : i32
      %multiple_of3A_279 = tpu.assume_multiple %mul3A_278, 16 : i32
      %add3A_280 = arith.constant 0 : i32
      %add3A_281 = arith.addi %multiple_of3A_279, %add3A_280 : i32
      %swap3A_282 = arith.constant 6 : i32
      %swap3A_283 = arith.index_cast %swap3A_282 : i32 to index
      %swap3A_284 = arith.index_cast %add3A_281 : i32 to index
      %swap3A_285 = tpu.vector_load %arg5[%swap3A_283, %swap3A_284] {strides = array<i32>} : memref<8x4096xf32, #tpu.memory_space<vmem>>, vector<16xf32>,
      tpu.vector_store %arg5[%swap3A_283, %swap3A_284], %broadcast_in_dim3A_82 {strides = array<i32>} : memref<8x4096xf32, #tpu.memory_space<vmem>>, vector<16xf32>,
      %add3A_286 = arith.constant 16 : i32
      %add3A_287 = arith.addi %multiple_of3A_279, %add3A_286 : i32
      %swap3A_288 = arith.constant 6 : i32
      %swap3A_289 = arith.index_cast %swap3A_288 : i32 to index
      %swap3A_290 = arith.index_cast %add3A_287 : i32 to index
      %swap3A_291 = tpu.vector_load %arg5[%swap3A_289, %swap3A_290] {strides = array<i32>} : memref<8x4096xf32, #tpu.memory_space<vmem>>, vector<16xf32>,
      tpu.vector_store %arg5[%swap3A_289, %swap3A_290], %broadcast_in_dim3A_82 {strides = array<i32>} : memref<8x4096xf32, #tpu.memory_space<vmem>>, vector<16xf32>,
      %add3A_292 = arith.constant 32 : i32
      %add3A_293 = arith.addi %multiple_of3A_279, %add3A_292 : i32
      %swap3A_294 = arith.constant 6 : i32
      %swap3A_295 = arith.index_cast %swap3A_294 : i32 to index
      %swap3A_296 = arith.index_cast %add3A_293 : i32 to index
      %swap3A_297 = tpu.vector_load %arg5[%swap3A_295, %swap3A_296] {strides = array<i32>} : memref<8x4096xf32, #tpu.memory_space<vmem>>, vector<16xf32>,
      tpu.vector_store %arg5[%swap3A_295, %swap3A_296], %broadcast_in_dim3A_82 {strides = array<i32>} : memref<8x4096xf32, #tpu.memory_space<vmem>>, vector<16xf32>,
      %add3A_298 = arith.constant 48 : i32
      %add3A_299 = arith.addi %multiple_of3A_279, %add3A_298 : i32
      %swap3A_300 = arith.constant 6 : i32
      %swap3A_301 = arith.index_cast %swap3A_300 : i32 to index
      %swap3A_302 = arith.index_cast %add3A_299 : i32 to index
      %swap3A_303 = tpu.vector_load %arg5[%swap3A_301, %swap3A_302] {strides = array<i32>} : memref<8x4096xf32, #tpu.memory_space<vmem>>, vector<16xf32>,
      tpu.vector_store %arg5[%swap3A_301, %swap3A_302], %broadcast_in_dim3A_82 {strides = array<i32>} : memref<8x4096xf32, #tpu.memory_space<vmem>>, vector<16xf32>,
      %add3A_304 = arith.constant 64 : i32
      %add3A_305 = arith.addi %multiple_of3A_279, %add3A_304 : i32
      %swap3A_306 = arith.constant 6 : i32
      %swap3A_307 = arith.index_cast %swap3A_306 : i32 to index
      %swap3A_308 = arith.index_cast %add3A_305 : i32 to index
      %swap3A_309 = tpu.vector_load %arg5[%swap3A_307, %swap3A_308] {strides = array<i32>} : memref<8x4096xf32, #tpu.memory_space<vmem>>, vector<16xf32>,
      tpu.vector_store %arg5[%swap3A_307, %swap3A_308], %broadcast_in_dim3A_82 {strides = array<i32>} : memref<8x4096xf32, #tpu.memory_space<vmem>>, vector<16xf32>,
      %add3A_310 = arith.constant 80 : i32
      %add3A_311 = arith.addi %multiple_of3A_279, %add3A_310 : i32
      %swap3A_312 = arith.constant 6 : i32
      %swap3A_313 = arith.index_cast %swap3A_312 : i32 to index
      %swap3A_314 = arith.index_cast %add3A_311 : i32 to index
      %swap3A_315 = tpu.vector_load %arg5[%swap3A_313, %swap3A_314] {strides = array<i32>} : memref<8x4096xf32, #tpu.memory_space<vmem>>, vector<16xf32>,
      tpu.vector_store %arg5[%swap3A_313, %swap3A_314], %broadcast_in_dim3A_82 {strides = array<i32>} : memref<8x4096xf32, #tpu.memory_space<vmem>>, vector<16xf32>,
      %add3A_316 = arith.constant 96 : i32
      %add3A_317 = arith.addi %multiple_of3A_279, %add3A_316 : i32
      %swap3A_318 = arith.constant 6 : i32
      %swap3A_319 = arith.index_cast %swap3A_318 : i32 to index
      %swap3A_320 = arith.index_cast %add3A_317 : i32 to index
      %swap3A_321 = tpu.vector_load %arg5[%swap3A_319, %swap3A_320] {strides = array<i32>} : memref<8x4096xf32, #tpu.memory_space<vmem>>, vector<16xf32>,
      tpu.vector_store %arg5[%swap3A_319, %swap3A_320], %broadcast_in_dim3A_82 {strides = array<i32>} : memref<8x4096xf32, #tpu.memory_space<vmem>>, vector<16xf32>,
      %add3A_322 = arith.constant 112 : i32
      %add3A_323 = arith.addi %multiple_of3A_279, %add3A_322 : i32
      %swap3A_324 = arith.constant 6 : i32
      %swap3A_325 = arith.index_cast %swap3A_324 : i32 to index
      %swap3A_326 = arith.index_cast %add3A_323 : i32 to index
      %swap3A_327 = tpu.vector_load %arg5[%swap3A_325, %swap3A_326] {strides = array<i32>} : memref<8x4096xf32, #tpu.memory_space<vmem>>, vector<16xf32>,
      tpu.vector_store %arg5[%swap3A_325, %swap3A_326], %broadcast_in_dim3A_82 {strides = array<i32>} : memref<8x4096xf32, #tpu.memory_space<vmem>>, vector<16xf32>,
    }
    %scan3A_124 = arith.constant 32 : i32
    %scan3A_125 = arith.constant 0 : i32
    %scan3A_126 = arith.constant 0 : i32
    %scan3A_127 = arith.constant 32 : i32
    %scan3A_128 = arith.addi %scan3A_126, %scan3A_127 : i32
    %scan3A_129 = arith.constant 1 : i32
    scf.for %scan3A_276 = %scan3A_126 to %scan3A_128 step %scan3A_129  : i32 {
      %mul3A_277 = arith.constant 128 : i32
      %mul3A_278 = arith.muli %scan3A_276, %mul3A_277 : i32
      %multiple_of3A_279 = tpu.assume_multiple %mul3A_278, 16 : i32
      %add3A_280 = arith.constant 0 : i32
      %add3A_281 = arith.addi %multiple_of3A_279, %add3A_280 : i32
      %swap3A_282 = arith.constant 7 : i32
      %swap3A_283 = arith.index_cast %swap3A_282 : i32 to index
      %swap3A_284 = arith.index_cast %add3A_281 : i32 to index
      %swap3A_285 = tpu.vector_load %arg5[%swap3A_283, %swap3A_284] {strides = array<i32>} : memref<8x4096xf32, #tpu.memory_space<vmem>>, vector<16xf32>,
      tpu.vector_store %arg5[%swap3A_283, %swap3A_284], %broadcast_in_dim3A_82 {strides = array<i32>} : memref<8x4096xf32, #tpu.memory_space<vmem>>, vector<16xf32>,
      %add3A_286 = arith.constant 16 : i32
      %add3A_287 = arith.addi %multiple_of3A_279, %add3A_286 : i32
      %swap3A_288 = arith.constant 7 : i32
      %swap3A_289 = arith.index_cast %swap3A_288 : i32 to index
      %swap3A_290 = arith.index_cast %add3A_287 : i32 to index
      %swap3A_291 = tpu.vector_load %arg5[%swap3A_289, %swap3A_290] {strides = array<i32>} : memref<8x4096xf32, #tpu.memory_space<vmem>>, vector<16xf32>,
      tpu.vector_store %arg5[%swap3A_289, %swap3A_290], %broadcast_in_dim3A_82 {strides = array<i32>} : memref<8x4096xf32, #tpu.memory_space<vmem>>, vector<16xf32>,
      %add3A_292 = arith.constant 32 : i32
      %add3A_293 = arith.addi %multiple_of3A_279, %add3A_292 : i32
      %swap3A_294 = arith.constant 7 : i32
      %swap3A_295 = arith.index_cast %swap3A_294 : i32 to index
      %swap3A_296 = arith.index_cast %add3A_293 : i32 to index
      %swap3A_297 = tpu.vector_load %arg5[%swap3A_295, %swap3A_296] {strides = array<i32>} : memref<8x4096xf32, #tpu.memory_space<vmem>>, vector<16xf32>,
      tpu.vector_store %arg5[%swap3A_295, %swap3A_296], %broadcast_in_dim3A_82 {strides = array<i32>} : memref<8x4096xf32, #tpu.memory_space<vmem>>, vector<16xf32>,
      %add3A_298 = arith.constant 48 : i32
      %add3A_299 = arith.addi %multiple_of3A_279, %add3A_298 : i32
      %swap3A_300 = arith.constant 7 : i32
      %swap3A_301 = arith.index_cast %swap3A_300 : i32 to index
      %swap3A_302 = arith.index_cast %add3A_299 : i32 to index
      %swap3A_303 = tpu.vector_load %arg5[%swap3A_301, %swap3A_302] {strides = array<i32>} : memref<8x4096xf32, #tpu.memory_space<vmem>>, vector<16xf32>,
      tpu.vector_store %arg5[%swap3A_301, %swap3A_302], %broadcast_in_dim3A_82 {strides = array<i32>} : memref<8x4096xf32, #tpu.memory_space<vmem>>, vector<16xf32>,
      %add3A_304 = arith.constant 64 : i32
      %add3A_305 = arith.addi %multiple_of3A_279, %add3A_304 : i32
      %swap3A_306 = arith.constant 7 : i32
      %swap3A_307 = arith.index_cast %swap3A_306 : i32 to index
      %swap3A_308 = arith.index_cast %add3A_305 : i32 to index
      %swap3A_309 = tpu.vector_load %arg5[%swap3A_307, %swap3A_308] {strides = array<i32>} : memref<8x4096xf32, #tpu.memory_space<vmem>>, vector<16xf32>,
      tpu.vector_store %arg5[%swap3A_307, %swap3A_308], %broadcast_in_dim3A_82 {strides = array<i32>} : memref<8x4096xf32, #tpu.memory_space<vmem>>, vector<16xf32>,
      %add3A_310 = arith.constant 80 : i32
      %add3A_311 = arith.addi %multiple_of3A_279, %add3A_310 : i32
      %swap3A_312 = arith.constant 7 : i32
      %swap3A_313 = arith.index_cast %swap3A_312 : i32 to index
      %swap3A_314 = arith.index_cast %add3A_311 : i32 to index
      %swap3A_315 = tpu.vector_load %arg5[%swap3A_313, %swap3A_314] {strides = array<i32>} : memref<8x4096xf32, #tpu.memory_space<vmem>>, vector<16xf32>,
      tpu.vector_store %arg5[%swap3A_313, %swap3A_314], %broadcast_in_dim3A_82 {strides = array<i32>} : memref<8x4096xf32, #tpu.memory_space<vmem>>, vector<16xf32>,
      %add3A_316 = arith.constant 96 : i32
      %add3A_317 = arith.addi %multiple_of3A_279, %add3A_316 : i32
      %swap3A_318 = arith.constant 7 : i32
      %swap3A_319 = arith.index_cast %swap3A_318 : i32 to index
      %swap3A_320 = arith.index_cast %add3A_317 : i32 to index
      %swap3A_321 = tpu.vector_load %arg5[%swap3A_319, %swap3A_320] {strides = array<i32>} : memref<8x4096xf32, #tpu.memory_space<vmem>>, vector<16xf32>,
      tpu.vector_store %arg5[%swap3A_319, %swap3A_320], %broadcast_in_dim3A_82 {strides = array<i32>} : memref<8x4096xf32, #tpu.memory_space<vmem>>, vector<16xf32>,
      %add3A_322 = arith.constant 112 : i32
      %add3A_323 = arith.addi %multiple_of3A_279, %add3A_322 : i32
      %swap3A_324 = arith.constant 7 : i32
      %swap3A_325 = arith.index_cast %swap3A_324 : i32 to index
      %swap3A_326 = arith.index_cast %add3A_323 : i32 to index
      %swap3A_327 = tpu.vector_load %arg5[%swap3A_325, %swap3A_326] {strides = array<i32>} : memref<8x4096xf32, #tpu.memory_space<vmem>>, vector<16xf32>,
      tpu.vector_store %arg5[%swap3A_325, %swap3A_326], %broadcast_in_dim3A_82 {strides = array<i32>} : memref<8x4096xf32, #tpu.memory_space<vmem>>, vector<16xf32>,
    }
    %scan3A_130 = arith.constant 32 : i32
    %scan3A_131 = arith.constant 0 : i32
    %scan3A_132 = arith.constant 0 : i32
    %scan3A_133 = arith.constant 32 : i32
    %scan3A_134 = arith.addi %scan3A_132, %scan3A_133 : i32
    %scan3A_135 = arith.constant 1 : i32
    scf.for %scan3A_276 = %scan3A_132 to %scan3A_134 step %scan3A_135  : i32 {
      %mul3A_277 = arith.constant 128 : i32
      %mul3A_278 = arith.muli %scan3A_276, %mul3A_277 : i32
      %multiple_of3A_279 = tpu.assume_multiple %mul3A_278, 16 : i32
      %add3A_280 = arith.constant 0 : i32
      %add3A_281 = arith.addi %multiple_of3A_279, %add3A_280 : i32
      %swap3A_282 = arith.constant 0 : i32
      %swap3A_283 = arith.index_cast %swap3A_282 : i32 to index
      %swap3A_284 = arith.index_cast %add3A_281 : i32 to index
      %swap3A_285 = tpu.vector_load %arg6[%swap3A_283, %swap3A_284] {strides = array<i32>} : memref<8x4096xf32, #tpu.memory_space<vmem>>, vector<16xf32>,
      tpu.vector_store %arg6[%swap3A_283, %swap3A_284], %broadcast_in_dim3A_82 {strides = array<i32>} : memref<8x4096xf32, #tpu.memory_space<vmem>>, vector<16xf32>,
      %add3A_286 = arith.constant 16 : i32
      %add3A_287 = arith.addi %multiple_of3A_279, %add3A_286 : i32
      %swap3A_288 = arith.constant 0 : i32
      %swap3A_289 = arith.index_cast %swap3A_288 : i32 to index
      %swap3A_290 = arith.index_cast %add3A_287 : i32 to index
      %swap3A_291 = tpu.vector_load %arg6[%swap3A_289, %swap3A_290] {strides = array<i32>} : memref<8x4096xf32, #tpu.memory_space<vmem>>, vector<16xf32>,
      tpu.vector_store %arg6[%swap3A_289, %swap3A_290], %broadcast_in_dim3A_82 {strides = array<i32>} : memref<8x4096xf32, #tpu.memory_space<vmem>>, vector<16xf32>,
      %add3A_292 = arith.constant 32 : i32
      %add3A_293 = arith.addi %multiple_of3A_279, %add3A_292 : i32
      %swap3A_294 = arith.constant 0 : i32
      %swap3A_295 = arith.index_cast %swap3A_294 : i32 to index
      %swap3A_296 = arith.index_cast %add3A_293 : i32 to index
      %swap3A_297 = tpu.vector_load %arg6[%swap3A_295, %swap3A_296] {strides = array<i32>} : memref<8x4096xf32, #tpu.memory_space<vmem>>, vector<16xf32>,
      tpu.vector_store %arg6[%swap3A_295, %swap3A_296], %broadcast_in_dim3A_82 {strides = array<i32>} : memref<8x4096xf32, #tpu.memory_space<vmem>>, vector<16xf32>,
      %add3A_298 = arith.constant 48 : i32
      %add3A_299 = arith.addi %multiple_of3A_279, %add3A_298 : i32
      %swap3A_300 = arith.constant 0 : i32
      %swap3A_301 = arith.index_cast %swap3A_300 : i32 to index
      %swap3A_302 = arith.index_cast %add3A_299 : i32 to index
      %swap3A_303 = tpu.vector_load %arg6[%swap3A_301, %swap3A_302] {strides = array<i32>} : memref<8x4096xf32, #tpu.memory_space<vmem>>, vector<16xf32>,
      tpu.vector_store %arg6[%swap3A_301, %swap3A_302], %broadcast_in_dim3A_82 {strides = array<i32>} : memref<8x4096xf32, #tpu.memory_space<vmem>>, vector<16xf32>,
      %add3A_304 = arith.constant 64 : i32
      %add3A_305 = arith.addi %multiple_of3A_279, %add3A_304 : i32
      %swap3A_306 = arith.constant 0 : i32
      %swap3A_307 = arith.index_cast %swap3A_306 : i32 to index
      %swap3A_308 = arith.index_cast %add3A_305 : i32 to index
      %swap3A_309 = tpu.vector_load %arg6[%swap3A_307, %swap3A_308] {strides = array<i32>} : memref<8x4096xf32, #tpu.memory_space<vmem>>, vector<16xf32>,
      tpu.vector_store %arg6[%swap3A_307, %swap3A_308], %broadcast_in_dim3A_82 {strides = array<i32>} : memref<8x4096xf32, #tpu.memory_space<vmem>>, vector<16xf32>,
      %add3A_310 = arith.constant 80 : i32
      %add3A_311 = arith.addi %multiple_of3A_279, %add3A_310 : i32
      %swap3A_312 = arith.constant 0 : i32
      %swap3A_313 = arith.index_cast %swap3A_312 : i32 to index
      %swap3A_314 = arith.index_cast %add3A_311 : i32 to index
      %swap3A_315 = tpu.vector_load %arg6[%swap3A_313, %swap3A_314] {strides = array<i32>} : memref<8x4096xf32, #tpu.memory_space<vmem>>, vector<16xf32>,
      tpu.vector_store %arg6[%swap3A_313, %swap3A_314], %broadcast_in_dim3A_82 {strides = array<i32>} : memref<8x4096xf32, #tpu.memory_space<vmem>>, vector<16xf32>,
      %add3A_316 = arith.constant 96 : i32
      %add3A_317 = arith.addi %multiple_of3A_279, %add3A_316 : i32
      %swap3A_318 = arith.constant 0 : i32
      %swap3A_319 = arith.index_cast %swap3A_318 : i32 to index
      %swap3A_320 = arith.index_cast %add3A_317 : i32 to index
      %swap3A_321 = tpu.vector_load %arg6[%swap3A_319, %swap3A_320] {strides = array<i32>} : memref<8x4096xf32, #tpu.memory_space<vmem>>, vector<16xf32>,
      tpu.vector_store %arg6[%swap3A_319, %swap3A_320], %broadcast_in_dim3A_82 {strides = array<i32>} : memref<8x4096xf32, #tpu.memory_space<vmem>>, vector<16xf32>,
      %add3A_322 = arith.constant 112 : i32
      %add3A_323 = arith.addi %multiple_of3A_279, %add3A_322 : i32
      %swap3A_324 = arith.constant 0 : i32
      %swap3A_325 = arith.index_cast %swap3A_324 : i32 to index
      %swap3A_326 = arith.index_cast %add3A_323 : i32 to index
      %swap3A_327 = tpu.vector_load %arg6[%swap3A_325, %swap3A_326] {strides = array<i32>} : memref<8x4096xf32, #tpu.memory_space<vmem>>, vector<16xf32>,
      tpu.vector_store %arg6[%swap3A_325, %swap3A_326], %broadcast_in_dim3A_82 {strides = array<i32>} : memref<8x4096xf32, #tpu.memory_space<vmem>>, vector<16xf32>,
    }
    %scan3A_136 = arith.constant 32 : i32
    %scan3A_137 = arith.constant 0 : i32
    %scan3A_138 = arith.constant 0 : i32
    %scan3A_139 = arith.constant 32 : i32
    %scan3A_140 = arith.addi %scan3A_138, %scan3A_139 : i32
    %scan3A_141 = arith.constant 1 : i32
    scf.for %scan3A_276 = %scan3A_138 to %scan3A_140 step %scan3A_141  : i32 {
      %mul3A_277 = arith.constant 128 : i32
      %mul3A_278 = arith.muli %scan3A_276, %mul3A_277 : i32
      %multiple_of3A_279 = tpu.assume_multiple %mul3A_278, 16 : i32
      %add3A_280 = arith.constant 0 : i32
      %add3A_281 = arith.addi %multiple_of3A_279, %add3A_280 : i32
      %swap3A_282 = arith.constant 1 : i32
      %swap3A_283 = arith.index_cast %swap3A_282 : i32 to index
      %swap3A_284 = arith.index_cast %add3A_281 : i32 to index
      %swap3A_285 = tpu.vector_load %arg6[%swap3A_283, %swap3A_284] {strides = array<i32>} : memref<8x4096xf32, #tpu.memory_space<vmem>>, vector<16xf32>,
      tpu.vector_store %arg6[%swap3A_283, %swap3A_284], %broadcast_in_dim3A_82 {strides = array<i32>} : memref<8x4096xf32, #tpu.memory_space<vmem>>, vector<16xf32>,
      %add3A_286 = arith.constant 16 : i32
      %add3A_287 = arith.addi %multiple_of3A_279, %add3A_286 : i32
      %swap3A_288 = arith.constant 1 : i32
      %swap3A_289 = arith.index_cast %swap3A_288 : i32 to index
      %swap3A_290 = arith.index_cast %add3A_287 : i32 to index
      %swap3A_291 = tpu.vector_load %arg6[%swap3A_289, %swap3A_290] {strides = array<i32>} : memref<8x4096xf32, #tpu.memory_space<vmem>>, vector<16xf32>,
      tpu.vector_store %arg6[%swap3A_289, %swap3A_290], %broadcast_in_dim3A_82 {strides = array<i32>} : memref<8x4096xf32, #tpu.memory_space<vmem>>, vector<16xf32>,
      %add3A_292 = arith.constant 32 : i32
      %add3A_293 = arith.addi %multiple_of3A_279, %add3A_292 : i32
      %swap3A_294 = arith.constant 1 : i32
      %swap3A_295 = arith.index_cast %swap3A_294 : i32 to index
      %swap3A_296 = arith.index_cast %add3A_293 : i32 to index
      %swap3A_297 = tpu.vector_load %arg6[%swap3A_295, %swap3A_296] {strides = array<i32>} : memref<8x4096xf32, #tpu.memory_space<vmem>>, vector<16xf32>,
      tpu.vector_store %arg6[%swap3A_295, %swap3A_296], %broadcast_in_dim3A_82 {strides = array<i32>} : memref<8x4096xf32, #tpu.memory_space<vmem>>, vector<16xf32>,
      %add3A_298 = arith.constant 48 : i32
      %add3A_299 = arith.addi %multiple_of3A_279, %add3A_298 : i32
      %swap3A_300 = arith.constant 1 : i32
      %swap3A_301 = arith.index_cast %swap3A_300 : i32 to index
      %swap3A_302 = arith.index_cast %add3A_299 : i32 to index
      %swap3A_303 = tpu.vector_load %arg6[%swap3A_301, %swap3A_302] {strides = array<i32>} : memref<8x4096xf32, #tpu.memory_space<vmem>>, vector<16xf32>,
      tpu.vector_store %arg6[%swap3A_301, %swap3A_302], %broadcast_in_dim3A_82 {strides = array<i32>} : memref<8x4096xf32, #tpu.memory_space<vmem>>, vector<16xf32>,
      %add3A_304 = arith.constant 64 : i32
      %add3A_305 = arith.addi %multiple_of3A_279, %add3A_304 : i32
      %swap3A_306 = arith.constant 1 : i32
      %swap3A_307 = arith.index_cast %swap3A_306 : i32 to index
      %swap3A_308 = arith.index_cast %add3A_305 : i32 to index
      %swap3A_309 = tpu.vector_load %arg6[%swap3A_307, %swap3A_308] {strides = array<i32>} : memref<8x4096xf32, #tpu.memory_space<vmem>>, vector<16xf32>,
      tpu.vector_store %arg6[%swap3A_307, %swap3A_308], %broadcast_in_dim3A_82 {strides = array<i32>} : memref<8x4096xf32, #tpu.memory_space<vmem>>, vector<16xf32>,
      %add3A_310 = arith.constant 80 : i32
      %add3A_311 = arith.addi %multiple_of3A_279, %add3A_310 : i32
      %swap3A_312 = arith.constant 1 : i32
      %swap3A_313 = arith.index_cast %swap3A_312 : i32 to index
      %swap3A_314 = arith.index_cast %add3A_311 : i32 to index
      %swap3A_315 = tpu.vector_load %arg6[%swap3A_313, %swap3A_314] {strides = array<i32>} : memref<8x4096xf32, #tpu.memory_space<vmem>>, vector<16xf32>,
      tpu.vector_store %arg6[%swap3A_313, %swap3A_314], %broadcast_in_dim3A_82 {strides = array<i32>} : memref<8x4096xf32, #tpu.memory_space<vmem>>, vector<16xf32>,
      %add3A_316 = arith.constant 96 : i32
      %add3A_317 = arith.addi %multiple_of3A_279, %add3A_316 : i32
      %swap3A_318 = arith.constant 1 : i32
      %swap3A_319 = arith.index_cast %swap3A_318 : i32 to index
      %swap3A_320 = arith.index_cast %add3A_317 : i32 to index
      %swap3A_321 = tpu.vector_load %arg6[%swap3A_319, %swap3A_320] {strides = array<i32>} : memref<8x4096xf32, #tpu.memory_space<vmem>>, vector<16xf32>,
      tpu.vector_store %arg6[%swap3A_319, %swap3A_320], %broadcast_in_dim3A_82 {strides = array<i32>} : memref<8x4096xf32, #tpu.memory_space<vmem>>, vector<16xf32>,
      %add3A_322 = arith.constant 112 : i32
      %add3A_323 = arith.addi %multiple_of3A_279, %add3A_322 : i32
      %swap3A_324 = arith.constant 1 : i32
      %swap3A_325 = arith.index_cast %swap3A_324 : i32 to index
      %swap3A_326 = arith.index_cast %add3A_323 : i32 to index
      %swap3A_327 = tpu.vector_load %arg6[%swap3A_325, %swap3A_326] {strides = array<i32>} : memref<8x4096xf32, #tpu.memory_space<vmem>>, vector<16xf32>,
      tpu.vector_store %arg6[%swap3A_325, %swap3A_326], %broadcast_in_dim3A_82 {strides = array<i32>} : memref<8x4096xf32, #tpu.memory_space<vmem>>, vector<16xf32>,
    }
    %scan3A_142 = arith.constant 32 : i32
    %scan3A_143 = arith.constant 0 : i32
    %scan3A_144 = arith.constant 0 : i32
    %scan3A_145 = arith.constant 32 : i32
    %scan3A_146 = arith.addi %scan3A_144, %scan3A_145 : i32
    %scan3A_147 = arith.constant 1 : i32
    scf.for %scan3A_276 = %scan3A_144 to %scan3A_146 step %scan3A_147  : i32 {
      %mul3A_277 = arith.constant 128 : i32
      %mul3A_278 = arith.muli %scan3A_276, %mul3A_277 : i32
      %multiple_of3A_279 = tpu.assume_multiple %mul3A_278, 16 : i32
      %add3A_280 = arith.constant 0 : i32
      %add3A_281 = arith.addi %multiple_of3A_279, %add3A_280 : i32
      %swap3A_282 = arith.constant 2 : i32
      %swap3A_283 = arith.index_cast %swap3A_282 : i32 to index
      %swap3A_284 = arith.index_cast %add3A_281 : i32 to index
      %swap3A_285 = tpu.vector_load %arg6[%swap3A_283, %swap3A_284] {strides = array<i32>} : memref<8x4096xf32, #tpu.memory_space<vmem>>, vector<16xf32>,
      tpu.vector_store %arg6[%swap3A_283, %swap3A_284], %broadcast_in_dim3A_82 {strides = array<i32>} : memref<8x4096xf32, #tpu.memory_space<vmem>>, vector<16xf32>,
      %add3A_286 = arith.constant 16 : i32
      %add3A_287 = arith.addi %multiple_of3A_279, %add3A_286 : i32
      %swap3A_288 = arith.constant 2 : i32
      %swap3A_289 = arith.index_cast %swap3A_288 : i32 to index
      %swap3A_290 = arith.index_cast %add3A_287 : i32 to index
      %swap3A_291 = tpu.vector_load %arg6[%swap3A_289, %swap3A_290] {strides = array<i32>} : memref<8x4096xf32, #tpu.memory_space<vmem>>, vector<16xf32>,
      tpu.vector_store %arg6[%swap3A_289, %swap3A_290], %broadcast_in_dim3A_82 {strides = array<i32>} : memref<8x4096xf32, #tpu.memory_space<vmem>>, vector<16xf32>,
      %add3A_292 = arith.constant 32 : i32
      %add3A_293 = arith.addi %multiple_of3A_279, %add3A_292 : i32
      %swap3A_294 = arith.constant 2 : i32
      %swap3A_295 = arith.index_cast %swap3A_294 : i32 to index
      %swap3A_296 = arith.index_cast %add3A_293 : i32 to index
      %swap3A_297 = tpu.vector_load %arg6[%swap3A_295, %swap3A_296] {strides = array<i32>} : memref<8x4096xf32, #tpu.memory_space<vmem>>, vector<16xf32>,
      tpu.vector_store %arg6[%swap3A_295, %swap3A_296], %broadcast_in_dim3A_82 {strides = array<i32>} : memref<8x4096xf32, #tpu.memory_space<vmem>>, vector<16xf32>,
      %add3A_298 = arith.constant 48 : i32
      %add3A_299 = arith.addi %multiple_of3A_279, %add3A_298 : i32
      %swap3A_300 = arith.constant 2 : i32
      %swap3A_301 = arith.index_cast %swap3A_300 : i32 to index
      %swap3A_302 = arith.index_cast %add3A_299 : i32 to index
      %swap3A_303 = tpu.vector_load %arg6[%swap3A_301, %swap3A_302] {strides = array<i32>} : memref<8x4096xf32, #tpu.memory_space<vmem>>, vector<16xf32>,
      tpu.vector_store %arg6[%swap3A_301, %swap3A_302], %broadcast_in_dim3A_82 {strides = array<i32>} : memref<8x4096xf32, #tpu.memory_space<vmem>>, vector<16xf32>,
      %add3A_304 = arith.constant 64 : i32
      %add3A_305 = arith.addi %multiple_of3A_279, %add3A_304 : i32
      %swap3A_306 = arith.constant 2 : i32
      %swap3A_307 = arith.index_cast %swap3A_306 : i32 to index
      %swap3A_308 = arith.index_cast %add3A_305 : i32 to index
      %swap3A_309 = tpu.vector_load %arg6[%swap3A_307, %swap3A_308] {strides = array<i32>} : memref<8x4096xf32, #tpu.memory_space<vmem>>, vector<16xf32>,
      tpu.vector_store %arg6[%swap3A_307, %swap3A_308], %broadcast_in_dim3A_82 {strides = array<i32>} : memref<8x4096xf32, #tpu.memory_space<vmem>>, vector<16xf32>,
      %add3A_310 = arith.constant 80 : i32
      %add3A_311 = arith.addi %multiple_of3A_279, %add3A_310 : i32
      %swap3A_312 = arith.constant 2 : i32
      %swap3A_313 = arith.index_cast %swap3A_312 : i32 to index
      %swap3A_314 = arith.index_cast %add3A_311 : i32 to index
      %swap3A_315 = tpu.vector_load %arg6[%swap3A_313, %swap3A_314] {strides = array<i32>} : memref<8x4096xf32, #tpu.memory_space<vmem>>, vector<16xf32>,
      tpu.vector_store %arg6[%swap3A_313, %swap3A_314], %broadcast_in_dim3A_82 {strides = array<i32>} : memref<8x4096xf32, #tpu.memory_space<vmem>>, vector<16xf32>,
      %add3A_316 = arith.constant 96 : i32
      %add3A_317 = arith.addi %multiple_of3A_279, %add3A_316 : i32
      %swap3A_318 = arith.constant 2 : i32
      %swap3A_319 = arith.index_cast %swap3A_318 : i32 to index
      %swap3A_320 = arith.index_cast %add3A_317 : i32 to index
      %swap3A_321 = tpu.vector_load %arg6[%swap3A_319, %swap3A_320] {strides = array<i32>} : memref<8x4096xf32, #tpu.memory_space<vmem>>, vector<16xf32>,
      tpu.vector_store %arg6[%swap3A_319, %swap3A_320], %broadcast_in_dim3A_82 {strides = array<i32>} : memref<8x4096xf32, #tpu.memory_space<vmem>>, vector<16xf32>,
      %add3A_322 = arith.constant 112 : i32
      %add3A_323 = arith.addi %multiple_of3A_279, %add3A_322 : i32
      %swap3A_324 = arith.constant 2 : i32
      %swap3A_325 = arith.index_cast %swap3A_324 : i32 to index
      %swap3A_326 = arith.index_cast %add3A_323 : i32 to index
      %swap3A_327 = tpu.vector_load %arg6[%swap3A_325, %swap3A_326] {strides = array<i32>} : memref<8x4096xf32, #tpu.memory_space<vmem>>, vector<16xf32>,
      tpu.vector_store %arg6[%swap3A_325, %swap3A_326], %broadcast_in_dim3A_82 {strides = array<i32>} : memref<8x4096xf32, #tpu.memory_space<vmem>>, vector<16xf32>,
    }
    %scan3A_148 = arith.constant 32 : i32
    %scan3A_149 = arith.constant 0 : i32
    %scan3A_150 = arith.constant 0 : i32
    %scan3A_151 = arith.constant 32 : i32
    %scan3A_152 = arith.addi %scan3A_150, %scan3A_151 : i32
    %scan3A_153 = arith.constant 1 : i32
    scf.for %scan3A_276 = %scan3A_150 to %scan3A_152 step %scan3A_153  : i32 {
      %mul3A_277 = arith.constant 128 : i32
      %mul3A_278 = arith.muli %scan3A_276, %mul3A_277 : i32
      %multiple_of3A_279 = tpu.assume_multiple %mul3A_278, 16 : i32
      %add3A_280 = arith.constant 0 : i32
      %add3A_281 = arith.addi %multiple_of3A_279, %add3A_280 : i32
      %swap3A_282 = arith.constant 3 : i32
      %swap3A_283 = arith.index_cast %swap3A_282 : i32 to index
      %swap3A_284 = arith.index_cast %add3A_281 : i32 to index
      %swap3A_285 = tpu.vector_load %arg6[%swap3A_283, %swap3A_284] {strides = array<i32>} : memref<8x4096xf32, #tpu.memory_space<vmem>>, vector<16xf32>,
      tpu.vector_store %arg6[%swap3A_283, %swap3A_284], %broadcast_in_dim3A_82 {strides = array<i32>} : memref<8x4096xf32, #tpu.memory_space<vmem>>, vector<16xf32>,
      %add3A_286 = arith.constant 16 : i32
      %add3A_287 = arith.addi %multiple_of3A_279, %add3A_286 : i32
      %swap3A_288 = arith.constant 3 : i32
      %swap3A_289 = arith.index_cast %swap3A_288 : i32 to index
      %swap3A_290 = arith.index_cast %add3A_287 : i32 to index
      %swap3A_291 = tpu.vector_load %arg6[%swap3A_289, %swap3A_290] {strides = array<i32>} : memref<8x4096xf32, #tpu.memory_space<vmem>>, vector<16xf32>,
      tpu.vector_store %arg6[%swap3A_289, %swap3A_290], %broadcast_in_dim3A_82 {strides = array<i32>} : memref<8x4096xf32, #tpu.memory_space<vmem>>, vector<16xf32>,
      %add3A_292 = arith.constant 32 : i32
      %add3A_293 = arith.addi %multiple_of3A_279, %add3A_292 : i32
      %swap3A_294 = arith.constant 3 : i32
      %swap3A_295 = arith.index_cast %swap3A_294 : i32 to index
      %swap3A_296 = arith.index_cast %add3A_293 : i32 to index
      %swap3A_297 = tpu.vector_load %arg6[%swap3A_295, %swap3A_296] {strides = array<i32>} : memref<8x4096xf32, #tpu.memory_space<vmem>>, vector<16xf32>,
      tpu.vector_store %arg6[%swap3A_295, %swap3A_296], %broadcast_in_dim3A_82 {strides = array<i32>} : memref<8x4096xf32, #tpu.memory_space<vmem>>, vector<16xf32>,
      %add3A_298 = arith.constant 48 : i32
      %add3A_299 = arith.addi %multiple_of3A_279, %add3A_298 : i32
      %swap3A_300 = arith.constant 3 : i32
      %swap3A_301 = arith.index_cast %swap3A_300 : i32 to index
      %swap3A_302 = arith.index_cast %add3A_299 : i32 to index
      %swap3A_303 = tpu.vector_load %arg6[%swap3A_301, %swap3A_302] {strides = array<i32>} : memref<8x4096xf32, #tpu.memory_space<vmem>>, vector<16xf32>,
      tpu.vector_store %arg6[%swap3A_301, %swap3A_302], %broadcast_in_dim3A_82 {strides = array<i32>} : memref<8x4096xf32, #tpu.memory_space<vmem>>, vector<16xf32>,
      %add3A_304 = arith.constant 64 : i32
      %add3A_305 = arith.addi %multiple_of3A_279, %add3A_304 : i32
      %swap3A_306 = arith.constant 3 : i32
      %swap3A_307 = arith.index_cast %swap3A_306 : i32 to index
      %swap3A_308 = arith.index_cast %add3A_305 : i32 to index
      %swap3A_309 = tpu.vector_load %arg6[%swap3A_307, %swap3A_308] {strides = array<i32>} : memref<8x4096xf32, #tpu.memory_space<vmem>>, vector<16xf32>,
      tpu.vector_store %arg6[%swap3A_307, %swap3A_308], %broadcast_in_dim3A_82 {strides = array<i32>} : memref<8x4096xf32, #tpu.memory_space<vmem>>, vector<16xf32>,
      %add3A_310 = arith.constant 80 : i32
      %add3A_311 = arith.addi %multiple_of3A_279, %add3A_310 : i32
      %swap3A_312 = arith.constant 3 : i32
      %swap3A_313 = arith.index_cast %swap3A_312 : i32 to index
      %swap3A_314 = arith.index_cast %add3A_311 : i32 to index
      %swap3A_315 = tpu.vector_load %arg6[%swap3A_313, %swap3A_314] {strides = array<i32>} : memref<8x4096xf32, #tpu.memory_space<vmem>>, vector<16xf32>,
      tpu.vector_store %arg6[%swap3A_313, %swap3A_314], %broadcast_in_dim3A_82 {strides = array<i32>} : memref<8x4096xf32, #tpu.memory_space<vmem>>, vector<16xf32>,
      %add3A_316 = arith.constant 96 : i32
      %add3A_317 = arith.addi %multiple_of3A_279, %add3A_316 : i32
      %swap3A_318 = arith.constant 3 : i32
      %swap3A_319 = arith.index_cast %swap3A_318 : i32 to index
      %swap3A_320 = arith.index_cast %add3A_317 : i32 to index
      %swap3A_321 = tpu.vector_load %arg6[%swap3A_319, %swap3A_320] {strides = array<i32>} : memref<8x4096xf32, #tpu.memory_space<vmem>>, vector<16xf32>,
      tpu.vector_store %arg6[%swap3A_319, %swap3A_320], %broadcast_in_dim3A_82 {strides = array<i32>} : memref<8x4096xf32, #tpu.memory_space<vmem>>, vector<16xf32>,
      %add3A_322 = arith.constant 112 : i32
      %add3A_323 = arith.addi %multiple_of3A_279, %add3A_322 : i32
      %swap3A_324 = arith.constant 3 : i32
      %swap3A_325 = arith.index_cast %swap3A_324 : i32 to index
      %swap3A_326 = arith.index_cast %add3A_323 : i32 to index
      %swap3A_327 = tpu.vector_load %arg6[%swap3A_325, %swap3A_326] {strides = array<i32>} : memref<8x4096xf32, #tpu.memory_space<vmem>>, vector<16xf32>,
      tpu.vector_store %arg6[%swap3A_325, %swap3A_326], %broadcast_in_dim3A_82 {strides = array<i32>} : memref<8x4096xf32, #tpu.memory_space<vmem>>, vector<16xf32>,
    }
    %scan3A_154 = arith.constant 32 : i32
    %scan3A_155 = arith.constant 0 : i32
    %scan3A_156 = arith.constant 0 : i32
    %scan3A_157 = arith.constant 32 : i32
    %scan3A_158 = arith.addi %scan3A_156, %scan3A_157 : i32
    %scan3A_159 = arith.constant 1 : i32
    scf.for %scan3A_276 = %scan3A_156 to %scan3A_158 step %scan3A_159  : i32 {
      %mul3A_277 = arith.constant 128 : i32
      %mul3A_278 = arith.muli %scan3A_276, %mul3A_277 : i32
      %multiple_of3A_279 = tpu.assume_multiple %mul3A_278, 16 : i32
      %add3A_280 = arith.constant 0 : i32
      %add3A_281 = arith.addi %multiple_of3A_279, %add3A_280 : i32
      %swap3A_282 = arith.constant 4 : i32
      %swap3A_283 = arith.index_cast %swap3A_282 : i32 to index
      %swap3A_284 = arith.index_cast %add3A_281 : i32 to index
      %swap3A_285 = tpu.vector_load %arg6[%swap3A_283, %swap3A_284] {strides = array<i32>} : memref<8x4096xf32, #tpu.memory_space<vmem>>, vector<16xf32>,
      tpu.vector_store %arg6[%swap3A_283, %swap3A_284], %broadcast_in_dim3A_82 {strides = array<i32>} : memref<8x4096xf32, #tpu.memory_space<vmem>>, vector<16xf32>,
      %add3A_286 = arith.constant 16 : i32
      %add3A_287 = arith.addi %multiple_of3A_279, %add3A_286 : i32
      %swap3A_288 = arith.constant 4 : i32
      %swap3A_289 = arith.index_cast %swap3A_288 : i32 to index
      %swap3A_290 = arith.index_cast %add3A_287 : i32 to index
      %swap3A_291 = tpu.vector_load %arg6[%swap3A_289, %swap3A_290] {strides = array<i32>} : memref<8x4096xf32, #tpu.memory_space<vmem>>, vector<16xf32>,
      tpu.vector_store %arg6[%swap3A_289, %swap3A_290], %broadcast_in_dim3A_82 {strides = array<i32>} : memref<8x4096xf32, #tpu.memory_space<vmem>>, vector<16xf32>,
      %add3A_292 = arith.constant 32 : i32
      %add3A_293 = arith.addi %multiple_of3A_279, %add3A_292 : i32
      %swap3A_294 = arith.constant 4 : i32
      %swap3A_295 = arith.index_cast %swap3A_294 : i32 to index
      %swap3A_296 = arith.index_cast %add3A_293 : i32 to index
      %swap3A_297 = tpu.vector_load %arg6[%swap3A_295, %swap3A_296] {strides = array<i32>} : memref<8x4096xf32, #tpu.memory_space<vmem>>, vector<16xf32>,
      tpu.vector_store %arg6[%swap3A_295, %swap3A_296], %broadcast_in_dim3A_82 {strides = array<i32>} : memref<8x4096xf32, #tpu.memory_space<vmem>>, vector<16xf32>,
      %add3A_298 = arith.constant 48 : i32
      %add3A_299 = arith.addi %multiple_of3A_279, %add3A_298 : i32
      %swap3A_300 = arith.constant 4 : i32
      %swap3A_301 = arith.index_cast %swap3A_300 : i32 to index
      %swap3A_302 = arith.index_cast %add3A_299 : i32 to index
      %swap3A_303 = tpu.vector_load %arg6[%swap3A_301, %swap3A_302] {strides = array<i32>} : memref<8x4096xf32, #tpu.memory_space<vmem>>, vector<16xf32>,
      tpu.vector_store %arg6[%swap3A_301, %swap3A_302], %broadcast_in_dim3A_82 {strides = array<i32>} : memref<8x4096xf32, #tpu.memory_space<vmem>>, vector<16xf32>,
      %add3A_304 = arith.constant 64 : i32
      %add3A_305 = arith.addi %multiple_of3A_279, %add3A_304 : i32
      %swap3A_306 = arith.constant 4 : i32
      %swap3A_307 = arith.index_cast %swap3A_306 : i32 to index
      %swap3A_308 = arith.index_cast %add3A_305 : i32 to index
      %swap3A_309 = tpu.vector_load %arg6[%swap3A_307, %swap3A_308] {strides = array<i32>} : memref<8x4096xf32, #tpu.memory_space<vmem>>, vector<16xf32>,
      tpu.vector_store %arg6[%swap3A_307, %swap3A_308], %broadcast_in_dim3A_82 {strides = array<i32>} : memref<8x4096xf32, #tpu.memory_space<vmem>>, vector<16xf32>,
      %add3A_310 = arith.constant 80 : i32
      %add3A_311 = arith.addi %multiple_of3A_279, %add3A_310 : i32
      %swap3A_312 = arith.constant 4 : i32
      %swap3A_313 = arith.index_cast %swap3A_312 : i32 to index
      %swap3A_314 = arith.index_cast %add3A_311 : i32 to index
      %swap3A_315 = tpu.vector_load %arg6[%swap3A_313, %swap3A_314] {strides = array<i32>} : memref<8x4096xf32, #tpu.memory_space<vmem>>, vector<16xf32>,
      tpu.vector_store %arg6[%swap3A_313, %swap3A_314], %broadcast_in_dim3A_82 {strides = array<i32>} : memref<8x4096xf32, #tpu.memory_space<vmem>>, vector<16xf32>,
      %add3A_316 = arith.constant 96 : i32
      %add3A_317 = arith.addi %multiple_of3A_279, %add3A_316 : i32
      %swap3A_318 = arith.constant 4 : i32
      %swap3A_319 = arith.index_cast %swap3A_318 : i32 to index
      %swap3A_320 = arith.index_cast %add3A_317 : i32 to index
      %swap3A_321 = tpu.vector_load %arg6[%swap3A_319, %swap3A_320] {strides = array<i32>} : memref<8x4096xf32, #tpu.memory_space<vmem>>, vector<16xf32>,
      tpu.vector_store %arg6[%swap3A_319, %swap3A_320], %broadcast_in_dim3A_82 {strides = array<i32>} : memref<8x4096xf32, #tpu.memory_space<vmem>>, vector<16xf32>,
      %add3A_322 = arith.constant 112 : i32
      %add3A_323 = arith.addi %multiple_of3A_279, %add3A_322 : i32
      %swap3A_324 = arith.constant 4 : i32
      %swap3A_325 = arith.index_cast %swap3A_324 : i32 to index
      %swap3A_326 = arith.index_cast %add3A_323 : i32 to index
      %swap3A_327 = tpu.vector_load %arg6[%swap3A_325, %swap3A_326] {strides = array<i32>} : memref<8x4096xf32, #tpu.memory_space<vmem>>, vector<16xf32>,
      tpu.vector_store %arg6[%swap3A_325, %swap3A_326], %broadcast_in_dim3A_82 {strides = array<i32>} : memref<8x4096xf32, #tpu.memory_space<vmem>>, vector<16xf32>,
    }
    %scan3A_160 = arith.constant 32 : i32
    %scan3A_161 = arith.constant 0 : i32
    %scan3A_162 = arith.constant 0 : i32
    %scan3A_163 = arith.constant 32 : i32
    %scan3A_164 = arith.addi %scan3A_162, %scan3A_163 : i32
    %scan3A_165 = arith.constant 1 : i32
    scf.for %scan3A_276 = %scan3A_162 to %scan3A_164 step %scan3A_165  : i32 {
      %mul3A_277 = arith.constant 128 : i32
      %mul3A_278 = arith.muli %scan3A_276, %mul3A_277 : i32
      %multiple_of3A_279 = tpu.assume_multiple %mul3A_278, 16 : i32
      %add3A_280 = arith.constant 0 : i32
      %add3A_281 = arith.addi %multiple_of3A_279, %add3A_280 : i32
      %swap3A_282 = arith.constant 5 : i32
      %swap3A_283 = arith.index_cast %swap3A_282 : i32 to index
      %swap3A_284 = arith.index_cast %add3A_281 : i32 to index
      %swap3A_285 = tpu.vector_load %arg6[%swap3A_283, %swap3A_284] {strides = array<i32>} : memref<8x4096xf32, #tpu.memory_space<vmem>>, vector<16xf32>,
      tpu.vector_store %arg6[%swap3A_283, %swap3A_284], %broadcast_in_dim3A_82 {strides = array<i32>} : memref<8x4096xf32, #tpu.memory_space<vmem>>, vector<16xf32>,
      %add3A_286 = arith.constant 16 : i32
      %add3A_287 = arith.addi %multiple_of3A_279, %add3A_286 : i32
      %swap3A_288 = arith.constant 5 : i32
      %swap3A_289 = arith.index_cast %swap3A_288 : i32 to index
      %swap3A_290 = arith.index_cast %add3A_287 : i32 to index
      %swap3A_291 = tpu.vector_load %arg6[%swap3A_289, %swap3A_290] {strides = array<i32>} : memref<8x4096xf32, #tpu.memory_space<vmem>>, vector<16xf32>,
      tpu.vector_store %arg6[%swap3A_289, %swap3A_290], %broadcast_in_dim3A_82 {strides = array<i32>} : memref<8x4096xf32, #tpu.memory_space<vmem>>, vector<16xf32>,
      %add3A_292 = arith.constant 32 : i32
      %add3A_293 = arith.addi %multiple_of3A_279, %add3A_292 : i32
      %swap3A_294 = arith.constant 5 : i32
      %swap3A_295 = arith.index_cast %swap3A_294 : i32 to index
      %swap3A_296 = arith.index_cast %add3A_293 : i32 to index
      %swap3A_297 = tpu.vector_load %arg6[%swap3A_295, %swap3A_296] {strides = array<i32>} : memref<8x4096xf32, #tpu.memory_space<vmem>>, vector<16xf32>,
      tpu.vector_store %arg6[%swap3A_295, %swap3A_296], %broadcast_in_dim3A_82 {strides = array<i32>} : memref<8x4096xf32, #tpu.memory_space<vmem>>, vector<16xf32>,
      %add3A_298 = arith.constant 48 : i32
      %add3A_299 = arith.addi %multiple_of3A_279, %add3A_298 : i32
      %swap3A_300 = arith.constant 5 : i32
      %swap3A_301 = arith.index_cast %swap3A_300 : i32 to index
      %swap3A_302 = arith.index_cast %add3A_299 : i32 to index
      %swap3A_303 = tpu.vector_load %arg6[%swap3A_301, %swap3A_302] {strides = array<i32>} : memref<8x4096xf32, #tpu.memory_space<vmem>>, vector<16xf32>,
      tpu.vector_store %arg6[%swap3A_301, %swap3A_302], %broadcast_in_dim3A_82 {strides = array<i32>} : memref<8x4096xf32, #tpu.memory_space<vmem>>, vector<16xf32>,
      %add3A_304 = arith.constant 64 : i32
      %add3A_305 = arith.addi %multiple_of3A_279, %add3A_304 : i32
      %swap3A_306 = arith.constant 5 : i32
      %swap3A_307 = arith.index_cast %swap3A_306 : i32 to index
      %swap3A_308 = arith.index_cast %add3A_305 : i32 to index
      %swap3A_309 = tpu.vector_load %arg6[%swap3A_307, %swap3A_308] {strides = array<i32>} : memref<8x4096xf32, #tpu.memory_space<vmem>>, vector<16xf32>,
      tpu.vector_store %arg6[%swap3A_307, %swap3A_308], %broadcast_in_dim3A_82 {strides = array<i32>} : memref<8x4096xf32, #tpu.memory_space<vmem>>, vector<16xf32>,
      %add3A_310 = arith.constant 80 : i32
      %add3A_311 = arith.addi %multiple_of3A_279, %add3A_310 : i32
      %swap3A_312 = arith.constant 5 : i32
      %swap3A_313 = arith.index_cast %swap3A_312 : i32 to index
      %swap3A_314 = arith.index_cast %add3A_311 : i32 to index
      %swap3A_315 = tpu.vector_load %arg6[%swap3A_313, %swap3A_314] {strides = array<i32>} : memref<8x4096xf32, #tpu.memory_space<vmem>>, vector<16xf32>,
      tpu.vector_store %arg6[%swap3A_313, %swap3A_314], %broadcast_in_dim3A_82 {strides = array<i32>} : memref<8x4096xf32, #tpu.memory_space<vmem>>, vector<16xf32>,
      %add3A_316 = arith.constant 96 : i32
      %add3A_317 = arith.addi %multiple_of3A_279, %add3A_316 : i32
      %swap3A_318 = arith.constant 5 : i32
      %swap3A_319 = arith.index_cast %swap3A_318 : i32 to index
      %swap3A_320 = arith.index_cast %add3A_317 : i32 to index
      %swap3A_321 = tpu.vector_load %arg6[%swap3A_319, %swap3A_320] {strides = array<i32>} : memref<8x4096xf32, #tpu.memory_space<vmem>>, vector<16xf32>,
      tpu.vector_store %arg6[%swap3A_319, %swap3A_320], %broadcast_in_dim3A_82 {strides = array<i32>} : memref<8x4096xf32, #tpu.memory_space<vmem>>, vector<16xf32>,
      %add3A_322 = arith.constant 112 : i32
      %add3A_323 = arith.addi %multiple_of3A_279, %add3A_322 : i32
      %swap3A_324 = arith.constant 5 : i32
      %swap3A_325 = arith.index_cast %swap3A_324 : i32 to index
      %swap3A_326 = arith.index_cast %add3A_323 : i32 to index
      %swap3A_327 = tpu.vector_load %arg6[%swap3A_325, %swap3A_326] {strides = array<i32>} : memref<8x4096xf32, #tpu.memory_space<vmem>>, vector<16xf32>,
      tpu.vector_store %arg6[%swap3A_325, %swap3A_326], %broadcast_in_dim3A_82 {strides = array<i32>} : memref<8x4096xf32, #tpu.memory_space<vmem>>, vector<16xf32>,
    }
    %scan3A_166 = arith.constant 32 : i32
    %scan3A_167 = arith.constant 0 : i32
    %scan3A_168 = arith.constant 0 : i32
    %scan3A_169 = arith.constant 32 : i32
    %scan3A_170 = arith.addi %scan3A_168, %scan3A_169 : i32
    %scan3A_171 = arith.constant 1 : i32
    scf.for %scan3A_276 = %scan3A_168 to %scan3A_170 step %scan3A_171  : i32 {
      %mul3A_277 = arith.constant 128 : i32
      %mul3A_278 = arith.muli %scan3A_276, %mul3A_277 : i32
      %multiple_of3A_279 = tpu.assume_multiple %mul3A_278, 16 : i32
      %add3A_280 = arith.constant 0 : i32
      %add3A_281 = arith.addi %multiple_of3A_279, %add3A_280 : i32
      %swap3A_282 = arith.constant 6 : i32
      %swap3A_283 = arith.index_cast %swap3A_282 : i32 to index
      %swap3A_284 = arith.index_cast %add3A_281 : i32 to index
      %swap3A_285 = tpu.vector_load %arg6[%swap3A_283, %swap3A_284] {strides = array<i32>} : memref<8x4096xf32, #tpu.memory_space<vmem>>, vector<16xf32>,
      tpu.vector_store %arg6[%swap3A_283, %swap3A_284], %broadcast_in_dim3A_82 {strides = array<i32>} : memref<8x4096xf32, #tpu.memory_space<vmem>>, vector<16xf32>,
      %add3A_286 = arith.constant 16 : i32
      %add3A_287 = arith.addi %multiple_of3A_279, %add3A_286 : i32
      %swap3A_288 = arith.constant 6 : i32
      %swap3A_289 = arith.index_cast %swap3A_288 : i32 to index
      %swap3A_290 = arith.index_cast %add3A_287 : i32 to index
      %swap3A_291 = tpu.vector_load %arg6[%swap3A_289, %swap3A_290] {strides = array<i32>} : memref<8x4096xf32, #tpu.memory_space<vmem>>, vector<16xf32>,
      tpu.vector_store %arg6[%swap3A_289, %swap3A_290], %broadcast_in_dim3A_82 {strides = array<i32>} : memref<8x4096xf32, #tpu.memory_space<vmem>>, vector<16xf32>,
      %add3A_292 = arith.constant 32 : i32
      %add3A_293 = arith.addi %multiple_of3A_279, %add3A_292 : i32
      %swap3A_294 = arith.constant 6 : i32
      %swap3A_295 = arith.index_cast %swap3A_294 : i32 to index
      %swap3A_296 = arith.index_cast %add3A_293 : i32 to index
      %swap3A_297 = tpu.vector_load %arg6[%swap3A_295, %swap3A_296] {strides = array<i32>} : memref<8x4096xf32, #tpu.memory_space<vmem>>, vector<16xf32>,
      tpu.vector_store %arg6[%swap3A_295, %swap3A_296], %broadcast_in_dim3A_82 {strides = array<i32>} : memref<8x4096xf32, #tpu.memory_space<vmem>>, vector<16xf32>,
      %add3A_298 = arith.constant 48 : i32
      %add3A_299 = arith.addi %multiple_of3A_279, %add3A_298 : i32
      %swap3A_300 = arith.constant 6 : i32
      %swap3A_301 = arith.index_cast %swap3A_300 : i32 to index
      %swap3A_302 = arith.index_cast %add3A_299 : i32 to index
      %swap3A_303 = tpu.vector_load %arg6[%swap3A_301, %swap3A_302] {strides = array<i32>} : memref<8x4096xf32, #tpu.memory_space<vmem>>, vector<16xf32>,
      tpu.vector_store %arg6[%swap3A_301, %swap3A_302], %broadcast_in_dim3A_82 {strides = array<i32>} : memref<8x4096xf32, #tpu.memory_space<vmem>>, vector<16xf32>,
      %add3A_304 = arith.constant 64 : i32
      %add3A_305 = arith.addi %multiple_of3A_279, %add3A_304 : i32
      %swap3A_306 = arith.constant 6 : i32
      %swap3A_307 = arith.index_cast %swap3A_306 : i32 to index
      %swap3A_308 = arith.index_cast %add3A_305 : i32 to index
      %swap3A_309 = tpu.vector_load %arg6[%swap3A_307, %swap3A_308] {strides = array<i32>} : memref<8x4096xf32, #tpu.memory_space<vmem>>, vector<16xf32>,
      tpu.vector_store %arg6[%swap3A_307, %swap3A_308], %broadcast_in_dim3A_82 {strides = array<i32>} : memref<8x4096xf32, #tpu.memory_space<vmem>>, vector<16xf32>,
      %add3A_310 = arith.constant 80 : i32
      %add3A_311 = arith.addi %multiple_of3A_279, %add3A_310 : i32
      %swap3A_312 = arith.constant 6 : i32
      %swap3A_313 = arith.index_cast %swap3A_312 : i32 to index
      %swap3A_314 = arith.index_cast %add3A_311 : i32 to index
      %swap3A_315 = tpu.vector_load %arg6[%swap3A_313, %swap3A_314] {strides = array<i32>} : memref<8x4096xf32, #tpu.memory_space<vmem>>, vector<16xf32>,
      tpu.vector_store %arg6[%swap3A_313, %swap3A_314], %broadcast_in_dim3A_82 {strides = array<i32>} : memref<8x4096xf32, #tpu.memory_space<vmem>>, vector<16xf32>,
      %add3A_316 = arith.constant 96 : i32
      %add3A_317 = arith.addi %multiple_of3A_279, %add3A_316 : i32
      %swap3A_318 = arith.constant 6 : i32
      %swap3A_319 = arith.index_cast %swap3A_318 : i32 to index
      %swap3A_320 = arith.index_cast %add3A_317 : i32 to index
      %swap3A_321 = tpu.vector_load %arg6[%swap3A_319, %swap3A_320] {strides = array<i32>} : memref<8x4096xf32, #tpu.memory_space<vmem>>, vector<16xf32>,
      tpu.vector_store %arg6[%swap3A_319, %swap3A_320], %broadcast_in_dim3A_82 {strides = array<i32>} : memref<8x4096xf32, #tpu.memory_space<vmem>>, vector<16xf32>,
      %add3A_322 = arith.constant 112 : i32
      %add3A_323 = arith.addi %multiple_of3A_279, %add3A_322 : i32
      %swap3A_324 = arith.constant 6 : i32
      %swap3A_325 = arith.index_cast %swap3A_324 : i32 to index
      %swap3A_326 = arith.index_cast %add3A_323 : i32 to index
      %swap3A_327 = tpu.vector_load %arg6[%swap3A_325, %swap3A_326] {strides = array<i32>} : memref<8x4096xf32, #tpu.memory_space<vmem>>, vector<16xf32>,
      tpu.vector_store %arg6[%swap3A_325, %swap3A_326], %broadcast_in_dim3A_82 {strides = array<i32>} : memref<8x4096xf32, #tpu.memory_space<vmem>>, vector<16xf32>,
    }
    %scan3A_172 = arith.constant 32 : i32
    %scan3A_173 = arith.constant 0 : i32
    %scan3A_174 = arith.constant 0 : i32
    %scan3A_175 = arith.constant 32 : i32
    %scan3A_176 = arith.addi %scan3A_174, %scan3A_175 : i32
    %scan3A_177 = arith.constant 1 : i32
    scf.for %scan3A_276 = %scan3A_174 to %scan3A_176 step %scan3A_177  : i32 {
      %mul3A_277 = arith.constant 128 : i32
      %mul3A_278 = arith.muli %scan3A_276, %mul3A_277 : i32
      %multiple_of3A_279 = tpu.assume_multiple %mul3A_278, 16 : i32
      %add3A_280 = arith.constant 0 : i32
      %add3A_281 = arith.addi %multiple_of3A_279, %add3A_280 : i32
      %swap3A_282 = arith.constant 7 : i32
      %swap3A_283 = arith.index_cast %swap3A_282 : i32 to index
      %swap3A_284 = arith.index_cast %add3A_281 : i32 to index
      %swap3A_285 = tpu.vector_load %arg6[%swap3A_283, %swap3A_284] {strides = array<i32>} : memref<8x4096xf32, #tpu.memory_space<vmem>>, vector<16xf32>,
      tpu.vector_store %arg6[%swap3A_283, %swap3A_284], %broadcast_in_dim3A_82 {strides = array<i32>} : memref<8x4096xf32, #tpu.memory_space<vmem>>, vector<16xf32>,
      %add3A_286 = arith.constant 16 : i32
      %add3A_287 = arith.addi %multiple_of3A_279, %add3A_286 : i32
      %swap3A_288 = arith.constant 7 : i32
      %swap3A_289 = arith.index_cast %swap3A_288 : i32 to index
      %swap3A_290 = arith.index_cast %add3A_287 : i32 to index
      %swap3A_291 = tpu.vector_load %arg6[%swap3A_289, %swap3A_290] {strides = array<i32>} : memref<8x4096xf32, #tpu.memory_space<vmem>>, vector<16xf32>,
      tpu.vector_store %arg6[%swap3A_289, %swap3A_290], %broadcast_in_dim3A_82 {strides = array<i32>} : memref<8x4096xf32, #tpu.memory_space<vmem>>, vector<16xf32>,
      %add3A_292 = arith.constant 32 : i32
      %add3A_293 = arith.addi %multiple_of3A_279, %add3A_292 : i32
      %swap3A_294 = arith.constant 7 : i32
      %swap3A_295 = arith.index_cast %swap3A_294 : i32 to index
      %swap3A_296 = arith.index_cast %add3A_293 : i32 to index
      %swap3A_297 = tpu.vector_load %arg6[%swap3A_295, %swap3A_296] {strides = array<i32>} : memref<8x4096xf32, #tpu.memory_space<vmem>>, vector<16xf32>,
      tpu.vector_store %arg6[%swap3A_295, %swap3A_296], %broadcast_in_dim3A_82 {strides = array<i32>} : memref<8x4096xf32, #tpu.memory_space<vmem>>, vector<16xf32>,
      %add3A_298 = arith.constant 48 : i32
      %add3A_299 = arith.addi %multiple_of3A_279, %add3A_298 : i32
      %swap3A_300 = arith.constant 7 : i32
      %swap3A_301 = arith.index_cast %swap3A_300 : i32 to index
      %swap3A_302 = arith.index_cast %add3A_299 : i32 to index
      %swap3A_303 = tpu.vector_load %arg6[%swap3A_301, %swap3A_302] {strides = array<i32>} : memref<8x4096xf32, #tpu.memory_space<vmem>>, vector<16xf32>,
      tpu.vector_store %arg6[%swap3A_301, %swap3A_302], %broadcast_in_dim3A_82 {strides = array<i32>} : memref<8x4096xf32, #tpu.memory_space<vmem>>, vector<16xf32>,
      %add3A_304 = arith.constant 64 : i32
      %add3A_305 = arith.addi %multiple_of3A_279, %add3A_304 : i32
      %swap3A_306 = arith.constant 7 : i32
      %swap3A_307 = arith.index_cast %swap3A_306 : i32 to index
      %swap3A_308 = arith.index_cast %add3A_305 : i32 to index
      %swap3A_309 = tpu.vector_load %arg6[%swap3A_307, %swap3A_308] {strides = array<i32>} : memref<8x4096xf32, #tpu.memory_space<vmem>>, vector<16xf32>,
      tpu.vector_store %arg6[%swap3A_307, %swap3A_308], %broadcast_in_dim3A_82 {strides = array<i32>} : memref<8x4096xf32, #tpu.memory_space<vmem>>, vector<16xf32>,
      %add3A_310 = arith.constant 80 : i32
      %add3A_311 = arith.addi %multiple_of3A_279, %add3A_310 : i32
      %swap3A_312 = arith.constant 7 : i32
      %swap3A_313 = arith.index_cast %swap3A_312 : i32 to index
      %swap3A_314 = arith.index_cast %add3A_311 : i32 to index
      %swap3A_315 = tpu.vector_load %arg6[%swap3A_313, %swap3A_314] {strides = array<i32>} : memref<8x4096xf32, #tpu.memory_space<vmem>>, vector<16xf32>,
      tpu.vector_store %arg6[%swap3A_313, %swap3A_314], %broadcast_in_dim3A_82 {strides = array<i32>} : memref<8x4096xf32, #tpu.memory_space<vmem>>, vector<16xf32>,
      %add3A_316 = arith.constant 96 : i32
      %add3A_317 = arith.addi %multiple_of3A_279, %add3A_316 : i32
      %swap3A_318 = arith.constant 7 : i32
      %swap3A_319 = arith.index_cast %swap3A_318 : i32 to index
      %swap3A_320 = arith.index_cast %add3A_317 : i32 to index
      %swap3A_321 = tpu.vector_load %arg6[%swap3A_319, %swap3A_320] {strides = array<i32>} : memref<8x4096xf32, #tpu.memory_space<vmem>>, vector<16xf32>,
      tpu.vector_store %arg6[%swap3A_319, %swap3A_320], %broadcast_in_dim3A_82 {strides = array<i32>} : memref<8x4096xf32, #tpu.memory_space<vmem>>, vector<16xf32>,
      %add3A_322 = arith.constant 112 : i32
      %add3A_323 = arith.addi %multiple_of3A_279, %add3A_322 : i32
      %swap3A_324 = arith.constant 7 : i32
      %swap3A_325 = arith.index_cast %swap3A_324 : i32 to index
      %swap3A_326 = arith.index_cast %add3A_323 : i32 to index
      %swap3A_327 = tpu.vector_load %arg6[%swap3A_325, %swap3A_326] {strides = array<i32>} : memref<8x4096xf32, #tpu.memory_space<vmem>>, vector<16xf32>,
      tpu.vector_store %arg6[%swap3A_325, %swap3A_326], %broadcast_in_dim3A_82 {strides = array<i32>} : memref<8x4096xf32, #tpu.memory_space<vmem>>, vector<16xf32>,
    }
    %scan3A_178 = arith.constant 32 : i32
    %mul3A_179 = arith.constant 8 : i32
    %mul3A_180 = arith.muli %select_n3A, %mul3A_179 : i32
    %multiple_of3A_181 = tpu.assume_multiple %mul3A_180, 8 : i32
    %while3A = arith.constant 0 : i32
    %while3A_182 = arith.constant 0 : i32
    %while3A_183 = arith.subi %select_n3A_80, %while3A_182 : i32
    %while3A_184 = arith.addi %while3A_182, %while3A_183 : i32
    %while3A_185 = arith.constant 1 : i32
    %while3A_186 = arith.divsi %while3A_183, %while3A_185 : i32
    %while3A_187 = arith.muli %while3A_186, %while3A_185 : i32
    %while3A_188 = arith.addi %while3A_182, %while3A_187 : i32
    %while3A_189 = arith.constant 1 : i32
    scf.for %while3A_276 = %while3A_182 to %while3A_188 step %while3A_189  : i32 {
      %mul3A_277 = arith.constant 16 : i32
      %mul3A_278 = arith.muli %while3A_276, %mul3A_277 : i32
      %multiple_of3A_279 = tpu.assume_multiple %mul3A_278, 16 : i32
      %get3A = arith.index_cast %multiple_of3A_279 : i32 to index
      %get3A_280 = tpu.vector_load %arg9[%get3A] {strides = array<i32>} : memref<4112xi32, #tpu.memory_space<vmem>>, vector<16xi32>,
      %shift_right_arithmetic3A = arith.constant 14 : i32
      %shift_right_arithmetic3A_281 = vector.broadcast %shift_right_arithmetic3A : i32 to vector<16xi32>
      %shift_right_arithmetic3A_282 = arith.shrsi %get3A_280, %shift_right_arithmetic3A_281 : vector<16xi32>
      %and3A_283 = arith.constant 16383 : i32
      %and3A_284 = vector.broadcast %and3A_283 : i32 to vector<16xi32>
      %and3A_285 = arith.andi %get3A_280, %and3A_284 : vector<16xi32>
      %sub3A_286 = arith.constant 0 : i32
      %sub3A_287 = vector.broadcast %sub3A_286 : i32 to vector<16xi32>
      %sub3A_288 = arith.subi %and3A_285, %sub3A_287 : vector<16xi32>
      %ge3A = arith.constant 0 : i32
      %ge3A_289 = vector.broadcast %ge3A : i32 to vector<16xi32>
      %ge3A_290 = arith.cmpi sge, %sub3A_288, %ge3A_289 : vector<16xi32>
      %lt3A_291 = arith.constant 4096 : i32
      %lt3A_292 = vector.broadcast %lt3A_291 : i32 to vector<16xi32>
      %lt3A_293 = arith.cmpi slt, %sub3A_288, %lt3A_292 : vector<16xi32>
      %and3A_294 = arith.andi %ge3A_290, %lt3A_293 : vector<16xi1>
      %get3A_295 = arith.index_cast %multiple_of3A_279 : i32 to index
      %get3A_296 = tpu.vector_load %arg10[%get3A_295] {strides = array<i32>} : memref<4112xf32, #tpu.memory_space<vmem>>, vector<16xf32>,
      %jit3A_297 = arith.constant 0 : i32
      %broadcast_in_dim3A_298 = vector.broadcast %jit3A_297 : i32 to vector<16xi32>
      %select_n3A_299 = arith.select %and3A_294, %shift_right_arithmetic3A_282, %broadcast_in_dim3A_298 : vector<16xi1>, vector<16xi32>
      %jit3A_300 = arith.constant 0 : i32
      %broadcast_in_dim3A_301 = vector.broadcast %jit3A_300 : i32 to vector<16xi32>
      %select_n3A_302 = arith.select %and3A_294, %sub3A_288, %broadcast_in_dim3A_301 : vector<16xi1>, vector<16xi32>
      tpu.vector_store_idx %arg5[%select_n3A_299, %select_n3A_302], %get3A_296 masked %and3A_294 : memref<8x4096xf32, #tpu.memory_space<vmem>>[vector<16xi32>, vector<16xi32>], vector<16xf32>, vector<16xi1>
    }
    %while3A_190 = arith.constant 1 : i32
    scf.for %while3A_276 = %while3A_188 to %while3A_184 step %while3A_190  : i32 {
      %mul3A_277 = arith.constant 16 : i32
      %mul3A_278 = arith.muli %while3A_276, %mul3A_277 : i32
      %multiple_of3A_279 = tpu.assume_multiple %mul3A_278, 16 : i32
      %get3A = arith.index_cast %multiple_of3A_279 : i32 to index
      %get3A_280 = tpu.vector_load %arg9[%get3A] {strides = array<i32>} : memref<4112xi32, #tpu.memory_space<vmem>>, vector<16xi32>,
      %shift_right_arithmetic3A = arith.constant 14 : i32
      %shift_right_arithmetic3A_281 = vector.broadcast %shift_right_arithmetic3A : i32 to vector<16xi32>
      %shift_right_arithmetic3A_282 = arith.shrsi %get3A_280, %shift_right_arithmetic3A_281 : vector<16xi32>
      %and3A_283 = arith.constant 16383 : i32
      %and3A_284 = vector.broadcast %and3A_283 : i32 to vector<16xi32>
      %and3A_285 = arith.andi %get3A_280, %and3A_284 : vector<16xi32>
      %sub3A_286 = arith.constant 0 : i32
      %sub3A_287 = vector.broadcast %sub3A_286 : i32 to vector<16xi32>
      %sub3A_288 = arith.subi %and3A_285, %sub3A_287 : vector<16xi32>
      %ge3A = arith.constant 0 : i32
      %ge3A_289 = vector.broadcast %ge3A : i32 to vector<16xi32>
      %ge3A_290 = arith.cmpi sge, %sub3A_288, %ge3A_289 : vector<16xi32>
      %lt3A_291 = arith.constant 4096 : i32
      %lt3A_292 = vector.broadcast %lt3A_291 : i32 to vector<16xi32>
      %lt3A_293 = arith.cmpi slt, %sub3A_288, %lt3A_292 : vector<16xi32>
      %and3A_294 = arith.andi %ge3A_290, %lt3A_293 : vector<16xi1>
      %get3A_295 = arith.index_cast %multiple_of3A_279 : i32 to index
      %get3A_296 = tpu.vector_load %arg10[%get3A_295] {strides = array<i32>} : memref<4112xf32, #tpu.memory_space<vmem>>, vector<16xf32>,
      %jit3A_297 = arith.constant 0 : i32
      %broadcast_in_dim3A_298 = vector.broadcast %jit3A_297 : i32 to vector<16xi32>
      %select_n3A_299 = arith.select %and3A_294, %shift_right_arithmetic3A_282, %broadcast_in_dim3A_298 : vector<16xi1>, vector<16xi32>
      %jit3A_300 = arith.constant 0 : i32
      %broadcast_in_dim3A_301 = vector.broadcast %jit3A_300 : i32 to vector<16xi32>
      %select_n3A_302 = arith.select %and3A_294, %sub3A_288, %broadcast_in_dim3A_301 : vector<16xi1>, vector<16xi32>
      tpu.vector_store_idx %arg5[%select_n3A_299, %select_n3A_302], %get3A_296 masked %and3A_294 : memref<8x4096xf32, #tpu.memory_space<vmem>>[vector<16xi32>, vector<16xi32>], vector<16xf32>, vector<16xi1>
    }
    %add3A_191 = arith.constant 0 : i32
    %add3A_192 = arith.addi %mul3A_32, %add3A_191 : i32
    %multiple_of3A_193 = tpu.assume_multiple %add3A_192, 128 : i32
    %dma_start3A = tpu.memref_slice %arg4[%multiple_of3A_181, %multiple_of3A_193] : memref<16x250002xf32, #tpu.memory_space<hbm>> -> memref<8x4096xf32, #tpu.memory_space<hbm>>
    %dma_start3A_194 = tpu.memref_slice %arg4[%multiple_of3A_181, %multiple_of3A_193] : memref<16x250002xf32, #tpu.memory_space<hbm>> -> memref<8x4096xf32, #tpu.memory_space<hbm>>
    tpu.enqueue_dma source(%arg5 : memref<8x4096xf32, #tpu.memory_space<vmem>>) target(%dma_start3A_194 : memref<8x4096xf32, #tpu.memory_space<hbm>>) target_semaphore(%arg11 : memref<!tpu.dma_semaphore, #tpu.memory_space<semaphore_mem>>)
    %while3A_195 = arith.constant 0 : i32
    %while3A_196 = arith.constant 0 : i32
    %while3A_197 = arith.subi %select_n3A_80, %while3A_196 : i32
    %while3A_198 = arith.addi %while3A_196, %while3A_197 : i32
    %while3A_199 = arith.constant 1 : i32
    %while3A_200 = arith.divsi %while3A_197, %while3A_199 : i32
    %while3A_201 = arith.muli %while3A_200, %while3A_199 : i32
    %while3A_202 = arith.addi %while3A_196, %while3A_201 : i32
    %while3A_203 = arith.constant 1 : i32
    scf.for %while3A_276 = %while3A_196 to %while3A_202 step %while3A_203  : i32 {
      %mul3A_277 = arith.constant 16 : i32
      %mul3A_278 = arith.muli %while3A_276, %mul3A_277 : i32
      %multiple_of3A_279 = tpu.assume_multiple %mul3A_278, 16 : i32
      %get3A = arith.index_cast %multiple_of3A_279 : i32 to index
      %get3A_280 = tpu.vector_load %arg9[%get3A] {strides = array<i32>} : memref<4112xi32, #tpu.memory_space<vmem>>, vector<16xi32>,
      %shift_right_arithmetic3A = arith.constant 14 : i32
      %shift_right_arithmetic3A_281 = vector.broadcast %shift_right_arithmetic3A : i32 to vector<16xi32>
      %shift_right_arithmetic3A_282 = arith.shrsi %get3A_280, %shift_right_arithmetic3A_281 : vector<16xi32>
      %and3A_283 = arith.constant 16383 : i32
      %and3A_284 = vector.broadcast %and3A_283 : i32 to vector<16xi32>
      %and3A_285 = arith.andi %get3A_280, %and3A_284 : vector<16xi32>
      %sub3A_286 = arith.constant 4096 : i32
      %sub3A_287 = vector.broadcast %sub3A_286 : i32 to vector<16xi32>
      %sub3A_288 = arith.subi %and3A_285, %sub3A_287 : vector<16xi32>
      %ge3A = arith.constant 0 : i32
      %ge3A_289 = vector.broadcast %ge3A : i32 to vector<16xi32>
      %ge3A_290 = arith.cmpi sge, %sub3A_288, %ge3A_289 : vector<16xi32>
      %lt3A_291 = arith.constant 4096 : i32
      %lt3A_292 = vector.broadcast %lt3A_291 : i32 to vector<16xi32>
      %lt3A_293 = arith.cmpi slt, %sub3A_288, %lt3A_292 : vector<16xi32>
      %and3A_294 = arith.andi %ge3A_290, %lt3A_293 : vector<16xi1>
      %get3A_295 = arith.index_cast %multiple_of3A_279 : i32 to index
      %get3A_296 = tpu.vector_load %arg10[%get3A_295] {strides = array<i32>} : memref<4112xf32, #tpu.memory_space<vmem>>, vector<16xf32>,
      %jit3A_297 = arith.constant 0 : i32
      %broadcast_in_dim3A_298 = vector.broadcast %jit3A_297 : i32 to vector<16xi32>
      %select_n3A_299 = arith.select %and3A_294, %shift_right_arithmetic3A_282, %broadcast_in_dim3A_298 : vector<16xi1>, vector<16xi32>
      %jit3A_300 = arith.constant 0 : i32
      %broadcast_in_dim3A_301 = vector.broadcast %jit3A_300 : i32 to vector<16xi32>
      %select_n3A_302 = arith.select %and3A_294, %sub3A_288, %broadcast_in_dim3A_301 : vector<16xi1>, vector<16xi32>
      tpu.vector_store_idx %arg6[%select_n3A_299, %select_n3A_302], %get3A_296 masked %and3A_294 : memref<8x4096xf32, #tpu.memory_space<vmem>>[vector<16xi32>, vector<16xi32>], vector<16xf32>, vector<16xi1>
    }
    %while3A_204 = arith.constant 1 : i32
    scf.for %while3A_276 = %while3A_202 to %while3A_198 step %while3A_204  : i32 {
      %mul3A_277 = arith.constant 16 : i32
      %mul3A_278 = arith.muli %while3A_276, %mul3A_277 : i32
      %multiple_of3A_279 = tpu.assume_multiple %mul3A_278, 16 : i32
      %get3A = arith.index_cast %multiple_of3A_279 : i32 to index
      %get3A_280 = tpu.vector_load %arg9[%get3A] {strides = array<i32>} : memref<4112xi32, #tpu.memory_space<vmem>>, vector<16xi32>,
      %shift_right_arithmetic3A = arith.constant 14 : i32
      %shift_right_arithmetic3A_281 = vector.broadcast %shift_right_arithmetic3A : i32 to vector<16xi32>
      %shift_right_arithmetic3A_282 = arith.shrsi %get3A_280, %shift_right_arithmetic3A_281 : vector<16xi32>
      %and3A_283 = arith.constant 16383 : i32
      %and3A_284 = vector.broadcast %and3A_283 : i32 to vector<16xi32>
      %and3A_285 = arith.andi %get3A_280, %and3A_284 : vector<16xi32>
      %sub3A_286 = arith.constant 4096 : i32
      %sub3A_287 = vector.broadcast %sub3A_286 : i32 to vector<16xi32>
      %sub3A_288 = arith.subi %and3A_285, %sub3A_287 : vector<16xi32>
      %ge3A = arith.constant 0 : i32
      %ge3A_289 = vector.broadcast %ge3A : i32 to vector<16xi32>
      %ge3A_290 = arith.cmpi sge, %sub3A_288, %ge3A_289 : vector<16xi32>
      %lt3A_291 = arith.constant 4096 : i32
      %lt3A_292 = vector.broadcast %lt3A_291 : i32 to vector<16xi32>
      %lt3A_293 = arith.cmpi slt, %sub3A_288, %lt3A_292 : vector<16xi32>
      %and3A_294 = arith.andi %ge3A_290, %lt3A_293 : vector<16xi1>
      %get3A_295 = arith.index_cast %multiple_of3A_279 : i32 to index
      %get3A_296 = tpu.vector_load %arg10[%get3A_295] {strides = array<i32>} : memref<4112xf32, #tpu.memory_space<vmem>>, vector<16xf32>,
      %jit3A_297 = arith.constant 0 : i32
      %broadcast_in_dim3A_298 = vector.broadcast %jit3A_297 : i32 to vector<16xi32>
      %select_n3A_299 = arith.select %and3A_294, %shift_right_arithmetic3A_282, %broadcast_in_dim3A_298 : vector<16xi1>, vector<16xi32>
      %jit3A_300 = arith.constant 0 : i32
      %broadcast_in_dim3A_301 = vector.broadcast %jit3A_300 : i32 to vector<16xi32>
      %select_n3A_302 = arith.select %and3A_294, %sub3A_288, %broadcast_in_dim3A_301 : vector<16xi1>, vector<16xi32>
      tpu.vector_store_idx %arg6[%select_n3A_299, %select_n3A_302], %get3A_296 masked %and3A_294 : memref<8x4096xf32, #tpu.memory_space<vmem>>[vector<16xi32>, vector<16xi32>], vector<16xf32>, vector<16xi1>
    }
    %add3A_205 = arith.constant 4096 : i32
    %add3A_206 = arith.addi %mul3A_32, %add3A_205 : i32
    %multiple_of3A_207 = tpu.assume_multiple %add3A_206, 128 : i32
    %dma_start3A_208 = tpu.memref_slice %arg4[%multiple_of3A_181, %multiple_of3A_207] : memref<16x250002xf32, #tpu.memory_space<hbm>> -> memref<8x4096xf32, #tpu.memory_space<hbm>>
    %dma_start3A_209 = tpu.memref_slice %arg4[%multiple_of3A_181, %multiple_of3A_207] : memref<16x250002xf32, #tpu.memory_space<hbm>> -> memref<8x4096xf32, #tpu.memory_space<hbm>>
    tpu.enqueue_dma source(%arg6 : memref<8x4096xf32, #tpu.memory_space<vmem>>) target(%dma_start3A_209 : memref<8x4096xf32, #tpu.memory_space<hbm>>) target_semaphore(%arg11 : memref<!tpu.dma_semaphore, #tpu.memory_space<semaphore_mem>>)
    %dma_wait3A = tpu.memref_slice %arg4[%multiple_of3A_181, %multiple_of3A_193] : memref<16x250002xf32, #tpu.memory_space<hbm>> -> memref<8x4096xf32, #tpu.memory_space<hbm>>
    %dma_wait3A_210 = tpu.memref_slice %arg4[%multiple_of3A_181, %multiple_of3A_193] : memref<16x250002xf32, #tpu.memory_space<hbm>> -> memref<8x4096xf32, #tpu.memory_space<hbm>>
    tpu.wait_dma2 semaphore(%arg11 : memref<!tpu.dma_semaphore, #tpu.memory_space<semaphore_mem>>) src(%arg5 : memref<8x4096xf32, #tpu.memory_space<vmem>>) dst(%dma_wait3A_210 : memref<8x4096xf32, #tpu.memory_space<hbm>>)
    %while3A_211 = arith.constant 0 : i32
    %while3A_212 = arith.constant 0 : i32
    %while3A_213 = arith.subi %select_n3A_80, %while3A_212 : i32
    %while3A_214 = arith.addi %while3A_212, %while3A_213 : i32
    %while3A_215 = arith.constant 1 : i32
    %while3A_216 = arith.divsi %while3A_213, %while3A_215 : i32
    %while3A_217 = arith.muli %while3A_216, %while3A_215 : i32
    %while3A_218 = arith.addi %while3A_212, %while3A_217 : i32
    %while3A_219 = arith.constant 1 : i32
    scf.for %while3A_276 = %while3A_212 to %while3A_218 step %while3A_219  : i32 {
      %mul3A_277 = arith.constant 16 : i32
      %mul3A_278 = arith.muli %while3A_276, %mul3A_277 : i32
      %multiple_of3A_279 = tpu.assume_multiple %mul3A_278, 16 : i32
      %get3A = arith.index_cast %multiple_of3A_279 : i32 to index
      %get3A_280 = tpu.vector_load %arg9[%get3A] {strides = array<i32>} : memref<4112xi32, #tpu.memory_space<vmem>>, vector<16xi32>,
      %shift_right_arithmetic3A = arith.constant 14 : i32
      %shift_right_arithmetic3A_281 = vector.broadcast %shift_right_arithmetic3A : i32 to vector<16xi32>
      %shift_right_arithmetic3A_282 = arith.shrsi %get3A_280, %shift_right_arithmetic3A_281 : vector<16xi32>
      %and3A_283 = arith.constant 16383 : i32
      %and3A_284 = vector.broadcast %and3A_283 : i32 to vector<16xi32>
      %and3A_285 = arith.andi %get3A_280, %and3A_284 : vector<16xi32>
      %sub3A_286 = arith.constant 0 : i32
      %sub3A_287 = vector.broadcast %sub3A_286 : i32 to vector<16xi32>
      %sub3A_288 = arith.subi %and3A_285, %sub3A_287 : vector<16xi32>
      %ge3A = arith.constant 0 : i32
      %ge3A_289 = vector.broadcast %ge3A : i32 to vector<16xi32>
      %ge3A_290 = arith.cmpi sge, %sub3A_288, %ge3A_289 : vector<16xi32>
      %lt3A_291 = arith.constant 4096 : i32
      %lt3A_292 = vector.broadcast %lt3A_291 : i32 to vector<16xi32>
      %lt3A_293 = arith.cmpi slt, %sub3A_288, %lt3A_292 : vector<16xi32>
      %and3A_294 = arith.andi %ge3A_290, %lt3A_293 : vector<16xi1>
      %jit3A_295 = arith.constant 0 : i32
      %broadcast_in_dim3A_296 = vector.broadcast %jit3A_295 : i32 to vector<16xi32>
      %select_n3A_297 = arith.select %and3A_294, %shift_right_arithmetic3A_282, %broadcast_in_dim3A_296 : vector<16xi1>, vector<16xi32>
      %jit3A_298 = arith.constant 0 : i32
      %broadcast_in_dim3A_299 = vector.broadcast %jit3A_298 : i32 to vector<16xi32>
      %select_n3A_300 = arith.select %and3A_294, %sub3A_288, %broadcast_in_dim3A_299 : vector<16xi1>, vector<16xi32>
      tpu.vector_store_idx %arg5[%select_n3A_297, %select_n3A_300], %broadcast_in_dim3A_82 masked %and3A_294 : memref<8x4096xf32, #tpu.memory_space<vmem>>[vector<16xi32>, vector<16xi32>], vector<16xf32>, vector<16xi1>
    }
    %while3A_220 = arith.constant 1 : i32
    scf.for %while3A_276 = %while3A_218 to %while3A_214 step %while3A_220  : i32 {
      %mul3A_277 = arith.constant 16 : i32
      %mul3A_278 = arith.muli %while3A_276, %mul3A_277 : i32
      %multiple_of3A_279 = tpu.assume_multiple %mul3A_278, 16 : i32
      %get3A = arith.index_cast %multiple_of3A_279 : i32 to index
      %get3A_280 = tpu.vector_load %arg9[%get3A] {strides = array<i32>} : memref<4112xi32, #tpu.memory_space<vmem>>, vector<16xi32>,
      %shift_right_arithmetic3A = arith.constant 14 : i32
      %shift_right_arithmetic3A_281 = vector.broadcast %shift_right_arithmetic3A : i32 to vector<16xi32>
      %shift_right_arithmetic3A_282 = arith.shrsi %get3A_280, %shift_right_arithmetic3A_281 : vector<16xi32>
      %and3A_283 = arith.constant 16383 : i32
      %and3A_284 = vector.broadcast %and3A_283 : i32 to vector<16xi32>
      %and3A_285 = arith.andi %get3A_280, %and3A_284 : vector<16xi32>
      %sub3A_286 = arith.constant 0 : i32
      %sub3A_287 = vector.broadcast %sub3A_286 : i32 to vector<16xi32>
      %sub3A_288 = arith.subi %and3A_285, %sub3A_287 : vector<16xi32>
      %ge3A = arith.constant 0 : i32
      %ge3A_289 = vector.broadcast %ge3A : i32 to vector<16xi32>
      %ge3A_290 = arith.cmpi sge, %sub3A_288, %ge3A_289 : vector<16xi32>
      %lt3A_291 = arith.constant 4096 : i32
      %lt3A_292 = vector.broadcast %lt3A_291 : i32 to vector<16xi32>
      %lt3A_293 = arith.cmpi slt, %sub3A_288, %lt3A_292 : vector<16xi32>
      %and3A_294 = arith.andi %ge3A_290, %lt3A_293 : vector<16xi1>
      %jit3A_295 = arith.constant 0 : i32
      %broadcast_in_dim3A_296 = vector.broadcast %jit3A_295 : i32 to vector<16xi32>
      %select_n3A_297 = arith.select %and3A_294, %shift_right_arithmetic3A_282, %broadcast_in_dim3A_296 : vector<16xi1>, vector<16xi32>
      %jit3A_298 = arith.constant 0 : i32
      %broadcast_in_dim3A_299 = vector.broadcast %jit3A_298 : i32 to vector<16xi32>
      %select_n3A_300 = arith.select %and3A_294, %sub3A_288, %broadcast_in_dim3A_299 : vector<16xi1>, vector<16xi32>
      tpu.vector_store_idx %arg5[%select_n3A_297, %select_n3A_300], %broadcast_in_dim3A_82 masked %and3A_294 : memref<8x4096xf32, #tpu.memory_space<vmem>>[vector<16xi32>, vector<16xi32>], vector<16xf32>, vector<16xi1>
    }
    %while3A_221 = arith.constant 0 : i32
    %while3A_222 = arith.constant 0 : i32
    %while3A_223 = arith.subi %select_n3A_80, %while3A_222 : i32
    %while3A_224 = arith.addi %while3A_222, %while3A_223 : i32
    %while3A_225 = arith.constant 1 : i32
    %while3A_226 = arith.divsi %while3A_223, %while3A_225 : i32
    %while3A_227 = arith.muli %while3A_226, %while3A_225 : i32
    %while3A_228 = arith.addi %while3A_222, %while3A_227 : i32
    %while3A_229 = arith.constant 1 : i32
    scf.for %while3A_276 = %while3A_222 to %while3A_228 step %while3A_229  : i32 {
      %mul3A_277 = arith.constant 16 : i32
      %mul3A_278 = arith.muli %while3A_276, %mul3A_277 : i32
      %multiple_of3A_279 = tpu.assume_multiple %mul3A_278, 16 : i32
      %get3A = arith.index_cast %multiple_of3A_279 : i32 to index
      %get3A_280 = tpu.vector_load %arg9[%get3A] {strides = array<i32>} : memref<4112xi32, #tpu.memory_space<vmem>>, vector<16xi32>,
      %shift_right_arithmetic3A = arith.constant 14 : i32
      %shift_right_arithmetic3A_281 = vector.broadcast %shift_right_arithmetic3A : i32 to vector<16xi32>
      %shift_right_arithmetic3A_282 = arith.shrsi %get3A_280, %shift_right_arithmetic3A_281 : vector<16xi32>
      %and3A_283 = arith.constant 16383 : i32
      %and3A_284 = vector.broadcast %and3A_283 : i32 to vector<16xi32>
      %and3A_285 = arith.andi %get3A_280, %and3A_284 : vector<16xi32>
      %sub3A_286 = arith.constant 8192 : i32
      %sub3A_287 = vector.broadcast %sub3A_286 : i32 to vector<16xi32>
      %sub3A_288 = arith.subi %and3A_285, %sub3A_287 : vector<16xi32>
      %ge3A = arith.constant 0 : i32
      %ge3A_289 = vector.broadcast %ge3A : i32 to vector<16xi32>
      %ge3A_290 = arith.cmpi sge, %sub3A_288, %ge3A_289 : vector<16xi32>
      %lt3A_291 = arith.constant 4096 : i32
      %lt3A_292 = vector.broadcast %lt3A_291 : i32 to vector<16xi32>
      %lt3A_293 = arith.cmpi slt, %sub3A_288, %lt3A_292 : vector<16xi32>
      %and3A_294 = arith.andi %ge3A_290, %lt3A_293 : vector<16xi1>
      %get3A_295 = arith.index_cast %multiple_of3A_279 : i32 to index
      %get3A_296 = tpu.vector_load %arg10[%get3A_295] {strides = array<i32>} : memref<4112xf32, #tpu.memory_space<vmem>>, vector<16xf32>,
      %jit3A_297 = arith.constant 0 : i32
      %broadcast_in_dim3A_298 = vector.broadcast %jit3A_297 : i32 to vector<16xi32>
      %select_n3A_299 = arith.select %and3A_294, %shift_right_arithmetic3A_282, %broadcast_in_dim3A_298 : vector<16xi1>, vector<16xi32>
      %jit3A_300 = arith.constant 0 : i32
      %broadcast_in_dim3A_301 = vector.broadcast %jit3A_300 : i32 to vector<16xi32>
      %select_n3A_302 = arith.select %and3A_294, %sub3A_288, %broadcast_in_dim3A_301 : vector<16xi1>, vector<16xi32>
      tpu.vector_store_idx %arg5[%select_n3A_299, %select_n3A_302], %get3A_296 masked %and3A_294 : memref<8x4096xf32, #tpu.memory_space<vmem>>[vector<16xi32>, vector<16xi32>], vector<16xf32>, vector<16xi1>
    }
    %while3A_230 = arith.constant 1 : i32
    scf.for %while3A_276 = %while3A_228 to %while3A_224 step %while3A_230  : i32 {
      %mul3A_277 = arith.constant 16 : i32
      %mul3A_278 = arith.muli %while3A_276, %mul3A_277 : i32
      %multiple_of3A_279 = tpu.assume_multiple %mul3A_278, 16 : i32
      %get3A = arith.index_cast %multiple_of3A_279 : i32 to index
      %get3A_280 = tpu.vector_load %arg9[%get3A] {strides = array<i32>} : memref<4112xi32, #tpu.memory_space<vmem>>, vector<16xi32>,
      %shift_right_arithmetic3A = arith.constant 14 : i32
      %shift_right_arithmetic3A_281 = vector.broadcast %shift_right_arithmetic3A : i32 to vector<16xi32>
      %shift_right_arithmetic3A_282 = arith.shrsi %get3A_280, %shift_right_arithmetic3A_281 : vector<16xi32>
      %and3A_283 = arith.constant 16383 : i32
      %and3A_284 = vector.broadcast %and3A_283 : i32 to vector<16xi32>
      %and3A_285 = arith.andi %get3A_280, %and3A_284 : vector<16xi32>
      %sub3A_286 = arith.constant 8192 : i32
      %sub3A_287 = vector.broadcast %sub3A_286 : i32 to vector<16xi32>
      %sub3A_288 = arith.subi %and3A_285, %sub3A_287 : vector<16xi32>
      %ge3A = arith.constant 0 : i32
      %ge3A_289 = vector.broadcast %ge3A : i32 to vector<16xi32>
      %ge3A_290 = arith.cmpi sge, %sub3A_288, %ge3A_289 : vector<16xi32>
      %lt3A_291 = arith.constant 4096 : i32
      %lt3A_292 = vector.broadcast %lt3A_291 : i32 to vector<16xi32>
      %lt3A_293 = arith.cmpi slt, %sub3A_288, %lt3A_292 : vector<16xi32>
      %and3A_294 = arith.andi %ge3A_290, %lt3A_293 : vector<16xi1>
      %get3A_295 = arith.index_cast %multiple_of3A_279 : i32 to index
      %get3A_296 = tpu.vector_load %arg10[%get3A_295] {strides = array<i32>} : memref<4112xf32, #tpu.memory_space<vmem>>, vector<16xf32>,
      %jit3A_297 = arith.constant 0 : i32
      %broadcast_in_dim3A_298 = vector.broadcast %jit3A_297 : i32 to vector<16xi32>
      %select_n3A_299 = arith.select %and3A_294, %shift_right_arithmetic3A_282, %broadcast_in_dim3A_298 : vector<16xi1>, vector<16xi32>
      %jit3A_300 = arith.constant 0 : i32
      %broadcast_in_dim3A_301 = vector.broadcast %jit3A_300 : i32 to vector<16xi32>
      %select_n3A_302 = arith.select %and3A_294, %sub3A_288, %broadcast_in_dim3A_301 : vector<16xi1>, vector<16xi32>
      tpu.vector_store_idx %arg5[%select_n3A_299, %select_n3A_302], %get3A_296 masked %and3A_294 : memref<8x4096xf32, #tpu.memory_space<vmem>>[vector<16xi32>, vector<16xi32>], vector<16xf32>, vector<16xi1>
    }
    %add3A_231 = arith.constant 8192 : i32
    %add3A_232 = arith.addi %mul3A_32, %add3A_231 : i32
    %multiple_of3A_233 = tpu.assume_multiple %add3A_232, 128 : i32
    %dma_start3A_234 = tpu.memref_slice %arg4[%multiple_of3A_181, %multiple_of3A_233] : memref<16x250002xf32, #tpu.memory_space<hbm>> -> memref<8x4096xf32, #tpu.memory_space<hbm>>
    %dma_start3A_235 = tpu.memref_slice %arg4[%multiple_of3A_181, %multiple_of3A_233] : memref<16x250002xf32, #tpu.memory_space<hbm>> -> memref<8x4096xf32, #tpu.memory_space<hbm>>
    tpu.enqueue_dma source(%arg5 : memref<8x4096xf32, #tpu.memory_space<vmem>>) target(%dma_start3A_235 : memref<8x4096xf32, #tpu.memory_space<hbm>>) target_semaphore(%arg11 : memref<!tpu.dma_semaphore, #tpu.memory_space<semaphore_mem>>)
    %dma_wait3A_236 = tpu.memref_slice %arg4[%multiple_of3A_181, %multiple_of3A_207] : memref<16x250002xf32, #tpu.memory_space<hbm>> -> memref<8x4096xf32, #tpu.memory_space<hbm>>
    %dma_wait3A_237 = tpu.memref_slice %arg4[%multiple_of3A_181, %multiple_of3A_207] : memref<16x250002xf32, #tpu.memory_space<hbm>> -> memref<8x4096xf32, #tpu.memory_space<hbm>>
    tpu.wait_dma2 semaphore(%arg11 : memref<!tpu.dma_semaphore, #tpu.memory_space<semaphore_mem>>) src(%arg6 : memref<8x4096xf32, #tpu.memory_space<vmem>>) dst(%dma_wait3A_237 : memref<8x4096xf32, #tpu.memory_space<hbm>>)
    %while3A_238 = arith.constant 0 : i32
    %while3A_239 = arith.constant 0 : i32
    %while3A_240 = arith.subi %select_n3A_80, %while3A_239 : i32
    %while3A_241 = arith.addi %while3A_239, %while3A_240 : i32
    %while3A_242 = arith.constant 1 : i32
    %while3A_243 = arith.divsi %while3A_240, %while3A_242 : i32
    %while3A_244 = arith.muli %while3A_243, %while3A_242 : i32
    %while3A_245 = arith.addi %while3A_239, %while3A_244 : i32
    %while3A_246 = arith.constant 1 : i32
    scf.for %while3A_276 = %while3A_239 to %while3A_245 step %while3A_246  : i32 {
      %mul3A_277 = arith.constant 16 : i32
      %mul3A_278 = arith.muli %while3A_276, %mul3A_277 : i32
      %multiple_of3A_279 = tpu.assume_multiple %mul3A_278, 16 : i32
      %get3A = arith.index_cast %multiple_of3A_279 : i32 to index
      %get3A_280 = tpu.vector_load %arg9[%get3A] {strides = array<i32>} : memref<4112xi32, #tpu.memory_space<vmem>>, vector<16xi32>,
      %shift_right_arithmetic3A = arith.constant 14 : i32
      %shift_right_arithmetic3A_281 = vector.broadcast %shift_right_arithmetic3A : i32 to vector<16xi32>
      %shift_right_arithmetic3A_282 = arith.shrsi %get3A_280, %shift_right_arithmetic3A_281 : vector<16xi32>
      %and3A_283 = arith.constant 16383 : i32
      %and3A_284 = vector.broadcast %and3A_283 : i32 to vector<16xi32>
      %and3A_285 = arith.andi %get3A_280, %and3A_284 : vector<16xi32>
      %sub3A_286 = arith.constant 4096 : i32
      %sub3A_287 = vector.broadcast %sub3A_286 : i32 to vector<16xi32>
      %sub3A_288 = arith.subi %and3A_285, %sub3A_287 : vector<16xi32>
      %ge3A = arith.constant 0 : i32
      %ge3A_289 = vector.broadcast %ge3A : i32 to vector<16xi32>
      %ge3A_290 = arith.cmpi sge, %sub3A_288, %ge3A_289 : vector<16xi32>
      %lt3A_291 = arith.constant 4096 : i32
      %lt3A_292 = vector.broadcast %lt3A_291 : i32 to vector<16xi32>
      %lt3A_293 = arith.cmpi slt, %sub3A_288, %lt3A_292 : vector<16xi32>
      %and3A_294 = arith.andi %ge3A_290, %lt3A_293 : vector<16xi1>
      %jit3A_295 = arith.constant 0 : i32
      %broadcast_in_dim3A_296 = vector.broadcast %jit3A_295 : i32 to vector<16xi32>
      %select_n3A_297 = arith.select %and3A_294, %shift_right_arithmetic3A_282, %broadcast_in_dim3A_296 : vector<16xi1>, vector<16xi32>
      %jit3A_298 = arith.constant 0 : i32
      %broadcast_in_dim3A_299 = vector.broadcast %jit3A_298 : i32 to vector<16xi32>
      %select_n3A_300 = arith.select %and3A_294, %sub3A_288, %broadcast_in_dim3A_299 : vector<16xi1>, vector<16xi32>
      tpu.vector_store_idx %arg6[%select_n3A_297, %select_n3A_300], %broadcast_in_dim3A_82 masked %and3A_294 : memref<8x4096xf32, #tpu.memory_space<vmem>>[vector<16xi32>, vector<16xi32>], vector<16xf32>, vector<16xi1>
    }
    %while3A_247 = arith.constant 1 : i32
    scf.for %while3A_276 = %while3A_245 to %while3A_241 step %while3A_247  : i32 {
      %mul3A_277 = arith.constant 16 : i32
      %mul3A_278 = arith.muli %while3A_276, %mul3A_277 : i32
      %multiple_of3A_279 = tpu.assume_multiple %mul3A_278, 16 : i32
      %get3A = arith.index_cast %multiple_of3A_279 : i32 to index
      %get3A_280 = tpu.vector_load %arg9[%get3A] {strides = array<i32>} : memref<4112xi32, #tpu.memory_space<vmem>>, vector<16xi32>,
      %shift_right_arithmetic3A = arith.constant 14 : i32
      %shift_right_arithmetic3A_281 = vector.broadcast %shift_right_arithmetic3A : i32 to vector<16xi32>
      %shift_right_arithmetic3A_282 = arith.shrsi %get3A_280, %shift_right_arithmetic3A_281 : vector<16xi32>
      %and3A_283 = arith.constant 16383 : i32
      %and3A_284 = vector.broadcast %and3A_283 : i32 to vector<16xi32>
      %and3A_285 = arith.andi %get3A_280, %and3A_284 : vector<16xi32>
      %sub3A_286 = arith.constant 4096 : i32
      %sub3A_287 = vector.broadcast %sub3A_286 : i32 to vector<16xi32>
      %sub3A_288 = arith.subi %and3A_285, %sub3A_287 : vector<16xi32>
      %ge3A = arith.constant 0 : i32
      %ge3A_289 = vector.broadcast %ge3A : i32 to vector<16xi32>
      %ge3A_290 = arith.cmpi sge, %sub3A_288, %ge3A_289 : vector<16xi32>
      %lt3A_291 = arith.constant 4096 : i32
      %lt3A_292 = vector.broadcast %lt3A_291 : i32 to vector<16xi32>
      %lt3A_293 = arith.cmpi slt, %sub3A_288, %lt3A_292 : vector<16xi32>
      %and3A_294 = arith.andi %ge3A_290, %lt3A_293 : vector<16xi1>
      %jit3A_295 = arith.constant 0 : i32
      %broadcast_in_dim3A_296 = vector.broadcast %jit3A_295 : i32 to vector<16xi32>
      %select_n3A_297 = arith.select %and3A_294, %shift_right_arithmetic3A_282, %broadcast_in_dim3A_296 : vector<16xi1>, vector<16xi32>
      %jit3A_298 = arith.constant 0 : i32
      %broadcast_in_dim3A_299 = vector.broadcast %jit3A_298 : i32 to vector<16xi32>
      %select_n3A_300 = arith.select %and3A_294, %sub3A_288, %broadcast_in_dim3A_299 : vector<16xi1>, vector<16xi32>
      tpu.vector_store_idx %arg6[%select_n3A_297, %select_n3A_300], %broadcast_in_dim3A_82 masked %and3A_294 : memref<8x4096xf32, #tpu.memory_space<vmem>>[vector<16xi32>, vector<16xi32>], vector<16xf32>, vector<16xi1>
    }
    %eq3A_248 = arith.constant 15 : i32
    %eq3A_249 = arith.cmpi eq, %select_n3A_30, %eq3A_248 : i32
    %jit3A_250 = arith.constant 3456 : i32
    %jit3A_251 = arith.constant 3328 : i32
    %select_n3A_252 = arith.select %eq3A_249, %jit3A_250, %jit3A_251 : i32
    %while3A_253 = arith.constant 0 : i32
    %while3A_254 = arith.constant 0 : i32
    %while3A_255 = arith.subi %select_n3A_80, %while3A_254 : i32
    %while3A_256 = arith.addi %while3A_254, %while3A_255 : i32
    %while3A_257 = arith.constant 1 : i32
    %while3A_258 = arith.divsi %while3A_255, %while3A_257 : i32
    %while3A_259 = arith.muli %while3A_258, %while3A_257 : i32
    %while3A_260 = arith.addi %while3A_254, %while3A_259 : i32
    %while3A_261 = arith.constant 1 : i32
    scf.for %while3A_276 = %while3A_254 to %while3A_260 step %while3A_261  : i32 {
      %mul3A_277 = arith.constant 16 : i32
      %mul3A_278 = arith.muli %while3A_276, %mul3A_277 : i32
      %multiple_of3A_279 = tpu.assume_multiple %mul3A_278, 16 : i32
      %get3A = arith.index_cast %multiple_of3A_279 : i32 to index
      %get3A_280 = tpu.vector_load %arg9[%get3A] {strides = array<i32>} : memref<4112xi32, #tpu.memory_space<vmem>>, vector<16xi32>,
      %shift_right_arithmetic3A = arith.constant 14 : i32
      %shift_right_arithmetic3A_281 = vector.broadcast %shift_right_arithmetic3A : i32 to vector<16xi32>
      %shift_right_arithmetic3A_282 = arith.shrsi %get3A_280, %shift_right_arithmetic3A_281 : vector<16xi32>
      %and3A_283 = arith.constant 16383 : i32
      %and3A_284 = vector.broadcast %and3A_283 : i32 to vector<16xi32>
      %and3A_285 = arith.andi %get3A_280, %and3A_284 : vector<16xi32>
      %sub3A_286 = arith.constant 12288 : i32
      %sub3A_287 = vector.broadcast %sub3A_286 : i32 to vector<16xi32>
      %sub3A_288 = arith.subi %and3A_285, %sub3A_287 : vector<16xi32>
      %ge3A = arith.constant 0 : i32
      %ge3A_289 = vector.broadcast %ge3A : i32 to vector<16xi32>
      %ge3A_290 = arith.cmpi sge, %sub3A_288, %ge3A_289 : vector<16xi32>
      %lt3A_291 = vector.broadcast %select_n3A_252 : i32 to vector<16xi32>
      %lt3A_292 = arith.cmpi slt, %sub3A_288, %lt3A_291 : vector<16xi32>
      %and3A_293 = arith.andi %ge3A_290, %lt3A_292 : vector<16xi1>
      %get3A_294 = arith.index_cast %multiple_of3A_279 : i32 to index
      %get3A_295 = tpu.vector_load %arg10[%get3A_294] {strides = array<i32>} : memref<4112xf32, #tpu.memory_space<vmem>>, vector<16xf32>,
      %jit3A_296 = arith.constant 0 : i32
      %broadcast_in_dim3A_297 = vector.broadcast %jit3A_296 : i32 to vector<16xi32>
      %select_n3A_298 = arith.select %and3A_293, %shift_right_arithmetic3A_282, %broadcast_in_dim3A_297 : vector<16xi1>, vector<16xi32>
      %jit3A_299 = arith.constant 0 : i32
      %broadcast_in_dim3A_300 = vector.broadcast %jit3A_299 : i32 to vector<16xi32>
      %select_n3A_301 = arith.select %and3A_293, %sub3A_288, %broadcast_in_dim3A_300 : vector<16xi1>, vector<16xi32>
      tpu.vector_store_idx %arg6[%select_n3A_298, %select_n3A_301], %get3A_295 masked %and3A_293 : memref<8x4096xf32, #tpu.memory_space<vmem>>[vector<16xi32>, vector<16xi32>], vector<16xf32>, vector<16xi1>
    }
    %while3A_262 = arith.constant 1 : i32
    scf.for %while3A_276 = %while3A_260 to %while3A_256 step %while3A_262  : i32 {
      %mul3A_277 = arith.constant 16 : i32
      %mul3A_278 = arith.muli %while3A_276, %mul3A_277 : i32
      %multiple_of3A_279 = tpu.assume_multiple %mul3A_278, 16 : i32
      %get3A = arith.index_cast %multiple_of3A_279 : i32 to index
      %get3A_280 = tpu.vector_load %arg9[%get3A] {strides = array<i32>} : memref<4112xi32, #tpu.memory_space<vmem>>, vector<16xi32>,
      %shift_right_arithmetic3A = arith.constant 14 : i32
      %shift_right_arithmetic3A_281 = vector.broadcast %shift_right_arithmetic3A : i32 to vector<16xi32>
      %shift_right_arithmetic3A_282 = arith.shrsi %get3A_280, %shift_right_arithmetic3A_281 : vector<16xi32>
      %and3A_283 = arith.constant 16383 : i32
      %and3A_284 = vector.broadcast %and3A_283 : i32 to vector<16xi32>
      %and3A_285 = arith.andi %get3A_280, %and3A_284 : vector<16xi32>
      %sub3A_286 = arith.constant 12288 : i32
      %sub3A_287 = vector.broadcast %sub3A_286 : i32 to vector<16xi32>
      %sub3A_288 = arith.subi %and3A_285, %sub3A_287 : vector<16xi32>
      %ge3A = arith.constant 0 : i32
      %ge3A_289 = vector.broadcast %ge3A : i32 to vector<16xi32>
      %ge3A_290 = arith.cmpi sge, %sub3A_288, %ge3A_289 : vector<16xi32>
      %lt3A_291 = vector.broadcast %select_n3A_252 : i32 to vector<16xi32>
      %lt3A_292 = arith.cmpi slt, %sub3A_288, %lt3A_291 : vector<16xi32>
      %and3A_293 = arith.andi %ge3A_290, %lt3A_292 : vector<16xi1>
      %get3A_294 = arith.index_cast %multiple_of3A_279 : i32 to index
      %get3A_295 = tpu.vector_load %arg10[%get3A_294] {strides = array<i32>} : memref<4112xf32, #tpu.memory_space<vmem>>, vector<16xf32>,
      %jit3A_296 = arith.constant 0 : i32
      %broadcast_in_dim3A_297 = vector.broadcast %jit3A_296 : i32 to vector<16xi32>
      %select_n3A_298 = arith.select %and3A_293, %shift_right_arithmetic3A_282, %broadcast_in_dim3A_297 : vector<16xi1>, vector<16xi32>
      %jit3A_299 = arith.constant 0 : i32
      %broadcast_in_dim3A_300 = vector.broadcast %jit3A_299 : i32 to vector<16xi32>
      %select_n3A_301 = arith.select %and3A_293, %sub3A_288, %broadcast_in_dim3A_300 : vector<16xi1>, vector<16xi32>
      tpu.vector_store_idx %arg6[%select_n3A_298, %select_n3A_301], %get3A_295 masked %and3A_293 : memref<8x4096xf32, #tpu.memory_space<vmem>>[vector<16xi32>, vector<16xi32>], vector<16xf32>, vector<16xi1>
    }
    %add3A_263 = arith.constant 12288 : i32
    %add3A_264 = arith.addi %mul3A_32, %add3A_263 : i32
    %multiple_of3A_265 = tpu.assume_multiple %add3A_264, 128 : i32
    %ne3A_266 = arith.constant 15 : i32
    %ne3A_267 = arith.cmpi ne, %select_n3A_30, %ne3A_266 : i32
    %convert_element_type3A = arith.extui %ne3A_267 : i1 to i32
    %cond3A = arith.constant 0 : i32
    %cond3A_268 = arith.cmpi ne, %convert_element_type3A, %cond3A : i32
    scf.if %cond3A_268 {
      %dma_start3A_276 = arith.constant 0 : i32
      %dma_start3A_277 = arith.constant 0 : i32
      %dma_start3A_278 = tpu.memref_slice %arg6[%dma_start3A_276, %dma_start3A_277] : memref<8x4096xf32, #tpu.memory_space<vmem>> -> memref<8x3328xf32, #tpu.memory_space<vmem>>
      %dma_start3A_279 = tpu.memref_slice %arg4[%multiple_of3A_181, %multiple_of3A_265] : memref<16x250002xf32, #tpu.memory_space<hbm>> -> memref<8x3328xf32, #tpu.memory_space<hbm>>
      %dma_start3A_280 = tpu.memref_slice %arg4[%multiple_of3A_181, %multiple_of3A_265] : memref<16x250002xf32, #tpu.memory_space<hbm>> -> memref<8x3328xf32, #tpu.memory_space<hbm>>
      %dma_start3A_281 = arith.constant 0 : i32
      %dma_start3A_282 = arith.constant 0 : i32
      %dma_start3A_283 = tpu.memref_slice %arg6[%dma_start3A_281, %dma_start3A_282] : memref<8x4096xf32, #tpu.memory_space<vmem>> -> memref<8x3328xf32, #tpu.memory_space<vmem>>
      tpu.enqueue_dma source(%dma_start3A_283 : memref<8x3328xf32, #tpu.memory_space<vmem>>) target(%dma_start3A_280 : memref<8x3328xf32, #tpu.memory_space<hbm>>) target_semaphore(%arg11 : memref<!tpu.dma_semaphore, #tpu.memory_space<semaphore_mem>>)
      %dma_wait3A_284 = arith.constant 0 : i32
      %dma_wait3A_285 = arith.constant 0 : i32
      %dma_wait3A_286 = tpu.memref_slice %arg6[%dma_wait3A_284, %dma_wait3A_285] : memref<8x4096xf32, #tpu.memory_space<vmem>> -> memref<8x3328xf32, #tpu.memory_space<vmem>>
      %dma_wait3A_287 = tpu.memref_slice %arg4[%multiple_of3A_181, %multiple_of3A_265] : memref<16x250002xf32, #tpu.memory_space<hbm>> -> memref<8x3328xf32, #tpu.memory_space<hbm>>
      %dma_wait3A_288 = tpu.memref_slice %arg4[%multiple_of3A_181, %multiple_of3A_265] : memref<16x250002xf32, #tpu.memory_space<hbm>> -> memref<8x3328xf32, #tpu.memory_space<hbm>>
      %dma_wait3A_289 = arith.constant 0 : i32
      %dma_wait3A_290 = arith.constant 0 : i32
      %dma_wait3A_291 = tpu.memref_slice %arg6[%dma_wait3A_289, %dma_wait3A_290] : memref<8x4096xf32, #tpu.memory_space<vmem>> -> memref<8x3328xf32, #tpu.memory_space<vmem>>
      tpu.wait_dma2 semaphore(%arg11 : memref<!tpu.dma_semaphore, #tpu.memory_space<semaphore_mem>>) src(%dma_wait3A_291 : memref<8x3328xf32, #tpu.memory_space<vmem>>) dst(%dma_wait3A_288 : memref<8x3328xf32, #tpu.memory_space<hbm>>)
    } else {
    }
    %eq3A_269 = arith.constant 15 : i32
    %eq3A_270 = arith.cmpi eq, %select_n3A_30, %eq3A_269 : i32
    %convert_element_type3A_271 = arith.extui %eq3A_270 : i1 to i32
    %cond3A_272 = arith.constant 0 : i32
    %cond3A_273 = arith.cmpi ne, %convert_element_type3A_271, %cond3A_272 : i32
    scf.if %cond3A_273 {
      %add3A_276 = arith.constant 12288 : i32
      %add3A_277 = arith.addi %mul3A_32, %add3A_276 : i32
      %multiple_of3A_278 = tpu.assume_multiple %add3A_277, 128 : i32
      %dma_start3A_279 = arith.constant 0 : i32
      %dma_start3A_280 = arith.constant 0 : i32
      %dma_start3A_281 = tpu.memref_slice %arg6[%dma_start3A_279, %dma_start3A_280] : memref<8x4096xf32, #tpu.memory_space<vmem>> -> memref<8x3456xf32, #tpu.memory_space<vmem>>
      %dma_start3A_282 = tpu.memref_slice %arg4[%multiple_of3A_181, %multiple_of3A_278] : memref<16x250002xf32, #tpu.memory_space<hbm>> -> memref<8x3456xf32, #tpu.memory_space<hbm>>
      %dma_start3A_283 = tpu.memref_slice %arg4[%multiple_of3A_181, %multiple_of3A_278] : memref<16x250002xf32, #tpu.memory_space<hbm>> -> memref<8x3456xf32, #tpu.memory_space<hbm>>
      %dma_start3A_284 = arith.constant 0 : i32
      %dma_start3A_285 = arith.constant 0 : i32
      %dma_start3A_286 = tpu.memref_slice %arg6[%dma_start3A_284, %dma_start3A_285] : memref<8x4096xf32, #tpu.memory_space<vmem>> -> memref<8x3456xf32, #tpu.memory_space<vmem>>
      tpu.enqueue_dma source(%dma_start3A_286 : memref<8x3456xf32, #tpu.memory_space<vmem>>) target(%dma_start3A_283 : memref<8x3456xf32, #tpu.memory_space<hbm>>) target_semaphore(%arg11 : memref<!tpu.dma_semaphore, #tpu.memory_space<semaphore_mem>>)
      %dma_wait3A_287 = arith.constant 0 : i32
      %dma_wait3A_288 = arith.constant 0 : i32
      %dma_wait3A_289 = tpu.memref_slice %arg6[%dma_wait3A_287, %dma_wait3A_288] : memref<8x4096xf32, #tpu.memory_space<vmem>> -> memref<8x3456xf32, #tpu.memory_space<vmem>>
      %dma_wait3A_290 = tpu.memref_slice %arg4[%multiple_of3A_181, %multiple_of3A_278] : memref<16x250002xf32, #tpu.memory_space<hbm>> -> memref<8x3456xf32, #tpu.memory_space<hbm>>
      %dma_wait3A_291 = tpu.memref_slice %arg4[%multiple_of3A_181, %multiple_of3A_278] : memref<16x250002xf32, #tpu.memory_space<hbm>> -> memref<8x3456xf32, #tpu.memory_space<hbm>>
      %dma_wait3A_292 = arith.constant 0 : i32
      %dma_wait3A_293 = arith.constant 0 : i32
      %dma_wait3A_294 = tpu.memref_slice %arg6[%dma_wait3A_292, %dma_wait3A_293] : memref<8x4096xf32, #tpu.memory_space<vmem>> -> memref<8x3456xf32, #tpu.memory_space<vmem>>
      tpu.wait_dma2 semaphore(%arg11 : memref<!tpu.dma_semaphore, #tpu.memory_space<semaphore_mem>>) src(%dma_wait3A_294 : memref<8x3456xf32, #tpu.memory_space<vmem>>) dst(%dma_wait3A_291 : memref<8x3456xf32, #tpu.memory_space<hbm>>)
    } else {
    }
    %dma_wait3A_274 = tpu.memref_slice %arg4[%multiple_of3A_181, %multiple_of3A_233] : memref<16x250002xf32, #tpu.memory_space<hbm>> -> memref<8x4096xf32, #tpu.memory_space<hbm>>
    %dma_wait3A_275 = tpu.memref_slice %arg4[%multiple_of3A_181, %multiple_of3A_233] : memref<16x250002xf32, #tpu.memory_space<hbm>> -> memref<8x4096xf32, #tpu.memory_space<hbm>>
    tpu.wait_dma2 semaphore(%arg11 : memref<!tpu.dma_semaphore, #tpu.memory_space<semaphore_mem>>) src(%arg5 : memref<8x4096xf32, #tpu.memory_space<vmem>>) dst(%dma_wait3A_275 : memref<8x4096xf32, #tpu.memory_space<hbm>>)
    return
  }
}

module attributes {stable_mosaic.version = 14 : i64} {
  func.func @_tc_body(%arg0: i32, %arg1: memref<1x1024xf32, #tpu.memory_space<vmem>>, %arg2: memref<1xf32, #tpu.memory_space<smem>>, %arg3: memref<1x512x1024xf32, #tpu.memory_space<vmem>>, %arg4: memref<1x1x512xi32, #tpu.memory_space<vmem>>, %arg5: memref<1x1x512xf32, #tpu.memory_space<vmem>>) attributes {dimension_semantics = [#tpu.dimension_semantics<arbitrary>], iteration_bounds = array<i64: 16>, scalar_prefetch = 0 : i64, scratch_operands = 0 : i64, tpu.core_type = #tpu.core_type<tc>, window_params = [{pipeline_mode = #tpu.pipeline_mode<synchronous>, transform_indices = @transform_0, window_bounds = array<i64: 1, 1024>}, {transform_indices = @transform_1, window_bounds = array<i64: 1>}, {transform_indices = @transform_2, window_bounds = array<i64: 1, 512, 1024>}, {transform_indices = @transform_3, window_bounds = array<i64: 1, 1, 512>}, {transform_indices = @transform_4, window_bounds = array<i64: 1, 1, 512>}]} {
    %get3A = arith.constant 0 : index
    %get3A_0 = arith.constant 0 : index
    %get3A_1 = arith.constant 0 : index
    %get3A_2 = vector.load %arg3[%get3A, %get3A_0, %get3A_1] : memref<1x512x1024xf32, #tpu.memory_space<vmem>>, vector<1x512x1024xf32>
    %get3A_3 = vector.shape_cast %get3A_2 : vector<1x512x1024xf32> to vector<512x1024xf32>
    %get3A_4 = arith.constant 0 : index
    %get3A_5 = arith.constant 0 : index
    %get3A_6 = vector.load %arg1[%get3A_4, %get3A_5] : memref<1x1024xf32, #tpu.memory_space<vmem>>, vector<1x1024xf32>
    %get3A_7 = arith.constant 0 : index
    %get3A_8 = memref.load %arg2[%get3A_7] : memref<1xf32, #tpu.memory_space<smem>>
    %broadcast_in_dim3A = vector.shape_cast %get3A_6 : vector<1x1024xf32> to vector<1x1024xf32>
    %broadcast_in_dim3A_9 = vector.broadcast %broadcast_in_dim3A : vector<1x1024xf32> to vector<128x1024xf32>
    %dot_general3A = arith.constant dense<0.000000e+00> : vector<512x128xf32>
    %dot_general3A_10 = tpu.matmul %get3A_3, %broadcast_in_dim3A_9, %dot_general3A {dimension_numbers = #tpu.dot_dimension_numbers<[1], [1], [0], [0], [0, 0, 1, 0], [], []>, transpose_lhs_hint = false} : vector<512x1024xf32>, vector<128x1024xf32>, vector<512x128xf32> -> vector<512x128xf32>
    %slice3A = vector.extract_strided_slice %dot_general3A_10 {offsets = [0, 0], sizes = [512, 1], strides = [1, 1]} : vector<512x128xf32> to vector<512x1xf32>
    %add3A = vector.broadcast %get3A_8 : f32 to vector<512x1xf32>
    %add3A_11 = arith.addf %slice3A, %add3A : vector<512x1xf32>
    %max3A = arith.constant 0.000000e+00 : f32
    %max3A_12 = vector.broadcast %max3A : f32 to vector<512x1xf32>
    %max3A_13 = arith.maximumf %add3A_11, %max3A_12 : vector<512x1xf32>
    %get3A_14 = arith.constant 0 : index
    %get3A_15 = arith.constant 0 : index
    %get3A_16 = arith.constant 0 : index
    %get3A_17 = vector.load %arg4[%get3A_14, %get3A_15, %get3A_16] : memref<1x1x512xi32, #tpu.memory_space<vmem>>, vector<1x1x512xi32>
    %get3A_18 = vector.shape_cast %get3A_17 : vector<1x1x512xi32> to vector<1x512xi32>
    %transpose3A = tpu.transpose %get3A_18, [1, 0] : vector<1x512xi32> -> vector<512x1xi32>
    %slice3A_19 = vector.extract_strided_slice %get3A_18 {offsets = [0, 0], sizes = [1, 64], strides = [1, 1]} : vector<1x512xi32> to vector<1x64xi32>
    %eq3A = vector.broadcast %transpose3A : vector<512x1xi32> to vector<512x64xi32>
    %eq3A_20 = vector.broadcast %slice3A_19 : vector<1x64xi32> to vector<512x64xi32>
    %eq3A_21 = arith.cmpi eq, %eq3A, %eq3A_20 : vector<512x64xi32>
    %jit3A = arith.constant 0.000000e+00 : f32
    %broadcast_in_dim3A_22 = vector.shape_cast %max3A_13 : vector<512x1xf32> to vector<512x1xf32>
    %broadcast_in_dim3A_23 = vector.broadcast %broadcast_in_dim3A_22 : vector<512x1xf32> to vector<512x64xf32>
    %broadcast_in_dim3A_24 = vector.broadcast %jit3A : f32 to vector<512x64xf32>
    %select_n3A = arith.select %eq3A_21, %broadcast_in_dim3A_23, %broadcast_in_dim3A_24 : vector<512x64xi1>, vector<512x64xf32>
    %reduce_max3A = arith.constant dense<0xFF800000> : vector<64xf32>
    %reduce_max3A_25 = vector.multi_reduction <maximumf>, %select_n3A, %reduce_max3A [0] : vector<512x64xf32> to vector<64xf32>
    %broadcast_in_dim3A_26 = vector.shape_cast %reduce_max3A_25 : vector<64xf32> to vector<1x64xf32>
    %lt3A = arith.constant 4 : i32
    %lt3A_27 = vector.broadcast %lt3A : i32 to vector<1x64xi32>
    %lt3A_28 = arith.cmpi slt, %slice3A_19, %lt3A_27 : vector<1x64xi32>
    %jit3A_29 = arith.constant 0.000000e+00 : f32
    %broadcast_in_dim3A_30 = vector.broadcast %jit3A_29 : f32 to vector<1x64xf32>
    %select_n3A_31 = arith.select %lt3A_28, %broadcast_in_dim3A_30, %broadcast_in_dim3A_26 : vector<1x64xi1>, vector<1x64xf32>
    %swap3A = arith.constant 0 : index
    %swap3A_32 = arith.constant 0 : index
    %swap3A_33 = arith.constant 0 : index
    %swap3A_34 = vector.load %arg5[%swap3A, %swap3A_32, %swap3A_33] : memref<1x1x512xf32, #tpu.memory_space<vmem>>, vector<1x1x64xf32>
    %swap3A_35 = vector.shape_cast %swap3A_34 : vector<1x1x64xf32> to vector<1x64xf32>
    %swap3A_36 = vector.shape_cast %select_n3A_31 : vector<1x64xf32> to vector<1x1x64xf32>
    tpu.vector_store %arg5[%swap3A, %swap3A_32, %swap3A_33], %swap3A_36 {strides = array<i32>} : memref<1x1x512xf32, #tpu.memory_space<vmem>>, vector<1x1x64xf32>,
    %slice3A_37 = vector.extract_strided_slice %get3A_18 {offsets = [0, 64], sizes = [1, 64], strides = [1, 1]} : vector<1x512xi32> to vector<1x64xi32>
    %eq3A_38 = vector.broadcast %transpose3A : vector<512x1xi32> to vector<512x64xi32>
    %eq3A_39 = vector.broadcast %slice3A_37 : vector<1x64xi32> to vector<512x64xi32>
    %eq3A_40 = arith.cmpi eq, %eq3A_38, %eq3A_39 : vector<512x64xi32>
    %jit3A_41 = arith.constant 0.000000e+00 : f32
    %broadcast_in_dim3A_42 = vector.shape_cast %max3A_13 : vector<512x1xf32> to vector<512x1xf32>
    %broadcast_in_dim3A_43 = vector.broadcast %broadcast_in_dim3A_42 : vector<512x1xf32> to vector<512x64xf32>
    %broadcast_in_dim3A_44 = vector.broadcast %jit3A_41 : f32 to vector<512x64xf32>
    %select_n3A_45 = arith.select %eq3A_40, %broadcast_in_dim3A_43, %broadcast_in_dim3A_44 : vector<512x64xi1>, vector<512x64xf32>
    %reduce_max3A_46 = arith.constant dense<0xFF800000> : vector<64xf32>
    %reduce_max3A_47 = vector.multi_reduction <maximumf>, %select_n3A_45, %reduce_max3A_46 [0] : vector<512x64xf32> to vector<64xf32>
    %broadcast_in_dim3A_48 = vector.shape_cast %reduce_max3A_47 : vector<64xf32> to vector<1x64xf32>
    %lt3A_49 = arith.constant 4 : i32
    %lt3A_50 = vector.broadcast %lt3A_49 : i32 to vector<1x64xi32>
    %lt3A_51 = arith.cmpi slt, %slice3A_37, %lt3A_50 : vector<1x64xi32>
    %jit3A_52 = arith.constant 0.000000e+00 : f32
    %broadcast_in_dim3A_53 = vector.broadcast %jit3A_52 : f32 to vector<1x64xf32>
    %select_n3A_54 = arith.select %lt3A_51, %broadcast_in_dim3A_53, %broadcast_in_dim3A_48 : vector<1x64xi1>, vector<1x64xf32>
    %swap3A_55 = arith.constant 0 : index
    %swap3A_56 = arith.constant 0 : index
    %swap3A_57 = arith.constant 64 : index
    %swap3A_58 = vector.load %arg5[%swap3A_55, %swap3A_56, %swap3A_57] : memref<1x1x512xf32, #tpu.memory_space<vmem>>, vector<1x1x64xf32>
    %swap3A_59 = vector.shape_cast %swap3A_58 : vector<1x1x64xf32> to vector<1x64xf32>
    %swap3A_60 = vector.shape_cast %select_n3A_54 : vector<1x64xf32> to vector<1x1x64xf32>
    tpu.vector_store %arg5[%swap3A_55, %swap3A_56, %swap3A_57], %swap3A_60 {strides = array<i32>} : memref<1x1x512xf32, #tpu.memory_space<vmem>>, vector<1x1x64xf32>,
    %slice3A_61 = vector.extract_strided_slice %get3A_18 {offsets = [0, 128], sizes = [1, 64], strides = [1, 1]} : vector<1x512xi32> to vector<1x64xi32>
    %eq3A_62 = vector.broadcast %transpose3A : vector<512x1xi32> to vector<512x64xi32>
    %eq3A_63 = vector.broadcast %slice3A_61 : vector<1x64xi32> to vector<512x64xi32>
    %eq3A_64 = arith.cmpi eq, %eq3A_62, %eq3A_63 : vector<512x64xi32>
    %jit3A_65 = arith.constant 0.000000e+00 : f32
    %broadcast_in_dim3A_66 = vector.shape_cast %max3A_13 : vector<512x1xf32> to vector<512x1xf32>
    %broadcast_in_dim3A_67 = vector.broadcast %broadcast_in_dim3A_66 : vector<512x1xf32> to vector<512x64xf32>
    %broadcast_in_dim3A_68 = vector.broadcast %jit3A_65 : f32 to vector<512x64xf32>
    %select_n3A_69 = arith.select %eq3A_64, %broadcast_in_dim3A_67, %broadcast_in_dim3A_68 : vector<512x64xi1>, vector<512x64xf32>
    %reduce_max3A_70 = arith.constant dense<0xFF800000> : vector<64xf32>
    %reduce_max3A_71 = vector.multi_reduction <maximumf>, %select_n3A_69, %reduce_max3A_70 [0] : vector<512x64xf32> to vector<64xf32>
    %broadcast_in_dim3A_72 = vector.shape_cast %reduce_max3A_71 : vector<64xf32> to vector<1x64xf32>
    %lt3A_73 = arith.constant 4 : i32
    %lt3A_74 = vector.broadcast %lt3A_73 : i32 to vector<1x64xi32>
    %lt3A_75 = arith.cmpi slt, %slice3A_61, %lt3A_74 : vector<1x64xi32>
    %jit3A_76 = arith.constant 0.000000e+00 : f32
    %broadcast_in_dim3A_77 = vector.broadcast %jit3A_76 : f32 to vector<1x64xf32>
    %select_n3A_78 = arith.select %lt3A_75, %broadcast_in_dim3A_77, %broadcast_in_dim3A_72 : vector<1x64xi1>, vector<1x64xf32>
    %swap3A_79 = arith.constant 0 : index
    %swap3A_80 = arith.constant 0 : index
    %swap3A_81 = arith.constant 128 : index
    %swap3A_82 = vector.load %arg5[%swap3A_79, %swap3A_80, %swap3A_81] : memref<1x1x512xf32, #tpu.memory_space<vmem>>, vector<1x1x64xf32>
    %swap3A_83 = vector.shape_cast %swap3A_82 : vector<1x1x64xf32> to vector<1x64xf32>
    %swap3A_84 = vector.shape_cast %select_n3A_78 : vector<1x64xf32> to vector<1x1x64xf32>
    tpu.vector_store %arg5[%swap3A_79, %swap3A_80, %swap3A_81], %swap3A_84 {strides = array<i32>} : memref<1x1x512xf32, #tpu.memory_space<vmem>>, vector<1x1x64xf32>,
    %slice3A_85 = vector.extract_strided_slice %get3A_18 {offsets = [0, 192], sizes = [1, 64], strides = [1, 1]} : vector<1x512xi32> to vector<1x64xi32>
    %eq3A_86 = vector.broadcast %transpose3A : vector<512x1xi32> to vector<512x64xi32>
    %eq3A_87 = vector.broadcast %slice3A_85 : vector<1x64xi32> to vector<512x64xi32>
    %eq3A_88 = arith.cmpi eq, %eq3A_86, %eq3A_87 : vector<512x64xi32>
    %jit3A_89 = arith.constant 0.000000e+00 : f32
    %broadcast_in_dim3A_90 = vector.shape_cast %max3A_13 : vector<512x1xf32> to vector<512x1xf32>
    %broadcast_in_dim3A_91 = vector.broadcast %broadcast_in_dim3A_90 : vector<512x1xf32> to vector<512x64xf32>
    %broadcast_in_dim3A_92 = vector.broadcast %jit3A_89 : f32 to vector<512x64xf32>
    %select_n3A_93 = arith.select %eq3A_88, %broadcast_in_dim3A_91, %broadcast_in_dim3A_92 : vector<512x64xi1>, vector<512x64xf32>
    %reduce_max3A_94 = arith.constant dense<0xFF800000> : vector<64xf32>
    %reduce_max3A_95 = vector.multi_reduction <maximumf>, %select_n3A_93, %reduce_max3A_94 [0] : vector<512x64xf32> to vector<64xf32>
    %broadcast_in_dim3A_96 = vector.shape_cast %reduce_max3A_95 : vector<64xf32> to vector<1x64xf32>
    %lt3A_97 = arith.constant 4 : i32
    %lt3A_98 = vector.broadcast %lt3A_97 : i32 to vector<1x64xi32>
    %lt3A_99 = arith.cmpi slt, %slice3A_85, %lt3A_98 : vector<1x64xi32>
    %jit3A_100 = arith.constant 0.000000e+00 : f32
    %broadcast_in_dim3A_101 = vector.broadcast %jit3A_100 : f32 to vector<1x64xf32>
    %select_n3A_102 = arith.select %lt3A_99, %broadcast_in_dim3A_101, %broadcast_in_dim3A_96 : vector<1x64xi1>, vector<1x64xf32>
    %swap3A_103 = arith.constant 0 : index
    %swap3A_104 = arith.constant 0 : index
    %swap3A_105 = arith.constant 192 : index
    %swap3A_106 = vector.load %arg5[%swap3A_103, %swap3A_104, %swap3A_105] : memref<1x1x512xf32, #tpu.memory_space<vmem>>, vector<1x1x64xf32>
    %swap3A_107 = vector.shape_cast %swap3A_106 : vector<1x1x64xf32> to vector<1x64xf32>
    %swap3A_108 = vector.shape_cast %select_n3A_102 : vector<1x64xf32> to vector<1x1x64xf32>
    tpu.vector_store %arg5[%swap3A_103, %swap3A_104, %swap3A_105], %swap3A_108 {strides = array<i32>} : memref<1x1x512xf32, #tpu.memory_space<vmem>>, vector<1x1x64xf32>,
    %slice3A_109 = vector.extract_strided_slice %get3A_18 {offsets = [0, 256], sizes = [1, 64], strides = [1, 1]} : vector<1x512xi32> to vector<1x64xi32>
    %eq3A_110 = vector.broadcast %transpose3A : vector<512x1xi32> to vector<512x64xi32>
    %eq3A_111 = vector.broadcast %slice3A_109 : vector<1x64xi32> to vector<512x64xi32>
    %eq3A_112 = arith.cmpi eq, %eq3A_110, %eq3A_111 : vector<512x64xi32>
    %jit3A_113 = arith.constant 0.000000e+00 : f32
    %broadcast_in_dim3A_114 = vector.shape_cast %max3A_13 : vector<512x1xf32> to vector<512x1xf32>
    %broadcast_in_dim3A_115 = vector.broadcast %broadcast_in_dim3A_114 : vector<512x1xf32> to vector<512x64xf32>
    %broadcast_in_dim3A_116 = vector.broadcast %jit3A_113 : f32 to vector<512x64xf32>
    %select_n3A_117 = arith.select %eq3A_112, %broadcast_in_dim3A_115, %broadcast_in_dim3A_116 : vector<512x64xi1>, vector<512x64xf32>
    %reduce_max3A_118 = arith.constant dense<0xFF800000> : vector<64xf32>
    %reduce_max3A_119 = vector.multi_reduction <maximumf>, %select_n3A_117, %reduce_max3A_118 [0] : vector<512x64xf32> to vector<64xf32>
    %broadcast_in_dim3A_120 = vector.shape_cast %reduce_max3A_119 : vector<64xf32> to vector<1x64xf32>
    %lt3A_121 = arith.constant 4 : i32
    %lt3A_122 = vector.broadcast %lt3A_121 : i32 to vector<1x64xi32>
    %lt3A_123 = arith.cmpi slt, %slice3A_109, %lt3A_122 : vector<1x64xi32>
    %jit3A_124 = arith.constant 0.000000e+00 : f32
    %broadcast_in_dim3A_125 = vector.broadcast %jit3A_124 : f32 to vector<1x64xf32>
    %select_n3A_126 = arith.select %lt3A_123, %broadcast_in_dim3A_125, %broadcast_in_dim3A_120 : vector<1x64xi1>, vector<1x64xf32>
    %swap3A_127 = arith.constant 0 : index
    %swap3A_128 = arith.constant 0 : index
    %swap3A_129 = arith.constant 256 : index
    %swap3A_130 = vector.load %arg5[%swap3A_127, %swap3A_128, %swap3A_129] : memref<1x1x512xf32, #tpu.memory_space<vmem>>, vector<1x1x64xf32>
    %swap3A_131 = vector.shape_cast %swap3A_130 : vector<1x1x64xf32> to vector<1x64xf32>
    %swap3A_132 = vector.shape_cast %select_n3A_126 : vector<1x64xf32> to vector<1x1x64xf32>
    tpu.vector_store %arg5[%swap3A_127, %swap3A_128, %swap3A_129], %swap3A_132 {strides = array<i32>} : memref<1x1x512xf32, #tpu.memory_space<vmem>>, vector<1x1x64xf32>,
    %slice3A_133 = vector.extract_strided_slice %get3A_18 {offsets = [0, 320], sizes = [1, 64], strides = [1, 1]} : vector<1x512xi32> to vector<1x64xi32>
    %eq3A_134 = vector.broadcast %transpose3A : vector<512x1xi32> to vector<512x64xi32>
    %eq3A_135 = vector.broadcast %slice3A_133 : vector<1x64xi32> to vector<512x64xi32>
    %eq3A_136 = arith.cmpi eq, %eq3A_134, %eq3A_135 : vector<512x64xi32>
    %jit3A_137 = arith.constant 0.000000e+00 : f32
    %broadcast_in_dim3A_138 = vector.shape_cast %max3A_13 : vector<512x1xf32> to vector<512x1xf32>
    %broadcast_in_dim3A_139 = vector.broadcast %broadcast_in_dim3A_138 : vector<512x1xf32> to vector<512x64xf32>
    %broadcast_in_dim3A_140 = vector.broadcast %jit3A_137 : f32 to vector<512x64xf32>
    %select_n3A_141 = arith.select %eq3A_136, %broadcast_in_dim3A_139, %broadcast_in_dim3A_140 : vector<512x64xi1>, vector<512x64xf32>
    %reduce_max3A_142 = arith.constant dense<0xFF800000> : vector<64xf32>
    %reduce_max3A_143 = vector.multi_reduction <maximumf>, %select_n3A_141, %reduce_max3A_142 [0] : vector<512x64xf32> to vector<64xf32>
    %broadcast_in_dim3A_144 = vector.shape_cast %reduce_max3A_143 : vector<64xf32> to vector<1x64xf32>
    %lt3A_145 = arith.constant 4 : i32
    %lt3A_146 = vector.broadcast %lt3A_145 : i32 to vector<1x64xi32>
    %lt3A_147 = arith.cmpi slt, %slice3A_133, %lt3A_146 : vector<1x64xi32>
    %jit3A_148 = arith.constant 0.000000e+00 : f32
    %broadcast_in_dim3A_149 = vector.broadcast %jit3A_148 : f32 to vector<1x64xf32>
    %select_n3A_150 = arith.select %lt3A_147, %broadcast_in_dim3A_149, %broadcast_in_dim3A_144 : vector<1x64xi1>, vector<1x64xf32>
    %swap3A_151 = arith.constant 0 : index
    %swap3A_152 = arith.constant 0 : index
    %swap3A_153 = arith.constant 320 : index
    %swap3A_154 = vector.load %arg5[%swap3A_151, %swap3A_152, %swap3A_153] : memref<1x1x512xf32, #tpu.memory_space<vmem>>, vector<1x1x64xf32>
    %swap3A_155 = vector.shape_cast %swap3A_154 : vector<1x1x64xf32> to vector<1x64xf32>
    %swap3A_156 = vector.shape_cast %select_n3A_150 : vector<1x64xf32> to vector<1x1x64xf32>
    tpu.vector_store %arg5[%swap3A_151, %swap3A_152, %swap3A_153], %swap3A_156 {strides = array<i32>} : memref<1x1x512xf32, #tpu.memory_space<vmem>>, vector<1x1x64xf32>,
    %slice3A_157 = vector.extract_strided_slice %get3A_18 {offsets = [0, 384], sizes = [1, 64], strides = [1, 1]} : vector<1x512xi32> to vector<1x64xi32>
    %eq3A_158 = vector.broadcast %transpose3A : vector<512x1xi32> to vector<512x64xi32>
    %eq3A_159 = vector.broadcast %slice3A_157 : vector<1x64xi32> to vector<512x64xi32>
    %eq3A_160 = arith.cmpi eq, %eq3A_158, %eq3A_159 : vector<512x64xi32>
    %jit3A_161 = arith.constant 0.000000e+00 : f32
    %broadcast_in_dim3A_162 = vector.shape_cast %max3A_13 : vector<512x1xf32> to vector<512x1xf32>
    %broadcast_in_dim3A_163 = vector.broadcast %broadcast_in_dim3A_162 : vector<512x1xf32> to vector<512x64xf32>
    %broadcast_in_dim3A_164 = vector.broadcast %jit3A_161 : f32 to vector<512x64xf32>
    %select_n3A_165 = arith.select %eq3A_160, %broadcast_in_dim3A_163, %broadcast_in_dim3A_164 : vector<512x64xi1>, vector<512x64xf32>
    %reduce_max3A_166 = arith.constant dense<0xFF800000> : vector<64xf32>
    %reduce_max3A_167 = vector.multi_reduction <maximumf>, %select_n3A_165, %reduce_max3A_166 [0] : vector<512x64xf32> to vector<64xf32>
    %broadcast_in_dim3A_168 = vector.shape_cast %reduce_max3A_167 : vector<64xf32> to vector<1x64xf32>
    %lt3A_169 = arith.constant 4 : i32
    %lt3A_170 = vector.broadcast %lt3A_169 : i32 to vector<1x64xi32>
    %lt3A_171 = arith.cmpi slt, %slice3A_157, %lt3A_170 : vector<1x64xi32>
    %jit3A_172 = arith.constant 0.000000e+00 : f32
    %broadcast_in_dim3A_173 = vector.broadcast %jit3A_172 : f32 to vector<1x64xf32>
    %select_n3A_174 = arith.select %lt3A_171, %broadcast_in_dim3A_173, %broadcast_in_dim3A_168 : vector<1x64xi1>, vector<1x64xf32>
    %swap3A_175 = arith.constant 0 : index
    %swap3A_176 = arith.constant 0 : index
    %swap3A_177 = arith.constant 384 : index
    %swap3A_178 = vector.load %arg5[%swap3A_175, %swap3A_176, %swap3A_177] : memref<1x1x512xf32, #tpu.memory_space<vmem>>, vector<1x1x64xf32>
    %swap3A_179 = vector.shape_cast %swap3A_178 : vector<1x1x64xf32> to vector<1x64xf32>
    %swap3A_180 = vector.shape_cast %select_n3A_174 : vector<1x64xf32> to vector<1x1x64xf32>
    tpu.vector_store %arg5[%swap3A_175, %swap3A_176, %swap3A_177], %swap3A_180 {strides = array<i32>} : memref<1x1x512xf32, #tpu.memory_space<vmem>>, vector<1x1x64xf32>,
    %slice3A_181 = vector.extract_strided_slice %get3A_18 {offsets = [0, 448], sizes = [1, 64], strides = [1, 1]} : vector<1x512xi32> to vector<1x64xi32>
    %eq3A_182 = vector.broadcast %transpose3A : vector<512x1xi32> to vector<512x64xi32>
    %eq3A_183 = vector.broadcast %slice3A_181 : vector<1x64xi32> to vector<512x64xi32>
    %eq3A_184 = arith.cmpi eq, %eq3A_182, %eq3A_183 : vector<512x64xi32>
    %jit3A_185 = arith.constant 0.000000e+00 : f32
    %broadcast_in_dim3A_186 = vector.shape_cast %max3A_13 : vector<512x1xf32> to vector<512x1xf32>
    %broadcast_in_dim3A_187 = vector.broadcast %broadcast_in_dim3A_186 : vector<512x1xf32> to vector<512x64xf32>
    %broadcast_in_dim3A_188 = vector.broadcast %jit3A_185 : f32 to vector<512x64xf32>
    %select_n3A_189 = arith.select %eq3A_184, %broadcast_in_dim3A_187, %broadcast_in_dim3A_188 : vector<512x64xi1>, vector<512x64xf32>
    %reduce_max3A_190 = arith.constant dense<0xFF800000> : vector<64xf32>
    %reduce_max3A_191 = vector.multi_reduction <maximumf>, %select_n3A_189, %reduce_max3A_190 [0] : vector<512x64xf32> to vector<64xf32>
    %broadcast_in_dim3A_192 = vector.shape_cast %reduce_max3A_191 : vector<64xf32> to vector<1x64xf32>
    %lt3A_193 = arith.constant 4 : i32
    %lt3A_194 = vector.broadcast %lt3A_193 : i32 to vector<1x64xi32>
    %lt3A_195 = arith.cmpi slt, %slice3A_181, %lt3A_194 : vector<1x64xi32>
    %jit3A_196 = arith.constant 0.000000e+00 : f32
    %broadcast_in_dim3A_197 = vector.broadcast %jit3A_196 : f32 to vector<1x64xf32>
    %select_n3A_198 = arith.select %lt3A_195, %broadcast_in_dim3A_197, %broadcast_in_dim3A_192 : vector<1x64xi1>, vector<1x64xf32>
    %swap3A_199 = arith.constant 0 : index
    %swap3A_200 = arith.constant 0 : index
    %swap3A_201 = arith.constant 448 : index
    %swap3A_202 = vector.load %arg5[%swap3A_199, %swap3A_200, %swap3A_201] : memref<1x1x512xf32, #tpu.memory_space<vmem>>, vector<1x1x64xf32>
    %swap3A_203 = vector.shape_cast %swap3A_202 : vector<1x1x64xf32> to vector<1x64xf32>
    %swap3A_204 = vector.shape_cast %select_n3A_198 : vector<1x64xf32> to vector<1x1x64xf32>
    tpu.vector_store %arg5[%swap3A_199, %swap3A_200, %swap3A_201], %swap3A_204 {strides = array<i32>} : memref<1x1x512xf32, #tpu.memory_space<vmem>>, vector<1x1x64xf32>,
    return
  }
  func.func @transform_0(%arg0: i32) -> (i32, i32) {
    %c0_i32 = arith.constant 0 : i32
    %c0_i32_0 = arith.constant 0 : i32
    %c0_i32_1 = arith.constant 0 : i32
    return %c0_i32, %c0_i32_0 : i32, i32
  }
  func.func @transform_1(%arg0: i32) -> i32 {
    %c0_i32 = arith.constant 0 : i32
    %c0_i32_0 = arith.constant 0 : i32
    return %c0_i32 : i32
  }
  func.func @transform_2(%arg0: i32) -> (i32, i32, i32) {
    %c0_i32 = arith.constant 0 : i32
    %c0_i32_0 = arith.constant 0 : i32
    %c0_i32_1 = arith.constant 0 : i32
    return %arg0, %c0_i32, %c0_i32_0 : i32, i32, i32
  }
  func.func @transform_3(%arg0: i32) -> (i32, i32, i32) {
    %c0_i32 = arith.constant 0 : i32
    %c0_i32_0 = arith.constant 0 : i32
    %c0_i32_1 = arith.constant 0 : i32
    return %arg0, %c0_i32, %c0_i32_0 : i32, i32, i32
  }
  func.func @transform_4(%arg0: i32) -> (i32, i32, i32) {
    %c0_i32 = arith.constant 0 : i32
    %c0_i32_0 = arith.constant 0 : i32
    %c0_i32_1 = arith.constant 0 : i32
    return %arg0, %c0_i32, %c0_i32_0 : i32, i32, i32
  }
}

module attributes {stable_mosaic.version = 14 : i64} {
  func.func @_edge_body(%arg0: i32, %arg1: memref<16x512xi32, #tpu.memory_space<vmem>>, %arg2: memref<16x1x512xf32, #tpu.memory_space<vmem>>, %arg3: memref<16x128xf32, #tpu.memory_space<vmem>>, %arg4: memref<16x128xf32, #tpu.memory_space<vmem>>) attributes {dimension_semantics = [#tpu.dimension_semantics<arbitrary>], iteration_bounds = array<i64: 1>, scalar_prefetch = 0 : i64, scratch_operands = 0 : i64, tpu.core_type = #tpu.core_type<tc>, window_params = [{pipeline_mode = #tpu.pipeline_mode<synchronous>, transform_indices = @transform_0, window_bounds = array<i64: 16, 512>}, {pipeline_mode = #tpu.pipeline_mode<synchronous>, transform_indices = @transform_1, window_bounds = array<i64: 16, 1, 512>}, {transform_indices = @transform_2, window_bounds = array<i64: 16, 128>}, {transform_indices = @transform_3, window_bounds = array<i64: 16, 128>}]} {
    %get3A = arith.constant 0 : index
    %get3A_0 = arith.constant 0 : index
    %get3A_1 = vector.load %arg1[%get3A, %get3A_0] : memref<16x512xi32, #tpu.memory_space<vmem>>, vector<16x512xi32>
    %get3A_2 = arith.constant 0 : index
    %get3A_3 = arith.constant 0 : index
    %get3A_4 = arith.constant 0 : index
    %get3A_5 = vector.load %arg2[%get3A_2, %get3A_3, %get3A_4] : memref<16x1x512xf32, #tpu.memory_space<vmem>>, vector<16x1x512xf32>
    %reshape3A = vector.shape_cast %get3A_5 : vector<16x1x512xf32> to vector<16x512xf32>
    %eq3A = arith.constant 249984 : i32
    %eq3A_6 = vector.broadcast %eq3A : i32 to vector<16x512xi32>
    %eq3A_7 = arith.cmpi eq, %get3A_1, %eq3A_6 : vector<16x512xi32>
    %jit3A = arith.constant 0.000000e+00 : f32
    %broadcast_in_dim3A = vector.broadcast %jit3A : f32 to vector<16x512xf32>
    %select_n3A = arith.select %eq3A_7, %reshape3A, %broadcast_in_dim3A : vector<16x512xi1>, vector<16x512xf32>
    %reduce_max3A = arith.constant dense<0xFF800000> : vector<16xf32>
    %reduce_max3A_8 = vector.multi_reduction <maximumf>, %select_n3A, %reduce_max3A [1] : vector<16x512xf32> to vector<16xf32>
    %broadcast_in_dim3A_9 = vector.shape_cast %reduce_max3A_8 : vector<16xf32> to vector<16x1xf32>
    %swap3A = arith.constant 0 : index
    %swap3A_10 = arith.constant 0 : index
    %swap3A_11 = vector.load %arg4[%swap3A, %swap3A_10] : memref<16x128xf32, #tpu.memory_space<vmem>>, vector<16x1xf32>
    tpu.vector_store %arg4[%swap3A, %swap3A_10], %broadcast_in_dim3A_9 {strides = array<i32>} : memref<16x128xf32, #tpu.memory_space<vmem>>, vector<16x1xf32>,
    %eq3A_12 = arith.constant 249985 : i32
    %eq3A_13 = vector.broadcast %eq3A_12 : i32 to vector<16x512xi32>
    %eq3A_14 = arith.cmpi eq, %get3A_1, %eq3A_13 : vector<16x512xi32>
    %jit3A_15 = arith.constant 0.000000e+00 : f32
    %broadcast_in_dim3A_16 = vector.broadcast %jit3A_15 : f32 to vector<16x512xf32>
    %select_n3A_17 = arith.select %eq3A_14, %reshape3A, %broadcast_in_dim3A_16 : vector<16x512xi1>, vector<16x512xf32>
    %reduce_max3A_18 = arith.constant dense<0xFF800000> : vector<16xf32>
    %reduce_max3A_19 = vector.multi_reduction <maximumf>, %select_n3A_17, %reduce_max3A_18 [1] : vector<16x512xf32> to vector<16xf32>
    %broadcast_in_dim3A_20 = vector.shape_cast %reduce_max3A_19 : vector<16xf32> to vector<16x1xf32>
    %swap3A_21 = arith.constant 0 : index
    %swap3A_22 = arith.constant 1 : index
    %swap3A_23 = vector.load %arg4[%swap3A_21, %swap3A_22] : memref<16x128xf32, #tpu.memory_space<vmem>>, vector<16x1xf32>
    tpu.vector_store %arg4[%swap3A_21, %swap3A_22], %broadcast_in_dim3A_20 {strides = array<i32>} : memref<16x128xf32, #tpu.memory_space<vmem>>, vector<16x1xf32>,
    %eq3A_24 = arith.constant 249986 : i32
    %eq3A_25 = vector.broadcast %eq3A_24 : i32 to vector<16x512xi32>
    %eq3A_26 = arith.cmpi eq, %get3A_1, %eq3A_25 : vector<16x512xi32>
    %jit3A_27 = arith.constant 0.000000e+00 : f32
    %broadcast_in_dim3A_28 = vector.broadcast %jit3A_27 : f32 to vector<16x512xf32>
    %select_n3A_29 = arith.select %eq3A_26, %reshape3A, %broadcast_in_dim3A_28 : vector<16x512xi1>, vector<16x512xf32>
    %reduce_max3A_30 = arith.constant dense<0xFF800000> : vector<16xf32>
    %reduce_max3A_31 = vector.multi_reduction <maximumf>, %select_n3A_29, %reduce_max3A_30 [1] : vector<16x512xf32> to vector<16xf32>
    %broadcast_in_dim3A_32 = vector.shape_cast %reduce_max3A_31 : vector<16xf32> to vector<16x1xf32>
    %swap3A_33 = arith.constant 0 : index
    %swap3A_34 = arith.constant 2 : index
    %swap3A_35 = vector.load %arg4[%swap3A_33, %swap3A_34] : memref<16x128xf32, #tpu.memory_space<vmem>>, vector<16x1xf32>
    tpu.vector_store %arg4[%swap3A_33, %swap3A_34], %broadcast_in_dim3A_32 {strides = array<i32>} : memref<16x128xf32, #tpu.memory_space<vmem>>, vector<16x1xf32>,
    %eq3A_36 = arith.constant 249987 : i32
    %eq3A_37 = vector.broadcast %eq3A_36 : i32 to vector<16x512xi32>
    %eq3A_38 = arith.cmpi eq, %get3A_1, %eq3A_37 : vector<16x512xi32>
    %jit3A_39 = arith.constant 0.000000e+00 : f32
    %broadcast_in_dim3A_40 = vector.broadcast %jit3A_39 : f32 to vector<16x512xf32>
    %select_n3A_41 = arith.select %eq3A_38, %reshape3A, %broadcast_in_dim3A_40 : vector<16x512xi1>, vector<16x512xf32>
    %reduce_max3A_42 = arith.constant dense<0xFF800000> : vector<16xf32>
    %reduce_max3A_43 = vector.multi_reduction <maximumf>, %select_n3A_41, %reduce_max3A_42 [1] : vector<16x512xf32> to vector<16xf32>
    %broadcast_in_dim3A_44 = vector.shape_cast %reduce_max3A_43 : vector<16xf32> to vector<16x1xf32>
    %swap3A_45 = arith.constant 0 : index
    %swap3A_46 = arith.constant 3 : index
    %swap3A_47 = vector.load %arg4[%swap3A_45, %swap3A_46] : memref<16x128xf32, #tpu.memory_space<vmem>>, vector<16x1xf32>
    tpu.vector_store %arg4[%swap3A_45, %swap3A_46], %broadcast_in_dim3A_44 {strides = array<i32>} : memref<16x128xf32, #tpu.memory_space<vmem>>, vector<16x1xf32>,
    %eq3A_48 = arith.constant 249988 : i32
    %eq3A_49 = vector.broadcast %eq3A_48 : i32 to vector<16x512xi32>
    %eq3A_50 = arith.cmpi eq, %get3A_1, %eq3A_49 : vector<16x512xi32>
    %jit3A_51 = arith.constant 0.000000e+00 : f32
    %broadcast_in_dim3A_52 = vector.broadcast %jit3A_51 : f32 to vector<16x512xf32>
    %select_n3A_53 = arith.select %eq3A_50, %reshape3A, %broadcast_in_dim3A_52 : vector<16x512xi1>, vector<16x512xf32>
    %reduce_max3A_54 = arith.constant dense<0xFF800000> : vector<16xf32>
    %reduce_max3A_55 = vector.multi_reduction <maximumf>, %select_n3A_53, %reduce_max3A_54 [1] : vector<16x512xf32> to vector<16xf32>
    %broadcast_in_dim3A_56 = vector.shape_cast %reduce_max3A_55 : vector<16xf32> to vector<16x1xf32>
    %swap3A_57 = arith.constant 0 : index
    %swap3A_58 = arith.constant 4 : index
    %swap3A_59 = vector.load %arg4[%swap3A_57, %swap3A_58] : memref<16x128xf32, #tpu.memory_space<vmem>>, vector<16x1xf32>
    tpu.vector_store %arg4[%swap3A_57, %swap3A_58], %broadcast_in_dim3A_56 {strides = array<i32>} : memref<16x128xf32, #tpu.memory_space<vmem>>, vector<16x1xf32>,
    %eq3A_60 = arith.constant 249989 : i32
    %eq3A_61 = vector.broadcast %eq3A_60 : i32 to vector<16x512xi32>
    %eq3A_62 = arith.cmpi eq, %get3A_1, %eq3A_61 : vector<16x512xi32>
    %jit3A_63 = arith.constant 0.000000e+00 : f32
    %broadcast_in_dim3A_64 = vector.broadcast %jit3A_63 : f32 to vector<16x512xf32>
    %select_n3A_65 = arith.select %eq3A_62, %reshape3A, %broadcast_in_dim3A_64 : vector<16x512xi1>, vector<16x512xf32>
    %reduce_max3A_66 = arith.constant dense<0xFF800000> : vector<16xf32>
    %reduce_max3A_67 = vector.multi_reduction <maximumf>, %select_n3A_65, %reduce_max3A_66 [1] : vector<16x512xf32> to vector<16xf32>
    %broadcast_in_dim3A_68 = vector.shape_cast %reduce_max3A_67 : vector<16xf32> to vector<16x1xf32>
    %swap3A_69 = arith.constant 0 : index
    %swap3A_70 = arith.constant 5 : index
    %swap3A_71 = vector.load %arg4[%swap3A_69, %swap3A_70] : memref<16x128xf32, #tpu.memory_space<vmem>>, vector<16x1xf32>
    tpu.vector_store %arg4[%swap3A_69, %swap3A_70], %broadcast_in_dim3A_68 {strides = array<i32>} : memref<16x128xf32, #tpu.memory_space<vmem>>, vector<16x1xf32>,
    %eq3A_72 = arith.constant 249990 : i32
    %eq3A_73 = vector.broadcast %eq3A_72 : i32 to vector<16x512xi32>
    %eq3A_74 = arith.cmpi eq, %get3A_1, %eq3A_73 : vector<16x512xi32>
    %jit3A_75 = arith.constant 0.000000e+00 : f32
    %broadcast_in_dim3A_76 = vector.broadcast %jit3A_75 : f32 to vector<16x512xf32>
    %select_n3A_77 = arith.select %eq3A_74, %reshape3A, %broadcast_in_dim3A_76 : vector<16x512xi1>, vector<16x512xf32>
    %reduce_max3A_78 = arith.constant dense<0xFF800000> : vector<16xf32>
    %reduce_max3A_79 = vector.multi_reduction <maximumf>, %select_n3A_77, %reduce_max3A_78 [1] : vector<16x512xf32> to vector<16xf32>
    %broadcast_in_dim3A_80 = vector.shape_cast %reduce_max3A_79 : vector<16xf32> to vector<16x1xf32>
    %swap3A_81 = arith.constant 0 : index
    %swap3A_82 = arith.constant 6 : index
    %swap3A_83 = vector.load %arg4[%swap3A_81, %swap3A_82] : memref<16x128xf32, #tpu.memory_space<vmem>>, vector<16x1xf32>
    tpu.vector_store %arg4[%swap3A_81, %swap3A_82], %broadcast_in_dim3A_80 {strides = array<i32>} : memref<16x128xf32, #tpu.memory_space<vmem>>, vector<16x1xf32>,
    %eq3A_84 = arith.constant 249991 : i32
    %eq3A_85 = vector.broadcast %eq3A_84 : i32 to vector<16x512xi32>
    %eq3A_86 = arith.cmpi eq, %get3A_1, %eq3A_85 : vector<16x512xi32>
    %jit3A_87 = arith.constant 0.000000e+00 : f32
    %broadcast_in_dim3A_88 = vector.broadcast %jit3A_87 : f32 to vector<16x512xf32>
    %select_n3A_89 = arith.select %eq3A_86, %reshape3A, %broadcast_in_dim3A_88 : vector<16x512xi1>, vector<16x512xf32>
    %reduce_max3A_90 = arith.constant dense<0xFF800000> : vector<16xf32>
    %reduce_max3A_91 = vector.multi_reduction <maximumf>, %select_n3A_89, %reduce_max3A_90 [1] : vector<16x512xf32> to vector<16xf32>
    %broadcast_in_dim3A_92 = vector.shape_cast %reduce_max3A_91 : vector<16xf32> to vector<16x1xf32>
    %swap3A_93 = arith.constant 0 : index
    %swap3A_94 = arith.constant 7 : index
    %swap3A_95 = vector.load %arg4[%swap3A_93, %swap3A_94] : memref<16x128xf32, #tpu.memory_space<vmem>>, vector<16x1xf32>
    tpu.vector_store %arg4[%swap3A_93, %swap3A_94], %broadcast_in_dim3A_92 {strides = array<i32>} : memref<16x128xf32, #tpu.memory_space<vmem>>, vector<16x1xf32>,
    %eq3A_96 = arith.constant 249992 : i32
    %eq3A_97 = vector.broadcast %eq3A_96 : i32 to vector<16x512xi32>
    %eq3A_98 = arith.cmpi eq, %get3A_1, %eq3A_97 : vector<16x512xi32>
    %jit3A_99 = arith.constant 0.000000e+00 : f32
    %broadcast_in_dim3A_100 = vector.broadcast %jit3A_99 : f32 to vector<16x512xf32>
    %select_n3A_101 = arith.select %eq3A_98, %reshape3A, %broadcast_in_dim3A_100 : vector<16x512xi1>, vector<16x512xf32>
    %reduce_max3A_102 = arith.constant dense<0xFF800000> : vector<16xf32>
    %reduce_max3A_103 = vector.multi_reduction <maximumf>, %select_n3A_101, %reduce_max3A_102 [1] : vector<16x512xf32> to vector<16xf32>
    %broadcast_in_dim3A_104 = vector.shape_cast %reduce_max3A_103 : vector<16xf32> to vector<16x1xf32>
    %swap3A_105 = arith.constant 0 : index
    %swap3A_106 = arith.constant 8 : index
    %swap3A_107 = vector.load %arg4[%swap3A_105, %swap3A_106] : memref<16x128xf32, #tpu.memory_space<vmem>>, vector<16x1xf32>
    tpu.vector_store %arg4[%swap3A_105, %swap3A_106], %broadcast_in_dim3A_104 {strides = array<i32>} : memref<16x128xf32, #tpu.memory_space<vmem>>, vector<16x1xf32>,
    %eq3A_108 = arith.constant 249993 : i32
    %eq3A_109 = vector.broadcast %eq3A_108 : i32 to vector<16x512xi32>
    %eq3A_110 = arith.cmpi eq, %get3A_1, %eq3A_109 : vector<16x512xi32>
    %jit3A_111 = arith.constant 0.000000e+00 : f32
    %broadcast_in_dim3A_112 = vector.broadcast %jit3A_111 : f32 to vector<16x512xf32>
    %select_n3A_113 = arith.select %eq3A_110, %reshape3A, %broadcast_in_dim3A_112 : vector<16x512xi1>, vector<16x512xf32>
    %reduce_max3A_114 = arith.constant dense<0xFF800000> : vector<16xf32>
    %reduce_max3A_115 = vector.multi_reduction <maximumf>, %select_n3A_113, %reduce_max3A_114 [1] : vector<16x512xf32> to vector<16xf32>
    %broadcast_in_dim3A_116 = vector.shape_cast %reduce_max3A_115 : vector<16xf32> to vector<16x1xf32>
    %swap3A_117 = arith.constant 0 : index
    %swap3A_118 = arith.constant 9 : index
    %swap3A_119 = vector.load %arg4[%swap3A_117, %swap3A_118] : memref<16x128xf32, #tpu.memory_space<vmem>>, vector<16x1xf32>
    tpu.vector_store %arg4[%swap3A_117, %swap3A_118], %broadcast_in_dim3A_116 {strides = array<i32>} : memref<16x128xf32, #tpu.memory_space<vmem>>, vector<16x1xf32>,
    %eq3A_120 = arith.constant 249994 : i32
    %eq3A_121 = vector.broadcast %eq3A_120 : i32 to vector<16x512xi32>
    %eq3A_122 = arith.cmpi eq, %get3A_1, %eq3A_121 : vector<16x512xi32>
    %jit3A_123 = arith.constant 0.000000e+00 : f32
    %broadcast_in_dim3A_124 = vector.broadcast %jit3A_123 : f32 to vector<16x512xf32>
    %select_n3A_125 = arith.select %eq3A_122, %reshape3A, %broadcast_in_dim3A_124 : vector<16x512xi1>, vector<16x512xf32>
    %reduce_max3A_126 = arith.constant dense<0xFF800000> : vector<16xf32>
    %reduce_max3A_127 = vector.multi_reduction <maximumf>, %select_n3A_125, %reduce_max3A_126 [1] : vector<16x512xf32> to vector<16xf32>
    %broadcast_in_dim3A_128 = vector.shape_cast %reduce_max3A_127 : vector<16xf32> to vector<16x1xf32>
    %swap3A_129 = arith.constant 0 : index
    %swap3A_130 = arith.constant 10 : index
    %swap3A_131 = vector.load %arg4[%swap3A_129, %swap3A_130] : memref<16x128xf32, #tpu.memory_space<vmem>>, vector<16x1xf32>
    tpu.vector_store %arg4[%swap3A_129, %swap3A_130], %broadcast_in_dim3A_128 {strides = array<i32>} : memref<16x128xf32, #tpu.memory_space<vmem>>, vector<16x1xf32>,
    %eq3A_132 = arith.constant 249995 : i32
    %eq3A_133 = vector.broadcast %eq3A_132 : i32 to vector<16x512xi32>
    %eq3A_134 = arith.cmpi eq, %get3A_1, %eq3A_133 : vector<16x512xi32>
    %jit3A_135 = arith.constant 0.000000e+00 : f32
    %broadcast_in_dim3A_136 = vector.broadcast %jit3A_135 : f32 to vector<16x512xf32>
    %select_n3A_137 = arith.select %eq3A_134, %reshape3A, %broadcast_in_dim3A_136 : vector<16x512xi1>, vector<16x512xf32>
    %reduce_max3A_138 = arith.constant dense<0xFF800000> : vector<16xf32>
    %reduce_max3A_139 = vector.multi_reduction <maximumf>, %select_n3A_137, %reduce_max3A_138 [1] : vector<16x512xf32> to vector<16xf32>
    %broadcast_in_dim3A_140 = vector.shape_cast %reduce_max3A_139 : vector<16xf32> to vector<16x1xf32>
    %swap3A_141 = arith.constant 0 : index
    %swap3A_142 = arith.constant 11 : index
    %swap3A_143 = vector.load %arg4[%swap3A_141, %swap3A_142] : memref<16x128xf32, #tpu.memory_space<vmem>>, vector<16x1xf32>
    tpu.vector_store %arg4[%swap3A_141, %swap3A_142], %broadcast_in_dim3A_140 {strides = array<i32>} : memref<16x128xf32, #tpu.memory_space<vmem>>, vector<16x1xf32>,
    %eq3A_144 = arith.constant 249996 : i32
    %eq3A_145 = vector.broadcast %eq3A_144 : i32 to vector<16x512xi32>
    %eq3A_146 = arith.cmpi eq, %get3A_1, %eq3A_145 : vector<16x512xi32>
    %jit3A_147 = arith.constant 0.000000e+00 : f32
    %broadcast_in_dim3A_148 = vector.broadcast %jit3A_147 : f32 to vector<16x512xf32>
    %select_n3A_149 = arith.select %eq3A_146, %reshape3A, %broadcast_in_dim3A_148 : vector<16x512xi1>, vector<16x512xf32>
    %reduce_max3A_150 = arith.constant dense<0xFF800000> : vector<16xf32>
    %reduce_max3A_151 = vector.multi_reduction <maximumf>, %select_n3A_149, %reduce_max3A_150 [1] : vector<16x512xf32> to vector<16xf32>
    %broadcast_in_dim3A_152 = vector.shape_cast %reduce_max3A_151 : vector<16xf32> to vector<16x1xf32>
    %swap3A_153 = arith.constant 0 : index
    %swap3A_154 = arith.constant 12 : index
    %swap3A_155 = vector.load %arg4[%swap3A_153, %swap3A_154] : memref<16x128xf32, #tpu.memory_space<vmem>>, vector<16x1xf32>
    tpu.vector_store %arg4[%swap3A_153, %swap3A_154], %broadcast_in_dim3A_152 {strides = array<i32>} : memref<16x128xf32, #tpu.memory_space<vmem>>, vector<16x1xf32>,
    %eq3A_156 = arith.constant 249997 : i32
    %eq3A_157 = vector.broadcast %eq3A_156 : i32 to vector<16x512xi32>
    %eq3A_158 = arith.cmpi eq, %get3A_1, %eq3A_157 : vector<16x512xi32>
    %jit3A_159 = arith.constant 0.000000e+00 : f32
    %broadcast_in_dim3A_160 = vector.broadcast %jit3A_159 : f32 to vector<16x512xf32>
    %select_n3A_161 = arith.select %eq3A_158, %reshape3A, %broadcast_in_dim3A_160 : vector<16x512xi1>, vector<16x512xf32>
    %reduce_max3A_162 = arith.constant dense<0xFF800000> : vector<16xf32>
    %reduce_max3A_163 = vector.multi_reduction <maximumf>, %select_n3A_161, %reduce_max3A_162 [1] : vector<16x512xf32> to vector<16xf32>
    %broadcast_in_dim3A_164 = vector.shape_cast %reduce_max3A_163 : vector<16xf32> to vector<16x1xf32>
    %swap3A_165 = arith.constant 0 : index
    %swap3A_166 = arith.constant 13 : index
    %swap3A_167 = vector.load %arg4[%swap3A_165, %swap3A_166] : memref<16x128xf32, #tpu.memory_space<vmem>>, vector<16x1xf32>
    tpu.vector_store %arg4[%swap3A_165, %swap3A_166], %broadcast_in_dim3A_164 {strides = array<i32>} : memref<16x128xf32, #tpu.memory_space<vmem>>, vector<16x1xf32>,
    %eq3A_168 = arith.constant 249998 : i32
    %eq3A_169 = vector.broadcast %eq3A_168 : i32 to vector<16x512xi32>
    %eq3A_170 = arith.cmpi eq, %get3A_1, %eq3A_169 : vector<16x512xi32>
    %jit3A_171 = arith.constant 0.000000e+00 : f32
    %broadcast_in_dim3A_172 = vector.broadcast %jit3A_171 : f32 to vector<16x512xf32>
    %select_n3A_173 = arith.select %eq3A_170, %reshape3A, %broadcast_in_dim3A_172 : vector<16x512xi1>, vector<16x512xf32>
    %reduce_max3A_174 = arith.constant dense<0xFF800000> : vector<16xf32>
    %reduce_max3A_175 = vector.multi_reduction <maximumf>, %select_n3A_173, %reduce_max3A_174 [1] : vector<16x512xf32> to vector<16xf32>
    %broadcast_in_dim3A_176 = vector.shape_cast %reduce_max3A_175 : vector<16xf32> to vector<16x1xf32>
    %swap3A_177 = arith.constant 0 : index
    %swap3A_178 = arith.constant 14 : index
    %swap3A_179 = vector.load %arg4[%swap3A_177, %swap3A_178] : memref<16x128xf32, #tpu.memory_space<vmem>>, vector<16x1xf32>
    tpu.vector_store %arg4[%swap3A_177, %swap3A_178], %broadcast_in_dim3A_176 {strides = array<i32>} : memref<16x128xf32, #tpu.memory_space<vmem>>, vector<16x1xf32>,
    %eq3A_180 = arith.constant 249999 : i32
    %eq3A_181 = vector.broadcast %eq3A_180 : i32 to vector<16x512xi32>
    %eq3A_182 = arith.cmpi eq, %get3A_1, %eq3A_181 : vector<16x512xi32>
    %jit3A_183 = arith.constant 0.000000e+00 : f32
    %broadcast_in_dim3A_184 = vector.broadcast %jit3A_183 : f32 to vector<16x512xf32>
    %select_n3A_185 = arith.select %eq3A_182, %reshape3A, %broadcast_in_dim3A_184 : vector<16x512xi1>, vector<16x512xf32>
    %reduce_max3A_186 = arith.constant dense<0xFF800000> : vector<16xf32>
    %reduce_max3A_187 = vector.multi_reduction <maximumf>, %select_n3A_185, %reduce_max3A_186 [1] : vector<16x512xf32> to vector<16xf32>
    %broadcast_in_dim3A_188 = vector.shape_cast %reduce_max3A_187 : vector<16xf32> to vector<16x1xf32>
    %swap3A_189 = arith.constant 0 : index
    %swap3A_190 = arith.constant 15 : index
    %swap3A_191 = vector.load %arg4[%swap3A_189, %swap3A_190] : memref<16x128xf32, #tpu.memory_space<vmem>>, vector<16x1xf32>
    tpu.vector_store %arg4[%swap3A_189, %swap3A_190], %broadcast_in_dim3A_188 {strides = array<i32>} : memref<16x128xf32, #tpu.memory_space<vmem>>, vector<16x1xf32>,
    %eq3A_192 = arith.constant 250000 : i32
    %eq3A_193 = vector.broadcast %eq3A_192 : i32 to vector<16x512xi32>
    %eq3A_194 = arith.cmpi eq, %get3A_1, %eq3A_193 : vector<16x512xi32>
    %jit3A_195 = arith.constant 0.000000e+00 : f32
    %broadcast_in_dim3A_196 = vector.broadcast %jit3A_195 : f32 to vector<16x512xf32>
    %select_n3A_197 = arith.select %eq3A_194, %reshape3A, %broadcast_in_dim3A_196 : vector<16x512xi1>, vector<16x512xf32>
    %reduce_max3A_198 = arith.constant dense<0xFF800000> : vector<16xf32>
    %reduce_max3A_199 = vector.multi_reduction <maximumf>, %select_n3A_197, %reduce_max3A_198 [1] : vector<16x512xf32> to vector<16xf32>
    %broadcast_in_dim3A_200 = vector.shape_cast %reduce_max3A_199 : vector<16xf32> to vector<16x1xf32>
    %swap3A_201 = arith.constant 0 : index
    %swap3A_202 = arith.constant 16 : index
    %swap3A_203 = vector.load %arg4[%swap3A_201, %swap3A_202] : memref<16x128xf32, #tpu.memory_space<vmem>>, vector<16x1xf32>
    tpu.vector_store %arg4[%swap3A_201, %swap3A_202], %broadcast_in_dim3A_200 {strides = array<i32>} : memref<16x128xf32, #tpu.memory_space<vmem>>, vector<16x1xf32>,
    %eq3A_204 = arith.constant 250001 : i32
    %eq3A_205 = vector.broadcast %eq3A_204 : i32 to vector<16x512xi32>
    %eq3A_206 = arith.cmpi eq, %get3A_1, %eq3A_205 : vector<16x512xi32>
    %jit3A_207 = arith.constant 0.000000e+00 : f32
    %broadcast_in_dim3A_208 = vector.broadcast %jit3A_207 : f32 to vector<16x512xf32>
    %select_n3A_209 = arith.select %eq3A_206, %reshape3A, %broadcast_in_dim3A_208 : vector<16x512xi1>, vector<16x512xf32>
    %reduce_max3A_210 = arith.constant dense<0xFF800000> : vector<16xf32>
    %reduce_max3A_211 = vector.multi_reduction <maximumf>, %select_n3A_209, %reduce_max3A_210 [1] : vector<16x512xf32> to vector<16xf32>
    %broadcast_in_dim3A_212 = vector.shape_cast %reduce_max3A_211 : vector<16xf32> to vector<16x1xf32>
    %swap3A_213 = arith.constant 0 : index
    %swap3A_214 = arith.constant 17 : index
    %swap3A_215 = vector.load %arg4[%swap3A_213, %swap3A_214] : memref<16x128xf32, #tpu.memory_space<vmem>>, vector<16x1xf32>
    tpu.vector_store %arg4[%swap3A_213, %swap3A_214], %broadcast_in_dim3A_212 {strides = array<i32>} : memref<16x128xf32, #tpu.memory_space<vmem>>, vector<16x1xf32>,
    %eq3A_216 = arith.constant 250002 : i32
    %eq3A_217 = vector.broadcast %eq3A_216 : i32 to vector<16x512xi32>
    %eq3A_218 = arith.cmpi eq, %get3A_1, %eq3A_217 : vector<16x512xi32>
    %jit3A_219 = arith.constant 0.000000e+00 : f32
    %broadcast_in_dim3A_220 = vector.broadcast %jit3A_219 : f32 to vector<16x512xf32>
    %select_n3A_221 = arith.select %eq3A_218, %reshape3A, %broadcast_in_dim3A_220 : vector<16x512xi1>, vector<16x512xf32>
    %reduce_max3A_222 = arith.constant dense<0xFF800000> : vector<16xf32>
    %reduce_max3A_223 = vector.multi_reduction <maximumf>, %select_n3A_221, %reduce_max3A_222 [1] : vector<16x512xf32> to vector<16xf32>
    %broadcast_in_dim3A_224 = vector.shape_cast %reduce_max3A_223 : vector<16xf32> to vector<16x1xf32>
    %swap3A_225 = arith.constant 0 : index
    %swap3A_226 = arith.constant 18 : index
    %swap3A_227 = vector.load %arg4[%swap3A_225, %swap3A_226] : memref<16x128xf32, #tpu.memory_space<vmem>>, vector<16x1xf32>
    tpu.vector_store %arg4[%swap3A_225, %swap3A_226], %broadcast_in_dim3A_224 {strides = array<i32>} : memref<16x128xf32, #tpu.memory_space<vmem>>, vector<16x1xf32>,
    %eq3A_228 = arith.constant 250003 : i32
    %eq3A_229 = vector.broadcast %eq3A_228 : i32 to vector<16x512xi32>
    %eq3A_230 = arith.cmpi eq, %get3A_1, %eq3A_229 : vector<16x512xi32>
    %jit3A_231 = arith.constant 0.000000e+00 : f32
    %broadcast_in_dim3A_232 = vector.broadcast %jit3A_231 : f32 to vector<16x512xf32>
    %select_n3A_233 = arith.select %eq3A_230, %reshape3A, %broadcast_in_dim3A_232 : vector<16x512xi1>, vector<16x512xf32>
    %reduce_max3A_234 = arith.constant dense<0xFF800000> : vector<16xf32>
    %reduce_max3A_235 = vector.multi_reduction <maximumf>, %select_n3A_233, %reduce_max3A_234 [1] : vector<16x512xf32> to vector<16xf32>
    %broadcast_in_dim3A_236 = vector.shape_cast %reduce_max3A_235 : vector<16xf32> to vector<16x1xf32>
    %swap3A_237 = arith.constant 0 : index
    %swap3A_238 = arith.constant 19 : index
    %swap3A_239 = vector.load %arg4[%swap3A_237, %swap3A_238] : memref<16x128xf32, #tpu.memory_space<vmem>>, vector<16x1xf32>
    tpu.vector_store %arg4[%swap3A_237, %swap3A_238], %broadcast_in_dim3A_236 {strides = array<i32>} : memref<16x128xf32, #tpu.memory_space<vmem>>, vector<16x1xf32>,
    %eq3A_240 = arith.constant 250004 : i32
    %eq3A_241 = vector.broadcast %eq3A_240 : i32 to vector<16x512xi32>
    %eq3A_242 = arith.cmpi eq, %get3A_1, %eq3A_241 : vector<16x512xi32>
    %jit3A_243 = arith.constant 0.000000e+00 : f32
    %broadcast_in_dim3A_244 = vector.broadcast %jit3A_243 : f32 to vector<16x512xf32>
    %select_n3A_245 = arith.select %eq3A_242, %reshape3A, %broadcast_in_dim3A_244 : vector<16x512xi1>, vector<16x512xf32>
    %reduce_max3A_246 = arith.constant dense<0xFF800000> : vector<16xf32>
    %reduce_max3A_247 = vector.multi_reduction <maximumf>, %select_n3A_245, %reduce_max3A_246 [1] : vector<16x512xf32> to vector<16xf32>
    %broadcast_in_dim3A_248 = vector.shape_cast %reduce_max3A_247 : vector<16xf32> to vector<16x1xf32>
    %swap3A_249 = arith.constant 0 : index
    %swap3A_250 = arith.constant 20 : index
    %swap3A_251 = vector.load %arg4[%swap3A_249, %swap3A_250] : memref<16x128xf32, #tpu.memory_space<vmem>>, vector<16x1xf32>
    tpu.vector_store %arg4[%swap3A_249, %swap3A_250], %broadcast_in_dim3A_248 {strides = array<i32>} : memref<16x128xf32, #tpu.memory_space<vmem>>, vector<16x1xf32>,
    %eq3A_252 = arith.constant 250005 : i32
    %eq3A_253 = vector.broadcast %eq3A_252 : i32 to vector<16x512xi32>
    %eq3A_254 = arith.cmpi eq, %get3A_1, %eq3A_253 : vector<16x512xi32>
    %jit3A_255 = arith.constant 0.000000e+00 : f32
    %broadcast_in_dim3A_256 = vector.broadcast %jit3A_255 : f32 to vector<16x512xf32>
    %select_n3A_257 = arith.select %eq3A_254, %reshape3A, %broadcast_in_dim3A_256 : vector<16x512xi1>, vector<16x512xf32>
    %reduce_max3A_258 = arith.constant dense<0xFF800000> : vector<16xf32>
    %reduce_max3A_259 = vector.multi_reduction <maximumf>, %select_n3A_257, %reduce_max3A_258 [1] : vector<16x512xf32> to vector<16xf32>
    %broadcast_in_dim3A_260 = vector.shape_cast %reduce_max3A_259 : vector<16xf32> to vector<16x1xf32>
    %swap3A_261 = arith.constant 0 : index
    %swap3A_262 = arith.constant 21 : index
    %swap3A_263 = vector.load %arg4[%swap3A_261, %swap3A_262] : memref<16x128xf32, #tpu.memory_space<vmem>>, vector<16x1xf32>
    tpu.vector_store %arg4[%swap3A_261, %swap3A_262], %broadcast_in_dim3A_260 {strides = array<i32>} : memref<16x128xf32, #tpu.memory_space<vmem>>, vector<16x1xf32>,
    %eq3A_264 = arith.constant 250006 : i32
    %eq3A_265 = vector.broadcast %eq3A_264 : i32 to vector<16x512xi32>
    %eq3A_266 = arith.cmpi eq, %get3A_1, %eq3A_265 : vector<16x512xi32>
    %jit3A_267 = arith.constant 0.000000e+00 : f32
    %broadcast_in_dim3A_268 = vector.broadcast %jit3A_267 : f32 to vector<16x512xf32>
    %select_n3A_269 = arith.select %eq3A_266, %reshape3A, %broadcast_in_dim3A_268 : vector<16x512xi1>, vector<16x512xf32>
    %reduce_max3A_270 = arith.constant dense<0xFF800000> : vector<16xf32>
    %reduce_max3A_271 = vector.multi_reduction <maximumf>, %select_n3A_269, %reduce_max3A_270 [1] : vector<16x512xf32> to vector<16xf32>
    %broadcast_in_dim3A_272 = vector.shape_cast %reduce_max3A_271 : vector<16xf32> to vector<16x1xf32>
    %swap3A_273 = arith.constant 0 : index
    %swap3A_274 = arith.constant 22 : index
    %swap3A_275 = vector.load %arg4[%swap3A_273, %swap3A_274] : memref<16x128xf32, #tpu.memory_space<vmem>>, vector<16x1xf32>
    tpu.vector_store %arg4[%swap3A_273, %swap3A_274], %broadcast_in_dim3A_272 {strides = array<i32>} : memref<16x128xf32, #tpu.memory_space<vmem>>, vector<16x1xf32>,
    %eq3A_276 = arith.constant 250007 : i32
    %eq3A_277 = vector.broadcast %eq3A_276 : i32 to vector<16x512xi32>
    %eq3A_278 = arith.cmpi eq, %get3A_1, %eq3A_277 : vector<16x512xi32>
    %jit3A_279 = arith.constant 0.000000e+00 : f32
    %broadcast_in_dim3A_280 = vector.broadcast %jit3A_279 : f32 to vector<16x512xf32>
    %select_n3A_281 = arith.select %eq3A_278, %reshape3A, %broadcast_in_dim3A_280 : vector<16x512xi1>, vector<16x512xf32>
    %reduce_max3A_282 = arith.constant dense<0xFF800000> : vector<16xf32>
    %reduce_max3A_283 = vector.multi_reduction <maximumf>, %select_n3A_281, %reduce_max3A_282 [1] : vector<16x512xf32> to vector<16xf32>
    %broadcast_in_dim3A_284 = vector.shape_cast %reduce_max3A_283 : vector<16xf32> to vector<16x1xf32>
    %swap3A_285 = arith.constant 0 : index
    %swap3A_286 = arith.constant 23 : index
    %swap3A_287 = vector.load %arg4[%swap3A_285, %swap3A_286] : memref<16x128xf32, #tpu.memory_space<vmem>>, vector<16x1xf32>
    tpu.vector_store %arg4[%swap3A_285, %swap3A_286], %broadcast_in_dim3A_284 {strides = array<i32>} : memref<16x128xf32, #tpu.memory_space<vmem>>, vector<16x1xf32>,
    %eq3A_288 = arith.constant 250008 : i32
    %eq3A_289 = vector.broadcast %eq3A_288 : i32 to vector<16x512xi32>
    %eq3A_290 = arith.cmpi eq, %get3A_1, %eq3A_289 : vector<16x512xi32>
    %jit3A_291 = arith.constant 0.000000e+00 : f32
    %broadcast_in_dim3A_292 = vector.broadcast %jit3A_291 : f32 to vector<16x512xf32>
    %select_n3A_293 = arith.select %eq3A_290, %reshape3A, %broadcast_in_dim3A_292 : vector<16x512xi1>, vector<16x512xf32>
    %reduce_max3A_294 = arith.constant dense<0xFF800000> : vector<16xf32>
    %reduce_max3A_295 = vector.multi_reduction <maximumf>, %select_n3A_293, %reduce_max3A_294 [1] : vector<16x512xf32> to vector<16xf32>
    %broadcast_in_dim3A_296 = vector.shape_cast %reduce_max3A_295 : vector<16xf32> to vector<16x1xf32>
    %swap3A_297 = arith.constant 0 : index
    %swap3A_298 = arith.constant 24 : index
    %swap3A_299 = vector.load %arg4[%swap3A_297, %swap3A_298] : memref<16x128xf32, #tpu.memory_space<vmem>>, vector<16x1xf32>
    tpu.vector_store %arg4[%swap3A_297, %swap3A_298], %broadcast_in_dim3A_296 {strides = array<i32>} : memref<16x128xf32, #tpu.memory_space<vmem>>, vector<16x1xf32>,
    %eq3A_300 = arith.constant 250009 : i32
    %eq3A_301 = vector.broadcast %eq3A_300 : i32 to vector<16x512xi32>
    %eq3A_302 = arith.cmpi eq, %get3A_1, %eq3A_301 : vector<16x512xi32>
    %jit3A_303 = arith.constant 0.000000e+00 : f32
    %broadcast_in_dim3A_304 = vector.broadcast %jit3A_303 : f32 to vector<16x512xf32>
    %select_n3A_305 = arith.select %eq3A_302, %reshape3A, %broadcast_in_dim3A_304 : vector<16x512xi1>, vector<16x512xf32>
    %reduce_max3A_306 = arith.constant dense<0xFF800000> : vector<16xf32>
    %reduce_max3A_307 = vector.multi_reduction <maximumf>, %select_n3A_305, %reduce_max3A_306 [1] : vector<16x512xf32> to vector<16xf32>
    %broadcast_in_dim3A_308 = vector.shape_cast %reduce_max3A_307 : vector<16xf32> to vector<16x1xf32>
    %swap3A_309 = arith.constant 0 : index
    %swap3A_310 = arith.constant 25 : index
    %swap3A_311 = vector.load %arg4[%swap3A_309, %swap3A_310] : memref<16x128xf32, #tpu.memory_space<vmem>>, vector<16x1xf32>
    tpu.vector_store %arg4[%swap3A_309, %swap3A_310], %broadcast_in_dim3A_308 {strides = array<i32>} : memref<16x128xf32, #tpu.memory_space<vmem>>, vector<16x1xf32>,
    %eq3A_312 = arith.constant 250010 : i32
    %eq3A_313 = vector.broadcast %eq3A_312 : i32 to vector<16x512xi32>
    %eq3A_314 = arith.cmpi eq, %get3A_1, %eq3A_313 : vector<16x512xi32>
    %jit3A_315 = arith.constant 0.000000e+00 : f32
    %broadcast_in_dim3A_316 = vector.broadcast %jit3A_315 : f32 to vector<16x512xf32>
    %select_n3A_317 = arith.select %eq3A_314, %reshape3A, %broadcast_in_dim3A_316 : vector<16x512xi1>, vector<16x512xf32>
    %reduce_max3A_318 = arith.constant dense<0xFF800000> : vector<16xf32>
    %reduce_max3A_319 = vector.multi_reduction <maximumf>, %select_n3A_317, %reduce_max3A_318 [1] : vector<16x512xf32> to vector<16xf32>
    %broadcast_in_dim3A_320 = vector.shape_cast %reduce_max3A_319 : vector<16xf32> to vector<16x1xf32>
    %swap3A_321 = arith.constant 0 : index
    %swap3A_322 = arith.constant 26 : index
    %swap3A_323 = vector.load %arg4[%swap3A_321, %swap3A_322] : memref<16x128xf32, #tpu.memory_space<vmem>>, vector<16x1xf32>
    tpu.vector_store %arg4[%swap3A_321, %swap3A_322], %broadcast_in_dim3A_320 {strides = array<i32>} : memref<16x128xf32, #tpu.memory_space<vmem>>, vector<16x1xf32>,
    %eq3A_324 = arith.constant 250011 : i32
    %eq3A_325 = vector.broadcast %eq3A_324 : i32 to vector<16x512xi32>
    %eq3A_326 = arith.cmpi eq, %get3A_1, %eq3A_325 : vector<16x512xi32>
    %jit3A_327 = arith.constant 0.000000e+00 : f32
    %broadcast_in_dim3A_328 = vector.broadcast %jit3A_327 : f32 to vector<16x512xf32>
    %select_n3A_329 = arith.select %eq3A_326, %reshape3A, %broadcast_in_dim3A_328 : vector<16x512xi1>, vector<16x512xf32>
    %reduce_max3A_330 = arith.constant dense<0xFF800000> : vector<16xf32>
    %reduce_max3A_331 = vector.multi_reduction <maximumf>, %select_n3A_329, %reduce_max3A_330 [1] : vector<16x512xf32> to vector<16xf32>
    %broadcast_in_dim3A_332 = vector.shape_cast %reduce_max3A_331 : vector<16xf32> to vector<16x1xf32>
    %swap3A_333 = arith.constant 0 : index
    %swap3A_334 = arith.constant 27 : index
    %swap3A_335 = vector.load %arg4[%swap3A_333, %swap3A_334] : memref<16x128xf32, #tpu.memory_space<vmem>>, vector<16x1xf32>
    tpu.vector_store %arg4[%swap3A_333, %swap3A_334], %broadcast_in_dim3A_332 {strides = array<i32>} : memref<16x128xf32, #tpu.memory_space<vmem>>, vector<16x1xf32>,
    %eq3A_336 = arith.constant 250012 : i32
    %eq3A_337 = vector.broadcast %eq3A_336 : i32 to vector<16x512xi32>
    %eq3A_338 = arith.cmpi eq, %get3A_1, %eq3A_337 : vector<16x512xi32>
    %jit3A_339 = arith.constant 0.000000e+00 : f32
    %broadcast_in_dim3A_340 = vector.broadcast %jit3A_339 : f32 to vector<16x512xf32>
    %select_n3A_341 = arith.select %eq3A_338, %reshape3A, %broadcast_in_dim3A_340 : vector<16x512xi1>, vector<16x512xf32>
    %reduce_max3A_342 = arith.constant dense<0xFF800000> : vector<16xf32>
    %reduce_max3A_343 = vector.multi_reduction <maximumf>, %select_n3A_341, %reduce_max3A_342 [1] : vector<16x512xf32> to vector<16xf32>
    %broadcast_in_dim3A_344 = vector.shape_cast %reduce_max3A_343 : vector<16xf32> to vector<16x1xf32>
    %swap3A_345 = arith.constant 0 : index
    %swap3A_346 = arith.constant 28 : index
    %swap3A_347 = vector.load %arg4[%swap3A_345, %swap3A_346] : memref<16x128xf32, #tpu.memory_space<vmem>>, vector<16x1xf32>
    tpu.vector_store %arg4[%swap3A_345, %swap3A_346], %broadcast_in_dim3A_344 {strides = array<i32>} : memref<16x128xf32, #tpu.memory_space<vmem>>, vector<16x1xf32>,
    %eq3A_348 = arith.constant 250013 : i32
    %eq3A_349 = vector.broadcast %eq3A_348 : i32 to vector<16x512xi32>
    %eq3A_350 = arith.cmpi eq, %get3A_1, %eq3A_349 : vector<16x512xi32>
    %jit3A_351 = arith.constant 0.000000e+00 : f32
    %broadcast_in_dim3A_352 = vector.broadcast %jit3A_351 : f32 to vector<16x512xf32>
    %select_n3A_353 = arith.select %eq3A_350, %reshape3A, %broadcast_in_dim3A_352 : vector<16x512xi1>, vector<16x512xf32>
    %reduce_max3A_354 = arith.constant dense<0xFF800000> : vector<16xf32>
    %reduce_max3A_355 = vector.multi_reduction <maximumf>, %select_n3A_353, %reduce_max3A_354 [1] : vector<16x512xf32> to vector<16xf32>
    %broadcast_in_dim3A_356 = vector.shape_cast %reduce_max3A_355 : vector<16xf32> to vector<16x1xf32>
    %swap3A_357 = arith.constant 0 : index
    %swap3A_358 = arith.constant 29 : index
    %swap3A_359 = vector.load %arg4[%swap3A_357, %swap3A_358] : memref<16x128xf32, #tpu.memory_space<vmem>>, vector<16x1xf32>
    tpu.vector_store %arg4[%swap3A_357, %swap3A_358], %broadcast_in_dim3A_356 {strides = array<i32>} : memref<16x128xf32, #tpu.memory_space<vmem>>, vector<16x1xf32>,
    %eq3A_360 = arith.constant 250014 : i32
    %eq3A_361 = vector.broadcast %eq3A_360 : i32 to vector<16x512xi32>
    %eq3A_362 = arith.cmpi eq, %get3A_1, %eq3A_361 : vector<16x512xi32>
    %jit3A_363 = arith.constant 0.000000e+00 : f32
    %broadcast_in_dim3A_364 = vector.broadcast %jit3A_363 : f32 to vector<16x512xf32>
    %select_n3A_365 = arith.select %eq3A_362, %reshape3A, %broadcast_in_dim3A_364 : vector<16x512xi1>, vector<16x512xf32>
    %reduce_max3A_366 = arith.constant dense<0xFF800000> : vector<16xf32>
    %reduce_max3A_367 = vector.multi_reduction <maximumf>, %select_n3A_365, %reduce_max3A_366 [1] : vector<16x512xf32> to vector<16xf32>
    %broadcast_in_dim3A_368 = vector.shape_cast %reduce_max3A_367 : vector<16xf32> to vector<16x1xf32>
    %swap3A_369 = arith.constant 0 : index
    %swap3A_370 = arith.constant 30 : index
    %swap3A_371 = vector.load %arg4[%swap3A_369, %swap3A_370] : memref<16x128xf32, #tpu.memory_space<vmem>>, vector<16x1xf32>
    tpu.vector_store %arg4[%swap3A_369, %swap3A_370], %broadcast_in_dim3A_368 {strides = array<i32>} : memref<16x128xf32, #tpu.memory_space<vmem>>, vector<16x1xf32>,
    %eq3A_372 = arith.constant 250015 : i32
    %eq3A_373 = vector.broadcast %eq3A_372 : i32 to vector<16x512xi32>
    %eq3A_374 = arith.cmpi eq, %get3A_1, %eq3A_373 : vector<16x512xi32>
    %jit3A_375 = arith.constant 0.000000e+00 : f32
    %broadcast_in_dim3A_376 = vector.broadcast %jit3A_375 : f32 to vector<16x512xf32>
    %select_n3A_377 = arith.select %eq3A_374, %reshape3A, %broadcast_in_dim3A_376 : vector<16x512xi1>, vector<16x512xf32>
    %reduce_max3A_378 = arith.constant dense<0xFF800000> : vector<16xf32>
    %reduce_max3A_379 = vector.multi_reduction <maximumf>, %select_n3A_377, %reduce_max3A_378 [1] : vector<16x512xf32> to vector<16xf32>
    %broadcast_in_dim3A_380 = vector.shape_cast %reduce_max3A_379 : vector<16xf32> to vector<16x1xf32>
    %swap3A_381 = arith.constant 0 : index
    %swap3A_382 = arith.constant 31 : index
    %swap3A_383 = vector.load %arg4[%swap3A_381, %swap3A_382] : memref<16x128xf32, #tpu.memory_space<vmem>>, vector<16x1xf32>
    tpu.vector_store %arg4[%swap3A_381, %swap3A_382], %broadcast_in_dim3A_380 {strides = array<i32>} : memref<16x128xf32, #tpu.memory_space<vmem>>, vector<16x1xf32>,
    %eq3A_384 = arith.constant 250016 : i32
    %eq3A_385 = vector.broadcast %eq3A_384 : i32 to vector<16x512xi32>
    %eq3A_386 = arith.cmpi eq, %get3A_1, %eq3A_385 : vector<16x512xi32>
    %jit3A_387 = arith.constant 0.000000e+00 : f32
    %broadcast_in_dim3A_388 = vector.broadcast %jit3A_387 : f32 to vector<16x512xf32>
    %select_n3A_389 = arith.select %eq3A_386, %reshape3A, %broadcast_in_dim3A_388 : vector<16x512xi1>, vector<16x512xf32>
    %reduce_max3A_390 = arith.constant dense<0xFF800000> : vector<16xf32>
    %reduce_max3A_391 = vector.multi_reduction <maximumf>, %select_n3A_389, %reduce_max3A_390 [1] : vector<16x512xf32> to vector<16xf32>
    %broadcast_in_dim3A_392 = vector.shape_cast %reduce_max3A_391 : vector<16xf32> to vector<16x1xf32>
    %swap3A_393 = arith.constant 0 : index
    %swap3A_394 = arith.constant 32 : index
    %swap3A_395 = vector.load %arg4[%swap3A_393, %swap3A_394] : memref<16x128xf32, #tpu.memory_space<vmem>>, vector<16x1xf32>
    tpu.vector_store %arg4[%swap3A_393, %swap3A_394], %broadcast_in_dim3A_392 {strides = array<i32>} : memref<16x128xf32, #tpu.memory_space<vmem>>, vector<16x1xf32>,
    %eq3A_396 = arith.constant 250017 : i32
    %eq3A_397 = vector.broadcast %eq3A_396 : i32 to vector<16x512xi32>
    %eq3A_398 = arith.cmpi eq, %get3A_1, %eq3A_397 : vector<16x512xi32>
    %jit3A_399 = arith.constant 0.000000e+00 : f32
    %broadcast_in_dim3A_400 = vector.broadcast %jit3A_399 : f32 to vector<16x512xf32>
    %select_n3A_401 = arith.select %eq3A_398, %reshape3A, %broadcast_in_dim3A_400 : vector<16x512xi1>, vector<16x512xf32>
    %reduce_max3A_402 = arith.constant dense<0xFF800000> : vector<16xf32>
    %reduce_max3A_403 = vector.multi_reduction <maximumf>, %select_n3A_401, %reduce_max3A_402 [1] : vector<16x512xf32> to vector<16xf32>
    %broadcast_in_dim3A_404 = vector.shape_cast %reduce_max3A_403 : vector<16xf32> to vector<16x1xf32>
    %swap3A_405 = arith.constant 0 : index
    %swap3A_406 = arith.constant 33 : index
    %swap3A_407 = vector.load %arg4[%swap3A_405, %swap3A_406] : memref<16x128xf32, #tpu.memory_space<vmem>>, vector<16x1xf32>
    tpu.vector_store %arg4[%swap3A_405, %swap3A_406], %broadcast_in_dim3A_404 {strides = array<i32>} : memref<16x128xf32, #tpu.memory_space<vmem>>, vector<16x1xf32>,
    %eq3A_408 = arith.constant 250018 : i32
    %eq3A_409 = vector.broadcast %eq3A_408 : i32 to vector<16x512xi32>
    %eq3A_410 = arith.cmpi eq, %get3A_1, %eq3A_409 : vector<16x512xi32>
    %jit3A_411 = arith.constant 0.000000e+00 : f32
    %broadcast_in_dim3A_412 = vector.broadcast %jit3A_411 : f32 to vector<16x512xf32>
    %select_n3A_413 = arith.select %eq3A_410, %reshape3A, %broadcast_in_dim3A_412 : vector<16x512xi1>, vector<16x512xf32>
    %reduce_max3A_414 = arith.constant dense<0xFF800000> : vector<16xf32>
    %reduce_max3A_415 = vector.multi_reduction <maximumf>, %select_n3A_413, %reduce_max3A_414 [1] : vector<16x512xf32> to vector<16xf32>
    %broadcast_in_dim3A_416 = vector.shape_cast %reduce_max3A_415 : vector<16xf32> to vector<16x1xf32>
    %swap3A_417 = arith.constant 0 : index
    %swap3A_418 = arith.constant 34 : index
    %swap3A_419 = vector.load %arg4[%swap3A_417, %swap3A_418] : memref<16x128xf32, #tpu.memory_space<vmem>>, vector<16x1xf32>
    tpu.vector_store %arg4[%swap3A_417, %swap3A_418], %broadcast_in_dim3A_416 {strides = array<i32>} : memref<16x128xf32, #tpu.memory_space<vmem>>, vector<16x1xf32>,
    %eq3A_420 = arith.constant 250019 : i32
    %eq3A_421 = vector.broadcast %eq3A_420 : i32 to vector<16x512xi32>
    %eq3A_422 = arith.cmpi eq, %get3A_1, %eq3A_421 : vector<16x512xi32>
    %jit3A_423 = arith.constant 0.000000e+00 : f32
    %broadcast_in_dim3A_424 = vector.broadcast %jit3A_423 : f32 to vector<16x512xf32>
    %select_n3A_425 = arith.select %eq3A_422, %reshape3A, %broadcast_in_dim3A_424 : vector<16x512xi1>, vector<16x512xf32>
    %reduce_max3A_426 = arith.constant dense<0xFF800000> : vector<16xf32>
    %reduce_max3A_427 = vector.multi_reduction <maximumf>, %select_n3A_425, %reduce_max3A_426 [1] : vector<16x512xf32> to vector<16xf32>
    %broadcast_in_dim3A_428 = vector.shape_cast %reduce_max3A_427 : vector<16xf32> to vector<16x1xf32>
    %swap3A_429 = arith.constant 0 : index
    %swap3A_430 = arith.constant 35 : index
    %swap3A_431 = vector.load %arg4[%swap3A_429, %swap3A_430] : memref<16x128xf32, #tpu.memory_space<vmem>>, vector<16x1xf32>
    tpu.vector_store %arg4[%swap3A_429, %swap3A_430], %broadcast_in_dim3A_428 {strides = array<i32>} : memref<16x128xf32, #tpu.memory_space<vmem>>, vector<16x1xf32>,
    %eq3A_432 = arith.constant 250020 : i32
    %eq3A_433 = vector.broadcast %eq3A_432 : i32 to vector<16x512xi32>
    %eq3A_434 = arith.cmpi eq, %get3A_1, %eq3A_433 : vector<16x512xi32>
    %jit3A_435 = arith.constant 0.000000e+00 : f32
    %broadcast_in_dim3A_436 = vector.broadcast %jit3A_435 : f32 to vector<16x512xf32>
    %select_n3A_437 = arith.select %eq3A_434, %reshape3A, %broadcast_in_dim3A_436 : vector<16x512xi1>, vector<16x512xf32>
    %reduce_max3A_438 = arith.constant dense<0xFF800000> : vector<16xf32>
    %reduce_max3A_439 = vector.multi_reduction <maximumf>, %select_n3A_437, %reduce_max3A_438 [1] : vector<16x512xf32> to vector<16xf32>
    %broadcast_in_dim3A_440 = vector.shape_cast %reduce_max3A_439 : vector<16xf32> to vector<16x1xf32>
    %swap3A_441 = arith.constant 0 : index
    %swap3A_442 = arith.constant 36 : index
    %swap3A_443 = vector.load %arg4[%swap3A_441, %swap3A_442] : memref<16x128xf32, #tpu.memory_space<vmem>>, vector<16x1xf32>
    tpu.vector_store %arg4[%swap3A_441, %swap3A_442], %broadcast_in_dim3A_440 {strides = array<i32>} : memref<16x128xf32, #tpu.memory_space<vmem>>, vector<16x1xf32>,
    %eq3A_444 = arith.constant 250021 : i32
    %eq3A_445 = vector.broadcast %eq3A_444 : i32 to vector<16x512xi32>
    %eq3A_446 = arith.cmpi eq, %get3A_1, %eq3A_445 : vector<16x512xi32>
    %jit3A_447 = arith.constant 0.000000e+00 : f32
    %broadcast_in_dim3A_448 = vector.broadcast %jit3A_447 : f32 to vector<16x512xf32>
    %select_n3A_449 = arith.select %eq3A_446, %reshape3A, %broadcast_in_dim3A_448 : vector<16x512xi1>, vector<16x512xf32>
    %reduce_max3A_450 = arith.constant dense<0xFF800000> : vector<16xf32>
    %reduce_max3A_451 = vector.multi_reduction <maximumf>, %select_n3A_449, %reduce_max3A_450 [1] : vector<16x512xf32> to vector<16xf32>
    %broadcast_in_dim3A_452 = vector.shape_cast %reduce_max3A_451 : vector<16xf32> to vector<16x1xf32>
    %swap3A_453 = arith.constant 0 : index
    %swap3A_454 = arith.constant 37 : index
    %swap3A_455 = vector.load %arg4[%swap3A_453, %swap3A_454] : memref<16x128xf32, #tpu.memory_space<vmem>>, vector<16x1xf32>
    tpu.vector_store %arg4[%swap3A_453, %swap3A_454], %broadcast_in_dim3A_452 {strides = array<i32>} : memref<16x128xf32, #tpu.memory_space<vmem>>, vector<16x1xf32>,
    %eq3A_456 = arith.constant 250022 : i32
    %eq3A_457 = vector.broadcast %eq3A_456 : i32 to vector<16x512xi32>
    %eq3A_458 = arith.cmpi eq, %get3A_1, %eq3A_457 : vector<16x512xi32>
    %jit3A_459 = arith.constant 0.000000e+00 : f32
    %broadcast_in_dim3A_460 = vector.broadcast %jit3A_459 : f32 to vector<16x512xf32>
    %select_n3A_461 = arith.select %eq3A_458, %reshape3A, %broadcast_in_dim3A_460 : vector<16x512xi1>, vector<16x512xf32>
    %reduce_max3A_462 = arith.constant dense<0xFF800000> : vector<16xf32>
    %reduce_max3A_463 = vector.multi_reduction <maximumf>, %select_n3A_461, %reduce_max3A_462 [1] : vector<16x512xf32> to vector<16xf32>
    %broadcast_in_dim3A_464 = vector.shape_cast %reduce_max3A_463 : vector<16xf32> to vector<16x1xf32>
    %swap3A_465 = arith.constant 0 : index
    %swap3A_466 = arith.constant 38 : index
    %swap3A_467 = vector.load %arg4[%swap3A_465, %swap3A_466] : memref<16x128xf32, #tpu.memory_space<vmem>>, vector<16x1xf32>
    tpu.vector_store %arg4[%swap3A_465, %swap3A_466], %broadcast_in_dim3A_464 {strides = array<i32>} : memref<16x128xf32, #tpu.memory_space<vmem>>, vector<16x1xf32>,
    %eq3A_468 = arith.constant 250023 : i32
    %eq3A_469 = vector.broadcast %eq3A_468 : i32 to vector<16x512xi32>
    %eq3A_470 = arith.cmpi eq, %get3A_1, %eq3A_469 : vector<16x512xi32>
    %jit3A_471 = arith.constant 0.000000e+00 : f32
    %broadcast_in_dim3A_472 = vector.broadcast %jit3A_471 : f32 to vector<16x512xf32>
    %select_n3A_473 = arith.select %eq3A_470, %reshape3A, %broadcast_in_dim3A_472 : vector<16x512xi1>, vector<16x512xf32>
    %reduce_max3A_474 = arith.constant dense<0xFF800000> : vector<16xf32>
    %reduce_max3A_475 = vector.multi_reduction <maximumf>, %select_n3A_473, %reduce_max3A_474 [1] : vector<16x512xf32> to vector<16xf32>
    %broadcast_in_dim3A_476 = vector.shape_cast %reduce_max3A_475 : vector<16xf32> to vector<16x1xf32>
    %swap3A_477 = arith.constant 0 : index
    %swap3A_478 = arith.constant 39 : index
    %swap3A_479 = vector.load %arg4[%swap3A_477, %swap3A_478] : memref<16x128xf32, #tpu.memory_space<vmem>>, vector<16x1xf32>
    tpu.vector_store %arg4[%swap3A_477, %swap3A_478], %broadcast_in_dim3A_476 {strides = array<i32>} : memref<16x128xf32, #tpu.memory_space<vmem>>, vector<16x1xf32>,
    %eq3A_480 = arith.constant 250024 : i32
    %eq3A_481 = vector.broadcast %eq3A_480 : i32 to vector<16x512xi32>
    %eq3A_482 = arith.cmpi eq, %get3A_1, %eq3A_481 : vector<16x512xi32>
    %jit3A_483 = arith.constant 0.000000e+00 : f32
    %broadcast_in_dim3A_484 = vector.broadcast %jit3A_483 : f32 to vector<16x512xf32>
    %select_n3A_485 = arith.select %eq3A_482, %reshape3A, %broadcast_in_dim3A_484 : vector<16x512xi1>, vector<16x512xf32>
    %reduce_max3A_486 = arith.constant dense<0xFF800000> : vector<16xf32>
    %reduce_max3A_487 = vector.multi_reduction <maximumf>, %select_n3A_485, %reduce_max3A_486 [1] : vector<16x512xf32> to vector<16xf32>
    %broadcast_in_dim3A_488 = vector.shape_cast %reduce_max3A_487 : vector<16xf32> to vector<16x1xf32>
    %swap3A_489 = arith.constant 0 : index
    %swap3A_490 = arith.constant 40 : index
    %swap3A_491 = vector.load %arg4[%swap3A_489, %swap3A_490] : memref<16x128xf32, #tpu.memory_space<vmem>>, vector<16x1xf32>
    tpu.vector_store %arg4[%swap3A_489, %swap3A_490], %broadcast_in_dim3A_488 {strides = array<i32>} : memref<16x128xf32, #tpu.memory_space<vmem>>, vector<16x1xf32>,
    %eq3A_492 = arith.constant 250025 : i32
    %eq3A_493 = vector.broadcast %eq3A_492 : i32 to vector<16x512xi32>
    %eq3A_494 = arith.cmpi eq, %get3A_1, %eq3A_493 : vector<16x512xi32>
    %jit3A_495 = arith.constant 0.000000e+00 : f32
    %broadcast_in_dim3A_496 = vector.broadcast %jit3A_495 : f32 to vector<16x512xf32>
    %select_n3A_497 = arith.select %eq3A_494, %reshape3A, %broadcast_in_dim3A_496 : vector<16x512xi1>, vector<16x512xf32>
    %reduce_max3A_498 = arith.constant dense<0xFF800000> : vector<16xf32>
    %reduce_max3A_499 = vector.multi_reduction <maximumf>, %select_n3A_497, %reduce_max3A_498 [1] : vector<16x512xf32> to vector<16xf32>
    %broadcast_in_dim3A_500 = vector.shape_cast %reduce_max3A_499 : vector<16xf32> to vector<16x1xf32>
    %swap3A_501 = arith.constant 0 : index
    %swap3A_502 = arith.constant 41 : index
    %swap3A_503 = vector.load %arg4[%swap3A_501, %swap3A_502] : memref<16x128xf32, #tpu.memory_space<vmem>>, vector<16x1xf32>
    tpu.vector_store %arg4[%swap3A_501, %swap3A_502], %broadcast_in_dim3A_500 {strides = array<i32>} : memref<16x128xf32, #tpu.memory_space<vmem>>, vector<16x1xf32>,
    %eq3A_504 = arith.constant 250026 : i32
    %eq3A_505 = vector.broadcast %eq3A_504 : i32 to vector<16x512xi32>
    %eq3A_506 = arith.cmpi eq, %get3A_1, %eq3A_505 : vector<16x512xi32>
    %jit3A_507 = arith.constant 0.000000e+00 : f32
    %broadcast_in_dim3A_508 = vector.broadcast %jit3A_507 : f32 to vector<16x512xf32>
    %select_n3A_509 = arith.select %eq3A_506, %reshape3A, %broadcast_in_dim3A_508 : vector<16x512xi1>, vector<16x512xf32>
    %reduce_max3A_510 = arith.constant dense<0xFF800000> : vector<16xf32>
    %reduce_max3A_511 = vector.multi_reduction <maximumf>, %select_n3A_509, %reduce_max3A_510 [1] : vector<16x512xf32> to vector<16xf32>
    %broadcast_in_dim3A_512 = vector.shape_cast %reduce_max3A_511 : vector<16xf32> to vector<16x1xf32>
    %swap3A_513 = arith.constant 0 : index
    %swap3A_514 = arith.constant 42 : index
    %swap3A_515 = vector.load %arg4[%swap3A_513, %swap3A_514] : memref<16x128xf32, #tpu.memory_space<vmem>>, vector<16x1xf32>
    tpu.vector_store %arg4[%swap3A_513, %swap3A_514], %broadcast_in_dim3A_512 {strides = array<i32>} : memref<16x128xf32, #tpu.memory_space<vmem>>, vector<16x1xf32>,
    %eq3A_516 = arith.constant 250027 : i32
    %eq3A_517 = vector.broadcast %eq3A_516 : i32 to vector<16x512xi32>
    %eq3A_518 = arith.cmpi eq, %get3A_1, %eq3A_517 : vector<16x512xi32>
    %jit3A_519 = arith.constant 0.000000e+00 : f32
    %broadcast_in_dim3A_520 = vector.broadcast %jit3A_519 : f32 to vector<16x512xf32>
    %select_n3A_521 = arith.select %eq3A_518, %reshape3A, %broadcast_in_dim3A_520 : vector<16x512xi1>, vector<16x512xf32>
    %reduce_max3A_522 = arith.constant dense<0xFF800000> : vector<16xf32>
    %reduce_max3A_523 = vector.multi_reduction <maximumf>, %select_n3A_521, %reduce_max3A_522 [1] : vector<16x512xf32> to vector<16xf32>
    %broadcast_in_dim3A_524 = vector.shape_cast %reduce_max3A_523 : vector<16xf32> to vector<16x1xf32>
    %swap3A_525 = arith.constant 0 : index
    %swap3A_526 = arith.constant 43 : index
    %swap3A_527 = vector.load %arg4[%swap3A_525, %swap3A_526] : memref<16x128xf32, #tpu.memory_space<vmem>>, vector<16x1xf32>
    tpu.vector_store %arg4[%swap3A_525, %swap3A_526], %broadcast_in_dim3A_524 {strides = array<i32>} : memref<16x128xf32, #tpu.memory_space<vmem>>, vector<16x1xf32>,
    %eq3A_528 = arith.constant 250028 : i32
    %eq3A_529 = vector.broadcast %eq3A_528 : i32 to vector<16x512xi32>
    %eq3A_530 = arith.cmpi eq, %get3A_1, %eq3A_529 : vector<16x512xi32>
    %jit3A_531 = arith.constant 0.000000e+00 : f32
    %broadcast_in_dim3A_532 = vector.broadcast %jit3A_531 : f32 to vector<16x512xf32>
    %select_n3A_533 = arith.select %eq3A_530, %reshape3A, %broadcast_in_dim3A_532 : vector<16x512xi1>, vector<16x512xf32>
    %reduce_max3A_534 = arith.constant dense<0xFF800000> : vector<16xf32>
    %reduce_max3A_535 = vector.multi_reduction <maximumf>, %select_n3A_533, %reduce_max3A_534 [1] : vector<16x512xf32> to vector<16xf32>
    %broadcast_in_dim3A_536 = vector.shape_cast %reduce_max3A_535 : vector<16xf32> to vector<16x1xf32>
    %swap3A_537 = arith.constant 0 : index
    %swap3A_538 = arith.constant 44 : index
    %swap3A_539 = vector.load %arg4[%swap3A_537, %swap3A_538] : memref<16x128xf32, #tpu.memory_space<vmem>>, vector<16x1xf32>
    tpu.vector_store %arg4[%swap3A_537, %swap3A_538], %broadcast_in_dim3A_536 {strides = array<i32>} : memref<16x128xf32, #tpu.memory_space<vmem>>, vector<16x1xf32>,
    %eq3A_540 = arith.constant 250029 : i32
    %eq3A_541 = vector.broadcast %eq3A_540 : i32 to vector<16x512xi32>
    %eq3A_542 = arith.cmpi eq, %get3A_1, %eq3A_541 : vector<16x512xi32>
    %jit3A_543 = arith.constant 0.000000e+00 : f32
    %broadcast_in_dim3A_544 = vector.broadcast %jit3A_543 : f32 to vector<16x512xf32>
    %select_n3A_545 = arith.select %eq3A_542, %reshape3A, %broadcast_in_dim3A_544 : vector<16x512xi1>, vector<16x512xf32>
    %reduce_max3A_546 = arith.constant dense<0xFF800000> : vector<16xf32>
    %reduce_max3A_547 = vector.multi_reduction <maximumf>, %select_n3A_545, %reduce_max3A_546 [1] : vector<16x512xf32> to vector<16xf32>
    %broadcast_in_dim3A_548 = vector.shape_cast %reduce_max3A_547 : vector<16xf32> to vector<16x1xf32>
    %swap3A_549 = arith.constant 0 : index
    %swap3A_550 = arith.constant 45 : index
    %swap3A_551 = vector.load %arg4[%swap3A_549, %swap3A_550] : memref<16x128xf32, #tpu.memory_space<vmem>>, vector<16x1xf32>
    tpu.vector_store %arg4[%swap3A_549, %swap3A_550], %broadcast_in_dim3A_548 {strides = array<i32>} : memref<16x128xf32, #tpu.memory_space<vmem>>, vector<16x1xf32>,
    %eq3A_552 = arith.constant 250030 : i32
    %eq3A_553 = vector.broadcast %eq3A_552 : i32 to vector<16x512xi32>
    %eq3A_554 = arith.cmpi eq, %get3A_1, %eq3A_553 : vector<16x512xi32>
    %jit3A_555 = arith.constant 0.000000e+00 : f32
    %broadcast_in_dim3A_556 = vector.broadcast %jit3A_555 : f32 to vector<16x512xf32>
    %select_n3A_557 = arith.select %eq3A_554, %reshape3A, %broadcast_in_dim3A_556 : vector<16x512xi1>, vector<16x512xf32>
    %reduce_max3A_558 = arith.constant dense<0xFF800000> : vector<16xf32>
    %reduce_max3A_559 = vector.multi_reduction <maximumf>, %select_n3A_557, %reduce_max3A_558 [1] : vector<16x512xf32> to vector<16xf32>
    %broadcast_in_dim3A_560 = vector.shape_cast %reduce_max3A_559 : vector<16xf32> to vector<16x1xf32>
    %swap3A_561 = arith.constant 0 : index
    %swap3A_562 = arith.constant 46 : index
    %swap3A_563 = vector.load %arg4[%swap3A_561, %swap3A_562] : memref<16x128xf32, #tpu.memory_space<vmem>>, vector<16x1xf32>
    tpu.vector_store %arg4[%swap3A_561, %swap3A_562], %broadcast_in_dim3A_560 {strides = array<i32>} : memref<16x128xf32, #tpu.memory_space<vmem>>, vector<16x1xf32>,
    %eq3A_564 = arith.constant 250031 : i32
    %eq3A_565 = vector.broadcast %eq3A_564 : i32 to vector<16x512xi32>
    %eq3A_566 = arith.cmpi eq, %get3A_1, %eq3A_565 : vector<16x512xi32>
    %jit3A_567 = arith.constant 0.000000e+00 : f32
    %broadcast_in_dim3A_568 = vector.broadcast %jit3A_567 : f32 to vector<16x512xf32>
    %select_n3A_569 = arith.select %eq3A_566, %reshape3A, %broadcast_in_dim3A_568 : vector<16x512xi1>, vector<16x512xf32>
    %reduce_max3A_570 = arith.constant dense<0xFF800000> : vector<16xf32>
    %reduce_max3A_571 = vector.multi_reduction <maximumf>, %select_n3A_569, %reduce_max3A_570 [1] : vector<16x512xf32> to vector<16xf32>
    %broadcast_in_dim3A_572 = vector.shape_cast %reduce_max3A_571 : vector<16xf32> to vector<16x1xf32>
    %swap3A_573 = arith.constant 0 : index
    %swap3A_574 = arith.constant 47 : index
    %swap3A_575 = vector.load %arg4[%swap3A_573, %swap3A_574] : memref<16x128xf32, #tpu.memory_space<vmem>>, vector<16x1xf32>
    tpu.vector_store %arg4[%swap3A_573, %swap3A_574], %broadcast_in_dim3A_572 {strides = array<i32>} : memref<16x128xf32, #tpu.memory_space<vmem>>, vector<16x1xf32>,
    %eq3A_576 = arith.constant 250032 : i32
    %eq3A_577 = vector.broadcast %eq3A_576 : i32 to vector<16x512xi32>
    %eq3A_578 = arith.cmpi eq, %get3A_1, %eq3A_577 : vector<16x512xi32>
    %jit3A_579 = arith.constant 0.000000e+00 : f32
    %broadcast_in_dim3A_580 = vector.broadcast %jit3A_579 : f32 to vector<16x512xf32>
    %select_n3A_581 = arith.select %eq3A_578, %reshape3A, %broadcast_in_dim3A_580 : vector<16x512xi1>, vector<16x512xf32>
    %reduce_max3A_582 = arith.constant dense<0xFF800000> : vector<16xf32>
    %reduce_max3A_583 = vector.multi_reduction <maximumf>, %select_n3A_581, %reduce_max3A_582 [1] : vector<16x512xf32> to vector<16xf32>
    %broadcast_in_dim3A_584 = vector.shape_cast %reduce_max3A_583 : vector<16xf32> to vector<16x1xf32>
    %swap3A_585 = arith.constant 0 : index
    %swap3A_586 = arith.constant 48 : index
    %swap3A_587 = vector.load %arg4[%swap3A_585, %swap3A_586] : memref<16x128xf32, #tpu.memory_space<vmem>>, vector<16x1xf32>
    tpu.vector_store %arg4[%swap3A_585, %swap3A_586], %broadcast_in_dim3A_584 {strides = array<i32>} : memref<16x128xf32, #tpu.memory_space<vmem>>, vector<16x1xf32>,
    %eq3A_588 = arith.constant 250033 : i32
    %eq3A_589 = vector.broadcast %eq3A_588 : i32 to vector<16x512xi32>
    %eq3A_590 = arith.cmpi eq, %get3A_1, %eq3A_589 : vector<16x512xi32>
    %jit3A_591 = arith.constant 0.000000e+00 : f32
    %broadcast_in_dim3A_592 = vector.broadcast %jit3A_591 : f32 to vector<16x512xf32>
    %select_n3A_593 = arith.select %eq3A_590, %reshape3A, %broadcast_in_dim3A_592 : vector<16x512xi1>, vector<16x512xf32>
    %reduce_max3A_594 = arith.constant dense<0xFF800000> : vector<16xf32>
    %reduce_max3A_595 = vector.multi_reduction <maximumf>, %select_n3A_593, %reduce_max3A_594 [1] : vector<16x512xf32> to vector<16xf32>
    %broadcast_in_dim3A_596 = vector.shape_cast %reduce_max3A_595 : vector<16xf32> to vector<16x1xf32>
    %swap3A_597 = arith.constant 0 : index
    %swap3A_598 = arith.constant 49 : index
    %swap3A_599 = vector.load %arg4[%swap3A_597, %swap3A_598] : memref<16x128xf32, #tpu.memory_space<vmem>>, vector<16x1xf32>
    tpu.vector_store %arg4[%swap3A_597, %swap3A_598], %broadcast_in_dim3A_596 {strides = array<i32>} : memref<16x128xf32, #tpu.memory_space<vmem>>, vector<16x1xf32>,
    %eq3A_600 = arith.constant 250034 : i32
    %eq3A_601 = vector.broadcast %eq3A_600 : i32 to vector<16x512xi32>
    %eq3A_602 = arith.cmpi eq, %get3A_1, %eq3A_601 : vector<16x512xi32>
    %jit3A_603 = arith.constant 0.000000e+00 : f32
    %broadcast_in_dim3A_604 = vector.broadcast %jit3A_603 : f32 to vector<16x512xf32>
    %select_n3A_605 = arith.select %eq3A_602, %reshape3A, %broadcast_in_dim3A_604 : vector<16x512xi1>, vector<16x512xf32>
    %reduce_max3A_606 = arith.constant dense<0xFF800000> : vector<16xf32>
    %reduce_max3A_607 = vector.multi_reduction <maximumf>, %select_n3A_605, %reduce_max3A_606 [1] : vector<16x512xf32> to vector<16xf32>
    %broadcast_in_dim3A_608 = vector.shape_cast %reduce_max3A_607 : vector<16xf32> to vector<16x1xf32>
    %swap3A_609 = arith.constant 0 : index
    %swap3A_610 = arith.constant 50 : index
    %swap3A_611 = vector.load %arg4[%swap3A_609, %swap3A_610] : memref<16x128xf32, #tpu.memory_space<vmem>>, vector<16x1xf32>
    tpu.vector_store %arg4[%swap3A_609, %swap3A_610], %broadcast_in_dim3A_608 {strides = array<i32>} : memref<16x128xf32, #tpu.memory_space<vmem>>, vector<16x1xf32>,
    %eq3A_612 = arith.constant 250035 : i32
    %eq3A_613 = vector.broadcast %eq3A_612 : i32 to vector<16x512xi32>
    %eq3A_614 = arith.cmpi eq, %get3A_1, %eq3A_613 : vector<16x512xi32>
    %jit3A_615 = arith.constant 0.000000e+00 : f32
    %broadcast_in_dim3A_616 = vector.broadcast %jit3A_615 : f32 to vector<16x512xf32>
    %select_n3A_617 = arith.select %eq3A_614, %reshape3A, %broadcast_in_dim3A_616 : vector<16x512xi1>, vector<16x512xf32>
    %reduce_max3A_618 = arith.constant dense<0xFF800000> : vector<16xf32>
    %reduce_max3A_619 = vector.multi_reduction <maximumf>, %select_n3A_617, %reduce_max3A_618 [1] : vector<16x512xf32> to vector<16xf32>
    %broadcast_in_dim3A_620 = vector.shape_cast %reduce_max3A_619 : vector<16xf32> to vector<16x1xf32>
    %swap3A_621 = arith.constant 0 : index
    %swap3A_622 = arith.constant 51 : index
    %swap3A_623 = vector.load %arg4[%swap3A_621, %swap3A_622] : memref<16x128xf32, #tpu.memory_space<vmem>>, vector<16x1xf32>
    tpu.vector_store %arg4[%swap3A_621, %swap3A_622], %broadcast_in_dim3A_620 {strides = array<i32>} : memref<16x128xf32, #tpu.memory_space<vmem>>, vector<16x1xf32>,
    %eq3A_624 = arith.constant 250036 : i32
    %eq3A_625 = vector.broadcast %eq3A_624 : i32 to vector<16x512xi32>
    %eq3A_626 = arith.cmpi eq, %get3A_1, %eq3A_625 : vector<16x512xi32>
    %jit3A_627 = arith.constant 0.000000e+00 : f32
    %broadcast_in_dim3A_628 = vector.broadcast %jit3A_627 : f32 to vector<16x512xf32>
    %select_n3A_629 = arith.select %eq3A_626, %reshape3A, %broadcast_in_dim3A_628 : vector<16x512xi1>, vector<16x512xf32>
    %reduce_max3A_630 = arith.constant dense<0xFF800000> : vector<16xf32>
    %reduce_max3A_631 = vector.multi_reduction <maximumf>, %select_n3A_629, %reduce_max3A_630 [1] : vector<16x512xf32> to vector<16xf32>
    %broadcast_in_dim3A_632 = vector.shape_cast %reduce_max3A_631 : vector<16xf32> to vector<16x1xf32>
    %swap3A_633 = arith.constant 0 : index
    %swap3A_634 = arith.constant 52 : index
    %swap3A_635 = vector.load %arg4[%swap3A_633, %swap3A_634] : memref<16x128xf32, #tpu.memory_space<vmem>>, vector<16x1xf32>
    tpu.vector_store %arg4[%swap3A_633, %swap3A_634], %broadcast_in_dim3A_632 {strides = array<i32>} : memref<16x128xf32, #tpu.memory_space<vmem>>, vector<16x1xf32>,
    %eq3A_636 = arith.constant 250037 : i32
    %eq3A_637 = vector.broadcast %eq3A_636 : i32 to vector<16x512xi32>
    %eq3A_638 = arith.cmpi eq, %get3A_1, %eq3A_637 : vector<16x512xi32>
    %jit3A_639 = arith.constant 0.000000e+00 : f32
    %broadcast_in_dim3A_640 = vector.broadcast %jit3A_639 : f32 to vector<16x512xf32>
    %select_n3A_641 = arith.select %eq3A_638, %reshape3A, %broadcast_in_dim3A_640 : vector<16x512xi1>, vector<16x512xf32>
    %reduce_max3A_642 = arith.constant dense<0xFF800000> : vector<16xf32>
    %reduce_max3A_643 = vector.multi_reduction <maximumf>, %select_n3A_641, %reduce_max3A_642 [1] : vector<16x512xf32> to vector<16xf32>
    %broadcast_in_dim3A_644 = vector.shape_cast %reduce_max3A_643 : vector<16xf32> to vector<16x1xf32>
    %swap3A_645 = arith.constant 0 : index
    %swap3A_646 = arith.constant 53 : index
    %swap3A_647 = vector.load %arg4[%swap3A_645, %swap3A_646] : memref<16x128xf32, #tpu.memory_space<vmem>>, vector<16x1xf32>
    tpu.vector_store %arg4[%swap3A_645, %swap3A_646], %broadcast_in_dim3A_644 {strides = array<i32>} : memref<16x128xf32, #tpu.memory_space<vmem>>, vector<16x1xf32>,
    %eq3A_648 = arith.constant 250038 : i32
    %eq3A_649 = vector.broadcast %eq3A_648 : i32 to vector<16x512xi32>
    %eq3A_650 = arith.cmpi eq, %get3A_1, %eq3A_649 : vector<16x512xi32>
    %jit3A_651 = arith.constant 0.000000e+00 : f32
    %broadcast_in_dim3A_652 = vector.broadcast %jit3A_651 : f32 to vector<16x512xf32>
    %select_n3A_653 = arith.select %eq3A_650, %reshape3A, %broadcast_in_dim3A_652 : vector<16x512xi1>, vector<16x512xf32>
    %reduce_max3A_654 = arith.constant dense<0xFF800000> : vector<16xf32>
    %reduce_max3A_655 = vector.multi_reduction <maximumf>, %select_n3A_653, %reduce_max3A_654 [1] : vector<16x512xf32> to vector<16xf32>
    %broadcast_in_dim3A_656 = vector.shape_cast %reduce_max3A_655 : vector<16xf32> to vector<16x1xf32>
    %swap3A_657 = arith.constant 0 : index
    %swap3A_658 = arith.constant 54 : index
    %swap3A_659 = vector.load %arg4[%swap3A_657, %swap3A_658] : memref<16x128xf32, #tpu.memory_space<vmem>>, vector<16x1xf32>
    tpu.vector_store %arg4[%swap3A_657, %swap3A_658], %broadcast_in_dim3A_656 {strides = array<i32>} : memref<16x128xf32, #tpu.memory_space<vmem>>, vector<16x1xf32>,
    %eq3A_660 = arith.constant 250039 : i32
    %eq3A_661 = vector.broadcast %eq3A_660 : i32 to vector<16x512xi32>
    %eq3A_662 = arith.cmpi eq, %get3A_1, %eq3A_661 : vector<16x512xi32>
    %jit3A_663 = arith.constant 0.000000e+00 : f32
    %broadcast_in_dim3A_664 = vector.broadcast %jit3A_663 : f32 to vector<16x512xf32>
    %select_n3A_665 = arith.select %eq3A_662, %reshape3A, %broadcast_in_dim3A_664 : vector<16x512xi1>, vector<16x512xf32>
    %reduce_max3A_666 = arith.constant dense<0xFF800000> : vector<16xf32>
    %reduce_max3A_667 = vector.multi_reduction <maximumf>, %select_n3A_665, %reduce_max3A_666 [1] : vector<16x512xf32> to vector<16xf32>
    %broadcast_in_dim3A_668 = vector.shape_cast %reduce_max3A_667 : vector<16xf32> to vector<16x1xf32>
    %swap3A_669 = arith.constant 0 : index
    %swap3A_670 = arith.constant 55 : index
    %swap3A_671 = vector.load %arg4[%swap3A_669, %swap3A_670] : memref<16x128xf32, #tpu.memory_space<vmem>>, vector<16x1xf32>
    tpu.vector_store %arg4[%swap3A_669, %swap3A_670], %broadcast_in_dim3A_668 {strides = array<i32>} : memref<16x128xf32, #tpu.memory_space<vmem>>, vector<16x1xf32>,
    %eq3A_672 = arith.constant 250040 : i32
    %eq3A_673 = vector.broadcast %eq3A_672 : i32 to vector<16x512xi32>
    %eq3A_674 = arith.cmpi eq, %get3A_1, %eq3A_673 : vector<16x512xi32>
    %jit3A_675 = arith.constant 0.000000e+00 : f32
    %broadcast_in_dim3A_676 = vector.broadcast %jit3A_675 : f32 to vector<16x512xf32>
    %select_n3A_677 = arith.select %eq3A_674, %reshape3A, %broadcast_in_dim3A_676 : vector<16x512xi1>, vector<16x512xf32>
    %reduce_max3A_678 = arith.constant dense<0xFF800000> : vector<16xf32>
    %reduce_max3A_679 = vector.multi_reduction <maximumf>, %select_n3A_677, %reduce_max3A_678 [1] : vector<16x512xf32> to vector<16xf32>
    %broadcast_in_dim3A_680 = vector.shape_cast %reduce_max3A_679 : vector<16xf32> to vector<16x1xf32>
    %swap3A_681 = arith.constant 0 : index
    %swap3A_682 = arith.constant 56 : index
    %swap3A_683 = vector.load %arg4[%swap3A_681, %swap3A_682] : memref<16x128xf32, #tpu.memory_space<vmem>>, vector<16x1xf32>
    tpu.vector_store %arg4[%swap3A_681, %swap3A_682], %broadcast_in_dim3A_680 {strides = array<i32>} : memref<16x128xf32, #tpu.memory_space<vmem>>, vector<16x1xf32>,
    %eq3A_684 = arith.constant 250041 : i32
    %eq3A_685 = vector.broadcast %eq3A_684 : i32 to vector<16x512xi32>
    %eq3A_686 = arith.cmpi eq, %get3A_1, %eq3A_685 : vector<16x512xi32>
    %jit3A_687 = arith.constant 0.000000e+00 : f32
    %broadcast_in_dim3A_688 = vector.broadcast %jit3A_687 : f32 to vector<16x512xf32>
    %select_n3A_689 = arith.select %eq3A_686, %reshape3A, %broadcast_in_dim3A_688 : vector<16x512xi1>, vector<16x512xf32>
    %reduce_max3A_690 = arith.constant dense<0xFF800000> : vector<16xf32>
    %reduce_max3A_691 = vector.multi_reduction <maximumf>, %select_n3A_689, %reduce_max3A_690 [1] : vector<16x512xf32> to vector<16xf32>
    %broadcast_in_dim3A_692 = vector.shape_cast %reduce_max3A_691 : vector<16xf32> to vector<16x1xf32>
    %swap3A_693 = arith.constant 0 : index
    %swap3A_694 = arith.constant 57 : index
    %swap3A_695 = vector.load %arg4[%swap3A_693, %swap3A_694] : memref<16x128xf32, #tpu.memory_space<vmem>>, vector<16x1xf32>
    tpu.vector_store %arg4[%swap3A_693, %swap3A_694], %broadcast_in_dim3A_692 {strides = array<i32>} : memref<16x128xf32, #tpu.memory_space<vmem>>, vector<16x1xf32>,
    %eq3A_696 = arith.constant 250042 : i32
    %eq3A_697 = vector.broadcast %eq3A_696 : i32 to vector<16x512xi32>
    %eq3A_698 = arith.cmpi eq, %get3A_1, %eq3A_697 : vector<16x512xi32>
    %jit3A_699 = arith.constant 0.000000e+00 : f32
    %broadcast_in_dim3A_700 = vector.broadcast %jit3A_699 : f32 to vector<16x512xf32>
    %select_n3A_701 = arith.select %eq3A_698, %reshape3A, %broadcast_in_dim3A_700 : vector<16x512xi1>, vector<16x512xf32>
    %reduce_max3A_702 = arith.constant dense<0xFF800000> : vector<16xf32>
    %reduce_max3A_703 = vector.multi_reduction <maximumf>, %select_n3A_701, %reduce_max3A_702 [1] : vector<16x512xf32> to vector<16xf32>
    %broadcast_in_dim3A_704 = vector.shape_cast %reduce_max3A_703 : vector<16xf32> to vector<16x1xf32>
    %swap3A_705 = arith.constant 0 : index
    %swap3A_706 = arith.constant 58 : index
    %swap3A_707 = vector.load %arg4[%swap3A_705, %swap3A_706] : memref<16x128xf32, #tpu.memory_space<vmem>>, vector<16x1xf32>
    tpu.vector_store %arg4[%swap3A_705, %swap3A_706], %broadcast_in_dim3A_704 {strides = array<i32>} : memref<16x128xf32, #tpu.memory_space<vmem>>, vector<16x1xf32>,
    %eq3A_708 = arith.constant 250043 : i32
    %eq3A_709 = vector.broadcast %eq3A_708 : i32 to vector<16x512xi32>
    %eq3A_710 = arith.cmpi eq, %get3A_1, %eq3A_709 : vector<16x512xi32>
    %jit3A_711 = arith.constant 0.000000e+00 : f32
    %broadcast_in_dim3A_712 = vector.broadcast %jit3A_711 : f32 to vector<16x512xf32>
    %select_n3A_713 = arith.select %eq3A_710, %reshape3A, %broadcast_in_dim3A_712 : vector<16x512xi1>, vector<16x512xf32>
    %reduce_max3A_714 = arith.constant dense<0xFF800000> : vector<16xf32>
    %reduce_max3A_715 = vector.multi_reduction <maximumf>, %select_n3A_713, %reduce_max3A_714 [1] : vector<16x512xf32> to vector<16xf32>
    %broadcast_in_dim3A_716 = vector.shape_cast %reduce_max3A_715 : vector<16xf32> to vector<16x1xf32>
    %swap3A_717 = arith.constant 0 : index
    %swap3A_718 = arith.constant 59 : index
    %swap3A_719 = vector.load %arg4[%swap3A_717, %swap3A_718] : memref<16x128xf32, #tpu.memory_space<vmem>>, vector<16x1xf32>
    tpu.vector_store %arg4[%swap3A_717, %swap3A_718], %broadcast_in_dim3A_716 {strides = array<i32>} : memref<16x128xf32, #tpu.memory_space<vmem>>, vector<16x1xf32>,
    %eq3A_720 = arith.constant 250044 : i32
    %eq3A_721 = vector.broadcast %eq3A_720 : i32 to vector<16x512xi32>
    %eq3A_722 = arith.cmpi eq, %get3A_1, %eq3A_721 : vector<16x512xi32>
    %jit3A_723 = arith.constant 0.000000e+00 : f32
    %broadcast_in_dim3A_724 = vector.broadcast %jit3A_723 : f32 to vector<16x512xf32>
    %select_n3A_725 = arith.select %eq3A_722, %reshape3A, %broadcast_in_dim3A_724 : vector<16x512xi1>, vector<16x512xf32>
    %reduce_max3A_726 = arith.constant dense<0xFF800000> : vector<16xf32>
    %reduce_max3A_727 = vector.multi_reduction <maximumf>, %select_n3A_725, %reduce_max3A_726 [1] : vector<16x512xf32> to vector<16xf32>
    %broadcast_in_dim3A_728 = vector.shape_cast %reduce_max3A_727 : vector<16xf32> to vector<16x1xf32>
    %swap3A_729 = arith.constant 0 : index
    %swap3A_730 = arith.constant 60 : index
    %swap3A_731 = vector.load %arg4[%swap3A_729, %swap3A_730] : memref<16x128xf32, #tpu.memory_space<vmem>>, vector<16x1xf32>
    tpu.vector_store %arg4[%swap3A_729, %swap3A_730], %broadcast_in_dim3A_728 {strides = array<i32>} : memref<16x128xf32, #tpu.memory_space<vmem>>, vector<16x1xf32>,
    %eq3A_732 = arith.constant 250045 : i32
    %eq3A_733 = vector.broadcast %eq3A_732 : i32 to vector<16x512xi32>
    %eq3A_734 = arith.cmpi eq, %get3A_1, %eq3A_733 : vector<16x512xi32>
    %jit3A_735 = arith.constant 0.000000e+00 : f32
    %broadcast_in_dim3A_736 = vector.broadcast %jit3A_735 : f32 to vector<16x512xf32>
    %select_n3A_737 = arith.select %eq3A_734, %reshape3A, %broadcast_in_dim3A_736 : vector<16x512xi1>, vector<16x512xf32>
    %reduce_max3A_738 = arith.constant dense<0xFF800000> : vector<16xf32>
    %reduce_max3A_739 = vector.multi_reduction <maximumf>, %select_n3A_737, %reduce_max3A_738 [1] : vector<16x512xf32> to vector<16xf32>
    %broadcast_in_dim3A_740 = vector.shape_cast %reduce_max3A_739 : vector<16xf32> to vector<16x1xf32>
    %swap3A_741 = arith.constant 0 : index
    %swap3A_742 = arith.constant 61 : index
    %swap3A_743 = vector.load %arg4[%swap3A_741, %swap3A_742] : memref<16x128xf32, #tpu.memory_space<vmem>>, vector<16x1xf32>
    tpu.vector_store %arg4[%swap3A_741, %swap3A_742], %broadcast_in_dim3A_740 {strides = array<i32>} : memref<16x128xf32, #tpu.memory_space<vmem>>, vector<16x1xf32>,
    %eq3A_744 = arith.constant 250046 : i32
    %eq3A_745 = vector.broadcast %eq3A_744 : i32 to vector<16x512xi32>
    %eq3A_746 = arith.cmpi eq, %get3A_1, %eq3A_745 : vector<16x512xi32>
    %jit3A_747 = arith.constant 0.000000e+00 : f32
    %broadcast_in_dim3A_748 = vector.broadcast %jit3A_747 : f32 to vector<16x512xf32>
    %select_n3A_749 = arith.select %eq3A_746, %reshape3A, %broadcast_in_dim3A_748 : vector<16x512xi1>, vector<16x512xf32>
    %reduce_max3A_750 = arith.constant dense<0xFF800000> : vector<16xf32>
    %reduce_max3A_751 = vector.multi_reduction <maximumf>, %select_n3A_749, %reduce_max3A_750 [1] : vector<16x512xf32> to vector<16xf32>
    %broadcast_in_dim3A_752 = vector.shape_cast %reduce_max3A_751 : vector<16xf32> to vector<16x1xf32>
    %swap3A_753 = arith.constant 0 : index
    %swap3A_754 = arith.constant 62 : index
    %swap3A_755 = vector.load %arg4[%swap3A_753, %swap3A_754] : memref<16x128xf32, #tpu.memory_space<vmem>>, vector<16x1xf32>
    tpu.vector_store %arg4[%swap3A_753, %swap3A_754], %broadcast_in_dim3A_752 {strides = array<i32>} : memref<16x128xf32, #tpu.memory_space<vmem>>, vector<16x1xf32>,
    %eq3A_756 = arith.constant 250047 : i32
    %eq3A_757 = vector.broadcast %eq3A_756 : i32 to vector<16x512xi32>
    %eq3A_758 = arith.cmpi eq, %get3A_1, %eq3A_757 : vector<16x512xi32>
    %jit3A_759 = arith.constant 0.000000e+00 : f32
    %broadcast_in_dim3A_760 = vector.broadcast %jit3A_759 : f32 to vector<16x512xf32>
    %select_n3A_761 = arith.select %eq3A_758, %reshape3A, %broadcast_in_dim3A_760 : vector<16x512xi1>, vector<16x512xf32>
    %reduce_max3A_762 = arith.constant dense<0xFF800000> : vector<16xf32>
    %reduce_max3A_763 = vector.multi_reduction <maximumf>, %select_n3A_761, %reduce_max3A_762 [1] : vector<16x512xf32> to vector<16xf32>
    %broadcast_in_dim3A_764 = vector.shape_cast %reduce_max3A_763 : vector<16xf32> to vector<16x1xf32>
    %swap3A_765 = arith.constant 0 : index
    %swap3A_766 = arith.constant 63 : index
    %swap3A_767 = vector.load %arg4[%swap3A_765, %swap3A_766] : memref<16x128xf32, #tpu.memory_space<vmem>>, vector<16x1xf32>
    tpu.vector_store %arg4[%swap3A_765, %swap3A_766], %broadcast_in_dim3A_764 {strides = array<i32>} : memref<16x128xf32, #tpu.memory_space<vmem>>, vector<16x1xf32>,
    %eq3A_768 = arith.constant 250048 : i32
    %eq3A_769 = vector.broadcast %eq3A_768 : i32 to vector<16x512xi32>
    %eq3A_770 = arith.cmpi eq, %get3A_1, %eq3A_769 : vector<16x512xi32>
    %jit3A_771 = arith.constant 0.000000e+00 : f32
    %broadcast_in_dim3A_772 = vector.broadcast %jit3A_771 : f32 to vector<16x512xf32>
    %select_n3A_773 = arith.select %eq3A_770, %reshape3A, %broadcast_in_dim3A_772 : vector<16x512xi1>, vector<16x512xf32>
    %reduce_max3A_774 = arith.constant dense<0xFF800000> : vector<16xf32>
    %reduce_max3A_775 = vector.multi_reduction <maximumf>, %select_n3A_773, %reduce_max3A_774 [1] : vector<16x512xf32> to vector<16xf32>
    %broadcast_in_dim3A_776 = vector.shape_cast %reduce_max3A_775 : vector<16xf32> to vector<16x1xf32>
    %swap3A_777 = arith.constant 0 : index
    %swap3A_778 = arith.constant 64 : index
    %swap3A_779 = vector.load %arg4[%swap3A_777, %swap3A_778] : memref<16x128xf32, #tpu.memory_space<vmem>>, vector<16x1xf32>
    tpu.vector_store %arg4[%swap3A_777, %swap3A_778], %broadcast_in_dim3A_776 {strides = array<i32>} : memref<16x128xf32, #tpu.memory_space<vmem>>, vector<16x1xf32>,
    %eq3A_780 = arith.constant 250049 : i32
    %eq3A_781 = vector.broadcast %eq3A_780 : i32 to vector<16x512xi32>
    %eq3A_782 = arith.cmpi eq, %get3A_1, %eq3A_781 : vector<16x512xi32>
    %jit3A_783 = arith.constant 0.000000e+00 : f32
    %broadcast_in_dim3A_784 = vector.broadcast %jit3A_783 : f32 to vector<16x512xf32>
    %select_n3A_785 = arith.select %eq3A_782, %reshape3A, %broadcast_in_dim3A_784 : vector<16x512xi1>, vector<16x512xf32>
    %reduce_max3A_786 = arith.constant dense<0xFF800000> : vector<16xf32>
    %reduce_max3A_787 = vector.multi_reduction <maximumf>, %select_n3A_785, %reduce_max3A_786 [1] : vector<16x512xf32> to vector<16xf32>
    %broadcast_in_dim3A_788 = vector.shape_cast %reduce_max3A_787 : vector<16xf32> to vector<16x1xf32>
    %swap3A_789 = arith.constant 0 : index
    %swap3A_790 = arith.constant 65 : index
    %swap3A_791 = vector.load %arg4[%swap3A_789, %swap3A_790] : memref<16x128xf32, #tpu.memory_space<vmem>>, vector<16x1xf32>
    tpu.vector_store %arg4[%swap3A_789, %swap3A_790], %broadcast_in_dim3A_788 {strides = array<i32>} : memref<16x128xf32, #tpu.memory_space<vmem>>, vector<16x1xf32>,
    %eq3A_792 = arith.constant 250050 : i32
    %eq3A_793 = vector.broadcast %eq3A_792 : i32 to vector<16x512xi32>
    %eq3A_794 = arith.cmpi eq, %get3A_1, %eq3A_793 : vector<16x512xi32>
    %jit3A_795 = arith.constant 0.000000e+00 : f32
    %broadcast_in_dim3A_796 = vector.broadcast %jit3A_795 : f32 to vector<16x512xf32>
    %select_n3A_797 = arith.select %eq3A_794, %reshape3A, %broadcast_in_dim3A_796 : vector<16x512xi1>, vector<16x512xf32>
    %reduce_max3A_798 = arith.constant dense<0xFF800000> : vector<16xf32>
    %reduce_max3A_799 = vector.multi_reduction <maximumf>, %select_n3A_797, %reduce_max3A_798 [1] : vector<16x512xf32> to vector<16xf32>
    %broadcast_in_dim3A_800 = vector.shape_cast %reduce_max3A_799 : vector<16xf32> to vector<16x1xf32>
    %swap3A_801 = arith.constant 0 : index
    %swap3A_802 = arith.constant 66 : index
    %swap3A_803 = vector.load %arg4[%swap3A_801, %swap3A_802] : memref<16x128xf32, #tpu.memory_space<vmem>>, vector<16x1xf32>
    tpu.vector_store %arg4[%swap3A_801, %swap3A_802], %broadcast_in_dim3A_800 {strides = array<i32>} : memref<16x128xf32, #tpu.memory_space<vmem>>, vector<16x1xf32>,
    %eq3A_804 = arith.constant 250051 : i32
    %eq3A_805 = vector.broadcast %eq3A_804 : i32 to vector<16x512xi32>
    %eq3A_806 = arith.cmpi eq, %get3A_1, %eq3A_805 : vector<16x512xi32>
    %jit3A_807 = arith.constant 0.000000e+00 : f32
    %broadcast_in_dim3A_808 = vector.broadcast %jit3A_807 : f32 to vector<16x512xf32>
    %select_n3A_809 = arith.select %eq3A_806, %reshape3A, %broadcast_in_dim3A_808 : vector<16x512xi1>, vector<16x512xf32>
    %reduce_max3A_810 = arith.constant dense<0xFF800000> : vector<16xf32>
    %reduce_max3A_811 = vector.multi_reduction <maximumf>, %select_n3A_809, %reduce_max3A_810 [1] : vector<16x512xf32> to vector<16xf32>
    %broadcast_in_dim3A_812 = vector.shape_cast %reduce_max3A_811 : vector<16xf32> to vector<16x1xf32>
    %swap3A_813 = arith.constant 0 : index
    %swap3A_814 = arith.constant 67 : index
    %swap3A_815 = vector.load %arg4[%swap3A_813, %swap3A_814] : memref<16x128xf32, #tpu.memory_space<vmem>>, vector<16x1xf32>
    tpu.vector_store %arg4[%swap3A_813, %swap3A_814], %broadcast_in_dim3A_812 {strides = array<i32>} : memref<16x128xf32, #tpu.memory_space<vmem>>, vector<16x1xf32>,
    %eq3A_816 = arith.constant 250052 : i32
    %eq3A_817 = vector.broadcast %eq3A_816 : i32 to vector<16x512xi32>
    %eq3A_818 = arith.cmpi eq, %get3A_1, %eq3A_817 : vector<16x512xi32>
    %jit3A_819 = arith.constant 0.000000e+00 : f32
    %broadcast_in_dim3A_820 = vector.broadcast %jit3A_819 : f32 to vector<16x512xf32>
    %select_n3A_821 = arith.select %eq3A_818, %reshape3A, %broadcast_in_dim3A_820 : vector<16x512xi1>, vector<16x512xf32>
    %reduce_max3A_822 = arith.constant dense<0xFF800000> : vector<16xf32>
    %reduce_max3A_823 = vector.multi_reduction <maximumf>, %select_n3A_821, %reduce_max3A_822 [1] : vector<16x512xf32> to vector<16xf32>
    %broadcast_in_dim3A_824 = vector.shape_cast %reduce_max3A_823 : vector<16xf32> to vector<16x1xf32>
    %swap3A_825 = arith.constant 0 : index
    %swap3A_826 = arith.constant 68 : index
    %swap3A_827 = vector.load %arg4[%swap3A_825, %swap3A_826] : memref<16x128xf32, #tpu.memory_space<vmem>>, vector<16x1xf32>
    tpu.vector_store %arg4[%swap3A_825, %swap3A_826], %broadcast_in_dim3A_824 {strides = array<i32>} : memref<16x128xf32, #tpu.memory_space<vmem>>, vector<16x1xf32>,
    %eq3A_828 = arith.constant 250053 : i32
    %eq3A_829 = vector.broadcast %eq3A_828 : i32 to vector<16x512xi32>
    %eq3A_830 = arith.cmpi eq, %get3A_1, %eq3A_829 : vector<16x512xi32>
    %jit3A_831 = arith.constant 0.000000e+00 : f32
    %broadcast_in_dim3A_832 = vector.broadcast %jit3A_831 : f32 to vector<16x512xf32>
    %select_n3A_833 = arith.select %eq3A_830, %reshape3A, %broadcast_in_dim3A_832 : vector<16x512xi1>, vector<16x512xf32>
    %reduce_max3A_834 = arith.constant dense<0xFF800000> : vector<16xf32>
    %reduce_max3A_835 = vector.multi_reduction <maximumf>, %select_n3A_833, %reduce_max3A_834 [1] : vector<16x512xf32> to vector<16xf32>
    %broadcast_in_dim3A_836 = vector.shape_cast %reduce_max3A_835 : vector<16xf32> to vector<16x1xf32>
    %swap3A_837 = arith.constant 0 : index
    %swap3A_838 = arith.constant 69 : index
    %swap3A_839 = vector.load %arg4[%swap3A_837, %swap3A_838] : memref<16x128xf32, #tpu.memory_space<vmem>>, vector<16x1xf32>
    tpu.vector_store %arg4[%swap3A_837, %swap3A_838], %broadcast_in_dim3A_836 {strides = array<i32>} : memref<16x128xf32, #tpu.memory_space<vmem>>, vector<16x1xf32>,
    %eq3A_840 = arith.constant 250054 : i32
    %eq3A_841 = vector.broadcast %eq3A_840 : i32 to vector<16x512xi32>
    %eq3A_842 = arith.cmpi eq, %get3A_1, %eq3A_841 : vector<16x512xi32>
    %jit3A_843 = arith.constant 0.000000e+00 : f32
    %broadcast_in_dim3A_844 = vector.broadcast %jit3A_843 : f32 to vector<16x512xf32>
    %select_n3A_845 = arith.select %eq3A_842, %reshape3A, %broadcast_in_dim3A_844 : vector<16x512xi1>, vector<16x512xf32>
    %reduce_max3A_846 = arith.constant dense<0xFF800000> : vector<16xf32>
    %reduce_max3A_847 = vector.multi_reduction <maximumf>, %select_n3A_845, %reduce_max3A_846 [1] : vector<16x512xf32> to vector<16xf32>
    %broadcast_in_dim3A_848 = vector.shape_cast %reduce_max3A_847 : vector<16xf32> to vector<16x1xf32>
    %swap3A_849 = arith.constant 0 : index
    %swap3A_850 = arith.constant 70 : index
    %swap3A_851 = vector.load %arg4[%swap3A_849, %swap3A_850] : memref<16x128xf32, #tpu.memory_space<vmem>>, vector<16x1xf32>
    tpu.vector_store %arg4[%swap3A_849, %swap3A_850], %broadcast_in_dim3A_848 {strides = array<i32>} : memref<16x128xf32, #tpu.memory_space<vmem>>, vector<16x1xf32>,
    %eq3A_852 = arith.constant 250055 : i32
    %eq3A_853 = vector.broadcast %eq3A_852 : i32 to vector<16x512xi32>
    %eq3A_854 = arith.cmpi eq, %get3A_1, %eq3A_853 : vector<16x512xi32>
    %jit3A_855 = arith.constant 0.000000e+00 : f32
    %broadcast_in_dim3A_856 = vector.broadcast %jit3A_855 : f32 to vector<16x512xf32>
    %select_n3A_857 = arith.select %eq3A_854, %reshape3A, %broadcast_in_dim3A_856 : vector<16x512xi1>, vector<16x512xf32>
    %reduce_max3A_858 = arith.constant dense<0xFF800000> : vector<16xf32>
    %reduce_max3A_859 = vector.multi_reduction <maximumf>, %select_n3A_857, %reduce_max3A_858 [1] : vector<16x512xf32> to vector<16xf32>
    %broadcast_in_dim3A_860 = vector.shape_cast %reduce_max3A_859 : vector<16xf32> to vector<16x1xf32>
    %swap3A_861 = arith.constant 0 : index
    %swap3A_862 = arith.constant 71 : index
    %swap3A_863 = vector.load %arg4[%swap3A_861, %swap3A_862] : memref<16x128xf32, #tpu.memory_space<vmem>>, vector<16x1xf32>
    tpu.vector_store %arg4[%swap3A_861, %swap3A_862], %broadcast_in_dim3A_860 {strides = array<i32>} : memref<16x128xf32, #tpu.memory_space<vmem>>, vector<16x1xf32>,
    %eq3A_864 = arith.constant 250056 : i32
    %eq3A_865 = vector.broadcast %eq3A_864 : i32 to vector<16x512xi32>
    %eq3A_866 = arith.cmpi eq, %get3A_1, %eq3A_865 : vector<16x512xi32>
    %jit3A_867 = arith.constant 0.000000e+00 : f32
    %broadcast_in_dim3A_868 = vector.broadcast %jit3A_867 : f32 to vector<16x512xf32>
    %select_n3A_869 = arith.select %eq3A_866, %reshape3A, %broadcast_in_dim3A_868 : vector<16x512xi1>, vector<16x512xf32>
    %reduce_max3A_870 = arith.constant dense<0xFF800000> : vector<16xf32>
    %reduce_max3A_871 = vector.multi_reduction <maximumf>, %select_n3A_869, %reduce_max3A_870 [1] : vector<16x512xf32> to vector<16xf32>
    %broadcast_in_dim3A_872 = vector.shape_cast %reduce_max3A_871 : vector<16xf32> to vector<16x1xf32>
    %swap3A_873 = arith.constant 0 : index
    %swap3A_874 = arith.constant 72 : index
    %swap3A_875 = vector.load %arg4[%swap3A_873, %swap3A_874] : memref<16x128xf32, #tpu.memory_space<vmem>>, vector<16x1xf32>
    tpu.vector_store %arg4[%swap3A_873, %swap3A_874], %broadcast_in_dim3A_872 {strides = array<i32>} : memref<16x128xf32, #tpu.memory_space<vmem>>, vector<16x1xf32>,
    %eq3A_876 = arith.constant 250057 : i32
    %eq3A_877 = vector.broadcast %eq3A_876 : i32 to vector<16x512xi32>
    %eq3A_878 = arith.cmpi eq, %get3A_1, %eq3A_877 : vector<16x512xi32>
    %jit3A_879 = arith.constant 0.000000e+00 : f32
    %broadcast_in_dim3A_880 = vector.broadcast %jit3A_879 : f32 to vector<16x512xf32>
    %select_n3A_881 = arith.select %eq3A_878, %reshape3A, %broadcast_in_dim3A_880 : vector<16x512xi1>, vector<16x512xf32>
    %reduce_max3A_882 = arith.constant dense<0xFF800000> : vector<16xf32>
    %reduce_max3A_883 = vector.multi_reduction <maximumf>, %select_n3A_881, %reduce_max3A_882 [1] : vector<16x512xf32> to vector<16xf32>
    %broadcast_in_dim3A_884 = vector.shape_cast %reduce_max3A_883 : vector<16xf32> to vector<16x1xf32>
    %swap3A_885 = arith.constant 0 : index
    %swap3A_886 = arith.constant 73 : index
    %swap3A_887 = vector.load %arg4[%swap3A_885, %swap3A_886] : memref<16x128xf32, #tpu.memory_space<vmem>>, vector<16x1xf32>
    tpu.vector_store %arg4[%swap3A_885, %swap3A_886], %broadcast_in_dim3A_884 {strides = array<i32>} : memref<16x128xf32, #tpu.memory_space<vmem>>, vector<16x1xf32>,
    %eq3A_888 = arith.constant 250058 : i32
    %eq3A_889 = vector.broadcast %eq3A_888 : i32 to vector<16x512xi32>
    %eq3A_890 = arith.cmpi eq, %get3A_1, %eq3A_889 : vector<16x512xi32>
    %jit3A_891 = arith.constant 0.000000e+00 : f32
    %broadcast_in_dim3A_892 = vector.broadcast %jit3A_891 : f32 to vector<16x512xf32>
    %select_n3A_893 = arith.select %eq3A_890, %reshape3A, %broadcast_in_dim3A_892 : vector<16x512xi1>, vector<16x512xf32>
    %reduce_max3A_894 = arith.constant dense<0xFF800000> : vector<16xf32>
    %reduce_max3A_895 = vector.multi_reduction <maximumf>, %select_n3A_893, %reduce_max3A_894 [1] : vector<16x512xf32> to vector<16xf32>
    %broadcast_in_dim3A_896 = vector.shape_cast %reduce_max3A_895 : vector<16xf32> to vector<16x1xf32>
    %swap3A_897 = arith.constant 0 : index
    %swap3A_898 = arith.constant 74 : index
    %swap3A_899 = vector.load %arg4[%swap3A_897, %swap3A_898] : memref<16x128xf32, #tpu.memory_space<vmem>>, vector<16x1xf32>
    tpu.vector_store %arg4[%swap3A_897, %swap3A_898], %broadcast_in_dim3A_896 {strides = array<i32>} : memref<16x128xf32, #tpu.memory_space<vmem>>, vector<16x1xf32>,
    %eq3A_900 = arith.constant 250059 : i32
    %eq3A_901 = vector.broadcast %eq3A_900 : i32 to vector<16x512xi32>
    %eq3A_902 = arith.cmpi eq, %get3A_1, %eq3A_901 : vector<16x512xi32>
    %jit3A_903 = arith.constant 0.000000e+00 : f32
    %broadcast_in_dim3A_904 = vector.broadcast %jit3A_903 : f32 to vector<16x512xf32>
    %select_n3A_905 = arith.select %eq3A_902, %reshape3A, %broadcast_in_dim3A_904 : vector<16x512xi1>, vector<16x512xf32>
    %reduce_max3A_906 = arith.constant dense<0xFF800000> : vector<16xf32>
    %reduce_max3A_907 = vector.multi_reduction <maximumf>, %select_n3A_905, %reduce_max3A_906 [1] : vector<16x512xf32> to vector<16xf32>
    %broadcast_in_dim3A_908 = vector.shape_cast %reduce_max3A_907 : vector<16xf32> to vector<16x1xf32>
    %swap3A_909 = arith.constant 0 : index
    %swap3A_910 = arith.constant 75 : index
    %swap3A_911 = vector.load %arg4[%swap3A_909, %swap3A_910] : memref<16x128xf32, #tpu.memory_space<vmem>>, vector<16x1xf32>
    tpu.vector_store %arg4[%swap3A_909, %swap3A_910], %broadcast_in_dim3A_908 {strides = array<i32>} : memref<16x128xf32, #tpu.memory_space<vmem>>, vector<16x1xf32>,
    %eq3A_912 = arith.constant 250060 : i32
    %eq3A_913 = vector.broadcast %eq3A_912 : i32 to vector<16x512xi32>
    %eq3A_914 = arith.cmpi eq, %get3A_1, %eq3A_913 : vector<16x512xi32>
    %jit3A_915 = arith.constant 0.000000e+00 : f32
    %broadcast_in_dim3A_916 = vector.broadcast %jit3A_915 : f32 to vector<16x512xf32>
    %select_n3A_917 = arith.select %eq3A_914, %reshape3A, %broadcast_in_dim3A_916 : vector<16x512xi1>, vector<16x512xf32>
    %reduce_max3A_918 = arith.constant dense<0xFF800000> : vector<16xf32>
    %reduce_max3A_919 = vector.multi_reduction <maximumf>, %select_n3A_917, %reduce_max3A_918 [1] : vector<16x512xf32> to vector<16xf32>
    %broadcast_in_dim3A_920 = vector.shape_cast %reduce_max3A_919 : vector<16xf32> to vector<16x1xf32>
    %swap3A_921 = arith.constant 0 : index
    %swap3A_922 = arith.constant 76 : index
    %swap3A_923 = vector.load %arg4[%swap3A_921, %swap3A_922] : memref<16x128xf32, #tpu.memory_space<vmem>>, vector<16x1xf32>
    tpu.vector_store %arg4[%swap3A_921, %swap3A_922], %broadcast_in_dim3A_920 {strides = array<i32>} : memref<16x128xf32, #tpu.memory_space<vmem>>, vector<16x1xf32>,
    %eq3A_924 = arith.constant 250061 : i32
    %eq3A_925 = vector.broadcast %eq3A_924 : i32 to vector<16x512xi32>
    %eq3A_926 = arith.cmpi eq, %get3A_1, %eq3A_925 : vector<16x512xi32>
    %jit3A_927 = arith.constant 0.000000e+00 : f32
    %broadcast_in_dim3A_928 = vector.broadcast %jit3A_927 : f32 to vector<16x512xf32>
    %select_n3A_929 = arith.select %eq3A_926, %reshape3A, %broadcast_in_dim3A_928 : vector<16x512xi1>, vector<16x512xf32>
    %reduce_max3A_930 = arith.constant dense<0xFF800000> : vector<16xf32>
    %reduce_max3A_931 = vector.multi_reduction <maximumf>, %select_n3A_929, %reduce_max3A_930 [1] : vector<16x512xf32> to vector<16xf32>
    %broadcast_in_dim3A_932 = vector.shape_cast %reduce_max3A_931 : vector<16xf32> to vector<16x1xf32>
    %swap3A_933 = arith.constant 0 : index
    %swap3A_934 = arith.constant 77 : index
    %swap3A_935 = vector.load %arg4[%swap3A_933, %swap3A_934] : memref<16x128xf32, #tpu.memory_space<vmem>>, vector<16x1xf32>
    tpu.vector_store %arg4[%swap3A_933, %swap3A_934], %broadcast_in_dim3A_932 {strides = array<i32>} : memref<16x128xf32, #tpu.memory_space<vmem>>, vector<16x1xf32>,
    %eq3A_936 = arith.constant 250062 : i32
    %eq3A_937 = vector.broadcast %eq3A_936 : i32 to vector<16x512xi32>
    %eq3A_938 = arith.cmpi eq, %get3A_1, %eq3A_937 : vector<16x512xi32>
    %jit3A_939 = arith.constant 0.000000e+00 : f32
    %broadcast_in_dim3A_940 = vector.broadcast %jit3A_939 : f32 to vector<16x512xf32>
    %select_n3A_941 = arith.select %eq3A_938, %reshape3A, %broadcast_in_dim3A_940 : vector<16x512xi1>, vector<16x512xf32>
    %reduce_max3A_942 = arith.constant dense<0xFF800000> : vector<16xf32>
    %reduce_max3A_943 = vector.multi_reduction <maximumf>, %select_n3A_941, %reduce_max3A_942 [1] : vector<16x512xf32> to vector<16xf32>
    %broadcast_in_dim3A_944 = vector.shape_cast %reduce_max3A_943 : vector<16xf32> to vector<16x1xf32>
    %swap3A_945 = arith.constant 0 : index
    %swap3A_946 = arith.constant 78 : index
    %swap3A_947 = vector.load %arg4[%swap3A_945, %swap3A_946] : memref<16x128xf32, #tpu.memory_space<vmem>>, vector<16x1xf32>
    tpu.vector_store %arg4[%swap3A_945, %swap3A_946], %broadcast_in_dim3A_944 {strides = array<i32>} : memref<16x128xf32, #tpu.memory_space<vmem>>, vector<16x1xf32>,
    %eq3A_948 = arith.constant 250063 : i32
    %eq3A_949 = vector.broadcast %eq3A_948 : i32 to vector<16x512xi32>
    %eq3A_950 = arith.cmpi eq, %get3A_1, %eq3A_949 : vector<16x512xi32>
    %jit3A_951 = arith.constant 0.000000e+00 : f32
    %broadcast_in_dim3A_952 = vector.broadcast %jit3A_951 : f32 to vector<16x512xf32>
    %select_n3A_953 = arith.select %eq3A_950, %reshape3A, %broadcast_in_dim3A_952 : vector<16x512xi1>, vector<16x512xf32>
    %reduce_max3A_954 = arith.constant dense<0xFF800000> : vector<16xf32>
    %reduce_max3A_955 = vector.multi_reduction <maximumf>, %select_n3A_953, %reduce_max3A_954 [1] : vector<16x512xf32> to vector<16xf32>
    %broadcast_in_dim3A_956 = vector.shape_cast %reduce_max3A_955 : vector<16xf32> to vector<16x1xf32>
    %swap3A_957 = arith.constant 0 : index
    %swap3A_958 = arith.constant 79 : index
    %swap3A_959 = vector.load %arg4[%swap3A_957, %swap3A_958] : memref<16x128xf32, #tpu.memory_space<vmem>>, vector<16x1xf32>
    tpu.vector_store %arg4[%swap3A_957, %swap3A_958], %broadcast_in_dim3A_956 {strides = array<i32>} : memref<16x128xf32, #tpu.memory_space<vmem>>, vector<16x1xf32>,
    %eq3A_960 = arith.constant 250064 : i32
    %eq3A_961 = vector.broadcast %eq3A_960 : i32 to vector<16x512xi32>
    %eq3A_962 = arith.cmpi eq, %get3A_1, %eq3A_961 : vector<16x512xi32>
    %jit3A_963 = arith.constant 0.000000e+00 : f32
    %broadcast_in_dim3A_964 = vector.broadcast %jit3A_963 : f32 to vector<16x512xf32>
    %select_n3A_965 = arith.select %eq3A_962, %reshape3A, %broadcast_in_dim3A_964 : vector<16x512xi1>, vector<16x512xf32>
    %reduce_max3A_966 = arith.constant dense<0xFF800000> : vector<16xf32>
    %reduce_max3A_967 = vector.multi_reduction <maximumf>, %select_n3A_965, %reduce_max3A_966 [1] : vector<16x512xf32> to vector<16xf32>
    %broadcast_in_dim3A_968 = vector.shape_cast %reduce_max3A_967 : vector<16xf32> to vector<16x1xf32>
    %swap3A_969 = arith.constant 0 : index
    %swap3A_970 = arith.constant 80 : index
    %swap3A_971 = vector.load %arg4[%swap3A_969, %swap3A_970] : memref<16x128xf32, #tpu.memory_space<vmem>>, vector<16x1xf32>
    tpu.vector_store %arg4[%swap3A_969, %swap3A_970], %broadcast_in_dim3A_968 {strides = array<i32>} : memref<16x128xf32, #tpu.memory_space<vmem>>, vector<16x1xf32>,
    %eq3A_972 = arith.constant 250065 : i32
    %eq3A_973 = vector.broadcast %eq3A_972 : i32 to vector<16x512xi32>
    %eq3A_974 = arith.cmpi eq, %get3A_1, %eq3A_973 : vector<16x512xi32>
    %jit3A_975 = arith.constant 0.000000e+00 : f32
    %broadcast_in_dim3A_976 = vector.broadcast %jit3A_975 : f32 to vector<16x512xf32>
    %select_n3A_977 = arith.select %eq3A_974, %reshape3A, %broadcast_in_dim3A_976 : vector<16x512xi1>, vector<16x512xf32>
    %reduce_max3A_978 = arith.constant dense<0xFF800000> : vector<16xf32>
    %reduce_max3A_979 = vector.multi_reduction <maximumf>, %select_n3A_977, %reduce_max3A_978 [1] : vector<16x512xf32> to vector<16xf32>
    %broadcast_in_dim3A_980 = vector.shape_cast %reduce_max3A_979 : vector<16xf32> to vector<16x1xf32>
    %swap3A_981 = arith.constant 0 : index
    %swap3A_982 = arith.constant 81 : index
    %swap3A_983 = vector.load %arg4[%swap3A_981, %swap3A_982] : memref<16x128xf32, #tpu.memory_space<vmem>>, vector<16x1xf32>
    tpu.vector_store %arg4[%swap3A_981, %swap3A_982], %broadcast_in_dim3A_980 {strides = array<i32>} : memref<16x128xf32, #tpu.memory_space<vmem>>, vector<16x1xf32>,
    %eq3A_984 = arith.constant 250066 : i32
    %eq3A_985 = vector.broadcast %eq3A_984 : i32 to vector<16x512xi32>
    %eq3A_986 = arith.cmpi eq, %get3A_1, %eq3A_985 : vector<16x512xi32>
    %jit3A_987 = arith.constant 0.000000e+00 : f32
    %broadcast_in_dim3A_988 = vector.broadcast %jit3A_987 : f32 to vector<16x512xf32>
    %select_n3A_989 = arith.select %eq3A_986, %reshape3A, %broadcast_in_dim3A_988 : vector<16x512xi1>, vector<16x512xf32>
    %reduce_max3A_990 = arith.constant dense<0xFF800000> : vector<16xf32>
    %reduce_max3A_991 = vector.multi_reduction <maximumf>, %select_n3A_989, %reduce_max3A_990 [1] : vector<16x512xf32> to vector<16xf32>
    %broadcast_in_dim3A_992 = vector.shape_cast %reduce_max3A_991 : vector<16xf32> to vector<16x1xf32>
    %swap3A_993 = arith.constant 0 : index
    %swap3A_994 = arith.constant 82 : index
    %swap3A_995 = vector.load %arg4[%swap3A_993, %swap3A_994] : memref<16x128xf32, #tpu.memory_space<vmem>>, vector<16x1xf32>
    tpu.vector_store %arg4[%swap3A_993, %swap3A_994], %broadcast_in_dim3A_992 {strides = array<i32>} : memref<16x128xf32, #tpu.memory_space<vmem>>, vector<16x1xf32>,
    %eq3A_996 = arith.constant 250067 : i32
    %eq3A_997 = vector.broadcast %eq3A_996 : i32 to vector<16x512xi32>
    %eq3A_998 = arith.cmpi eq, %get3A_1, %eq3A_997 : vector<16x512xi32>
    %jit3A_999 = arith.constant 0.000000e+00 : f32
    %broadcast_in_dim3A_1000 = vector.broadcast %jit3A_999 : f32 to vector<16x512xf32>
    %select_n3A_1001 = arith.select %eq3A_998, %reshape3A, %broadcast_in_dim3A_1000 : vector<16x512xi1>, vector<16x512xf32>
    %reduce_max3A_1002 = arith.constant dense<0xFF800000> : vector<16xf32>
    %reduce_max3A_1003 = vector.multi_reduction <maximumf>, %select_n3A_1001, %reduce_max3A_1002 [1] : vector<16x512xf32> to vector<16xf32>
    %broadcast_in_dim3A_1004 = vector.shape_cast %reduce_max3A_1003 : vector<16xf32> to vector<16x1xf32>
    %swap3A_1005 = arith.constant 0 : index
    %swap3A_1006 = arith.constant 83 : index
    %swap3A_1007 = vector.load %arg4[%swap3A_1005, %swap3A_1006] : memref<16x128xf32, #tpu.memory_space<vmem>>, vector<16x1xf32>
    tpu.vector_store %arg4[%swap3A_1005, %swap3A_1006], %broadcast_in_dim3A_1004 {strides = array<i32>} : memref<16x128xf32, #tpu.memory_space<vmem>>, vector<16x1xf32>,
    %eq3A_1008 = arith.constant 250068 : i32
    %eq3A_1009 = vector.broadcast %eq3A_1008 : i32 to vector<16x512xi32>
    %eq3A_1010 = arith.cmpi eq, %get3A_1, %eq3A_1009 : vector<16x512xi32>
    %jit3A_1011 = arith.constant 0.000000e+00 : f32
    %broadcast_in_dim3A_1012 = vector.broadcast %jit3A_1011 : f32 to vector<16x512xf32>
    %select_n3A_1013 = arith.select %eq3A_1010, %reshape3A, %broadcast_in_dim3A_1012 : vector<16x512xi1>, vector<16x512xf32>
    %reduce_max3A_1014 = arith.constant dense<0xFF800000> : vector<16xf32>
    %reduce_max3A_1015 = vector.multi_reduction <maximumf>, %select_n3A_1013, %reduce_max3A_1014 [1] : vector<16x512xf32> to vector<16xf32>
    %broadcast_in_dim3A_1016 = vector.shape_cast %reduce_max3A_1015 : vector<16xf32> to vector<16x1xf32>
    %swap3A_1017 = arith.constant 0 : index
    %swap3A_1018 = arith.constant 84 : index
    %swap3A_1019 = vector.load %arg4[%swap3A_1017, %swap3A_1018] : memref<16x128xf32, #tpu.memory_space<vmem>>, vector<16x1xf32>
    tpu.vector_store %arg4[%swap3A_1017, %swap3A_1018], %broadcast_in_dim3A_1016 {strides = array<i32>} : memref<16x128xf32, #tpu.memory_space<vmem>>, vector<16x1xf32>,
    %eq3A_1020 = arith.constant 250069 : i32
    %eq3A_1021 = vector.broadcast %eq3A_1020 : i32 to vector<16x512xi32>
    %eq3A_1022 = arith.cmpi eq, %get3A_1, %eq3A_1021 : vector<16x512xi32>
    %jit3A_1023 = arith.constant 0.000000e+00 : f32
    %broadcast_in_dim3A_1024 = vector.broadcast %jit3A_1023 : f32 to vector<16x512xf32>
    %select_n3A_1025 = arith.select %eq3A_1022, %reshape3A, %broadcast_in_dim3A_1024 : vector<16x512xi1>, vector<16x512xf32>
    %reduce_max3A_1026 = arith.constant dense<0xFF800000> : vector<16xf32>
    %reduce_max3A_1027 = vector.multi_reduction <maximumf>, %select_n3A_1025, %reduce_max3A_1026 [1] : vector<16x512xf32> to vector<16xf32>
    %broadcast_in_dim3A_1028 = vector.shape_cast %reduce_max3A_1027 : vector<16xf32> to vector<16x1xf32>
    %swap3A_1029 = arith.constant 0 : index
    %swap3A_1030 = arith.constant 85 : index
    %swap3A_1031 = vector.load %arg4[%swap3A_1029, %swap3A_1030] : memref<16x128xf32, #tpu.memory_space<vmem>>, vector<16x1xf32>
    tpu.vector_store %arg4[%swap3A_1029, %swap3A_1030], %broadcast_in_dim3A_1028 {strides = array<i32>} : memref<16x128xf32, #tpu.memory_space<vmem>>, vector<16x1xf32>,
    %eq3A_1032 = arith.constant 250070 : i32
    %eq3A_1033 = vector.broadcast %eq3A_1032 : i32 to vector<16x512xi32>
    %eq3A_1034 = arith.cmpi eq, %get3A_1, %eq3A_1033 : vector<16x512xi32>
    %jit3A_1035 = arith.constant 0.000000e+00 : f32
    %broadcast_in_dim3A_1036 = vector.broadcast %jit3A_1035 : f32 to vector<16x512xf32>
    %select_n3A_1037 = arith.select %eq3A_1034, %reshape3A, %broadcast_in_dim3A_1036 : vector<16x512xi1>, vector<16x512xf32>
    %reduce_max3A_1038 = arith.constant dense<0xFF800000> : vector<16xf32>
    %reduce_max3A_1039 = vector.multi_reduction <maximumf>, %select_n3A_1037, %reduce_max3A_1038 [1] : vector<16x512xf32> to vector<16xf32>
    %broadcast_in_dim3A_1040 = vector.shape_cast %reduce_max3A_1039 : vector<16xf32> to vector<16x1xf32>
    %swap3A_1041 = arith.constant 0 : index
    %swap3A_1042 = arith.constant 86 : index
    %swap3A_1043 = vector.load %arg4[%swap3A_1041, %swap3A_1042] : memref<16x128xf32, #tpu.memory_space<vmem>>, vector<16x1xf32>
    tpu.vector_store %arg4[%swap3A_1041, %swap3A_1042], %broadcast_in_dim3A_1040 {strides = array<i32>} : memref<16x128xf32, #tpu.memory_space<vmem>>, vector<16x1xf32>,
    %eq3A_1044 = arith.constant 250071 : i32
    %eq3A_1045 = vector.broadcast %eq3A_1044 : i32 to vector<16x512xi32>
    %eq3A_1046 = arith.cmpi eq, %get3A_1, %eq3A_1045 : vector<16x512xi32>
    %jit3A_1047 = arith.constant 0.000000e+00 : f32
    %broadcast_in_dim3A_1048 = vector.broadcast %jit3A_1047 : f32 to vector<16x512xf32>
    %select_n3A_1049 = arith.select %eq3A_1046, %reshape3A, %broadcast_in_dim3A_1048 : vector<16x512xi1>, vector<16x512xf32>
    %reduce_max3A_1050 = arith.constant dense<0xFF800000> : vector<16xf32>
    %reduce_max3A_1051 = vector.multi_reduction <maximumf>, %select_n3A_1049, %reduce_max3A_1050 [1] : vector<16x512xf32> to vector<16xf32>
    %broadcast_in_dim3A_1052 = vector.shape_cast %reduce_max3A_1051 : vector<16xf32> to vector<16x1xf32>
    %swap3A_1053 = arith.constant 0 : index
    %swap3A_1054 = arith.constant 87 : index
    %swap3A_1055 = vector.load %arg4[%swap3A_1053, %swap3A_1054] : memref<16x128xf32, #tpu.memory_space<vmem>>, vector<16x1xf32>
    tpu.vector_store %arg4[%swap3A_1053, %swap3A_1054], %broadcast_in_dim3A_1052 {strides = array<i32>} : memref<16x128xf32, #tpu.memory_space<vmem>>, vector<16x1xf32>,
    %eq3A_1056 = arith.constant 250072 : i32
    %eq3A_1057 = vector.broadcast %eq3A_1056 : i32 to vector<16x512xi32>
    %eq3A_1058 = arith.cmpi eq, %get3A_1, %eq3A_1057 : vector<16x512xi32>
    %jit3A_1059 = arith.constant 0.000000e+00 : f32
    %broadcast_in_dim3A_1060 = vector.broadcast %jit3A_1059 : f32 to vector<16x512xf32>
    %select_n3A_1061 = arith.select %eq3A_1058, %reshape3A, %broadcast_in_dim3A_1060 : vector<16x512xi1>, vector<16x512xf32>
    %reduce_max3A_1062 = arith.constant dense<0xFF800000> : vector<16xf32>
    %reduce_max3A_1063 = vector.multi_reduction <maximumf>, %select_n3A_1061, %reduce_max3A_1062 [1] : vector<16x512xf32> to vector<16xf32>
    %broadcast_in_dim3A_1064 = vector.shape_cast %reduce_max3A_1063 : vector<16xf32> to vector<16x1xf32>
    %swap3A_1065 = arith.constant 0 : index
    %swap3A_1066 = arith.constant 88 : index
    %swap3A_1067 = vector.load %arg4[%swap3A_1065, %swap3A_1066] : memref<16x128xf32, #tpu.memory_space<vmem>>, vector<16x1xf32>
    tpu.vector_store %arg4[%swap3A_1065, %swap3A_1066], %broadcast_in_dim3A_1064 {strides = array<i32>} : memref<16x128xf32, #tpu.memory_space<vmem>>, vector<16x1xf32>,
    %eq3A_1068 = arith.constant 250073 : i32
    %eq3A_1069 = vector.broadcast %eq3A_1068 : i32 to vector<16x512xi32>
    %eq3A_1070 = arith.cmpi eq, %get3A_1, %eq3A_1069 : vector<16x512xi32>
    %jit3A_1071 = arith.constant 0.000000e+00 : f32
    %broadcast_in_dim3A_1072 = vector.broadcast %jit3A_1071 : f32 to vector<16x512xf32>
    %select_n3A_1073 = arith.select %eq3A_1070, %reshape3A, %broadcast_in_dim3A_1072 : vector<16x512xi1>, vector<16x512xf32>
    %reduce_max3A_1074 = arith.constant dense<0xFF800000> : vector<16xf32>
    %reduce_max3A_1075 = vector.multi_reduction <maximumf>, %select_n3A_1073, %reduce_max3A_1074 [1] : vector<16x512xf32> to vector<16xf32>
    %broadcast_in_dim3A_1076 = vector.shape_cast %reduce_max3A_1075 : vector<16xf32> to vector<16x1xf32>
    %swap3A_1077 = arith.constant 0 : index
    %swap3A_1078 = arith.constant 89 : index
    %swap3A_1079 = vector.load %arg4[%swap3A_1077, %swap3A_1078] : memref<16x128xf32, #tpu.memory_space<vmem>>, vector<16x1xf32>
    tpu.vector_store %arg4[%swap3A_1077, %swap3A_1078], %broadcast_in_dim3A_1076 {strides = array<i32>} : memref<16x128xf32, #tpu.memory_space<vmem>>, vector<16x1xf32>,
    %eq3A_1080 = arith.constant 250074 : i32
    %eq3A_1081 = vector.broadcast %eq3A_1080 : i32 to vector<16x512xi32>
    %eq3A_1082 = arith.cmpi eq, %get3A_1, %eq3A_1081 : vector<16x512xi32>
    %jit3A_1083 = arith.constant 0.000000e+00 : f32
    %broadcast_in_dim3A_1084 = vector.broadcast %jit3A_1083 : f32 to vector<16x512xf32>
    %select_n3A_1085 = arith.select %eq3A_1082, %reshape3A, %broadcast_in_dim3A_1084 : vector<16x512xi1>, vector<16x512xf32>
    %reduce_max3A_1086 = arith.constant dense<0xFF800000> : vector<16xf32>
    %reduce_max3A_1087 = vector.multi_reduction <maximumf>, %select_n3A_1085, %reduce_max3A_1086 [1] : vector<16x512xf32> to vector<16xf32>
    %broadcast_in_dim3A_1088 = vector.shape_cast %reduce_max3A_1087 : vector<16xf32> to vector<16x1xf32>
    %swap3A_1089 = arith.constant 0 : index
    %swap3A_1090 = arith.constant 90 : index
    %swap3A_1091 = vector.load %arg4[%swap3A_1089, %swap3A_1090] : memref<16x128xf32, #tpu.memory_space<vmem>>, vector<16x1xf32>
    tpu.vector_store %arg4[%swap3A_1089, %swap3A_1090], %broadcast_in_dim3A_1088 {strides = array<i32>} : memref<16x128xf32, #tpu.memory_space<vmem>>, vector<16x1xf32>,
    %eq3A_1092 = arith.constant 250075 : i32
    %eq3A_1093 = vector.broadcast %eq3A_1092 : i32 to vector<16x512xi32>
    %eq3A_1094 = arith.cmpi eq, %get3A_1, %eq3A_1093 : vector<16x512xi32>
    %jit3A_1095 = arith.constant 0.000000e+00 : f32
    %broadcast_in_dim3A_1096 = vector.broadcast %jit3A_1095 : f32 to vector<16x512xf32>
    %select_n3A_1097 = arith.select %eq3A_1094, %reshape3A, %broadcast_in_dim3A_1096 : vector<16x512xi1>, vector<16x512xf32>
    %reduce_max3A_1098 = arith.constant dense<0xFF800000> : vector<16xf32>
    %reduce_max3A_1099 = vector.multi_reduction <maximumf>, %select_n3A_1097, %reduce_max3A_1098 [1] : vector<16x512xf32> to vector<16xf32>
    %broadcast_in_dim3A_1100 = vector.shape_cast %reduce_max3A_1099 : vector<16xf32> to vector<16x1xf32>
    %swap3A_1101 = arith.constant 0 : index
    %swap3A_1102 = arith.constant 91 : index
    %swap3A_1103 = vector.load %arg4[%swap3A_1101, %swap3A_1102] : memref<16x128xf32, #tpu.memory_space<vmem>>, vector<16x1xf32>
    tpu.vector_store %arg4[%swap3A_1101, %swap3A_1102], %broadcast_in_dim3A_1100 {strides = array<i32>} : memref<16x128xf32, #tpu.memory_space<vmem>>, vector<16x1xf32>,
    %eq3A_1104 = arith.constant 250076 : i32
    %eq3A_1105 = vector.broadcast %eq3A_1104 : i32 to vector<16x512xi32>
    %eq3A_1106 = arith.cmpi eq, %get3A_1, %eq3A_1105 : vector<16x512xi32>
    %jit3A_1107 = arith.constant 0.000000e+00 : f32
    %broadcast_in_dim3A_1108 = vector.broadcast %jit3A_1107 : f32 to vector<16x512xf32>
    %select_n3A_1109 = arith.select %eq3A_1106, %reshape3A, %broadcast_in_dim3A_1108 : vector<16x512xi1>, vector<16x512xf32>
    %reduce_max3A_1110 = arith.constant dense<0xFF800000> : vector<16xf32>
    %reduce_max3A_1111 = vector.multi_reduction <maximumf>, %select_n3A_1109, %reduce_max3A_1110 [1] : vector<16x512xf32> to vector<16xf32>
    %broadcast_in_dim3A_1112 = vector.shape_cast %reduce_max3A_1111 : vector<16xf32> to vector<16x1xf32>
    %swap3A_1113 = arith.constant 0 : index
    %swap3A_1114 = arith.constant 92 : index
    %swap3A_1115 = vector.load %arg4[%swap3A_1113, %swap3A_1114] : memref<16x128xf32, #tpu.memory_space<vmem>>, vector<16x1xf32>
    tpu.vector_store %arg4[%swap3A_1113, %swap3A_1114], %broadcast_in_dim3A_1112 {strides = array<i32>} : memref<16x128xf32, #tpu.memory_space<vmem>>, vector<16x1xf32>,
    %eq3A_1116 = arith.constant 250077 : i32
    %eq3A_1117 = vector.broadcast %eq3A_1116 : i32 to vector<16x512xi32>
    %eq3A_1118 = arith.cmpi eq, %get3A_1, %eq3A_1117 : vector<16x512xi32>
    %jit3A_1119 = arith.constant 0.000000e+00 : f32
    %broadcast_in_dim3A_1120 = vector.broadcast %jit3A_1119 : f32 to vector<16x512xf32>
    %select_n3A_1121 = arith.select %eq3A_1118, %reshape3A, %broadcast_in_dim3A_1120 : vector<16x512xi1>, vector<16x512xf32>
    %reduce_max3A_1122 = arith.constant dense<0xFF800000> : vector<16xf32>
    %reduce_max3A_1123 = vector.multi_reduction <maximumf>, %select_n3A_1121, %reduce_max3A_1122 [1] : vector<16x512xf32> to vector<16xf32>
    %broadcast_in_dim3A_1124 = vector.shape_cast %reduce_max3A_1123 : vector<16xf32> to vector<16x1xf32>
    %swap3A_1125 = arith.constant 0 : index
    %swap3A_1126 = arith.constant 93 : index
    %swap3A_1127 = vector.load %arg4[%swap3A_1125, %swap3A_1126] : memref<16x128xf32, #tpu.memory_space<vmem>>, vector<16x1xf32>
    tpu.vector_store %arg4[%swap3A_1125, %swap3A_1126], %broadcast_in_dim3A_1124 {strides = array<i32>} : memref<16x128xf32, #tpu.memory_space<vmem>>, vector<16x1xf32>,
    %eq3A_1128 = arith.constant 250078 : i32
    %eq3A_1129 = vector.broadcast %eq3A_1128 : i32 to vector<16x512xi32>
    %eq3A_1130 = arith.cmpi eq, %get3A_1, %eq3A_1129 : vector<16x512xi32>
    %jit3A_1131 = arith.constant 0.000000e+00 : f32
    %broadcast_in_dim3A_1132 = vector.broadcast %jit3A_1131 : f32 to vector<16x512xf32>
    %select_n3A_1133 = arith.select %eq3A_1130, %reshape3A, %broadcast_in_dim3A_1132 : vector<16x512xi1>, vector<16x512xf32>
    %reduce_max3A_1134 = arith.constant dense<0xFF800000> : vector<16xf32>
    %reduce_max3A_1135 = vector.multi_reduction <maximumf>, %select_n3A_1133, %reduce_max3A_1134 [1] : vector<16x512xf32> to vector<16xf32>
    %broadcast_in_dim3A_1136 = vector.shape_cast %reduce_max3A_1135 : vector<16xf32> to vector<16x1xf32>
    %swap3A_1137 = arith.constant 0 : index
    %swap3A_1138 = arith.constant 94 : index
    %swap3A_1139 = vector.load %arg4[%swap3A_1137, %swap3A_1138] : memref<16x128xf32, #tpu.memory_space<vmem>>, vector<16x1xf32>
    tpu.vector_store %arg4[%swap3A_1137, %swap3A_1138], %broadcast_in_dim3A_1136 {strides = array<i32>} : memref<16x128xf32, #tpu.memory_space<vmem>>, vector<16x1xf32>,
    %eq3A_1140 = arith.constant 250079 : i32
    %eq3A_1141 = vector.broadcast %eq3A_1140 : i32 to vector<16x512xi32>
    %eq3A_1142 = arith.cmpi eq, %get3A_1, %eq3A_1141 : vector<16x512xi32>
    %jit3A_1143 = arith.constant 0.000000e+00 : f32
    %broadcast_in_dim3A_1144 = vector.broadcast %jit3A_1143 : f32 to vector<16x512xf32>
    %select_n3A_1145 = arith.select %eq3A_1142, %reshape3A, %broadcast_in_dim3A_1144 : vector<16x512xi1>, vector<16x512xf32>
    %reduce_max3A_1146 = arith.constant dense<0xFF800000> : vector<16xf32>
    %reduce_max3A_1147 = vector.multi_reduction <maximumf>, %select_n3A_1145, %reduce_max3A_1146 [1] : vector<16x512xf32> to vector<16xf32>
    %broadcast_in_dim3A_1148 = vector.shape_cast %reduce_max3A_1147 : vector<16xf32> to vector<16x1xf32>
    %swap3A_1149 = arith.constant 0 : index
    %swap3A_1150 = arith.constant 95 : index
    %swap3A_1151 = vector.load %arg4[%swap3A_1149, %swap3A_1150] : memref<16x128xf32, #tpu.memory_space<vmem>>, vector<16x1xf32>
    tpu.vector_store %arg4[%swap3A_1149, %swap3A_1150], %broadcast_in_dim3A_1148 {strides = array<i32>} : memref<16x128xf32, #tpu.memory_space<vmem>>, vector<16x1xf32>,
    %eq3A_1152 = arith.constant 250080 : i32
    %eq3A_1153 = vector.broadcast %eq3A_1152 : i32 to vector<16x512xi32>
    %eq3A_1154 = arith.cmpi eq, %get3A_1, %eq3A_1153 : vector<16x512xi32>
    %jit3A_1155 = arith.constant 0.000000e+00 : f32
    %broadcast_in_dim3A_1156 = vector.broadcast %jit3A_1155 : f32 to vector<16x512xf32>
    %select_n3A_1157 = arith.select %eq3A_1154, %reshape3A, %broadcast_in_dim3A_1156 : vector<16x512xi1>, vector<16x512xf32>
    %reduce_max3A_1158 = arith.constant dense<0xFF800000> : vector<16xf32>
    %reduce_max3A_1159 = vector.multi_reduction <maximumf>, %select_n3A_1157, %reduce_max3A_1158 [1] : vector<16x512xf32> to vector<16xf32>
    %broadcast_in_dim3A_1160 = vector.shape_cast %reduce_max3A_1159 : vector<16xf32> to vector<16x1xf32>
    %swap3A_1161 = arith.constant 0 : index
    %swap3A_1162 = arith.constant 96 : index
    %swap3A_1163 = vector.load %arg4[%swap3A_1161, %swap3A_1162] : memref<16x128xf32, #tpu.memory_space<vmem>>, vector<16x1xf32>
    tpu.vector_store %arg4[%swap3A_1161, %swap3A_1162], %broadcast_in_dim3A_1160 {strides = array<i32>} : memref<16x128xf32, #tpu.memory_space<vmem>>, vector<16x1xf32>,
    %eq3A_1164 = arith.constant 250081 : i32
    %eq3A_1165 = vector.broadcast %eq3A_1164 : i32 to vector<16x512xi32>
    %eq3A_1166 = arith.cmpi eq, %get3A_1, %eq3A_1165 : vector<16x512xi32>
    %jit3A_1167 = arith.constant 0.000000e+00 : f32
    %broadcast_in_dim3A_1168 = vector.broadcast %jit3A_1167 : f32 to vector<16x512xf32>
    %select_n3A_1169 = arith.select %eq3A_1166, %reshape3A, %broadcast_in_dim3A_1168 : vector<16x512xi1>, vector<16x512xf32>
    %reduce_max3A_1170 = arith.constant dense<0xFF800000> : vector<16xf32>
    %reduce_max3A_1171 = vector.multi_reduction <maximumf>, %select_n3A_1169, %reduce_max3A_1170 [1] : vector<16x512xf32> to vector<16xf32>
    %broadcast_in_dim3A_1172 = vector.shape_cast %reduce_max3A_1171 : vector<16xf32> to vector<16x1xf32>
    %swap3A_1173 = arith.constant 0 : index
    %swap3A_1174 = arith.constant 97 : index
    %swap3A_1175 = vector.load %arg4[%swap3A_1173, %swap3A_1174] : memref<16x128xf32, #tpu.memory_space<vmem>>, vector<16x1xf32>
    tpu.vector_store %arg4[%swap3A_1173, %swap3A_1174], %broadcast_in_dim3A_1172 {strides = array<i32>} : memref<16x128xf32, #tpu.memory_space<vmem>>, vector<16x1xf32>,
    %eq3A_1176 = arith.constant 250082 : i32
    %eq3A_1177 = vector.broadcast %eq3A_1176 : i32 to vector<16x512xi32>
    %eq3A_1178 = arith.cmpi eq, %get3A_1, %eq3A_1177 : vector<16x512xi32>
    %jit3A_1179 = arith.constant 0.000000e+00 : f32
    %broadcast_in_dim3A_1180 = vector.broadcast %jit3A_1179 : f32 to vector<16x512xf32>
    %select_n3A_1181 = arith.select %eq3A_1178, %reshape3A, %broadcast_in_dim3A_1180 : vector<16x512xi1>, vector<16x512xf32>
    %reduce_max3A_1182 = arith.constant dense<0xFF800000> : vector<16xf32>
    %reduce_max3A_1183 = vector.multi_reduction <maximumf>, %select_n3A_1181, %reduce_max3A_1182 [1] : vector<16x512xf32> to vector<16xf32>
    %broadcast_in_dim3A_1184 = vector.shape_cast %reduce_max3A_1183 : vector<16xf32> to vector<16x1xf32>
    %swap3A_1185 = arith.constant 0 : index
    %swap3A_1186 = arith.constant 98 : index
    %swap3A_1187 = vector.load %arg4[%swap3A_1185, %swap3A_1186] : memref<16x128xf32, #tpu.memory_space<vmem>>, vector<16x1xf32>
    tpu.vector_store %arg4[%swap3A_1185, %swap3A_1186], %broadcast_in_dim3A_1184 {strides = array<i32>} : memref<16x128xf32, #tpu.memory_space<vmem>>, vector<16x1xf32>,
    %eq3A_1188 = arith.constant 250083 : i32
    %eq3A_1189 = vector.broadcast %eq3A_1188 : i32 to vector<16x512xi32>
    %eq3A_1190 = arith.cmpi eq, %get3A_1, %eq3A_1189 : vector<16x512xi32>
    %jit3A_1191 = arith.constant 0.000000e+00 : f32
    %broadcast_in_dim3A_1192 = vector.broadcast %jit3A_1191 : f32 to vector<16x512xf32>
    %select_n3A_1193 = arith.select %eq3A_1190, %reshape3A, %broadcast_in_dim3A_1192 : vector<16x512xi1>, vector<16x512xf32>
    %reduce_max3A_1194 = arith.constant dense<0xFF800000> : vector<16xf32>
    %reduce_max3A_1195 = vector.multi_reduction <maximumf>, %select_n3A_1193, %reduce_max3A_1194 [1] : vector<16x512xf32> to vector<16xf32>
    %broadcast_in_dim3A_1196 = vector.shape_cast %reduce_max3A_1195 : vector<16xf32> to vector<16x1xf32>
    %swap3A_1197 = arith.constant 0 : index
    %swap3A_1198 = arith.constant 99 : index
    %swap3A_1199 = vector.load %arg4[%swap3A_1197, %swap3A_1198] : memref<16x128xf32, #tpu.memory_space<vmem>>, vector<16x1xf32>
    tpu.vector_store %arg4[%swap3A_1197, %swap3A_1198], %broadcast_in_dim3A_1196 {strides = array<i32>} : memref<16x128xf32, #tpu.memory_space<vmem>>, vector<16x1xf32>,
    %eq3A_1200 = arith.constant 250084 : i32
    %eq3A_1201 = vector.broadcast %eq3A_1200 : i32 to vector<16x512xi32>
    %eq3A_1202 = arith.cmpi eq, %get3A_1, %eq3A_1201 : vector<16x512xi32>
    %jit3A_1203 = arith.constant 0.000000e+00 : f32
    %broadcast_in_dim3A_1204 = vector.broadcast %jit3A_1203 : f32 to vector<16x512xf32>
    %select_n3A_1205 = arith.select %eq3A_1202, %reshape3A, %broadcast_in_dim3A_1204 : vector<16x512xi1>, vector<16x512xf32>
    %reduce_max3A_1206 = arith.constant dense<0xFF800000> : vector<16xf32>
    %reduce_max3A_1207 = vector.multi_reduction <maximumf>, %select_n3A_1205, %reduce_max3A_1206 [1] : vector<16x512xf32> to vector<16xf32>
    %broadcast_in_dim3A_1208 = vector.shape_cast %reduce_max3A_1207 : vector<16xf32> to vector<16x1xf32>
    %swap3A_1209 = arith.constant 0 : index
    %swap3A_1210 = arith.constant 100 : index
    %swap3A_1211 = vector.load %arg4[%swap3A_1209, %swap3A_1210] : memref<16x128xf32, #tpu.memory_space<vmem>>, vector<16x1xf32>
    tpu.vector_store %arg4[%swap3A_1209, %swap3A_1210], %broadcast_in_dim3A_1208 {strides = array<i32>} : memref<16x128xf32, #tpu.memory_space<vmem>>, vector<16x1xf32>,
    %eq3A_1212 = arith.constant 250085 : i32
    %eq3A_1213 = vector.broadcast %eq3A_1212 : i32 to vector<16x512xi32>
    %eq3A_1214 = arith.cmpi eq, %get3A_1, %eq3A_1213 : vector<16x512xi32>
    %jit3A_1215 = arith.constant 0.000000e+00 : f32
    %broadcast_in_dim3A_1216 = vector.broadcast %jit3A_1215 : f32 to vector<16x512xf32>
    %select_n3A_1217 = arith.select %eq3A_1214, %reshape3A, %broadcast_in_dim3A_1216 : vector<16x512xi1>, vector<16x512xf32>
    %reduce_max3A_1218 = arith.constant dense<0xFF800000> : vector<16xf32>
    %reduce_max3A_1219 = vector.multi_reduction <maximumf>, %select_n3A_1217, %reduce_max3A_1218 [1] : vector<16x512xf32> to vector<16xf32>
    %broadcast_in_dim3A_1220 = vector.shape_cast %reduce_max3A_1219 : vector<16xf32> to vector<16x1xf32>
    %swap3A_1221 = arith.constant 0 : index
    %swap3A_1222 = arith.constant 101 : index
    %swap3A_1223 = vector.load %arg4[%swap3A_1221, %swap3A_1222] : memref<16x128xf32, #tpu.memory_space<vmem>>, vector<16x1xf32>
    tpu.vector_store %arg4[%swap3A_1221, %swap3A_1222], %broadcast_in_dim3A_1220 {strides = array<i32>} : memref<16x128xf32, #tpu.memory_space<vmem>>, vector<16x1xf32>,
    %eq3A_1224 = arith.constant 250086 : i32
    %eq3A_1225 = vector.broadcast %eq3A_1224 : i32 to vector<16x512xi32>
    %eq3A_1226 = arith.cmpi eq, %get3A_1, %eq3A_1225 : vector<16x512xi32>
    %jit3A_1227 = arith.constant 0.000000e+00 : f32
    %broadcast_in_dim3A_1228 = vector.broadcast %jit3A_1227 : f32 to vector<16x512xf32>
    %select_n3A_1229 = arith.select %eq3A_1226, %reshape3A, %broadcast_in_dim3A_1228 : vector<16x512xi1>, vector<16x512xf32>
    %reduce_max3A_1230 = arith.constant dense<0xFF800000> : vector<16xf32>
    %reduce_max3A_1231 = vector.multi_reduction <maximumf>, %select_n3A_1229, %reduce_max3A_1230 [1] : vector<16x512xf32> to vector<16xf32>
    %broadcast_in_dim3A_1232 = vector.shape_cast %reduce_max3A_1231 : vector<16xf32> to vector<16x1xf32>
    %swap3A_1233 = arith.constant 0 : index
    %swap3A_1234 = arith.constant 102 : index
    %swap3A_1235 = vector.load %arg4[%swap3A_1233, %swap3A_1234] : memref<16x128xf32, #tpu.memory_space<vmem>>, vector<16x1xf32>
    tpu.vector_store %arg4[%swap3A_1233, %swap3A_1234], %broadcast_in_dim3A_1232 {strides = array<i32>} : memref<16x128xf32, #tpu.memory_space<vmem>>, vector<16x1xf32>,
    %eq3A_1236 = arith.constant 250087 : i32
    %eq3A_1237 = vector.broadcast %eq3A_1236 : i32 to vector<16x512xi32>
    %eq3A_1238 = arith.cmpi eq, %get3A_1, %eq3A_1237 : vector<16x512xi32>
    %jit3A_1239 = arith.constant 0.000000e+00 : f32
    %broadcast_in_dim3A_1240 = vector.broadcast %jit3A_1239 : f32 to vector<16x512xf32>
    %select_n3A_1241 = arith.select %eq3A_1238, %reshape3A, %broadcast_in_dim3A_1240 : vector<16x512xi1>, vector<16x512xf32>
    %reduce_max3A_1242 = arith.constant dense<0xFF800000> : vector<16xf32>
    %reduce_max3A_1243 = vector.multi_reduction <maximumf>, %select_n3A_1241, %reduce_max3A_1242 [1] : vector<16x512xf32> to vector<16xf32>
    %broadcast_in_dim3A_1244 = vector.shape_cast %reduce_max3A_1243 : vector<16xf32> to vector<16x1xf32>
    %swap3A_1245 = arith.constant 0 : index
    %swap3A_1246 = arith.constant 103 : index
    %swap3A_1247 = vector.load %arg4[%swap3A_1245, %swap3A_1246] : memref<16x128xf32, #tpu.memory_space<vmem>>, vector<16x1xf32>
    tpu.vector_store %arg4[%swap3A_1245, %swap3A_1246], %broadcast_in_dim3A_1244 {strides = array<i32>} : memref<16x128xf32, #tpu.memory_space<vmem>>, vector<16x1xf32>,
    %eq3A_1248 = arith.constant 250088 : i32
    %eq3A_1249 = vector.broadcast %eq3A_1248 : i32 to vector<16x512xi32>
    %eq3A_1250 = arith.cmpi eq, %get3A_1, %eq3A_1249 : vector<16x512xi32>
    %jit3A_1251 = arith.constant 0.000000e+00 : f32
    %broadcast_in_dim3A_1252 = vector.broadcast %jit3A_1251 : f32 to vector<16x512xf32>
    %select_n3A_1253 = arith.select %eq3A_1250, %reshape3A, %broadcast_in_dim3A_1252 : vector<16x512xi1>, vector<16x512xf32>
    %reduce_max3A_1254 = arith.constant dense<0xFF800000> : vector<16xf32>
    %reduce_max3A_1255 = vector.multi_reduction <maximumf>, %select_n3A_1253, %reduce_max3A_1254 [1] : vector<16x512xf32> to vector<16xf32>
    %broadcast_in_dim3A_1256 = vector.shape_cast %reduce_max3A_1255 : vector<16xf32> to vector<16x1xf32>
    %swap3A_1257 = arith.constant 0 : index
    %swap3A_1258 = arith.constant 104 : index
    %swap3A_1259 = vector.load %arg4[%swap3A_1257, %swap3A_1258] : memref<16x128xf32, #tpu.memory_space<vmem>>, vector<16x1xf32>
    tpu.vector_store %arg4[%swap3A_1257, %swap3A_1258], %broadcast_in_dim3A_1256 {strides = array<i32>} : memref<16x128xf32, #tpu.memory_space<vmem>>, vector<16x1xf32>,
    %eq3A_1260 = arith.constant 250089 : i32
    %eq3A_1261 = vector.broadcast %eq3A_1260 : i32 to vector<16x512xi32>
    %eq3A_1262 = arith.cmpi eq, %get3A_1, %eq3A_1261 : vector<16x512xi32>
    %jit3A_1263 = arith.constant 0.000000e+00 : f32
    %broadcast_in_dim3A_1264 = vector.broadcast %jit3A_1263 : f32 to vector<16x512xf32>
    %select_n3A_1265 = arith.select %eq3A_1262, %reshape3A, %broadcast_in_dim3A_1264 : vector<16x512xi1>, vector<16x512xf32>
    %reduce_max3A_1266 = arith.constant dense<0xFF800000> : vector<16xf32>
    %reduce_max3A_1267 = vector.multi_reduction <maximumf>, %select_n3A_1265, %reduce_max3A_1266 [1] : vector<16x512xf32> to vector<16xf32>
    %broadcast_in_dim3A_1268 = vector.shape_cast %reduce_max3A_1267 : vector<16xf32> to vector<16x1xf32>
    %swap3A_1269 = arith.constant 0 : index
    %swap3A_1270 = arith.constant 105 : index
    %swap3A_1271 = vector.load %arg4[%swap3A_1269, %swap3A_1270] : memref<16x128xf32, #tpu.memory_space<vmem>>, vector<16x1xf32>
    tpu.vector_store %arg4[%swap3A_1269, %swap3A_1270], %broadcast_in_dim3A_1268 {strides = array<i32>} : memref<16x128xf32, #tpu.memory_space<vmem>>, vector<16x1xf32>,
    %eq3A_1272 = arith.constant 250090 : i32
    %eq3A_1273 = vector.broadcast %eq3A_1272 : i32 to vector<16x512xi32>
    %eq3A_1274 = arith.cmpi eq, %get3A_1, %eq3A_1273 : vector<16x512xi32>
    %jit3A_1275 = arith.constant 0.000000e+00 : f32
    %broadcast_in_dim3A_1276 = vector.broadcast %jit3A_1275 : f32 to vector<16x512xf32>
    %select_n3A_1277 = arith.select %eq3A_1274, %reshape3A, %broadcast_in_dim3A_1276 : vector<16x512xi1>, vector<16x512xf32>
    %reduce_max3A_1278 = arith.constant dense<0xFF800000> : vector<16xf32>
    %reduce_max3A_1279 = vector.multi_reduction <maximumf>, %select_n3A_1277, %reduce_max3A_1278 [1] : vector<16x512xf32> to vector<16xf32>
    %broadcast_in_dim3A_1280 = vector.shape_cast %reduce_max3A_1279 : vector<16xf32> to vector<16x1xf32>
    %swap3A_1281 = arith.constant 0 : index
    %swap3A_1282 = arith.constant 106 : index
    %swap3A_1283 = vector.load %arg4[%swap3A_1281, %swap3A_1282] : memref<16x128xf32, #tpu.memory_space<vmem>>, vector<16x1xf32>
    tpu.vector_store %arg4[%swap3A_1281, %swap3A_1282], %broadcast_in_dim3A_1280 {strides = array<i32>} : memref<16x128xf32, #tpu.memory_space<vmem>>, vector<16x1xf32>,
    %eq3A_1284 = arith.constant 250091 : i32
    %eq3A_1285 = vector.broadcast %eq3A_1284 : i32 to vector<16x512xi32>
    %eq3A_1286 = arith.cmpi eq, %get3A_1, %eq3A_1285 : vector<16x512xi32>
    %jit3A_1287 = arith.constant 0.000000e+00 : f32
    %broadcast_in_dim3A_1288 = vector.broadcast %jit3A_1287 : f32 to vector<16x512xf32>
    %select_n3A_1289 = arith.select %eq3A_1286, %reshape3A, %broadcast_in_dim3A_1288 : vector<16x512xi1>, vector<16x512xf32>
    %reduce_max3A_1290 = arith.constant dense<0xFF800000> : vector<16xf32>
    %reduce_max3A_1291 = vector.multi_reduction <maximumf>, %select_n3A_1289, %reduce_max3A_1290 [1] : vector<16x512xf32> to vector<16xf32>
    %broadcast_in_dim3A_1292 = vector.shape_cast %reduce_max3A_1291 : vector<16xf32> to vector<16x1xf32>
    %swap3A_1293 = arith.constant 0 : index
    %swap3A_1294 = arith.constant 107 : index
    %swap3A_1295 = vector.load %arg4[%swap3A_1293, %swap3A_1294] : memref<16x128xf32, #tpu.memory_space<vmem>>, vector<16x1xf32>
    tpu.vector_store %arg4[%swap3A_1293, %swap3A_1294], %broadcast_in_dim3A_1292 {strides = array<i32>} : memref<16x128xf32, #tpu.memory_space<vmem>>, vector<16x1xf32>,
    %eq3A_1296 = arith.constant 250092 : i32
    %eq3A_1297 = vector.broadcast %eq3A_1296 : i32 to vector<16x512xi32>
    %eq3A_1298 = arith.cmpi eq, %get3A_1, %eq3A_1297 : vector<16x512xi32>
    %jit3A_1299 = arith.constant 0.000000e+00 : f32
    %broadcast_in_dim3A_1300 = vector.broadcast %jit3A_1299 : f32 to vector<16x512xf32>
    %select_n3A_1301 = arith.select %eq3A_1298, %reshape3A, %broadcast_in_dim3A_1300 : vector<16x512xi1>, vector<16x512xf32>
    %reduce_max3A_1302 = arith.constant dense<0xFF800000> : vector<16xf32>
    %reduce_max3A_1303 = vector.multi_reduction <maximumf>, %select_n3A_1301, %reduce_max3A_1302 [1] : vector<16x512xf32> to vector<16xf32>
    %broadcast_in_dim3A_1304 = vector.shape_cast %reduce_max3A_1303 : vector<16xf32> to vector<16x1xf32>
    %swap3A_1305 = arith.constant 0 : index
    %swap3A_1306 = arith.constant 108 : index
    %swap3A_1307 = vector.load %arg4[%swap3A_1305, %swap3A_1306] : memref<16x128xf32, #tpu.memory_space<vmem>>, vector<16x1xf32>
    tpu.vector_store %arg4[%swap3A_1305, %swap3A_1306], %broadcast_in_dim3A_1304 {strides = array<i32>} : memref<16x128xf32, #tpu.memory_space<vmem>>, vector<16x1xf32>,
    %eq3A_1308 = arith.constant 250093 : i32
    %eq3A_1309 = vector.broadcast %eq3A_1308 : i32 to vector<16x512xi32>
    %eq3A_1310 = arith.cmpi eq, %get3A_1, %eq3A_1309 : vector<16x512xi32>
    %jit3A_1311 = arith.constant 0.000000e+00 : f32
    %broadcast_in_dim3A_1312 = vector.broadcast %jit3A_1311 : f32 to vector<16x512xf32>
    %select_n3A_1313 = arith.select %eq3A_1310, %reshape3A, %broadcast_in_dim3A_1312 : vector<16x512xi1>, vector<16x512xf32>
    %reduce_max3A_1314 = arith.constant dense<0xFF800000> : vector<16xf32>
    %reduce_max3A_1315 = vector.multi_reduction <maximumf>, %select_n3A_1313, %reduce_max3A_1314 [1] : vector<16x512xf32> to vector<16xf32>
    %broadcast_in_dim3A_1316 = vector.shape_cast %reduce_max3A_1315 : vector<16xf32> to vector<16x1xf32>
    %swap3A_1317 = arith.constant 0 : index
    %swap3A_1318 = arith.constant 109 : index
    %swap3A_1319 = vector.load %arg4[%swap3A_1317, %swap3A_1318] : memref<16x128xf32, #tpu.memory_space<vmem>>, vector<16x1xf32>
    tpu.vector_store %arg4[%swap3A_1317, %swap3A_1318], %broadcast_in_dim3A_1316 {strides = array<i32>} : memref<16x128xf32, #tpu.memory_space<vmem>>, vector<16x1xf32>,
    %eq3A_1320 = arith.constant 250094 : i32
    %eq3A_1321 = vector.broadcast %eq3A_1320 : i32 to vector<16x512xi32>
    %eq3A_1322 = arith.cmpi eq, %get3A_1, %eq3A_1321 : vector<16x512xi32>
    %jit3A_1323 = arith.constant 0.000000e+00 : f32
    %broadcast_in_dim3A_1324 = vector.broadcast %jit3A_1323 : f32 to vector<16x512xf32>
    %select_n3A_1325 = arith.select %eq3A_1322, %reshape3A, %broadcast_in_dim3A_1324 : vector<16x512xi1>, vector<16x512xf32>
    %reduce_max3A_1326 = arith.constant dense<0xFF800000> : vector<16xf32>
    %reduce_max3A_1327 = vector.multi_reduction <maximumf>, %select_n3A_1325, %reduce_max3A_1326 [1] : vector<16x512xf32> to vector<16xf32>
    %broadcast_in_dim3A_1328 = vector.shape_cast %reduce_max3A_1327 : vector<16xf32> to vector<16x1xf32>
    %swap3A_1329 = arith.constant 0 : index
    %swap3A_1330 = arith.constant 110 : index
    %swap3A_1331 = vector.load %arg4[%swap3A_1329, %swap3A_1330] : memref<16x128xf32, #tpu.memory_space<vmem>>, vector<16x1xf32>
    tpu.vector_store %arg4[%swap3A_1329, %swap3A_1330], %broadcast_in_dim3A_1328 {strides = array<i32>} : memref<16x128xf32, #tpu.memory_space<vmem>>, vector<16x1xf32>,
    %eq3A_1332 = arith.constant 250095 : i32
    %eq3A_1333 = vector.broadcast %eq3A_1332 : i32 to vector<16x512xi32>
    %eq3A_1334 = arith.cmpi eq, %get3A_1, %eq3A_1333 : vector<16x512xi32>
    %jit3A_1335 = arith.constant 0.000000e+00 : f32
    %broadcast_in_dim3A_1336 = vector.broadcast %jit3A_1335 : f32 to vector<16x512xf32>
    %select_n3A_1337 = arith.select %eq3A_1334, %reshape3A, %broadcast_in_dim3A_1336 : vector<16x512xi1>, vector<16x512xf32>
    %reduce_max3A_1338 = arith.constant dense<0xFF800000> : vector<16xf32>
    %reduce_max3A_1339 = vector.multi_reduction <maximumf>, %select_n3A_1337, %reduce_max3A_1338 [1] : vector<16x512xf32> to vector<16xf32>
    %broadcast_in_dim3A_1340 = vector.shape_cast %reduce_max3A_1339 : vector<16xf32> to vector<16x1xf32>
    %swap3A_1341 = arith.constant 0 : index
    %swap3A_1342 = arith.constant 111 : index
    %swap3A_1343 = vector.load %arg4[%swap3A_1341, %swap3A_1342] : memref<16x128xf32, #tpu.memory_space<vmem>>, vector<16x1xf32>
    tpu.vector_store %arg4[%swap3A_1341, %swap3A_1342], %broadcast_in_dim3A_1340 {strides = array<i32>} : memref<16x128xf32, #tpu.memory_space<vmem>>, vector<16x1xf32>,
    %eq3A_1344 = arith.constant 250096 : i32
    %eq3A_1345 = vector.broadcast %eq3A_1344 : i32 to vector<16x512xi32>
    %eq3A_1346 = arith.cmpi eq, %get3A_1, %eq3A_1345 : vector<16x512xi32>
    %jit3A_1347 = arith.constant 0.000000e+00 : f32
    %broadcast_in_dim3A_1348 = vector.broadcast %jit3A_1347 : f32 to vector<16x512xf32>
    %select_n3A_1349 = arith.select %eq3A_1346, %reshape3A, %broadcast_in_dim3A_1348 : vector<16x512xi1>, vector<16x512xf32>
    %reduce_max3A_1350 = arith.constant dense<0xFF800000> : vector<16xf32>
    %reduce_max3A_1351 = vector.multi_reduction <maximumf>, %select_n3A_1349, %reduce_max3A_1350 [1] : vector<16x512xf32> to vector<16xf32>
    %broadcast_in_dim3A_1352 = vector.shape_cast %reduce_max3A_1351 : vector<16xf32> to vector<16x1xf32>
    %swap3A_1353 = arith.constant 0 : index
    %swap3A_1354 = arith.constant 112 : index
    %swap3A_1355 = vector.load %arg4[%swap3A_1353, %swap3A_1354] : memref<16x128xf32, #tpu.memory_space<vmem>>, vector<16x1xf32>
    tpu.vector_store %arg4[%swap3A_1353, %swap3A_1354], %broadcast_in_dim3A_1352 {strides = array<i32>} : memref<16x128xf32, #tpu.memory_space<vmem>>, vector<16x1xf32>,
    %eq3A_1356 = arith.constant 250097 : i32
    %eq3A_1357 = vector.broadcast %eq3A_1356 : i32 to vector<16x512xi32>
    %eq3A_1358 = arith.cmpi eq, %get3A_1, %eq3A_1357 : vector<16x512xi32>
    %jit3A_1359 = arith.constant 0.000000e+00 : f32
    %broadcast_in_dim3A_1360 = vector.broadcast %jit3A_1359 : f32 to vector<16x512xf32>
    %select_n3A_1361 = arith.select %eq3A_1358, %reshape3A, %broadcast_in_dim3A_1360 : vector<16x512xi1>, vector<16x512xf32>
    %reduce_max3A_1362 = arith.constant dense<0xFF800000> : vector<16xf32>
    %reduce_max3A_1363 = vector.multi_reduction <maximumf>, %select_n3A_1361, %reduce_max3A_1362 [1] : vector<16x512xf32> to vector<16xf32>
    %broadcast_in_dim3A_1364 = vector.shape_cast %reduce_max3A_1363 : vector<16xf32> to vector<16x1xf32>
    %swap3A_1365 = arith.constant 0 : index
    %swap3A_1366 = arith.constant 113 : index
    %swap3A_1367 = vector.load %arg4[%swap3A_1365, %swap3A_1366] : memref<16x128xf32, #tpu.memory_space<vmem>>, vector<16x1xf32>
    tpu.vector_store %arg4[%swap3A_1365, %swap3A_1366], %broadcast_in_dim3A_1364 {strides = array<i32>} : memref<16x128xf32, #tpu.memory_space<vmem>>, vector<16x1xf32>,
    %eq3A_1368 = arith.constant 250098 : i32
    %eq3A_1369 = vector.broadcast %eq3A_1368 : i32 to vector<16x512xi32>
    %eq3A_1370 = arith.cmpi eq, %get3A_1, %eq3A_1369 : vector<16x512xi32>
    %jit3A_1371 = arith.constant 0.000000e+00 : f32
    %broadcast_in_dim3A_1372 = vector.broadcast %jit3A_1371 : f32 to vector<16x512xf32>
    %select_n3A_1373 = arith.select %eq3A_1370, %reshape3A, %broadcast_in_dim3A_1372 : vector<16x512xi1>, vector<16x512xf32>
    %reduce_max3A_1374 = arith.constant dense<0xFF800000> : vector<16xf32>
    %reduce_max3A_1375 = vector.multi_reduction <maximumf>, %select_n3A_1373, %reduce_max3A_1374 [1] : vector<16x512xf32> to vector<16xf32>
    %broadcast_in_dim3A_1376 = vector.shape_cast %reduce_max3A_1375 : vector<16xf32> to vector<16x1xf32>
    %swap3A_1377 = arith.constant 0 : index
    %swap3A_1378 = arith.constant 114 : index
    %swap3A_1379 = vector.load %arg4[%swap3A_1377, %swap3A_1378] : memref<16x128xf32, #tpu.memory_space<vmem>>, vector<16x1xf32>
    tpu.vector_store %arg4[%swap3A_1377, %swap3A_1378], %broadcast_in_dim3A_1376 {strides = array<i32>} : memref<16x128xf32, #tpu.memory_space<vmem>>, vector<16x1xf32>,
    %eq3A_1380 = arith.constant 250099 : i32
    %eq3A_1381 = vector.broadcast %eq3A_1380 : i32 to vector<16x512xi32>
    %eq3A_1382 = arith.cmpi eq, %get3A_1, %eq3A_1381 : vector<16x512xi32>
    %jit3A_1383 = arith.constant 0.000000e+00 : f32
    %broadcast_in_dim3A_1384 = vector.broadcast %jit3A_1383 : f32 to vector<16x512xf32>
    %select_n3A_1385 = arith.select %eq3A_1382, %reshape3A, %broadcast_in_dim3A_1384 : vector<16x512xi1>, vector<16x512xf32>
    %reduce_max3A_1386 = arith.constant dense<0xFF800000> : vector<16xf32>
    %reduce_max3A_1387 = vector.multi_reduction <maximumf>, %select_n3A_1385, %reduce_max3A_1386 [1] : vector<16x512xf32> to vector<16xf32>
    %broadcast_in_dim3A_1388 = vector.shape_cast %reduce_max3A_1387 : vector<16xf32> to vector<16x1xf32>
    %swap3A_1389 = arith.constant 0 : index
    %swap3A_1390 = arith.constant 115 : index
    %swap3A_1391 = vector.load %arg4[%swap3A_1389, %swap3A_1390] : memref<16x128xf32, #tpu.memory_space<vmem>>, vector<16x1xf32>
    tpu.vector_store %arg4[%swap3A_1389, %swap3A_1390], %broadcast_in_dim3A_1388 {strides = array<i32>} : memref<16x128xf32, #tpu.memory_space<vmem>>, vector<16x1xf32>,
    %eq3A_1392 = arith.constant 250100 : i32
    %eq3A_1393 = vector.broadcast %eq3A_1392 : i32 to vector<16x512xi32>
    %eq3A_1394 = arith.cmpi eq, %get3A_1, %eq3A_1393 : vector<16x512xi32>
    %jit3A_1395 = arith.constant 0.000000e+00 : f32
    %broadcast_in_dim3A_1396 = vector.broadcast %jit3A_1395 : f32 to vector<16x512xf32>
    %select_n3A_1397 = arith.select %eq3A_1394, %reshape3A, %broadcast_in_dim3A_1396 : vector<16x512xi1>, vector<16x512xf32>
    %reduce_max3A_1398 = arith.constant dense<0xFF800000> : vector<16xf32>
    %reduce_max3A_1399 = vector.multi_reduction <maximumf>, %select_n3A_1397, %reduce_max3A_1398 [1] : vector<16x512xf32> to vector<16xf32>
    %broadcast_in_dim3A_1400 = vector.shape_cast %reduce_max3A_1399 : vector<16xf32> to vector<16x1xf32>
    %swap3A_1401 = arith.constant 0 : index
    %swap3A_1402 = arith.constant 116 : index
    %swap3A_1403 = vector.load %arg4[%swap3A_1401, %swap3A_1402] : memref<16x128xf32, #tpu.memory_space<vmem>>, vector<16x1xf32>
    tpu.vector_store %arg4[%swap3A_1401, %swap3A_1402], %broadcast_in_dim3A_1400 {strides = array<i32>} : memref<16x128xf32, #tpu.memory_space<vmem>>, vector<16x1xf32>,
    %eq3A_1404 = arith.constant 250101 : i32
    %eq3A_1405 = vector.broadcast %eq3A_1404 : i32 to vector<16x512xi32>
    %eq3A_1406 = arith.cmpi eq, %get3A_1, %eq3A_1405 : vector<16x512xi32>
    %jit3A_1407 = arith.constant 0.000000e+00 : f32
    %broadcast_in_dim3A_1408 = vector.broadcast %jit3A_1407 : f32 to vector<16x512xf32>
    %select_n3A_1409 = arith.select %eq3A_1406, %reshape3A, %broadcast_in_dim3A_1408 : vector<16x512xi1>, vector<16x512xf32>
    %reduce_max3A_1410 = arith.constant dense<0xFF800000> : vector<16xf32>
    %reduce_max3A_1411 = vector.multi_reduction <maximumf>, %select_n3A_1409, %reduce_max3A_1410 [1] : vector<16x512xf32> to vector<16xf32>
    %broadcast_in_dim3A_1412 = vector.shape_cast %reduce_max3A_1411 : vector<16xf32> to vector<16x1xf32>
    %swap3A_1413 = arith.constant 0 : index
    %swap3A_1414 = arith.constant 117 : index
    %swap3A_1415 = vector.load %arg4[%swap3A_1413, %swap3A_1414] : memref<16x128xf32, #tpu.memory_space<vmem>>, vector<16x1xf32>
    tpu.vector_store %arg4[%swap3A_1413, %swap3A_1414], %broadcast_in_dim3A_1412 {strides = array<i32>} : memref<16x128xf32, #tpu.memory_space<vmem>>, vector<16x1xf32>,
    %eq3A_1416 = arith.constant 250102 : i32
    %eq3A_1417 = vector.broadcast %eq3A_1416 : i32 to vector<16x512xi32>
    %eq3A_1418 = arith.cmpi eq, %get3A_1, %eq3A_1417 : vector<16x512xi32>
    %jit3A_1419 = arith.constant 0.000000e+00 : f32
    %broadcast_in_dim3A_1420 = vector.broadcast %jit3A_1419 : f32 to vector<16x512xf32>
    %select_n3A_1421 = arith.select %eq3A_1418, %reshape3A, %broadcast_in_dim3A_1420 : vector<16x512xi1>, vector<16x512xf32>
    %reduce_max3A_1422 = arith.constant dense<0xFF800000> : vector<16xf32>
    %reduce_max3A_1423 = vector.multi_reduction <maximumf>, %select_n3A_1421, %reduce_max3A_1422 [1] : vector<16x512xf32> to vector<16xf32>
    %broadcast_in_dim3A_1424 = vector.shape_cast %reduce_max3A_1423 : vector<16xf32> to vector<16x1xf32>
    %swap3A_1425 = arith.constant 0 : index
    %swap3A_1426 = arith.constant 118 : index
    %swap3A_1427 = vector.load %arg4[%swap3A_1425, %swap3A_1426] : memref<16x128xf32, #tpu.memory_space<vmem>>, vector<16x1xf32>
    tpu.vector_store %arg4[%swap3A_1425, %swap3A_1426], %broadcast_in_dim3A_1424 {strides = array<i32>} : memref<16x128xf32, #tpu.memory_space<vmem>>, vector<16x1xf32>,
    %eq3A_1428 = arith.constant 250103 : i32
    %eq3A_1429 = vector.broadcast %eq3A_1428 : i32 to vector<16x512xi32>
    %eq3A_1430 = arith.cmpi eq, %get3A_1, %eq3A_1429 : vector<16x512xi32>
    %jit3A_1431 = arith.constant 0.000000e+00 : f32
    %broadcast_in_dim3A_1432 = vector.broadcast %jit3A_1431 : f32 to vector<16x512xf32>
    %select_n3A_1433 = arith.select %eq3A_1430, %reshape3A, %broadcast_in_dim3A_1432 : vector<16x512xi1>, vector<16x512xf32>
    %reduce_max3A_1434 = arith.constant dense<0xFF800000> : vector<16xf32>
    %reduce_max3A_1435 = vector.multi_reduction <maximumf>, %select_n3A_1433, %reduce_max3A_1434 [1] : vector<16x512xf32> to vector<16xf32>
    %broadcast_in_dim3A_1436 = vector.shape_cast %reduce_max3A_1435 : vector<16xf32> to vector<16x1xf32>
    %swap3A_1437 = arith.constant 0 : index
    %swap3A_1438 = arith.constant 119 : index
    %swap3A_1439 = vector.load %arg4[%swap3A_1437, %swap3A_1438] : memref<16x128xf32, #tpu.memory_space<vmem>>, vector<16x1xf32>
    tpu.vector_store %arg4[%swap3A_1437, %swap3A_1438], %broadcast_in_dim3A_1436 {strides = array<i32>} : memref<16x128xf32, #tpu.memory_space<vmem>>, vector<16x1xf32>,
    %eq3A_1440 = arith.constant 250104 : i32
    %eq3A_1441 = vector.broadcast %eq3A_1440 : i32 to vector<16x512xi32>
    %eq3A_1442 = arith.cmpi eq, %get3A_1, %eq3A_1441 : vector<16x512xi32>
    %jit3A_1443 = arith.constant 0.000000e+00 : f32
    %broadcast_in_dim3A_1444 = vector.broadcast %jit3A_1443 : f32 to vector<16x512xf32>
    %select_n3A_1445 = arith.select %eq3A_1442, %reshape3A, %broadcast_in_dim3A_1444 : vector<16x512xi1>, vector<16x512xf32>
    %reduce_max3A_1446 = arith.constant dense<0xFF800000> : vector<16xf32>
    %reduce_max3A_1447 = vector.multi_reduction <maximumf>, %select_n3A_1445, %reduce_max3A_1446 [1] : vector<16x512xf32> to vector<16xf32>
    %broadcast_in_dim3A_1448 = vector.shape_cast %reduce_max3A_1447 : vector<16xf32> to vector<16x1xf32>
    %swap3A_1449 = arith.constant 0 : index
    %swap3A_1450 = arith.constant 120 : index
    %swap3A_1451 = vector.load %arg4[%swap3A_1449, %swap3A_1450] : memref<16x128xf32, #tpu.memory_space<vmem>>, vector<16x1xf32>
    tpu.vector_store %arg4[%swap3A_1449, %swap3A_1450], %broadcast_in_dim3A_1448 {strides = array<i32>} : memref<16x128xf32, #tpu.memory_space<vmem>>, vector<16x1xf32>,
    %eq3A_1452 = arith.constant 250105 : i32
    %eq3A_1453 = vector.broadcast %eq3A_1452 : i32 to vector<16x512xi32>
    %eq3A_1454 = arith.cmpi eq, %get3A_1, %eq3A_1453 : vector<16x512xi32>
    %jit3A_1455 = arith.constant 0.000000e+00 : f32
    %broadcast_in_dim3A_1456 = vector.broadcast %jit3A_1455 : f32 to vector<16x512xf32>
    %select_n3A_1457 = arith.select %eq3A_1454, %reshape3A, %broadcast_in_dim3A_1456 : vector<16x512xi1>, vector<16x512xf32>
    %reduce_max3A_1458 = arith.constant dense<0xFF800000> : vector<16xf32>
    %reduce_max3A_1459 = vector.multi_reduction <maximumf>, %select_n3A_1457, %reduce_max3A_1458 [1] : vector<16x512xf32> to vector<16xf32>
    %broadcast_in_dim3A_1460 = vector.shape_cast %reduce_max3A_1459 : vector<16xf32> to vector<16x1xf32>
    %swap3A_1461 = arith.constant 0 : index
    %swap3A_1462 = arith.constant 121 : index
    %swap3A_1463 = vector.load %arg4[%swap3A_1461, %swap3A_1462] : memref<16x128xf32, #tpu.memory_space<vmem>>, vector<16x1xf32>
    tpu.vector_store %arg4[%swap3A_1461, %swap3A_1462], %broadcast_in_dim3A_1460 {strides = array<i32>} : memref<16x128xf32, #tpu.memory_space<vmem>>, vector<16x1xf32>,
    %eq3A_1464 = arith.constant 250106 : i32
    %eq3A_1465 = vector.broadcast %eq3A_1464 : i32 to vector<16x512xi32>
    %eq3A_1466 = arith.cmpi eq, %get3A_1, %eq3A_1465 : vector<16x512xi32>
    %jit3A_1467 = arith.constant 0.000000e+00 : f32
    %broadcast_in_dim3A_1468 = vector.broadcast %jit3A_1467 : f32 to vector<16x512xf32>
    %select_n3A_1469 = arith.select %eq3A_1466, %reshape3A, %broadcast_in_dim3A_1468 : vector<16x512xi1>, vector<16x512xf32>
    %reduce_max3A_1470 = arith.constant dense<0xFF800000> : vector<16xf32>
    %reduce_max3A_1471 = vector.multi_reduction <maximumf>, %select_n3A_1469, %reduce_max3A_1470 [1] : vector<16x512xf32> to vector<16xf32>
    %broadcast_in_dim3A_1472 = vector.shape_cast %reduce_max3A_1471 : vector<16xf32> to vector<16x1xf32>
    %swap3A_1473 = arith.constant 0 : index
    %swap3A_1474 = arith.constant 122 : index
    %swap3A_1475 = vector.load %arg4[%swap3A_1473, %swap3A_1474] : memref<16x128xf32, #tpu.memory_space<vmem>>, vector<16x1xf32>
    tpu.vector_store %arg4[%swap3A_1473, %swap3A_1474], %broadcast_in_dim3A_1472 {strides = array<i32>} : memref<16x128xf32, #tpu.memory_space<vmem>>, vector<16x1xf32>,
    %eq3A_1476 = arith.constant 250107 : i32
    %eq3A_1477 = vector.broadcast %eq3A_1476 : i32 to vector<16x512xi32>
    %eq3A_1478 = arith.cmpi eq, %get3A_1, %eq3A_1477 : vector<16x512xi32>
    %jit3A_1479 = arith.constant 0.000000e+00 : f32
    %broadcast_in_dim3A_1480 = vector.broadcast %jit3A_1479 : f32 to vector<16x512xf32>
    %select_n3A_1481 = arith.select %eq3A_1478, %reshape3A, %broadcast_in_dim3A_1480 : vector<16x512xi1>, vector<16x512xf32>
    %reduce_max3A_1482 = arith.constant dense<0xFF800000> : vector<16xf32>
    %reduce_max3A_1483 = vector.multi_reduction <maximumf>, %select_n3A_1481, %reduce_max3A_1482 [1] : vector<16x512xf32> to vector<16xf32>
    %broadcast_in_dim3A_1484 = vector.shape_cast %reduce_max3A_1483 : vector<16xf32> to vector<16x1xf32>
    %swap3A_1485 = arith.constant 0 : index
    %swap3A_1486 = arith.constant 123 : index
    %swap3A_1487 = vector.load %arg4[%swap3A_1485, %swap3A_1486] : memref<16x128xf32, #tpu.memory_space<vmem>>, vector<16x1xf32>
    tpu.vector_store %arg4[%swap3A_1485, %swap3A_1486], %broadcast_in_dim3A_1484 {strides = array<i32>} : memref<16x128xf32, #tpu.memory_space<vmem>>, vector<16x1xf32>,
    %eq3A_1488 = arith.constant 250108 : i32
    %eq3A_1489 = vector.broadcast %eq3A_1488 : i32 to vector<16x512xi32>
    %eq3A_1490 = arith.cmpi eq, %get3A_1, %eq3A_1489 : vector<16x512xi32>
    %jit3A_1491 = arith.constant 0.000000e+00 : f32
    %broadcast_in_dim3A_1492 = vector.broadcast %jit3A_1491 : f32 to vector<16x512xf32>
    %select_n3A_1493 = arith.select %eq3A_1490, %reshape3A, %broadcast_in_dim3A_1492 : vector<16x512xi1>, vector<16x512xf32>
    %reduce_max3A_1494 = arith.constant dense<0xFF800000> : vector<16xf32>
    %reduce_max3A_1495 = vector.multi_reduction <maximumf>, %select_n3A_1493, %reduce_max3A_1494 [1] : vector<16x512xf32> to vector<16xf32>
    %broadcast_in_dim3A_1496 = vector.shape_cast %reduce_max3A_1495 : vector<16xf32> to vector<16x1xf32>
    %swap3A_1497 = arith.constant 0 : index
    %swap3A_1498 = arith.constant 124 : index
    %swap3A_1499 = vector.load %arg4[%swap3A_1497, %swap3A_1498] : memref<16x128xf32, #tpu.memory_space<vmem>>, vector<16x1xf32>
    tpu.vector_store %arg4[%swap3A_1497, %swap3A_1498], %broadcast_in_dim3A_1496 {strides = array<i32>} : memref<16x128xf32, #tpu.memory_space<vmem>>, vector<16x1xf32>,
    %eq3A_1500 = arith.constant 250109 : i32
    %eq3A_1501 = vector.broadcast %eq3A_1500 : i32 to vector<16x512xi32>
    %eq3A_1502 = arith.cmpi eq, %get3A_1, %eq3A_1501 : vector<16x512xi32>
    %jit3A_1503 = arith.constant 0.000000e+00 : f32
    %broadcast_in_dim3A_1504 = vector.broadcast %jit3A_1503 : f32 to vector<16x512xf32>
    %select_n3A_1505 = arith.select %eq3A_1502, %reshape3A, %broadcast_in_dim3A_1504 : vector<16x512xi1>, vector<16x512xf32>
    %reduce_max3A_1506 = arith.constant dense<0xFF800000> : vector<16xf32>
    %reduce_max3A_1507 = vector.multi_reduction <maximumf>, %select_n3A_1505, %reduce_max3A_1506 [1] : vector<16x512xf32> to vector<16xf32>
    %broadcast_in_dim3A_1508 = vector.shape_cast %reduce_max3A_1507 : vector<16xf32> to vector<16x1xf32>
    %swap3A_1509 = arith.constant 0 : index
    %swap3A_1510 = arith.constant 125 : index
    %swap3A_1511 = vector.load %arg4[%swap3A_1509, %swap3A_1510] : memref<16x128xf32, #tpu.memory_space<vmem>>, vector<16x1xf32>
    tpu.vector_store %arg4[%swap3A_1509, %swap3A_1510], %broadcast_in_dim3A_1508 {strides = array<i32>} : memref<16x128xf32, #tpu.memory_space<vmem>>, vector<16x1xf32>,
    %eq3A_1512 = arith.constant 250110 : i32
    %eq3A_1513 = vector.broadcast %eq3A_1512 : i32 to vector<16x512xi32>
    %eq3A_1514 = arith.cmpi eq, %get3A_1, %eq3A_1513 : vector<16x512xi32>
    %jit3A_1515 = arith.constant 0.000000e+00 : f32
    %broadcast_in_dim3A_1516 = vector.broadcast %jit3A_1515 : f32 to vector<16x512xf32>
    %select_n3A_1517 = arith.select %eq3A_1514, %reshape3A, %broadcast_in_dim3A_1516 : vector<16x512xi1>, vector<16x512xf32>
    %reduce_max3A_1518 = arith.constant dense<0xFF800000> : vector<16xf32>
    %reduce_max3A_1519 = vector.multi_reduction <maximumf>, %select_n3A_1517, %reduce_max3A_1518 [1] : vector<16x512xf32> to vector<16xf32>
    %broadcast_in_dim3A_1520 = vector.shape_cast %reduce_max3A_1519 : vector<16xf32> to vector<16x1xf32>
    %swap3A_1521 = arith.constant 0 : index
    %swap3A_1522 = arith.constant 126 : index
    %swap3A_1523 = vector.load %arg4[%swap3A_1521, %swap3A_1522] : memref<16x128xf32, #tpu.memory_space<vmem>>, vector<16x1xf32>
    tpu.vector_store %arg4[%swap3A_1521, %swap3A_1522], %broadcast_in_dim3A_1520 {strides = array<i32>} : memref<16x128xf32, #tpu.memory_space<vmem>>, vector<16x1xf32>,
    %eq3A_1524 = arith.constant 250111 : i32
    %eq3A_1525 = vector.broadcast %eq3A_1524 : i32 to vector<16x512xi32>
    %eq3A_1526 = arith.cmpi eq, %get3A_1, %eq3A_1525 : vector<16x512xi32>
    %jit3A_1527 = arith.constant 0.000000e+00 : f32
    %broadcast_in_dim3A_1528 = vector.broadcast %jit3A_1527 : f32 to vector<16x512xf32>
    %select_n3A_1529 = arith.select %eq3A_1526, %reshape3A, %broadcast_in_dim3A_1528 : vector<16x512xi1>, vector<16x512xf32>
    %reduce_max3A_1530 = arith.constant dense<0xFF800000> : vector<16xf32>
    %reduce_max3A_1531 = vector.multi_reduction <maximumf>, %select_n3A_1529, %reduce_max3A_1530 [1] : vector<16x512xf32> to vector<16xf32>
    %broadcast_in_dim3A_1532 = vector.shape_cast %reduce_max3A_1531 : vector<16xf32> to vector<16x1xf32>
    %swap3A_1533 = arith.constant 0 : index
    %swap3A_1534 = arith.constant 127 : index
    %swap3A_1535 = vector.load %arg4[%swap3A_1533, %swap3A_1534] : memref<16x128xf32, #tpu.memory_space<vmem>>, vector<16x1xf32>
    tpu.vector_store %arg4[%swap3A_1533, %swap3A_1534], %broadcast_in_dim3A_1532 {strides = array<i32>} : memref<16x128xf32, #tpu.memory_space<vmem>>, vector<16x1xf32>,
    return
  }
  func.func @transform_0(%arg0: i32) -> (i32, i32) {
    %c0_i32 = arith.constant 0 : i32
    %c0_i32_0 = arith.constant 0 : i32
    %c0_i32_1 = arith.constant 0 : i32
    return %c0_i32, %c0_i32_0 : i32, i32
  }
  func.func @transform_1(%arg0: i32) -> (i32, i32, i32) {
    %c0_i32 = arith.constant 0 : i32
    %c0_i32_0 = arith.constant 0 : i32
    %c0_i32_1 = arith.constant 0 : i32
    %c0_i32_2 = arith.constant 0 : i32
    return %c0_i32, %c0_i32_0, %c0_i32_1 : i32, i32, i32
  }
  func.func @transform_2(%arg0: i32) -> (i32, i32) {
    %c0_i32 = arith.constant 0 : i32
    %c1953_i32 = arith.constant 1953 : i32
    %c0_i32_0 = arith.constant 0 : i32
    return %c0_i32, %c1953_i32 : i32, i32
  }
  func.func @transform_3(%arg0: i32) -> (i32, i32) {
    %c0_i32 = arith.constant 0 : i32
    %c1953_i32 = arith.constant 1953 : i32
    %c0_i32_0 = arith.constant 0 : i32
    return %c0_i32, %c1953_i32 : i32, i32
  }
}

</mosaic_0001>

<sc_bundles>
// kernel: kernel.5.cloned.1.call-start
scs
__scs_entry_jumppad:
0x0: {  	(pc) =	sbr.rel $0x88, $3  }
0x1: {  	(tag) =	ssettag $0x0;
	lr =	simm.s32 $0x1  }
0x2: {  	[smem:$0x3F9D] =	sst lr;
	_ =	strace $0xD0000000  }
0x3: {  	_ = 	snop  }
0x4: {  	_ = 	snop  }
0x5: {  	_ = 	snop  }
0x6: {  	_ = 	snop  }
0x7: {  	_ = 	snop  }
__scs_overlays_trampoline_lowered:
0x8: {  	[smem:$0x3FAC] =	sst s0  }
0x9: {  	[smem:$0x3FAD] =	sst s1  }
0xa: {  	[smem:$0x3FAE] =	sst s2  }
0xb: {  	[smem:$0x3FAF] =	sst s3  }
0xc: {  	[smem:$0x3FB0] =	sst s4  }
0xd: {  	[smem:$0x3FB1] =	sst s5  }
0xe: {  	[smem:$0x3FB2] =	sst s6  }
0xf: {  	[smem:$0x3FB3] =	sst s7  }
0x10: {  	[smem:$0x3FB4] =	sst s8  }
0x11: {  	[smem:$0x3FB5] =	sst s9;
	s0 =	simm.s32 @!p0 $0x0  }
0x12: {  	s1 =	sld [smem:$0x3F9B];
	s0 =	simm.s32 @p0 $0x1  }
0x13: {  	[smem:$0x3FB6] =	sst s0;
	s0 =	simm.s32 @!p1 $0x0  }
0x14: {  	s2 =	sld [smem:$0x3F9A];
	s0 =	simm.s32 @p1 $0x1  }
0x15: {  	[smem:$0x3FB7] =	sst s0;
	s0 =	simm.s32 @!p2 $0x0  }
0x16: {  	s3 =	sld [smem:$0x3FDB];
	s0 =	simm.s32 @p2 $0x1  }
0x17: {  	s4 =	simm.s32 $0x1BF5;
	[smem:$0x3FB9] =	sst s0  }
0x18: {  	s0 =	sld [smem:$0x3F9C];
	_ =	swait.ge [sflag:s4], $0x0  }
0x19: {  	s7 =	sld [smem:$0x3F9D]  }
0x1a: {  	s8 =	sadd.s32 $0xFFFFE003, lr  }
0x1b: {  	s9 =	sadd.s32 $0xFFFFFEF7, lr;
	s5 =	simm.s32 $0xFFFFFFFF;
	p2 =	slt.u32 s8, $0xFFFFF086  }
0x1c: {  	p1 =	slt.u32 s9, $0xF7A;
	s5 =	simm.s32 @!p2 $0x0  }
0x1d: {  	s5 =	simm.s32 @p1 $0x1;
	p0 =	seq.s32 s7, s2  }
0x1e: {  	s7 =	smul.u32 @!p0 $0xF7A, s2;
	p2 =	seq.s32 @!p0 s5, $0x0  }
0x1f: {  	s9 =	smul.u32 $0xF7A, s1;
	s8 =	simm.s32 @!p0 $0x1BF5;
	p2 =	por !p2, p0  }
0x20: {  	[sflag:s8] =	ssyncset.s32 @!p0 $0xFFFFF086;
	s6 =	sadd.s32 @!p0 s3, s7;
	s7 =	simm.s32 @!p0 $0x108  }
0x21: {  	s3 =	sadd.s32 s3, s9;
	s6 =	sadd.s32 @!p0 $0x88, s6;
	s7 =	simm.s32 @p2 $0x1082  }
0x22: {  	[simem:s7], [sflag:s8] =	dma.local @!p0 [hbm:s6], $0xF7A  }
0x23: {  	s9 =	sor.u32 $0xD0000000, s2;
	s6 =	simm.s32 $0x108;
	_ =	swait.ge @!p0 [sflag:s8], $0x0  }
0x24: {  	s3 =	sadd.s32 $0x88, s3;
	s6 =	simm.s32 @!p1 $0x1082;
	[sflag:s4] =	ssyncset.s32 $0xFFFFF086  }
0x25: {  	[simem:s6], [sflag:s4] =	dma.local [hbm:s3], $0xF7A  }
0x26: {  	[smem:$0x3F9D] =	sst s1;
	(tag) =	ssettag s2;
	_ =	strace s9  }
0x27: {  	s1 =	sld [smem:$0x3FAD]  }
0x28: {  	s2 =	sld [smem:$0x3FAE]  }
0x29: {  	s4 =	sld [smem:$0x3FB0]  }
0x2a: {  	p0 =	seq.s32 s5, $0x0;
	s5 =	sld [smem:$0x3FB1]  }
0x2b: {  	s6 =	sld [smem:$0x3FB2]  }
0x2c: {  	s7 =	sld [smem:$0x3FB3]  }
0x2d: {  	s3 =	simm.s32 $0x108;
	s8 =	sld [smem:$0x3FB4]  }
0x2e: {  	s3 =	simm.s32 @!p0 $0x1082;
	s9 =	sld [smem:$0x3FB5]  }
0x2f: {  	lr =	sadd.s32 s0, s3;
	s0 =	sld [smem:$0x3FAC]  }
0x30: {  	s3 =	sld [smem:$0x3FAF]  }
0x31: {  	[smem:$0x3FB8] =	sst s10  }
0x32: {  	s10 =	sld [smem:$0x3FB6];
	_ =	sdelay $0x3  }
0x33: {  	p0 =	seq.s32 s10, $0x1;
	s10 =	sld [smem:$0x3FB8];
	_ =	sdelay $0x3  }
0x34: {  	[smem:$0x3FB8] =	sst s10  }
0x35: {  	s10 =	sld [smem:$0x3FB7];
	_ =	sdelay $0x3  }
0x36: {  	p1 =	seq.s32 s10, $0x1;
	s10 =	sld [smem:$0x3FB8];
	_ =	sdelay $0x3  }
0x37: {  	[smem:$0x3FB8] =	sst s10  }
0x38: {  	s10 =	sld [smem:$0x3FB9]  }
0x39: {  	_ = 	snop;
	(pc) =	sbr.ind lr, $3  }
0x3a: {  	_ = 	snop  }
0x3b: {  	_ = 	snop  }
0x3c: {  	p2 =	seq.s32 s10, $0x1;
	s10 =	sld [smem:$0x3FB8]  }
0x3d: {  	_ =	shalt  }
0x3e: {  	_ =	shalt  }
0x3f: {  	_ =	shalt  }
0x40: {  	_ =	shalt  }
0x41: {  	_ =	shalt  }
0x42: {  	_ =	shalt  }
0x43: {  	_ =	shalt  }
0x44: {  	_ =	shalt  }
0x45: {  	_ =	shalt  }
0x46: {  	_ =	shalt  }
0x47: {  	_ =	shalt  }
0x48: {  	_ =	shalt  }
0x49: {  	_ =	shalt  }
0x4a: {  	_ =	shalt  }
0x4b: {  	_ =	shalt  }
0x4c: {  	_ =	shalt  }
0x4d: {  	_ =	shalt  }
0x4e: {  	_ =	shalt  }
0x4f: {  	_ =	shalt  }
0x50: {  	_ =	shalt  }
0x51: {  	_ =	shalt  }
0x52: {  	_ =	shalt  }
0x53: {  	_ =	shalt  }
0x54: {  	_ =	shalt  }
0x55: {  	_ =	shalt  }
0x56: {  	_ =	shalt  }
0x57: {  	_ =	shalt  }
0x58: {  	_ =	shalt  }
0x59: {  	_ =	shalt  }
0x5a: {  	_ =	shalt  }
0x5b: {  	_ =	shalt  }
0x5c: {  	_ =	shalt  }
0x5d: {  	_ =	shalt  }
0x5e: {  	_ =	shalt  }
0x5f: {  	_ =	shalt  }
0x60: {  	_ =	shalt  }
0x61: {  	_ =	shalt  }
0x62: {  	_ =	shalt  }
0x63: {  	_ =	shalt  }
0x64: {  	_ =	shalt  }
0x65: {  	_ =	shalt  }
0x66: {  	_ =	shalt  }
0x67: {  	_ =	shalt  }
0x68: {  	_ =	shalt  }
0x69: {  	_ =	shalt  }
0x6a: {  	_ =	shalt  }
0x6b: {  	_ =	shalt  }
0x6c: {  	_ =	shalt  }
0x6d: {  	_ =	shalt  }
0x6e: {  	_ =	shalt  }
0x6f: {  	_ =	shalt  }
0x70: {  	_ =	shalt  }
0x71: {  	_ =	shalt  }
0x72: {  	_ =	shalt  }
0x73: {  	_ =	shalt  }
0x74: {  	_ =	shalt  }
0x75: {  	_ =	shalt  }
0x76: {  	_ =	shalt  }
0x77: {  	_ =	shalt  }
0x78: {  	_ =	shalt  }
0x79: {  	_ =	shalt  }
0x7a: {  	_ =	shalt  }
0x7b: {  	_ =	shalt  }
0x7c: {  	_ =	shalt  }
0x7d: {  	_ =	shalt  }
0x7e: {  	_ =	shalt  }
0x7f: {  	_ =	shalt  }
0x80: {  	_ =	shalt  }
0x81: {  	_ =	shalt  }
0x82: {  	_ =	shalt  }
0x83: {  	_ =	shalt  }
0x84: {  	_ =	shalt  }
0x85: {  	_ =	shalt  }
0x86: {  	_ =	shalt  }
0x87: {  	_ =	shalt  }
.Lfunc_end0:
.L_simem_size_0:
called_computation_lowered:
.L_overlay_start_0:
0x88: {  	s2 =	sld [smem:$0x3FD9]  }
0x89: {  	s3 =	sld [smem:$0x3FFE];
	_ =	sdelay $0x1  }
0x8a: {  	s1 =	srdreg.scid  }
0x8b: {  	s0 =	sand.u32 $0x1, s1  }
0x8c: {  	s17 =	sshll.u32 s0, $0xA;
	s2 =	sadd.s32 s3, s2  }
0x8d: {  	s2 =	sadd.s32 s2, s17  }
0x8e: {  	[smem:$0x3FC4] =	sst s2  }
0x8f: {  	_ = 	snop  }
0x90: {  	s2 =	sld [smem:$0x3FD0];
	(tm) =	ssettm $0x1  }
0x91: {  	s18 =	sld [smem:$0x3FFB];
	_ =	sdelay $0x3  }
0x92: {  	_ =	strace s18  }
0x93: {  	s3 =	sld [smem:$0x3FFC];
	_ =	sdelay $0x3  }
0x94: {  	_ =	strace s3  }
0x95: {  	s3 =	sld [smem:$0x3FFD];
	_ =	sdelay $0x3  }
0x96: {  	_ =	strace s3  }
0x97: {  	_ =	strace $0x8FFFFFFF  }
0x98: {  	s19 =	sld [smem:$0x3FDB];
	_ =	sdelay $0x1  }
0x99: {  	s4 =	simm.s32 $_scs_section_size  }
0x9a: {  	s5 =	simm.s32 $_size__tile_overlayer_lowered;
	s6 =	simm.s32 $_tile_overlayer_lowered  }
0x9b: {  	s22 =	simm.s32 $0x1BFF;
	s21 =	sshll.u32 s6, $0x1;
	s3 =	sadd.s32 s4, s19  }
0x9c: {  	s7 =	simm.s32 $0x0;
	s20 =	sshll.u32 s5, $0x1;
	s5 =	sadd.s32 s21, s3  }
0x9d: {  	[timem:s7], [sflag:s22] =	dma.local [hbm:s5], s20  }
0x9e: {  	_ =	swait.ge [sflag:s22], s20  }
0x9f: {  	s4 =	ssub.s32 $0x0, s20;
	[sflag:s22] =	ssyncset.done $0x0  }
0xa0: {  	[sflag:s22] =	ssyncadd.s32 s4;
	_ =	sdelay $0x1  }
0xa1: {  	s23 =	simm.s32 $0x1B8B  }
0xa2: {  	_ =	swait.ge [sflag:s23], $0x1  }
0xa3: {  	[sflag:s23] =	ssyncset.done $0x0  }
0xa4: {  	s25 =	simm.s32 $0x1B8E;
	s24 =	sld [smem:$0x3FFE];
	[sflag:s23] =	ssyncadd.s32 $0xFFFFFFFF  }
0xa5: {  	s26 =	simm.s32 $execute0_lowered;
	[smem:$0x3FD2] =	sst s25  }
0xa6: {  	s5 =	sshll.u32 s26, $0x1;
	_ =	strace $0x80000046;
	[dreg:$0x1] =	wrdreg $0xFFFFFFFF  }
0xa7: {  	s28 =	simm.s32 $_size_execute0_lowered;
	s3 =	sadd.s32 s3, s5;
	[dreg:$0x0] =	wrdreg $0x0  }
0xa8: {  	s5 =	sshll.u32 s28, $0x1;
	[dreg:$0x2] =	wrdreg s3  }
0xa9: {  	[dreg:$0x3] =	wrdreg s5  }
0xaa: {  	[dreg:$0x4] =	wrdreg $0xC0  }
0xab: {  	_ =	task [dreg:s7], $0x5FFFF  }
0xac: {  	[dreg:$0x1] =	wrdreg $0xFFFFFFFF  }
0xad: {  	[dreg:$0x0] =	wrdreg $0x60  }
0xae: {  	[dreg:$0x2] =	wrdreg s24  }
0xaf: {  	[dreg:$0x3] =	wrdreg s2  }
0xb0: {  	[dreg:$0x4] =	wrdreg $0x9  }
0xb1: {  	_ =	task.clear_ibuf [dreg:s7], $0x5FFFF;
	_ =	strace $0x90000046  }
0xb2: {  	s29 =	simm.s32 $0x9;
	_ =	strace $0x80000048  }
0xb3: {  	_ =	swait.ge [sflag:s29], $0x1  }
0xb4: {  	[sflag:s29] =	ssyncadd.s32 $0xFFFFFFFF  }
0xb5: {  	_ =	strace $0x90000048  }
0xb6: {  	_ =	sfence  }
0xb7: {  	s30 =	sld [smem:$0x0];
	_ =	sdelay $0x2  }
0xb8: {  	s31 =	sshll.u32 s1, $0xD;
	s1 =	sshrl.u32 s1, $0x2  }
0xb9: {  	s3 =	sand.u32 $0x4000, s31;
	s1 =	sadd.s32 s1, s30  }
0xba: {  	s0 =	sor.u32 s3, s0;
	s1 =	sshll.u32 s1, $0x11  }
0xbb: {  	s0 =	sor.u32 s1, s0  }
0xbc: {  	s0 =	sadd.s32 $0x8F2B, s0  }
0xbd: {  	[sflag:s0] =	ssyncadd.remote.s32 $0x1  }
0xbe: {  	_ =	sfence.sel $0xFFFF  }
0xbf: {  	[dreg:$0x0] =	wrdreg $0xFFFFFFFF;
	(pc) =	sbr.abs _section_cstart, $3  }
0xc0: {  	[dreg:$0x1] =	wrdreg $0xFFFFFFFF  }
0xc1: {  	_ =	task.clear_ibuf [dreg:s7], $0x2FFFF;
	_ =	strace $0x9FFFFFFF  }
0xc2: {  	(tm) =	ssettm $0x7FFFFFFF  }
0xc3: {  	_ =	shalt  }
tec
execute0_lowered:
.L_overlay_start_1:
0x0: {  	(tag) =	ssettag $0x1  }
0x1: {  	s3 =	rddreg [dreg:$0x0]  }
0x2: {  	s6 =	rddreg [dreg:$0x1]  }
0x3: {  	s0 =	rddreg [dreg:$0x2];
	s2 =	simm.s32 $0x0;
	s1 =	stileid.u32  }
0x4: {  	s5 =	srdreg.scid;
	s13 =	simm.s32 $0xD80;
	s14 =	simm.s32 $0x0  }
0x5: {  	[smem:$0x7FF] =	sst s2;
	s4 =	sshrl.u32 s1, $0x3;
	s7 =	sshll.u32 s1, $0x1  }
0x6: {  	s5 =	sand.u32 $0x1, s5;
	_ =	strace $0x80000047;
	s8 =	sshll.u32 s4, $0x9  }
0x7: {  	s7 =	sand.u32 $0xE, s7;
	s9 =	ssub.s32 $0x2, s5;
	s4 =	smul.u32 $0x1E8800, s4  }
0x8: {  	s5 =	sor.u32 s5, s7;
	s26 =	sadd.s32 s8, s3;
	s28 =	sshrl.u32 s9, $0x1  }
0x9: {  	s29 =	smul.u32 $0x1E800, s5;
	s10 =	ssub.s32 s9, s28;
	p0 =	seq.s32 s5, $0xF  }
0xa: {  	s9 =	simm.s32 $0x3D80;
	s11 =	smul.u32 $0x3D00, s5;
	s31 =	sshrl.u32 s4, $0x3  }
0xb: {  	s3 =	sadd.s32 $0xC00, s26;
	s9 =	simm.s32 @!p0 $0x3D00;
	s12 =	sadd.s32 s6, s31  }
.Ltmp0:
0xc: {  	s13 =	simm.s32 @!p0 $0xD00;
	s10 =	smax.u32 s10, $0x1;
	(pc) =	sbr.rel .LBB2_1-.Ltmp0, $4  }
0xd: {  	s30 =	sadd.s32 s4, s29;
	s4 =	sadd.s32 $0x1000, s26;
	s8 =	sadd.s32 s11, s12  }
0xe: {  	v0 =	vmov s11;
	v1 =	vmov s9;
	s9 =	sadd.s32 $0x3C300, s12;
	s11 =	simm.s32 $0x2;
	s5 =	sshrl.u32 s30, $0x3  }
0xf: {  	v2 =	vmov s13;
	s12 =	simm.s32 $0x1;
	s13 =	simm.s32 $0x8000;
	s5 =	sadd.s32 s6, s5  }
0x10: {  	v3 =	vimm.s32 $0x3FFF;
	v4 =	vimm.f32 $0.0e+00;
	s8 =	sadd.s32 $0x3000, s8;
	s6 =	sadd.s32 $0x1000, s5;
	s7 =	sadd.s32 $0x2000, s5  }
.LBB2_63:
0x11: {  	[hbm4b:s7+s2] =	stream.linear.scatter [tilespmem:s2], [sflag:$0x1], $0x8000, $0x38;
	[tilespmem:$0x14100] =	vst v63  }
0x12: {  	_ =	swait.ge [sflag:s12], $0x8000  }
0x13: {  	[sflag:s12] =	ssyncset.done $0x0  }
0x14: {  	[sflag:s12] =	ssyncadd.s32 $0xFFFF8000  }
.LBB2_64:
0x15: {  	s15 =	simm.s32 @p0 $0x0;
	s16 =	simm.s32 @p0 $0x8000  }
0x16: {  	[hbm4b:s9+s15] =	stream.linear.scatter @p0 [tilespmem:s16], [sflag:$0x1], $0x6C00, $0x38;
	[tilespmem:$0x14100] =	vst v63  }
0x17: {  	s15 =	simm.s32 @p0 $0x1  }
0x18: {  	_ =	swait.ge @p0 [sflag:s15], $0x6C00  }
0x19: {  	[sflag:s15] =	ssyncset.done @p0 $0x0  }
0x1a: {  	s16 =	simm.s32 @!p0 $0x8000;
	[sflag:s15] =	ssyncadd.s32 @p0 $0xFFFF9400;
	s15 =	simm.s32 @!p0 $0x0  }
0x1b: {  	[hbm4b:s8+s15] =	stream.linear.scatter @!p0 [tilespmem:s16], [sflag:$0x1], $0x6800, $0x38;
	[tilespmem:$0x14100] =	vst v63  }
0x1c: {  	s14 =	sadd.s32 $0x1, s14;
	s15 =	simm.s32 @!p0 $0x1  }
0x1d: {  	p1 =	sne.s32 s14, s10;
	_ =	swait.ge @!p0 [sflag:s15], $0x6800  }
.Ltmp1:
0x1e: {  	[sflag:s15] =	ssyncset.done @!p0 $0x0;
	(pc) =	sbr.rel @!p1 .LBB2_65-.Ltmp1, $4  }
0x1f: {  	[sflag:s15] =	ssyncadd.s32 @!p0 $0xFFFF9800  }
0x20: {  	_ =	swait.ge [sflag:s12], $0x8000  }
0x21: {  	[sflag:s12] =	ssyncset.done $0x0  }
0x22: {  	[sflag:s12] =	ssyncadd.s32 $0xFFFF8000  }
.LBB2_1:
0x23: {  	s16 =	simm.s32 $0x10000  }
0x24: {  	[tilespmem:s16], [sflag:$0x2] =	stream.linear.gather [hbm4b:s3+s2], $0x1000, $0x38;
	[tilespmem:$0x14100] =	vst v63  }
0x25: {  	_ =	swait.ge [sflag:s11], $0x1000  }
0x26: {  	[sflag:s11] =	ssyncset.done $0x0  }
0x27: {  	s15 =	simm.s32 $0x11000;
	[sflag:s11] =	ssyncadd.s32 $0xFFFFF000  }
0x28: {  	[tilespmem:s15], [sflag:$0x2] =	stream.linear.gather [hbm4b:s4+s2], $0x1000, $0x38;
	[tilespmem:$0x14100] =	vst v63  }
0x29: {  	_ =	swait.ge [sflag:s11], $0x1000  }
0x2a: {  	[sflag:s11] =	ssyncset.done $0x0  }
0x2b: {  	[sflag:s11] =	ssyncadd.s32 $0xFFFFF000  }
0x2c: {  	v5 =	vld [tilespmem:s16+$0x0];
	_ =	sdelay $0x4  }
0x2d: {  	v5 =	vsub.s32 v5, v0  }
0x2e: {  	vm0 =	vgt.s32 v5, $0xFFFFFFFF;
	vm1 =	vlt.s32 v5, v1  }
0x2f: {  	vm0 =	vmand vm0, vm1  }
0x30: {  	v7 =	vmpcnt.ones.xlane vm0;
	_ =	sdelay $0x1  }
0x31: {  	v6 =	vld [tilespmem:s15+$0x0];
	(v2sf) =	vpush v7, $0x0;
	_ =	sdelay $0x1  }
0x32: {  	s31 =	sand.u32 $0x1C000, s2  }
0x33: {  	v5 =	vadd.s32 s31, v5  }
0x34: {  	[tilespmem:s2+$0x12000] =	vst.msk vm0, v5  }
0x35: {  	s18 =	simm.s32 $0x10010;
	[tilespmem:s2+$0x13080] =	vst.msk vm0, v6  }
0x36: {  	s19 =	simm.s32 $0x400;
	s17 =	simm.s32 $0x0;
	s16 =	simm.s32 $0x200;
	v5 =	vld [tilespmem:s18+$0x0]  }
.LBB2_2:
0x37: {  	p1 =	sne.s32 s19, $0x1FE00;
	_ =	sdelay $0x3  }
0x38: {  	s20 =	sand.u32 $0x1C000, s16;
	s16 =	smov.u32 s19;
	v5 =	vsub.s32 v5, v0  }
0x39: {  	s15 =	sadd.s32 $0x10, s15;
	vm0 =	vgt.s32 v5, $0xFFFFFFFF;
	vm1 =	vlt.s32 v5, v1;
	v5 =	vadd.s32 s20, v5  }
0x3a: {  	vm0 =	vmand vm0, vm1;
	v6 =	vld [tilespmem:s15+$0x0]  }
0x3b: {  	v7 =	vmpcnt.ones.xlane vm0  }
0x3c: {  	s20 =	spop (v2sf)  }
0x3d: {  	(v2sf) =	vpush v7, $0x0;
	s17 =	sadd.s32 s17, s20  }
0x3e: {  	[tilespmem:s17+$0x12000] =	vst.msk vm0, v5  }
.Ltmp2:
0x3f: {  	[tilespmem:s17+$0x13080] =	vst.msk vm0, v6;
	(pc) =	sbr.rel @p1 .LBB2_2-.Ltmp2, $3  }
0x40: {  	_ =	sdelay $0x1  }
0x41: {  	s18 =	sadd.s32 $0x10, s18  }
0x42: {  	s19 =	sadd.s32 $0x200, s19;
	v5 =	vld [tilespmem:s18+$0x0]  }
0x43: {  	_ =	sdelay $0x3  }
0x44: {  	v5 =	vsub.s32 v5, v0  }
0x45: {  	vm0 =	vgt.s32 v5, $0xFFFFFFFF;
	vm1 =	vlt.s32 v5, v1  }
0x46: {  	vm0 =	vmand vm0, vm1  }
0x47: {  	v6 =	vmpcnt.ones.xlane vm0;
	_ =	sdelay $0x1  }
0x48: {  	(v2sf) =	vpush v6, $0x0;
	_ =	sdelay $0x9  }
0x49: {  	s15 =	sadd.s32 $0x10, s15  }
0x4a: {  	v6 =	vld [tilespmem:s15+$0x0];
	_ =	sdelay $0x1  }
0x4b: {  	s16 =	sand.u32 $0x1C000, s16;
	s30 =	spop (v2sf)  }
0x4c: {  	v5 =	vadd.s32 s16, v5;
	s15 =	sadd.s32 s17, s30  }
0x4d: {  	[tilespmem:s15+$0x12000] =	vst.msk vm0, v5;
	s31 =	spop (v2sf)  }
0x4e: {  	[tilespmem:s15+$0x13080] =	vst.msk vm0, v6;
	s15 =	sadd.s32 s15, s31  }
0x4f: {  	s16 =	simm.s32 $0x0;
	s17 =	simm.s32 $0x1000;
	[tilespmem:s15+$0x12000] =	vst v3  }
.LBB2_4:
0x50: {  	p1 =	sne.s32 s17, $0x1F000;
	[tilespmem:s16+$0x70] =	vst v4  }
0x51: {  	[tilespmem:s16+$0x0] =	vst v4  }
0x52: {  	[tilespmem:s16+$0x10] =	vst v4  }
.Ltmp3:
0x53: {  	[tilespmem:s16+$0x20] =	vst v4;
	(pc) =	sbr.rel @p1 .LBB2_4-.Ltmp3, $4  }
0x54: {  	[tilespmem:s16+$0x30] =	vst v4  }
0x55: {  	[tilespmem:s16+$0x40] =	vst v4  }
0x56: {  	[tilespmem:s16+$0x50] =	vst v4  }
0x57: {  	[tilespmem:s16+$0x60] =	vst v4;
	s16 =	sshra.s32 s17, $0x2;
	s17 =	sadd.s32 $0x1000, s17  }
0x58: {  	[tilespmem:s16+$0x70] =	vst v4  }
0x59: {  	[tilespmem:s16+$0x0] =	vst v4  }
0x5a: {  	[tilespmem:s16+$0x10] =	vst v4  }
0x5b: {  	[tilespmem:s16+$0x20] =	vst v4  }
0x5c: {  	[tilespmem:s16+$0x30] =	vst v4  }
0x5d: {  	[tilespmem:s16+$0x40] =	vst v4  }
0x5e: {  	[tilespmem:s16+$0x50] =	vst v4  }
0x5f: {  	[tilespmem:s16+$0x60] =	vst v4;
	s16 =	simm.s32 $0x0;
	s17 =	simm.s32 $0x1000  }
.LBB2_6:
0x60: {  	p1 =	sne.s32 s17, $0x1F000;
	[tilespmem:s16+$0xF0] =	vst v4  }
0x61: {  	[tilespmem:s16+$0x80] =	vst v4  }
0x62: {  	[tilespmem:s16+$0x90] =	vst v4  }
.Ltmp4:
0x63: {  	[tilespmem:s16+$0xA0] =	vst v4;
	(pc) =	sbr.rel @p1 .LBB2_6-.Ltmp4, $4  }
0x64: {  	[tilespmem:s16+$0xB0] =	vst v4  }
0x65: {  	[tilespmem:s16+$0xC0] =	vst v4  }
0x66: {  	[tilespmem:s16+$0xD0] =	vst v4  }
0x67: {  	[tilespmem:s16+$0xE0] =	vst v4;
	s16 =	sshra.s32 s17, $0x2;
	s17 =	sadd.s32 $0x1000, s17  }
0x68: {  	[tilespmem:s16+$0xF0] =	vst v4  }
0x69: {  	[tilespmem:s16+$0x80] =	vst v4  }
0x6a: {  	[tilespmem:s16+$0x90] =	vst v4  }
0x6b: {  	[tilespmem:s16+$0xA0] =	vst v4  }
0x6c: {  	[tilespmem:s16+$0xB0] =	vst v4  }
0x6d: {  	[tilespmem:s16+$0xC0] =	vst v4  }
0x6e: {  	[tilespmem:s16+$0xD0] =	vst v4  }
0x6f: {  	[tilespmem:s16+$0xE0] =	vst v4;
	s16 =	simm.s32 $0x0;
	s17 =	simm.s32 $0x1000  }
.LBB2_8:
0x70: {  	p1 =	sne.s32 s17, $0x1F000;
	[tilespmem:s16+$0x170] =	vst v4  }
0x71: {  	[tilespmem:s16+$0x100] =	vst v4  }
0x72: {  	[tilespmem:s16+$0x110] =	vst v4  }
.Ltmp5:
0x73: {  	[tilespmem:s16+$0x120] =	vst v4;
	(pc) =	sbr.rel @p1 .LBB2_8-.Ltmp5, $4  }
0x74: {  	[tilespmem:s16+$0x130] =	vst v4  }
0x75: {  	[tilespmem:s16+$0x140] =	vst v4  }
0x76: {  	[tilespmem:s16+$0x150] =	vst v4  }
0x77: {  	[tilespmem:s16+$0x160] =	vst v4;
	s16 =	sshra.s32 s17, $0x2;
	s17 =	sadd.s32 $0x1000, s17  }
0x78: {  	[tilespmem:s16+$0x170] =	vst v4  }
0x79: {  	[tilespmem:s16+$0x100] =	vst v4  }
0x7a: {  	[tilespmem:s16+$0x110] =	vst v4  }
0x7b: {  	[tilespmem:s16+$0x120] =	vst v4  }
0x7c: {  	[tilespmem:s16+$0x130] =	vst v4  }
0x7d: {  	[tilespmem:s16+$0x140] =	vst v4  }
0x7e: {  	[tilespmem:s16+$0x150] =	vst v4  }
0x7f: {  	[tilespmem:s16+$0x160] =	vst v4;
	s16 =	simm.s32 $0x0;
	s17 =	simm.s32 $0x1000  }
.LBB2_10:
0x80: {  	p1 =	sne.s32 s17, $0x1F000;
	[tilespmem:s16+$0x1F0] =	vst v4  }
0x81: {  	[tilespmem:s16+$0x180] =	vst v4  }
0x82: {  	[tilespmem:s16+$0x190] =	vst v4  }
.Ltmp6:
0x83: {  	[tilespmem:s16+$0x1A0] =	vst v4;
	(pc) =	sbr.rel @p1 .LBB2_10-.Ltmp6, $4  }
0x84: {  	[tilespmem:s16+$0x1B0] =	vst v4  }
0x85: {  	[tilespmem:s16+$0x1C0] =	vst v4  }
0x86: {  	[tilespmem:s16+$0x1D0] =	vst v4  }
0x87: {  	[tilespmem:s16+$0x1E0] =	vst v4;
	s16 =	sshra.s32 s17, $0x2;
	s17 =	sadd.s32 $0x1000, s17  }
0x88: {  	[tilespmem:s16+$0x1F0] =	vst v4  }
0x89: {  	[tilespmem:s16+$0x180] =	vst v4  }
0x8a: {  	[tilespmem:s16+$0x190] =	vst v4  }
0x8b: {  	[tilespmem:s16+$0x1A0] =	vst v4  }
0x8c: {  	[tilespmem:s16+$0x1B0] =	vst v4  }
0x8d: {  	[tilespmem:s16+$0x1C0] =	vst v4  }
0x8e: {  	[tilespmem:s16+$0x1D0] =	vst v4  }
0x8f: {  	[tilespmem:s16+$0x1E0] =	vst v4;
	s16 =	simm.s32 $0x0;
	s17 =	simm.s32 $0x1000  }
.LBB2_12:
0x90: {  	p1 =	sne.s32 s17, $0x1F000;
	[tilespmem:s16+$0x270] =	vst v4  }
0x91: {  	[tilespmem:s16+$0x200] =	vst v4  }
0x92: {  	[tilespmem:s16+$0x210] =	vst v4  }
.Ltmp7:
0x93: {  	[tilespmem:s16+$0x220] =	vst v4;
	(pc) =	sbr.rel @p1 .LBB2_12-.Ltmp7, $4  }
0x94: {  	[tilespmem:s16+$0x230] =	vst v4  }
0x95: {  	[tilespmem:s16+$0x240] =	vst v4  }
0x96: {  	[tilespmem:s16+$0x250] =	vst v4  }
0x97: {  	[tilespmem:s16+$0x260] =	vst v4;
	s16 =	sshra.s32 s17, $0x2;
	s17 =	sadd.s32 $0x1000, s17  }
0x98: {  	[tilespmem:s16+$0x270] =	vst v4  }
0x99: {  	[tilespmem:s16+$0x200] =	vst v4  }
0x9a: {  	[tilespmem:s16+$0x210] =	vst v4  }
0x9b: {  	[tilespmem:s16+$0x220] =	vst v4  }
0x9c: {  	[tilespmem:s16+$0x230] =	vst v4  }
0x9d: {  	[tilespmem:s16+$0x240] =	vst v4  }
0x9e: {  	[tilespmem:s16+$0x250] =	vst v4  }
0x9f: {  	[tilespmem:s16+$0x260] =	vst v4;
	s16 =	simm.s32 $0x0;
	s17 =	simm.s32 $0x1000  }
.LBB2_14:
0xa0: {  	p1 =	sne.s32 s17, $0x1F000;
	[tilespmem:s16+$0x2F0] =	vst v4  }
0xa1: {  	[tilespmem:s16+$0x280] =	vst v4  }
0xa2: {  	[tilespmem:s16+$0x290] =	vst v4  }
.Ltmp8:
0xa3: {  	[tilespmem:s16+$0x2A0] =	vst v4;
	(pc) =	sbr.rel @p1 .LBB2_14-.Ltmp8, $4  }
0xa4: {  	[tilespmem:s16+$0x2B0] =	vst v4  }
0xa5: {  	[tilespmem:s16+$0x2C0] =	vst v4  }
0xa6: {  	[tilespmem:s16+$0x2D0] =	vst v4  }
0xa7: {  	[tilespmem:s16+$0x2E0] =	vst v4;
	s16 =	sshra.s32 s17, $0x2;
	s17 =	sadd.s32 $0x1000, s17  }
0xa8: {  	[tilespmem:s16+$0x2F0] =	vst v4  }
0xa9: {  	[tilespmem:s16+$0x280] =	vst v4  }
0xaa: {  	[tilespmem:s16+$0x290] =	vst v4  }
0xab: {  	[tilespmem:s16+$0x2A0] =	vst v4  }
0xac: {  	[tilespmem:s16+$0x2B0] =	vst v4  }
0xad: {  	[tilespmem:s16+$0x2C0] =	vst v4  }
0xae: {  	[tilespmem:s16+$0x2D0] =	vst v4  }
0xaf: {  	[tilespmem:s16+$0x2E0] =	vst v4;
	s16 =	simm.s32 $0x0;
	s17 =	simm.s32 $0x1000  }
.LBB2_16:
0xb0: {  	p1 =	sne.s32 s17, $0x1F000;
	[tilespmem:s16+$0x370] =	vst v4  }
0xb1: {  	[tilespmem:s16+$0x300] =	vst v4  }
0xb2: {  	[tilespmem:s16+$0x310] =	vst v4  }
.Ltmp9:
0xb3: {  	[tilespmem:s16+$0x320] =	vst v4;
	(pc) =	sbr.rel @p1 .LBB2_16-.Ltmp9, $4  }
0xb4: {  	[tilespmem:s16+$0x330] =	vst v4  }
0xb5: {  	[tilespmem:s16+$0x340] =	vst v4  }
0xb6: {  	[tilespmem:s16+$0x350] =	vst v4  }
0xb7: {  	[tilespmem:s16+$0x360] =	vst v4;
	s16 =	sshra.s32 s17, $0x2;
	s17 =	sadd.s32 $0x1000, s17  }
0xb8: {  	[tilespmem:s16+$0x370] =	vst v4  }
0xb9: {  	[tilespmem:s16+$0x300] =	vst v4  }
0xba: {  	[tilespmem:s16+$0x310] =	vst v4  }
0xbb: {  	[tilespmem:s16+$0x320] =	vst v4  }
0xbc: {  	[tilespmem:s16+$0x330] =	vst v4  }
0xbd: {  	[tilespmem:s16+$0x340] =	vst v4  }
0xbe: {  	[tilespmem:s16+$0x350] =	vst v4  }
0xbf: {  	[tilespmem:s16+$0x360] =	vst v4;
	s16 =	simm.s32 $0x0;
	s17 =	simm.s32 $0x1000  }
.LBB2_18:
0xc0: {  	p1 =	sne.s32 s17, $0x1F000;
	[tilespmem:s16+$0x3F0] =	vst v4  }
0xc1: {  	[tilespmem:s16+$0x380] =	vst v4  }
0xc2: {  	[tilespmem:s16+$0x390] =	vst v4  }
.Ltmp10:
0xc3: {  	[tilespmem:s16+$0x3A0] =	vst v4;
	(pc) =	sbr.rel @p1 .LBB2_18-.Ltmp10, $4  }
0xc4: {  	[tilespmem:s16+$0x3B0] =	vst v4  }
0xc5: {  	[tilespmem:s16+$0x3C0] =	vst v4  }
0xc6: {  	[tilespmem:s16+$0x3D0] =	vst v4  }
0xc7: {  	[tilespmem:s16+$0x3E0] =	vst v4;
	s16 =	sshra.s32 s17, $0x2;
	s17 =	sadd.s32 $0x1000, s17  }
0xc8: {  	[tilespmem:s16+$0x3F0] =	vst v4  }
0xc9: {  	[tilespmem:s16+$0x380] =	vst v4  }
0xca: {  	[tilespmem:s16+$0x390] =	vst v4  }
0xcb: {  	[tilespmem:s16+$0x3A0] =	vst v4  }
0xcc: {  	[tilespmem:s16+$0x3B0] =	vst v4  }
0xcd: {  	[tilespmem:s16+$0x3C0] =	vst v4  }
0xce: {  	[tilespmem:s16+$0x3D0] =	vst v4  }
0xcf: {  	[tilespmem:s16+$0x3E0] =	vst v4;
	s16 =	simm.s32 $0x0;
	s17 =	simm.s32 $0x1000  }
.LBB2_20:
0xd0: {  	p1 =	sne.s32 s17, $0x1F000;
	[tilespmem:s16+$0x8070] =	vst v4  }
0xd1: {  	[tilespmem:s16+$0x8000] =	vst v4  }
0xd2: {  	[tilespmem:s16+$0x8010] =	vst v4  }
.Ltmp11:
0xd3: {  	[tilespmem:s16+$0x8020] =	vst v4;
	(pc) =	sbr.rel @p1 .LBB2_20-.Ltmp11, $4  }
0xd4: {  	[tilespmem:s16+$0x8030] =	vst v4  }
0xd5: {  	[tilespmem:s16+$0x8040] =	vst v4  }
0xd6: {  	[tilespmem:s16+$0x8050] =	vst v4  }
0xd7: {  	[tilespmem:s16+$0x8060] =	vst v4;
	s16 =	sshra.s32 s17, $0x2;
	s17 =	sadd.s32 $0x1000, s17  }
0xd8: {  	[tilespmem:s16+$0x8070] =	vst v4  }
0xd9: {  	[tilespmem:s16+$0x8000] =	vst v4  }
0xda: {  	[tilespmem:s16+$0x8010] =	vst v4  }
0xdb: {  	[tilespmem:s16+$0x8020] =	vst v4  }
0xdc: {  	[tilespmem:s16+$0x8030] =	vst v4  }
0xdd: {  	[tilespmem:s16+$0x8040] =	vst v4  }
0xde: {  	[tilespmem:s16+$0x8050] =	vst v4  }
0xdf: {  	[tilespmem:s16+$0x8060] =	vst v4;
	s16 =	simm.s32 $0x0;
	s17 =	simm.s32 $0x1000  }
.LBB2_22:
0xe0: {  	p1 =	sne.s32 s17, $0x1F000;
	[tilespmem:s16+$0x80F0] =	vst v4  }
0xe1: {  	[tilespmem:s16+$0x8080] =	vst v4  }
0xe2: {  	[tilespmem:s16+$0x8090] =	vst v4  }
.Ltmp12:
0xe3: {  	[tilespmem:s16+$0x80A0] =	vst v4;
	(pc) =	sbr.rel @p1 .LBB2_22-.Ltmp12, $4  }
0xe4: {  	[tilespmem:s16+$0x80B0] =	vst v4  }
0xe5: {  	[tilespmem:s16+$0x80C0] =	vst v4  }
0xe6: {  	[tilespmem:s16+$0x80D0] =	vst v4  }
0xe7: {  	[tilespmem:s16+$0x80E0] =	vst v4;
	s16 =	sshra.s32 s17, $0x2;
	s17 =	sadd.s32 $0x1000, s17  }
0xe8: {  	[tilespmem:s16+$0x80F0] =	vst v4  }
0xe9: {  	[tilespmem:s16+$0x8080] =	vst v4  }
0xea: {  	[tilespmem:s16+$0x8090] =	vst v4  }
0xeb: {  	[tilespmem:s16+$0x80A0] =	vst v4  }
0xec: {  	[tilespmem:s16+$0x80B0] =	vst v4  }
0xed: {  	[tilespmem:s16+$0x80C0] =	vst v4  }
0xee: {  	[tilespmem:s16+$0x80D0] =	vst v4  }
0xef: {  	[tilespmem:s16+$0x80E0] =	vst v4;
	s16 =	simm.s32 $0x0;
	s17 =	simm.s32 $0x1000  }
.LBB2_24:
0xf0: {  	p1 =	sne.s32 s17, $0x1F000;
	[tilespmem:s16+$0x8170] =	vst v4  }
0xf1: {  	[tilespmem:s16+$0x8100] =	vst v4  }
0xf2: {  	[tilespmem:s16+$0x8110] =	vst v4  }
.Ltmp13:
0xf3: {  	[tilespmem:s16+$0x8120] =	vst v4;
	(pc) =	sbr.rel @p1 .LBB2_24-.Ltmp13, $4  }
0xf4: {  	[tilespmem:s16+$0x8130] =	vst v4  }
0xf5: {  	[tilespmem:s16+$0x8140] =	vst v4  }
0xf6: {  	[tilespmem:s16+$0x8150] =	vst v4  }
0xf7: {  	[tilespmem:s16+$0x8160] =	vst v4;
	s16 =	sshra.s32 s17, $0x2;
	s17 =	sadd.s32 $0x1000, s17  }
0xf8: {  	[tilespmem:s16+$0x8170] =	vst v4  }
0xf9: {  	[tilespmem:s16+$0x8100] =	vst v4  }
0xfa: {  	[tilespmem:s16+$0x8110] =	vst v4  }
0xfb: {  	[tilespmem:s16+$0x8120] =	vst v4  }
0xfc: {  	[tilespmem:s16+$0x8130] =	vst v4  }
0xfd: {  	[tilespmem:s16+$0x8140] =	vst v4  }
0xfe: {  	[tilespmem:s16+$0x8150] =	vst v4  }
0xff: {  	[tilespmem:s16+$0x8160] =	vst v4;
	s16 =	simm.s32 $0x0;
	s17 =	simm.s32 $0x1000  }
.LBB2_26:
0x100: {  	p1 =	sne.s32 s17, $0x1F000;
	[tilespmem:s16+$0x81F0] =	vst v4  }
0x101: {  	[tilespmem:s16+$0x8180] =	vst v4  }
0x102: {  	[tilespmem:s16+$0x8190] =	vst v4  }
.Ltmp14:
0x103: {  	[tilespmem:s16+$0x81A0] =	vst v4;
	(pc) =	sbr.rel @p1 .LBB2_26-.Ltmp14, $4  }
0x104: {  	[tilespmem:s16+$0x81B0] =	vst v4  }
0x105: {  	[tilespmem:s16+$0x81C0] =	vst v4  }
0x106: {  	[tilespmem:s16+$0x81D0] =	vst v4  }
0x107: {  	[tilespmem:s16+$0x81E0] =	vst v4;
	s16 =	sshra.s32 s17, $0x2;
	s17 =	sadd.s32 $0x1000, s17  }
0x108: {  	[tilespmem:s16+$0x81F0] =	vst v4  }
0x109: {  	[tilespmem:s16+$0x8180] =	vst v4  }
0x10a: {  	[tilespmem:s16+$0x8190] =	vst v4  }
0x10b: {  	[tilespmem:s16+$0x81A0] =	vst v4  }
0x10c: {  	[tilespmem:s16+$0x81B0] =	vst v4  }
0x10d: {  	[tilespmem:s16+$0x81C0] =	vst v4  }
0x10e: {  	[tilespmem:s16+$0x81D0] =	vst v4  }
0x10f: {  	[tilespmem:s16+$0x81E0] =	vst v4;
	s16 =	simm.s32 $0x0;
	s17 =	simm.s32 $0x1000  }
.LBB2_28:
0x110: {  	p1 =	sne.s32 s17, $0x1F000;
	[tilespmem:s16+$0x8270] =	vst v4  }
0x111: {  	[tilespmem:s16+$0x8200] =	vst v4  }
0x112: {  	[tilespmem:s16+$0x8210] =	vst v4  }
.Ltmp15:
0x113: {  	[tilespmem:s16+$0x8220] =	vst v4;
	(pc) =	sbr.rel @p1 .LBB2_28-.Ltmp15, $4  }
0x114: {  	[tilespmem:s16+$0x8230] =	vst v4  }
0x115: {  	[tilespmem:s16+$0x8240] =	vst v4  }
0x116: {  	[tilespmem:s16+$0x8250] =	vst v4  }
0x117: {  	[tilespmem:s16+$0x8260] =	vst v4;
	s16 =	sshra.s32 s17, $0x2;
	s17 =	sadd.s32 $0x1000, s17  }
0x118: {  	[tilespmem:s16+$0x8270] =	vst v4  }
0x119: {  	[tilespmem:s16+$0x8200] =	vst v4  }
0x11a: {  	[tilespmem:s16+$0x8210] =	vst v4  }
0x11b: {  	[tilespmem:s16+$0x8220] =	vst v4  }
0x11c: {  	[tilespmem:s16+$0x8230] =	vst v4  }
0x11d: {  	[tilespmem:s16+$0x8240] =	vst v4  }
0x11e: {  	[tilespmem:s16+$0x8250] =	vst v4  }
0x11f: {  	[tilespmem:s16+$0x8260] =	vst v4;
	s16 =	simm.s32 $0x0;
	s17 =	simm.s32 $0x1000  }
.LBB2_30:
0x120: {  	p1 =	sne.s32 s17, $0x1F000;
	[tilespmem:s16+$0x82F0] =	vst v4  }
0x121: {  	[tilespmem:s16+$0x8280] =	vst v4  }
0x122: {  	[tilespmem:s16+$0x8290] =	vst v4  }
.Ltmp16:
0x123: {  	[tilespmem:s16+$0x82A0] =	vst v4;
	(pc) =	sbr.rel @p1 .LBB2_30-.Ltmp16, $4  }
0x124: {  	[tilespmem:s16+$0x82B0] =	vst v4  }
0x125: {  	[tilespmem:s16+$0x82C0] =	vst v4  }
0x126: {  	[tilespmem:s16+$0x82D0] =	vst v4  }
0x127: {  	[tilespmem:s16+$0x82E0] =	vst v4;
	s16 =	sshra.s32 s17, $0x2;
	s17 =	sadd.s32 $0x1000, s17  }
0x128: {  	[tilespmem:s16+$0x82F0] =	vst v4  }
0x129: {  	[tilespmem:s16+$0x8280] =	vst v4  }
0x12a: {  	[tilespmem:s16+$0x8290] =	vst v4  }
0x12b: {  	[tilespmem:s16+$0x82A0] =	vst v4  }
0x12c: {  	[tilespmem:s16+$0x82B0] =	vst v4  }
0x12d: {  	[tilespmem:s16+$0x82C0] =	vst v4  }
0x12e: {  	[tilespmem:s16+$0x82D0] =	vst v4  }
0x12f: {  	[tilespmem:s16+$0x82E0] =	vst v4;
	s16 =	simm.s32 $0x0;
	s17 =	simm.s32 $0x1000  }
.LBB2_32:
0x130: {  	p1 =	seq.s32 s17, $0x1F000;
	[tilespmem:s16+$0x8370] =	vst v4  }
0x131: {  	[tilespmem:s16+$0x8300] =	vst v4  }
0x132: {  	[tilespmem:s16+$0x8310] =	vst v4  }
.Ltmp17:
0x133: {  	[tilespmem:s16+$0x8320] =	vst v4;
	(pc) =	sbr.rel @!p1 .LBB2_32-.Ltmp17, $4  }
0x134: {  	[tilespmem:s16+$0x8330] =	vst v4  }
0x135: {  	[tilespmem:s16+$0x8340] =	vst v4  }
0x136: {  	[tilespmem:s16+$0x8350] =	vst v4  }
0x137: {  	[tilespmem:s16+$0x8360] =	vst v4;
	s16 =	sshra.s32 s17, $0x2;
	s17 =	sadd.s32 $0x1000, s17  }
0x138: {  	[tilespmem:s16+$0x8370] =	vst v4  }
0x139: {  	[tilespmem:s16+$0x8300] =	vst v4  }
0x13a: {  	[tilespmem:s16+$0x8310] =	vst v4  }
0x13b: {  	[tilespmem:s16+$0x8320] =	vst v4  }
0x13c: {  	[tilespmem:s16+$0x8330] =	vst v4  }
0x13d: {  	[tilespmem:s16+$0x8340] =	vst v4  }
0x13e: {  	[tilespmem:s16+$0x8350] =	vst v4  }
0x13f: {  	[tilespmem:s16+$0x8360] =	vst v4;
	s16 =	simm.s32 $0x0;
	s17 =	simm.s32 $0x1000  }
.LBB2_34:
0x140: {  	p1 =	seq.s32 s17, $0x1F000;
	[tilespmem:s16+$0x83F0] =	vst v4  }
0x141: {  	[tilespmem:s16+$0x8380] =	vst v4  }
0x142: {  	[tilespmem:s16+$0x8390] =	vst v4  }
.Ltmp18:
0x143: {  	[tilespmem:s16+$0x83A0] =	vst v4;
	(pc) =	sbr.rel @!p1 .LBB2_34-.Ltmp18, $4  }
0x144: {  	[tilespmem:s16+$0x83B0] =	vst v4  }
0x145: {  	[tilespmem:s16+$0x83C0] =	vst v4  }
0x146: {  	[tilespmem:s16+$0x83D0] =	vst v4  }
0x147: {  	[tilespmem:s16+$0x83E0] =	vst v4;
	s16 =	sshra.s32 s17, $0x2;
	s17 =	sadd.s32 $0x1000, s17  }
0x148: {  	[tilespmem:s16+$0x83F0] =	vst v4  }
0x149: {  	[tilespmem:s16+$0x8380] =	vst v4  }
0x14a: {  	[tilespmem:s16+$0x8390] =	vst v4  }
0x14b: {  	[tilespmem:s16+$0x83A0] =	vst v4;
	s15 =	sadd.s32 $0xF, s15  }
0x14c: {  	[tilespmem:s16+$0x83B0] =	vst v4;
	s30 =	sand.u32 $0xF, s15  }
0x14d: {  	[tilespmem:s16+$0x83C0] =	vst v4;
	s17 =	sshra.s32 s15, $0x1F;
	p1 =	slt.s32 s15, $0x1;
	p2 =	sne.s32 s30, $0x0  }
0x14e: {  	[tilespmem:s16+$0x83D0] =	vst v4;
	s31 =	sshrl.u32 s17, $0x1C;
	p1 =	por !p1, !p2  }
0x14f: {  	[tilespmem:s16+$0x83E0] =	vst v4;
	s16 =	simm.s32 $0x1;
	s15 =	sadd.s32 s31, s15;
	p1 =	por !p1, !p1  }
0x150: {  	s15 =	sshra.s32 s15, $0x4;
	s16 =	simm.s32 @!p1 $0x0  }
0x151: {  	s15 =	ssub.s32 s15, s16  }
0x152: {  	p1 =	sgt.s32 s15, $0x0  }
.Ltmp19:
0x153: {  	_ = 	snop;
	(pc) =	sbr.rel @!p1 .LBB2_47-.Ltmp19, $1  }
0x154: {  	_ =	sdelay $0x3  }
0x155: {  	p2 =	sne.s32 s15, $0x1  }
.Ltmp20:
0x156: {  	_ = 	snop;
	(pc) =	sbr.rel @!p2 .LBB2_37-.Ltmp20, $3  }
0x157: {  	_ =	sdelay $0x1  }
0x158: {  	s16 =	simm.s32 $0x12000  }
0x159: {  	s17 =	simm.s32 $0x13080;
	p1 =	por $0x0, $0x0;
	v5 =	vld [tilespmem:s16+$0x0];
	s16 =	sadd.s32 $0xFFFFFFFF, s15  }
0x15a: {  	_ =	sdelay $0x3  }
0x15b: {  	v6 =	vand.u32 $0x3FFF, v5  }
0x15c: {  	v5 =	vshra.s32 v5, $0xE;
	vm0 =	vlt.u32 v6, $0x1000  }
0x15d: {  	v5 =	vnsel vm0, $0x0, v5;
	v6 =	vnsel vm0, $0x0, v6  }
0x15e: {  	v7 =	vshll.u32 v5, $0xC;
	v8 =	vshll.u32 v6, $0x3  }
0x15f: {  	v5 =	vshll.u32 v5, $0x7;
	v7 =	vand.u32 $0xFFFF8000, v7;
	v8 =	vand.u32 $0x1FC00, v8  }
0x160: {  	v5 =	vand.u32 $0x380, v5;
	v7 =	vadd.s32 v8, v7  }
0x161: {  	v6 =	vand.u32 $0x7F, v6;
	v5 =	vor.u32 v5, v7  }
0x162: {  	v7 =	vld [tilespmem:s17+$0x0];
	v5 =	vor.u32 v6, v5  }
0x163: {  	p3 =	sne.s32 s16, $0x1  }
.Ltmp21:
0x164: {  	_ = 	snop;
	(pc) =	sbr.rel @!p3 .LBB2_39-.Ltmp21, $3  }
0x165: {  	_ =	sdelay $0x1  }
0x166: {  	s19 =	simm.s32 $0x12010;
	[tilespmem:v5+s2+$0x0] =	vst.idx.msk vm0, v7  }
0x167: {  	s20 =	sadd.s32 $0xFFFFFFFF, s16;
	p2 =	por $0x1, $0x1;
	s18 =	simm.s32 $0x13080;
	v5 =	vld [tilespmem:s19+$0x0]  }
.LBB2_40:
0x168: {  	p3 =	sne.s32 s20, $0x1;
	_ =	sdelay $0x3  }
0x169: {  	v6 =	vand.u32 $0x3FFF, v5  }
0x16a: {  	v5 =	vshra.s32 v5, $0xE;
	vm0 =	vlt.u32 v6, $0x1000  }
0x16b: {  	v5 =	vnsel vm0, $0x0, v5;
	v6 =	vnsel vm0, $0x0, v6  }
0x16c: {  	v7 =	vshll.u32 v5, $0xC;
	v8 =	vshll.u32 v6, $0x3  }
0x16d: {  	v5 =	vshll.u32 v5, $0x7;
	v7 =	vand.u32 $0xFFFF8000, v7;
	v8 =	vand.u32 $0x1FC00, v8  }
0x16e: {  	v5 =	vand.u32 $0x380, v5;
	v7 =	vadd.s32 v8, v7  }
0x16f: {  	s18 =	sadd.s32 $0x10, s18;
	v6 =	vand.u32 $0x7F, v6;
	v5 =	vor.u32 v5, v7  }
0x170: {  	v7 =	vld [tilespmem:s18+$0x0];
	v5 =	vor.u32 v6, v5;
	_ =	sdelay $0x1  }
.Ltmp22:
0x171: {  	(pc) =	sbr.rel @p3 .LBB2_40-.Ltmp22, $3  }
0x172: {  	_ =	sdelay $0x1  }
0x173: {  	s19 =	sadd.s32 $0x10, s19;
	[tilespmem:v5+s2+$0x0] =	vst.idx.msk vm0, v7  }
0x174: {  	s20 =	sadd.s32 $0xFFFFFFFF, s20;
	v5 =	vld [tilespmem:s19+$0x0]  }
.LBB2_41:
0x175: {  	_ =	sdelay $0x3  }
0x176: {  	v6 =	vand.u32 $0x3FFF, v5  }
0x177: {  	v5 =	vshra.s32 v5, $0xE;
	vm0 =	vlt.u32 v6, $0x1000  }
0x178: {  	v5 =	vnsel vm0, $0x0, v5;
	v6 =	vnsel vm0, $0x0, v6  }
0x179: {  	v7 =	vshll.u32 v5, $0xC;
	v8 =	vshll.u32 v6, $0x3  }
0x17a: {  	v5 =	vshll.u32 v5, $0x7;
	v7 =	vand.u32 $0xFFFF8000, v7;
	v8 =	vand.u32 $0x1FC00, v8  }
0x17b: {  	s18 =	sadd.s32 @p2 $0x10, s18;
	v5 =	vand.u32 $0x380, v5;
	v7 =	vadd.s32 v8, v7  }
0x17c: {  	s17 =	smov.u32 @p2 s18;
	v6 =	vand.u32 $0x7F, v6;
	v5 =	vor.u32 v5, v7  }
0x17d: {  	v7 =	vld [tilespmem:s17+$0x0];
	v5 =	vor.u32 v6, v5;
	_ =	sdelay $0x1  }
0x17e: {  	p2 =	seq.s32 s15, $0x1  }
.Ltmp23:
0x17f: {  	_ = 	snop;
	(pc) =	sbr.rel @p2 .LBB2_42-.Ltmp23, $4  }
0x180: {  	_ = 	snop  }
0x181: {  	s31 =	simm.s32 $0x12000;
	[tilespmem:v5+s2+$0x0] =	vst.idx.msk vm0, v7  }
0x182: {  	[hbm4b:s5+s2] =	stream.linear.scatter [tilespmem:s2], [sflag:$0x1], $0x8000, $0x38;
	[tilespmem:$0x14100] =	vst v63  }
0x183: {  	s17 =	simm.s32 $0x13080;
	v5 =	vld [tilespmem:s31+$0x0]  }
0x184: {  	_ =	sdelay $0x3  }
0x185: {  	v6 =	vand.u32 $0x3FFF, v5;
	v7 =	vand.u32 $0x3000, v5  }
0x186: {  	v5 =	vshra.s32 v5, $0xE;
	v6 =	vadd.s32 $0xFFFFF000, v6;
	vm0 =	veq.s32 v7, $0x1000  }
0x187: {  	v5 =	vnsel vm0, $0x0, v5;
	v6 =	vnsel vm0, $0x0, v6  }
0x188: {  	v7 =	vshll.u32 v5, $0xC;
	v8 =	vshll.u32 v6, $0x3  }
0x189: {  	v5 =	vshll.u32 v5, $0x7;
	v7 =	vand.u32 $0xFFFF8000, v7;
	v8 =	vand.u32 $0xFFFFFC00, v8  }
0x18a: {  	v5 =	vand.u32 $0x380, v5;
	v7 =	vadd.s32 v8, v7  }
0x18b: {  	v6 =	vand.u32 $0x7F, v6;
	v5 =	vor.u32 v5, v7  }
0x18c: {  	v7 =	vld [tilespmem:s17+$0x0];
	v5 =	vor.u32 v6, v5  }
0x18d: {  	p2 =	seq.s32 s16, $0x1  }
.Ltmp24:
0x18e: {  	_ = 	snop;
	(pc) =	sbr.rel @p2 .LBB2_44-.Ltmp24, $3  }
0x18f: {  	_ =	sdelay $0x1  }
0x190: {  	s18 =	simm.s32 $0x12010;
	[tilespmem:v5+s13+$0x0] =	vst.idx.msk vm0, v7  }
0x191: {  	s19 =	sadd.s32 $0xFFFFFFFF, s16;
	p1 =	por $0x1, $0x1;
	s16 =	simm.s32 $0x13080;
	v5 =	vld [tilespmem:s18+$0x0]  }
.LBB2_45:
0x192: {  	p2 =	seq.s32 s19, $0x1;
	_ =	sdelay $0x3  }
0x193: {  	v6 =	vand.u32 $0x3FFF, v5;
	v7 =	vand.u32 $0x3000, v5  }
0x194: {  	v5 =	vshra.s32 v5, $0xE;
	v6 =	vadd.s32 $0xFFFFF000, v6;
	vm0 =	veq.s32 v7, $0x1000  }
0x195: {  	v5 =	vnsel vm0, $0x0, v5;
	v6 =	vnsel vm0, $0x0, v6  }
0x196: {  	v7 =	vshll.u32 v5, $0xC;
	v8 =	vshll.u32 v6, $0x3  }
0x197: {  	v5 =	vshll.u32 v5, $0x7;
	v7 =	vand.u32 $0xFFFF8000, v7;
	v8 =	vand.u32 $0xFFFFFC00, v8  }
0x198: {  	v5 =	vand.u32 $0x380, v5;
	v7 =	vadd.s32 v8, v7  }
0x199: {  	s16 =	sadd.s32 $0x10, s16;
	v6 =	vand.u32 $0x7F, v6;
	v5 =	vor.u32 v5, v7  }
0x19a: {  	v7 =	vld [tilespmem:s16+$0x0];
	v5 =	vor.u32 v6, v5;
	_ =	sdelay $0x1  }
.Ltmp25:
0x19b: {  	(pc) =	sbr.rel @!p2 .LBB2_45-.Ltmp25, $3  }
0x19c: {  	_ =	sdelay $0x1  }
0x19d: {  	s18 =	sadd.s32 $0x10, s18;
	[tilespmem:v5+s13+$0x0] =	vst.idx.msk vm0, v7  }
0x19e: {  	s19 =	sadd.s32 $0xFFFFFFFF, s19;
	v5 =	vld [tilespmem:s18+$0x0]  }
.LBB2_46:
0x19f: {  	_ =	sdelay $0x3  }
0x1a0: {  	v6 =	vand.u32 $0x3FFF, v5;
	v7 =	vand.u32 $0x3000, v5  }
0x1a1: {  	v5 =	vshra.s32 v5, $0xE;
	v6 =	vadd.s32 $0xFFFFF000, v6;
	vm0 =	veq.s32 v7, $0x1000  }
0x1a2: {  	v5 =	vnsel vm0, $0x0, v5;
	v6 =	vnsel vm0, $0x0, v6  }
0x1a3: {  	v7 =	vshll.u32 v5, $0xC;
	v8 =	vshll.u32 v6, $0x3  }
0x1a4: {  	v5 =	vshll.u32 v5, $0x7;
	v7 =	vand.u32 $0xFFFF8000, v7;
	v8 =	vand.u32 $0xFFFFFC00, v8  }
0x1a5: {  	s16 =	sadd.s32 @p1 $0x10, s16;
	v5 =	vand.u32 $0x380, v5;
	v7 =	vadd.s32 v8, v7  }
0x1a6: {  	s17 =	smov.u32 @p1 s16;
	v6 =	vand.u32 $0x7F, v6;
	v5 =	vor.u32 v5, v7  }
0x1a7: {  	v7 =	vld [tilespmem:s17+$0x0];
	v5 =	vor.u32 v6, v5  }
.Ltmp26:
0x1a8: {  	_ = 	snop;
	(pc) =	sbr.rel .LBB2_48-.Ltmp26, $2  }
0x1a9: {  	_ =	sdelay $0x2  }
0x1aa: {  	[tilespmem:v5+s13+$0x0] =	vst.idx.msk vm0, v7  }
.LBB2_47:
0x1ab: {  	[hbm4b:s5+s2] =	stream.linear.scatter [tilespmem:s2], [sflag:$0x1], $0x8000, $0x38;
	[tilespmem:$0x14100] =	vst v63  }
.LBB2_48:
0x1ac: {  	p1 =	slt.s32 s15, $0x1  }
.Ltmp27:
0x1ad: {  	_ = 	snop;
	(pc) =	sbr.rel @p1 .LBB2_63-.Ltmp27, $4  }
0x1ae: {  	[hbm4b:s6+s2] =	stream.linear.scatter [tilespmem:s13], [sflag:$0x1], $0x8000, $0x38;
	[tilespmem:$0x14100] =	vst v63  }
0x1af: {  	_ =	swait.ge [sflag:s12], $0x8000  }
0x1b0: {  	s16 =	simm.s32 $0x12000;
	[sflag:s12] =	ssyncset.done $0x0  }
0x1b1: {  	s17 =	simm.s32 $0x12000;
	s18 =	smov.u32 s15;
	[sflag:s12] =	ssyncadd.s32 $0xFFFF8000  }
.LBB2_49:
0x1b2: {  	v5 =	vld [tilespmem:s17+$0x0];
	_ =	sdelay $0x4  }
0x1b3: {  	v6 =	vand.u32 $0x3FFF, v5  }
0x1b4: {  	v5 =	vshra.s32 v5, $0xE;
	vm0 =	vlt.u32 v6, $0x1000  }
0x1b5: {  	v5 =	vnsel vm0, $0x0, v5;
	v6 =	vnsel vm0, $0x0, v6  }
0x1b6: {  	v7 =	vshll.u32 v5, $0xC;
	v8 =	vshll.u32 v6, $0x3  }
0x1b7: {  	v5 =	vshll.u32 v5, $0x7;
	v7 =	vand.u32 $0xFFFF8000, v7;
	v8 =	vand.u32 $0x1FC00, v8  }
0x1b8: {  	v5 =	vand.u32 $0x380, v5;
	v7 =	vadd.s32 v8, v7  }
0x1b9: {  	v6 =	vand.u32 $0x7F, v6;
	v5 =	vor.u32 v5, v7  }
0x1ba: {  	p1 =	sne.s32 s18, $0x1;
	v5 =	vor.u32 v6, v5  }
.Ltmp28:
0x1bb: {  	_ = 	snop;
	(pc) =	sbr.rel @p1 .LBB2_49-.Ltmp28, $2  }
0x1bc: {  	_ =	sdelay $0x2  }
0x1bd: {  	s17 =	sadd.s32 $0x10, s17;
	s18 =	sadd.s32 $0xFFFFFFFF, s18;
	[tilespmem:v5+s2+$0x0] =	vst.idx.msk vm0, v4  }
0x1be: {  	p2 =	sne.s32 s15, $0x1  }
.Ltmp29:
0x1bf: {  	_ = 	snop;
	(pc) =	sbr.rel @!p2 .LBB2_51-.Ltmp29, $2  }
0x1c0: {  	_ =	sdelay $0x2  }
0x1c1: {  	s17 =	simm.s32 $0x13080;
	v5 =	vld [tilespmem:s16+$0x0];
	s16 =	sadd.s32 $0xFFFFFFFF, s15;
	p1 =	por $0x0, $0x0  }
0x1c2: {  	_ =	sdelay $0x3  }
0x1c3: {  	v6 =	vand.u32 $0x3FFF, v5;
	v7 =	vand.u32 $0x3000, v5  }
0x1c4: {  	v5 =	vshra.s32 v5, $0xE;
	v6 =	vadd.s32 $0xFFFFE000, v6;
	vm0 =	veq.s32 v7, $0x2000  }
0x1c5: {  	v5 =	vnsel vm0, $0x0, v5;
	v6 =	vnsel vm0, $0x0, v6  }
0x1c6: {  	v7 =	vshll.u32 v5, $0xC;
	v8 =	vshll.u32 v6, $0x3  }
0x1c7: {  	v5 =	vshll.u32 v5, $0x7;
	v7 =	vand.u32 $0xFFFF8000, v7;
	v8 =	vand.u32 $0xFFFFFC00, v8  }
0x1c8: {  	v5 =	vand.u32 $0x380, v5;
	v7 =	vadd.s32 v8, v7  }
0x1c9: {  	v6 =	vand.u32 $0x7F, v6;
	v5 =	vor.u32 v5, v7  }
0x1ca: {  	v7 =	vld [tilespmem:s17+$0x0];
	v5 =	vor.u32 v6, v5  }
0x1cb: {  	p2 =	sne.s32 s16, $0x1  }
.Ltmp30:
0x1cc: {  	_ = 	snop;
	(pc) =	sbr.rel @!p2 .LBB2_53-.Ltmp30, $3  }
0x1cd: {  	_ =	sdelay $0x1  }
0x1ce: {  	s19 =	simm.s32 $0x12010;
	[tilespmem:v5+s2+$0x0] =	vst.idx.msk vm0, v7  }
0x1cf: {  	s20 =	sadd.s32 $0xFFFFFFFF, s16;
	p1 =	por $0x1, $0x1;
	s18 =	simm.s32 $0x13080;
	v5 =	vld [tilespmem:s19+$0x0]  }
.LBB2_54:
0x1d0: {  	p2 =	sne.s32 s20, $0x1;
	_ =	sdelay $0x3  }
0x1d1: {  	v6 =	vand.u32 $0x3FFF, v5;
	v7 =	vand.u32 $0x3000, v5  }
0x1d2: {  	v5 =	vshra.s32 v5, $0xE;
	v6 =	vadd.s32 $0xFFFFE000, v6;
	vm0 =	veq.s32 v7, $0x2000  }
0x1d3: {  	v5 =	vnsel vm0, $0x0, v5;
	v6 =	vnsel vm0, $0x0, v6  }
0x1d4: {  	v7 =	vshll.u32 v5, $0xC;
	v8 =	vshll.u32 v6, $0x3  }
0x1d5: {  	v5 =	vshll.u32 v5, $0x7;
	v7 =	vand.u32 $0xFFFF8000, v7;
	v8 =	vand.u32 $0xFFFFFC00, v8  }
0x1d6: {  	v5 =	vand.u32 $0x380, v5;
	v7 =	vadd.s32 v8, v7  }
0x1d7: {  	s18 =	sadd.s32 $0x10, s18;
	v6 =	vand.u32 $0x7F, v6;
	v5 =	vor.u32 v5, v7  }
0x1d8: {  	v7 =	vld [tilespmem:s18+$0x0];
	v5 =	vor.u32 v6, v5;
	_ =	sdelay $0x1  }
.Ltmp31:
0x1d9: {  	(pc) =	sbr.rel @p2 .LBB2_54-.Ltmp31, $3  }
0x1da: {  	_ =	sdelay $0x1  }
0x1db: {  	s19 =	sadd.s32 $0x10, s19;
	[tilespmem:v5+s2+$0x0] =	vst.idx.msk vm0, v7  }
0x1dc: {  	s20 =	sadd.s32 $0xFFFFFFFF, s20;
	v5 =	vld [tilespmem:s19+$0x0]  }
.LBB2_55:
0x1dd: {  	_ =	sdelay $0x3  }
0x1de: {  	v6 =	vand.u32 $0x3FFF, v5;
	v7 =	vand.u32 $0x3000, v5  }
0x1df: {  	v5 =	vshra.s32 v5, $0xE;
	v6 =	vadd.s32 $0xFFFFE000, v6;
	vm0 =	veq.s32 v7, $0x2000  }
0x1e0: {  	v5 =	vnsel vm0, $0x0, v5;
	v6 =	vnsel vm0, $0x0, v6  }
0x1e1: {  	v7 =	vshll.u32 v5, $0xC;
	v8 =	vshll.u32 v6, $0x3  }
0x1e2: {  	v5 =	vshll.u32 v5, $0x7;
	v7 =	vand.u32 $0xFFFF8000, v7;
	v8 =	vand.u32 $0xFFFFFC00, v8  }
0x1e3: {  	s18 =	sadd.s32 @p1 $0x10, s18;
	v5 =	vand.u32 $0x380, v5;
	v7 =	vadd.s32 v8, v7  }
0x1e4: {  	s17 =	smov.u32 @p1 s18;
	v6 =	vand.u32 $0x7F, v6;
	v5 =	vor.u32 v5, v7  }
0x1e5: {  	v7 =	vld [tilespmem:s17+$0x0];
	v5 =	vor.u32 v6, v5;
	_ =	sdelay $0x4  }
0x1e6: {  	[tilespmem:v5+s2+$0x0] =	vst.idx.msk vm0, v7  }
0x1e7: {  	[hbm4b:s7+s2] =	stream.linear.scatter [tilespmem:s2], [sflag:$0x1], $0x8000, $0x38;
	[tilespmem:$0x14100] =	vst v63  }
0x1e8: {  	_ =	swait.ge [sflag:s12], $0x8000  }
0x1e9: {  	s19 =	smov.u32 s15;
	[sflag:s12] =	ssyncset.done $0x0  }
0x1ea: {  	s18 =	simm.s32 $0x12000;
	s17 =	simm.s32 $0x12000;
	[sflag:s12] =	ssyncadd.s32 $0xFFFF8000  }
.LBB2_56:
0x1eb: {  	v5 =	vld [tilespmem:s18+$0x0];
	_ =	sdelay $0x4  }
0x1ec: {  	v6 =	vand.u32 $0x3FFF, v5;
	v7 =	vand.u32 $0x3000, v5  }
0x1ed: {  	v5 =	vshra.s32 v5, $0xE;
	v6 =	vadd.s32 $0xFFFFF000, v6;
	vm0 =	veq.s32 v7, $0x1000  }
0x1ee: {  	v5 =	vnsel vm0, $0x0, v5;
	v6 =	vnsel vm0, $0x0, v6  }
0x1ef: {  	v7 =	vshll.u32 v5, $0xC;
	v8 =	vshll.u32 v6, $0x3  }
0x1f0: {  	v5 =	vshll.u32 v5, $0x7;
	v7 =	vand.u32 $0xFFFF8000, v7;
	v8 =	vand.u32 $0xFFFFFC00, v8  }
0x1f1: {  	v5 =	vand.u32 $0x380, v5;
	v7 =	vadd.s32 v8, v7  }
0x1f2: {  	v6 =	vand.u32 $0x7F, v6;
	v5 =	vor.u32 v5, v7  }
0x1f3: {  	p1 =	sne.s32 s19, $0x1;
	v5 =	vor.u32 v6, v5  }
.Ltmp32:
0x1f4: {  	_ = 	snop;
	(pc) =	sbr.rel @p1 .LBB2_56-.Ltmp32, $2  }
0x1f5: {  	_ =	sdelay $0x2  }
0x1f6: {  	s18 =	sadd.s32 $0x10, s18;
	s19 =	sadd.s32 $0xFFFFFFFF, s19;
	[tilespmem:v5+s13+$0x0] =	vst.idx.msk vm0, v4  }
0x1f7: {  	p2 =	seq.s32 s15, $0x1  }
.Ltmp33:
0x1f8: {  	_ = 	snop;
	(pc) =	sbr.rel @p2 .LBB2_58-.Ltmp33, $2  }
0x1f9: {  	_ =	sdelay $0x2  }
0x1fa: {  	s15 =	simm.s32 $0x13080;
	v5 =	vld [tilespmem:s17+$0x0];
	p1 =	por $0x0, $0x0  }
0x1fb: {  	_ =	sdelay $0x3  }
0x1fc: {  	v6 =	vand.u32 $0x3FFF, v5  }
0x1fd: {  	v7 =	vadd.s32 $0xFFFFD000, v6  }
0x1fe: {  	vm0 =	vgt.u32 v6, $0x2FFF;
	vm1 =	vlt.s32 v7, v2  }
0x1ff: {  	v5 =	vshra.s32 v5, $0xE;
	vm0 =	vmand vm0, vm1  }
0x200: {  	v5 =	vnsel vm0, $0x0, v5;
	v6 =	vnsel vm0, $0x0, v7  }
0x201: {  	v7 =	vshll.u32 v5, $0xC;
	v8 =	vshll.u32 v6, $0x3  }
0x202: {  	v5 =	vshll.u32 v5, $0x7;
	v7 =	vand.u32 $0xFFFF8000, v7;
	v8 =	vand.u32 $0xFFFFFC00, v8  }
0x203: {  	v5 =	vand.u32 $0x380, v5;
	v7 =	vadd.s32 v8, v7  }
0x204: {  	v6 =	vand.u32 $0x7F, v6;
	v5 =	vor.u32 v5, v7  }
0x205: {  	v7 =	vld [tilespmem:s15+$0x0];
	v5 =	vor.u32 v6, v5  }
0x206: {  	p2 =	seq.s32 s16, $0x1  }
.Ltmp34:
0x207: {  	_ = 	snop;
	(pc) =	sbr.rel @p2 .LBB2_60-.Ltmp34, $3  }
0x208: {  	_ =	sdelay $0x1  }
0x209: {  	s17 =	simm.s32 $0x12010;
	[tilespmem:v5+s13+$0x0] =	vst.idx.msk vm0, v7  }
0x20a: {  	s18 =	sadd.s32 $0xFFFFFFFF, s16;
	p1 =	por $0x1, $0x1;
	s16 =	simm.s32 $0x13080;
	v5 =	vld [tilespmem:s17+$0x0]  }
.LBB2_61:
0x20b: {  	p2 =	seq.s32 s18, $0x1;
	_ =	sdelay $0x3  }
0x20c: {  	v6 =	vand.u32 $0x3FFF, v5  }
0x20d: {  	v7 =	vadd.s32 $0xFFFFD000, v6  }
0x20e: {  	vm0 =	vgt.u32 v6, $0x2FFF;
	vm1 =	vlt.s32 v7, v2  }
0x20f: {  	v5 =	vshra.s32 v5, $0xE;
	vm0 =	vmand vm0, vm1  }
0x210: {  	v5 =	vnsel vm0, $0x0, v5;
	v6 =	vnsel vm0, $0x0, v7  }
0x211: {  	v7 =	vshll.u32 v5, $0xC;
	v8 =	vshll.u32 v6, $0x3  }
0x212: {  	v5 =	vshll.u32 v5, $0x7;
	v7 =	vand.u32 $0xFFFF8000, v7;
	v8 =	vand.u32 $0xFFFFFC00, v8  }
0x213: {  	v5 =	vand.u32 $0x380, v5;
	v7 =	vadd.s32 v8, v7  }
0x214: {  	s16 =	sadd.s32 $0x10, s16;
	v6 =	vand.u32 $0x7F, v6;
	v5 =	vor.u32 v5, v7  }
0x215: {  	v7 =	vld [tilespmem:s16+$0x0];
	v5 =	vor.u32 v6, v5;
	_ =	sdelay $0x1  }
.Ltmp35:
0x216: {  	(pc) =	sbr.rel @!p2 .LBB2_61-.Ltmp35, $3  }
0x217: {  	_ =	sdelay $0x1  }
0x218: {  	s17 =	sadd.s32 $0x10, s17;
	[tilespmem:v5+s13+$0x0] =	vst.idx.msk vm0, v7  }
0x219: {  	s18 =	sadd.s32 $0xFFFFFFFF, s18;
	v5 =	vld [tilespmem:s17+$0x0]  }
.LBB2_62:
0x21a: {  	_ =	sdelay $0x3  }
0x21b: {  	v6 =	vand.u32 $0x3FFF, v5  }
0x21c: {  	v7 =	vadd.s32 $0xFFFFD000, v6  }
0x21d: {  	vm0 =	vgt.u32 v6, $0x2FFF;
	vm1 =	vlt.s32 v7, v2  }
0x21e: {  	v5 =	vshra.s32 v5, $0xE;
	vm0 =	vmand vm0, vm1  }
0x21f: {  	v5 =	vnsel vm0, $0x0, v5;
	v6 =	vnsel vm0, $0x0, v7  }
0x220: {  	v7 =	vshll.u32 v5, $0xC;
	v8 =	vshll.u32 v6, $0x3  }
0x221: {  	v5 =	vshll.u32 v5, $0x7;
	v7 =	vand.u32 $0xFFFF8000, v7;
	v8 =	vand.u32 $0xFFFFFC00, v8  }
0x222: {  	s16 =	sadd.s32 @p1 $0x10, s16;
	v5 =	vand.u32 $0x380, v5;
	v7 =	vadd.s32 v8, v7  }
0x223: {  	s15 =	smov.u32 @p1 s16;
	v6 =	vand.u32 $0x7F, v6;
	v5 =	vor.u32 v5, v7  }
0x224: {  	v7 =	vld [tilespmem:s15+$0x0];
	v5 =	vor.u32 v6, v5  }
.Ltmp36:
0x225: {  	_ = 	snop;
	(pc) =	sbr.rel .LBB2_64-.Ltmp36, $2  }
0x226: {  	_ =	sdelay $0x2  }
0x227: {  	[tilespmem:v5+s13+$0x0] =	vst.idx.msk vm0, v7  }
.LBB2_37:
.Ltmp37:
0x228: {  	(pc) =	sbr.rel .LBB2_41-.Ltmp37, $2  }
0x229: {  	_ =	sdelay $0x2  }
0x22a: {  	s18 =	simm.s32 $0x13080;
	p2 =	por $0x0, $0x0  }
.LBB2_42:
.Ltmp38:
0x22b: {  	(pc) =	sbr.rel .LBB2_46-.Ltmp38, $2  }
0x22c: {  	_ =	sdelay $0x2  }
0x22d: {  	s16 =	simm.s32 $0x13080  }
.LBB2_51:
.Ltmp39:
0x22e: {  	(pc) =	sbr.rel .LBB2_55-.Ltmp39, $2  }
0x22f: {  	_ =	sdelay $0x2  }
0x230: {  	s18 =	simm.s32 $0x13080  }
.LBB2_58:
.Ltmp40:
0x231: {  	(pc) =	sbr.rel .LBB2_62-.Ltmp40, $2  }
0x232: {  	_ =	sdelay $0x2  }
0x233: {  	s16 =	simm.s32 $0x13080  }
.LBB2_39:
.Ltmp41:
0x234: {  	(pc) =	sbr.rel .LBB2_41-.Ltmp41, $2  }
0x235: {  	_ =	sdelay $0x2  }
0x236: {  	s18 =	simm.s32 $0x13080  }
.LBB2_44:
.Ltmp42:
0x237: {  	(pc) =	sbr.rel .LBB2_46-.Ltmp42, $2  }
0x238: {  	_ =	sdelay $0x2  }
0x239: {  	s16 =	simm.s32 $0x13080  }
.LBB2_53:
.Ltmp43:
0x23a: {  	(pc) =	sbr.rel .LBB2_55-.Ltmp43, $2  }
0x23b: {  	_ =	sdelay $0x2  }
0x23c: {  	s18 =	simm.s32 $0x13080  }
.LBB2_60:
.Ltmp44:
0x23d: {  	(pc) =	sbr.rel .LBB2_62-.Ltmp44, $2  }
0x23e: {  	_ =	sdelay $0x2  }
0x23f: {  	s16 =	simm.s32 $0x13080  }
.LBB2_65:
0x240: {  	_ =	sfence.sel $0x180000  }
0x241: {  	[bflag:$0x0] =	sbarrier.arrive $0xFFFF  }
0x242: {  	p0 =	sne.s32 s1, $0x0;
	_ =	strace $0x90000047  }
0x243: {  	s0 =	sadd.s32 @!p0 $0x100000, s0;
	[bflag:$0x2] =	sbarrier.arrive $0xFFFF  }
0x244: {  	[sflag:s0] =	ssyncadd.tile.s32 @!p0 $0x1;
	_ =	shalt  }
.Lfunc_end2:
_tile_overlayer_lowered:
.L_overlay_start_2:
0x245: {  	(tag) =	ssettag $0x2  }
0x246: {  	s0 =	rddreg [dreg:$0x0];
	s2 =	stileid.u32  }
0x247: {  	s1 =	rddreg [dreg:$0x1];
	p0 =	sne.s32 s2, $0x0  }
0x248: {  	s3 =	rddreg [dreg:$0x2];
	[bflag:$0x3] =	sbarrier.arrive $0xFFFF;
	s2 =	simm.s32 @!p0 $0x1C02  }
0x249: {  	[timem:s3], [sflag:s2] =	dma.local @!p0 [hbm:s0], s1  }
0x24a: {  	s0 =	simm.s32 @!p0 $0x2  }
0x24b: {  	_ =	swait.ge @!p0 [sflag:s0], s1  }
0x24c: {  	s1 =	ssub.s32 @!p0 $0x0, s1;
	[sflag:s0] =	ssyncset.done @!p0 $0x0  }
0x24d: {  	[sflag:s0] =	ssyncadd.s32 @!p0 s1  }
0x24e: {  	[bflag:$0x3] =	sbarrier.arrive $0xFFFF  }
0x24f: {  	_ =	shalt  }

</sc_bundles>
